<compile_context>
chip_gen: v7x
topology: tpu7x:2x2x1
jax: 0.10.2.dev20260603
libtpu: 0.0.44.dev20260713+nightly
codegen_flags: <defaults>
</compile_context>

<pallas_src>
import jax
import jax.numpy as jnp
from jax import lax
from jax.experimental import pallas as pl
from jax.experimental.pallas import tpu as pltpu
from jax.experimental.pallas import tpu_sc as plsc

N = 10000
E = 320000
H = 128
D_EDGE = 16
ACCW = 144
NW = 32
EPW = E // NW
B = 16
CH = EPW // B
BCH = 125
NBL = CH // BCH
RPT = 624
DENR = 80

_f32 = jnp.float32


def _node_body(x_ref, wn_ref, bn_ref, a1_ref, a2_ref, o1_ref, o2_ref):
    h = jnp.dot(x_ref[...], wn_ref[...], preferred_element_type=_f32) + bn_ref[...]
    o1_ref[...] = jnp.dot(h, a1_ref[...], preferred_element_type=_f32)
    o2_ref[:, :H] = jnp.dot(h, a2_ref[...], preferred_element_type=_f32)
    o2_ref[:, H:] = h


def _node_tc(x, Wn, bn, A1, A2):
    blk = 400
    grid = N // blk
    return pl.pallas_call(
        _node_body,
        grid=(grid,),
        in_specs=[
            pl.BlockSpec((blk, H), lambda i: (i, 0)),
            pl.BlockSpec((H, H), lambda i: (0, 0)),
            pl.BlockSpec((1, H), lambda i: (0, 0)),
            pl.BlockSpec((H, H), lambda i: (0, 0)),
            pl.BlockSpec((H, H), lambda i: (0, 0)),
        ],
        out_specs=[
            pl.BlockSpec((blk, H), lambda i: (i, 0)),
            pl.BlockSpec((blk, 2 * H), lambda i: (i, 0)),
        ],
        out_shape=[
            jax.ShapeDtypeStruct((N, H), _f32),
            jax.ShapeDtypeStruct((N, 2 * H), _f32),
        ],
    )(x, Wn, bn, A1, A2)


def _edge_body(ea_ref, we_ref, be_ref, a3_ref, ba1_ref, o_ref):
    a3 = a3_ref[...]
    wc = jnp.dot(we_ref[...], a3, preferred_element_type=_f32)
    bc = jnp.dot(be_ref[...], a3, preferred_element_type=_f32) + ba1_ref[...]
    o_ref[...] = jnp.dot(ea_ref[...], wc, preferred_element_type=_f32) + bc


def _edge_tc(ea, We, be, A3, ba1):
    blk = 2000
    grid = E // blk
    return pl.pallas_call(
        _edge_body,
        grid=(grid,),
        in_specs=[
            pl.BlockSpec((blk, D_EDGE), lambda i: (i, 0)),
            pl.BlockSpec((D_EDGE, H), lambda i: (0, 0)),
            pl.BlockSpec((1, H), lambda i: (0, 0)),
            pl.BlockSpec((H, H), lambda i: (0, 0)),
            pl.BlockSpec((1, H), lambda i: (0, 0)),
        ],
        out_specs=pl.BlockSpec((blk, H), lambda i: (i, 0)),
        out_shape=jax.ShapeDtypeStruct((E, H), _f32),
    )(ea, We, be, A3, ba1)


def _sc_body(tsrc, tdst, ea3, src3, dst3, params, zeros, out_num, out_den,
             acc, den_sh, sidx1, didx1, Sv0, Sv1, Dv0, Dv1, E0, E1,
             outv0, outv1, svbuf, scat0, scat1, den_t, parv, idbuf,
             semA, semB, semS0, semS1):
    cid = lax.axis_index("c")
    sid = lax.axis_index("s")
    wid = cid * 16 + sid

    pltpu.sync_copy(params, parv)
    pltpu.sync_copy(zeros.at[pl.ds(0, DENR)], den_t)
    row0 = pl.multiple_of(sid * RPT, 8)
    tail = 16 * RPT
    pltpu.sync_copy(zeros.at[pl.ds(row0, RPT)], acc.at[pl.ds(row0, RPT)])

    @pl.when(sid == 15)
    def _zero_tail():
        pltpu.sync_copy(zeros.at[pl.ds(tail, N - tail)],
                        acc.at[pl.ds(tail, N - tail)])

    @pl.when(sid == 0)
    def _zero_den():
        pltpu.sync_copy(zeros.at[pl.ds(0, DENR)], den_sh)

    for k in range(DENR // 16):
        idbuf[pl.ds(16 * k, 16)] = lax.iota(jnp.int32, 16) + 16 * k

    w2 = [parv[pl.ds(16 * j, 16)] for j in range(8)]
    cvv = parv[pl.ds(H, 16)]
    lanes = lax.iota(jnp.int32, 16)
    perms = [(lanes + sh) & 15 for sh in (8, 4, 2, 1)]
    ilv = plsc.PackFormat.INTERLEAVED

    plsc.subcore_barrier()

    def issue(cl, Sb, Db, Eb, sem, gbase):
        o = pl.multiple_of(cl * B, 8)
        pltpu.async_copy(tsrc.at[sidx1.at[pl.ds(o, B)]], Sb, sem)
        pltpu.async_copy(tdst.at[didx1.at[pl.ds(o, B)]], Db, sem)
        pltpu.async_copy(ea3.at[pl.ds((gbase + cl) * B, B)], Eb, sem)

    def wait_buf(Sb, Db, Eb, sem):
        pltpu.make_async_copy(tsrc.at[pl.ds(0, B)], Sb, sem).wait()
        pltpu.make_async_copy(tdst.at[pl.ds(0, B)], Db, sem).wait()
        pltpu.make_async_copy(ea3.at[pl.ds(0, B)], Eb, sem).wait()

    def compute(cl, gc, Sb, Db, Eb, outb, scatb, semS):
        @pl.when(gc >= 2)
        def _wait_prev_scatter():
            pltpu.make_async_copy(outb, acc.at[pl.ds(0, B)], semS).wait()

        def edge_body(e, carry):
            a0 = jnp.zeros((16,), _f32)
            a1 = jnp.zeros((16,), _f32)
            for j in range(8):
                sl = pl.ds(16 * j, 16)
                x2 = Sb[e, sl] + Db[e, sl] + Eb[e, sl]
                r = 1.0 / (jnp.exp(x2) + 1.0)
                if j % 2 == 0:
                    a0 = a0 + w2[j] * r
                else:
                    a1 = a1 + w2[j] * r
            red = a0 + a1
            for p in perms:
                red = red + red.at[p].get(mode="promise_in_bounds")
            sv = jnp.exp(cvv - red)
            for j in range(8):
                outb[e, pl.ds(16 * j, 16)] = sv * Db[e, pl.ds(H + 16 * j, 16)]
            plsc.store_scatter(svbuf, [lanes], sv, mask=lanes == e)
            return carry

        lax.fori_loop(0, B, edge_body, 0, unroll=2)
        srcv = sidx1[pl.ds(pl.multiple_of(cl * B, 8), B)]
        scatb[...] = srcv
        sval = svbuf[...]
        plsc.addupdate_scatter(
            den_t, [lax.shift_right_logical(srcv, 7), srcv & 127], sval)
        pltpu.async_copy(outb, acc.at[scatb], semS, add=True)

    def block_fn(bi, carry):
        gbase = wid * CH + bi * BCH
        pltpu.sync_copy(src3.at[wid, bi], sidx1)
        pltpu.sync_copy(dst3.at[wid, bi], didx1)
        issue(0, Sv0, Dv0, E0, semA, gbase)

        def pair_fn(k, carry2):
            cl = k * 2
            issue(cl + 1, Sv1, Dv1, E1, semB, gbase)
            wait_buf(Sv0, Dv0, E0, semA)
            compute(cl, bi * BCH + cl, Sv0, Dv0, E0, outv0, scat0, semS0)
            issue(cl + 2, Sv0, Dv0, E0, semA, gbase)
            wait_buf(Sv1, Dv1, E1, semB)
            compute(cl + 1, bi * BCH + cl + 1, Sv1, Dv1, E1, outv1, scat1,
                    semS1)
            return carry2

        lax.fori_loop(0, (BCH - 1) // 2, pair_fn, 0)
        wait_buf(Sv0, Dv0, E0, semA)
        compute(BCH - 1, bi * BCH + BCH - 1, Sv0, Dv0, E0, outv0, scat0, semS0)
        return carry

    lax.fori_loop(0, NBL, block_fn, 0)

    pltpu.make_async_copy(outv0, acc.at[pl.ds(0, B)], semS0).wait()
    pltpu.make_async_copy(outv1, acc.at[pl.ds(0, B)], semS1).wait()

    pltpu.sync_copy(den_t, den_sh.at[idbuf], add=True)
    plsc.subcore_barrier()

    pltpu.sync_copy(acc.at[pl.ds(row0, RPT)], out_num.at[cid, pl.ds(row0, RPT)])

    @pl.when(sid == 15)
    def _write_tail():
        pltpu.sync_copy(acc.at[pl.ds(tail, N - tail)],
                        out_num.at[cid, pl.ds(tail, N - tail)])

    @pl.when(sid == 0)
    def _write_den():
        pltpu.sync_copy(den_sh, out_den.at[cid])


def _sc_edge(table_src, table_dst, ea3, src, dst, params, zeros):
    src3 = src.reshape(NW, NBL, BCH * B)
    dst3 = dst.reshape(NW, NBL, BCH * B)
    mesh = plsc.VectorSubcoreMesh(core_axis_name="c", subcore_axis_name="s")
    call = pl.kernel(
        _sc_body,
        out_type=(
            jax.ShapeDtypeStruct((2, N, H), _f32),
            jax.ShapeDtypeStruct((2, DENR, H), _f32),
        ),
        mesh=mesh,
        scratch_types=[
            pltpu.VMEM_SHARED((N, H), _f32),
            pltpu.VMEM_SHARED((DENR, H), _f32),
            pltpu.VMEM((BCH * B,), jnp.int32),
            pltpu.VMEM((BCH * B,), jnp.int32),
            pltpu.VMEM((B, H), _f32),
            pltpu.VMEM((B, H), _f32),
            pltpu.VMEM((B, 2 * H), _f32),
            pltpu.VMEM((B, 2 * H), _f32),
            pltpu.VMEM((B, H), _f32),
            pltpu.VMEM((B, H), _f32),
            pltpu.VMEM((B, H), _f32),
            pltpu.VMEM((B, H), _f32),
            pltpu.VMEM((16,), _f32),
            pltpu.VMEM((16,), jnp.int32),
            pltpu.VMEM((16,), jnp.int32),
            pltpu.VMEM((DENR, H), _f32),
            pltpu.VMEM((ACCW,), _f32),
            pltpu.VMEM((DENR,), jnp.int32),
            pltpu.SemaphoreType.DMA,
            pltpu.SemaphoreType.DMA,
            pltpu.SemaphoreType.DMA,
            pltpu.SemaphoreType.DMA,
        ],
        compiler_params=pltpu.CompilerParams(needs_layout_passes=False),
    )
    return call(table_src, table_dst, ea3, src3, dst3, params, zeros)


def _final_body(n0_ref, n1_ref, d0_ref, d1_ref, wo_ref, bo_ref, g_ref, b_ref,
                o_ref):
    num = n0_ref[...] + n1_ref[...]
    den = d0_ref[...] + d1_ref[...]
    agg = jnp.where(den > 0.0, num / den, 0.0)
    o = jnp.dot(agg, wo_ref[...], preferred_element_type=_f32) + bo_ref[...]
    mu = jnp.mean(o, axis=-1, keepdims=True)
    var = jnp.mean((o - mu) ** 2, axis=-1, keepdims=True)
    o = g_ref[...] * (o - mu) * lax.rsqrt(var + 1e-5) + b_ref[...]
    o_ref[...] = jnp.maximum(o, 0.0)


def _final_tc(n0, n1, d0, d1, Wo, bo, g, b):
    blk = 400
    grid = N // blk
    return pl.pallas_call(
        _final_body,
        grid=(grid,),
        in_specs=[
            pl.BlockSpec((blk, H), lambda i: (i, 0)),
            pl.BlockSpec((blk, H), lambda i: (i, 0)),
            pl.BlockSpec((blk, 1), lambda i: (i, 0)),
            pl.BlockSpec((blk, 1), lambda i: (i, 0)),
            pl.BlockSpec((H, H), lambda i: (0, 0)),
            pl.BlockSpec((1, H), lambda i: (0, 0)),
            pl.BlockSpec((1, H), lambda i: (0, 0)),
            pl.BlockSpec((1, H), lambda i: (0, 0)),
        ],
        out_specs=pl.BlockSpec((blk, H), lambda i: (i, 0)),
        out_shape=jax.ShapeDtypeStruct((N, H), _f32),
    )(n0, n1, d0, d1, Wo, bo, g, b)


def kernel(node_features, edge_index, edge_attr, Wn, bn, We, be,
           Wa1, ba1, Wa2, ba2, Wo, bo, ln_g, ln_b):
    tl = jnp.float32(2.0)
    A1 = Wa1[:H] * tl
    A2 = Wa1[H:2 * H] * tl
    A3 = Wa1[2 * H:] * tl
    table_src, table_dst = _node_tc(node_features, Wn, bn.reshape(1, H), A1, A2)
    ea3 = _edge_tc(edge_attr, We, be.reshape(1, H), A3, (ba1 * tl).reshape(1, H))
    cv = jnp.sum(Wa2[:, 0]) + ba2[0]
    params = jnp.concatenate([Wa2[:, 0] * 2.0,
                              jnp.full((ACCW - H,), cv, _f32)])
    zeros = jnp.zeros((N, H), _f32)
    num, den = _sc_edge(table_src, table_dst, ea3,
                        edge_index[0], edge_index[1], params, zeros)
    d0 = den[0].reshape(DENR * H)[:N].reshape(N, 1)
    d1 = den[1].reshape(DENR * H)[:N].reshape(N, 1)
    return _final_tc(num[0], num[1], d0, d1, Wo, bo.reshape(1, H),
                     ln_g.reshape(1, H), ln_b.reshape(1, H))

# --- scband reference (transcript-rebuilt; emitter-appended) ---
"""Pipeline reference for scband-node-level-attention-55697135895016 (READ-ONLY COPY).

The authoritative reference and input builder live on the scoring server;
editing this copy changes nothing except your own understanding.
"""

import jax, jax.numpy as jnp
import numpy as np

N = 10000
E = 320000
D_IN = 128
D_EDGE = 16
H = 128


def _layer_norm(x, g, b, eps=1e-5):
    mu = jnp.mean(x, axis=-1, keepdims=True)
    var = jnp.mean((x - mu) ** 2, axis=-1, keepdims=True)
    return g * (x - mu) / jnp.sqrt(var + eps) + b


def setup_inputs(seed: int = 0) -> dict:
    key = jax.random.key(seed)
    ks = jax.random.split(key, 16)
    s = 0.05
    inp = {}
    inp["node_features"] = jax.random.normal(ks[0], (N, D_IN), dtype=jnp.float32)
    inp["edge_index"] = jax.random.randint(ks[1], (2, E), 0, N, dtype=jnp.int32)
    inp["edge_attr"] = jax.random.normal(ks[2], (E, D_EDGE), dtype=jnp.float32)
    # learned parameters (single edge type 'rel0')
    inp["Wn"] = jax.random.normal(ks[3], (D_IN, H), dtype=jnp.float32) * s
    inp["bn"] = jnp.zeros((H,), dtype=jnp.float32)
    inp["We"] = jax.random.normal(ks[4], (D_EDGE, H), dtype=jnp.float32) * s
    inp["be"] = jnp.zeros((H,), dtype=jnp.float32)
    inp["Wa1"] = jax.random.normal(ks[5], (3 * H, H), dtype=jnp.float32) * s
    inp["ba1"] = jnp.zeros((H,), dtype=jnp.float32)
    inp["Wa2"] = jax.random.normal(ks[6], (H, 1), dtype=jnp.float32) * s
    inp["ba2"] = jnp.zeros((1,), dtype=jnp.float32)
    inp["Wo"] = jax.random.normal(ks[7], (H, H), dtype=jnp.float32) * s
    inp["bo"] = jnp.zeros((H,), dtype=jnp.float32)
    inp["ln_g"] = jnp.ones((H,), dtype=jnp.float32)
    inp["ln_b"] = jnp.zeros((H,), dtype=jnp.float32)
    return inp


def reference(node_features, edge_index, edge_attr, Wn, bn, We, be, Wa1, ba1, Wa2, ba2, Wo, bo, ln_g, ln_b):
    src = edge_index[0]
    dst = edge_index[1]
    # node transform for this edge type
    h = node_features @ Wn + bn                      # [N, H]
    # edge feature transform
    e = edge_attr @ We + be                          # [E, H]
    h_src = h[src]                                   # gather [E, H]
    h_dst = h[dst]                                   # gather [E, H]
    cat = jnp.concatenate([h_src, h_dst, e], axis=1)  # [E, 3H]
    att = jnp.tanh(cat @ Wa1 + ba1) @ Wa2 + ba2      # [E, 1]
    # softmax over edges grouped by src node
    att_exp = jnp.exp(att)                           # [E, 1]
    att_sum = jax.ops.segment_sum(att_exp, src, num_segments=N)  # [N, 1]
    alpha = att_exp / att_sum[src]                   # [E, 1]
    # aggregate neighbor (dst) features into src rows
    weighted = h_dst * alpha                         # [E, H]
    agg = jax.ops.segment_sum(weighted, src, num_segments=N)     # [N, H]
    # output transform: Linear -> LayerNorm -> ReLU (dropout=0)
    out = agg @ Wo + bo
    out = jax.nn.relu(_layer_norm(out, ln_g, ln_b))
    return out

if __name__ == "__main__":
    import jax
    _d = setup_inputs()
    print(jax.jit(kernel)(*tuple(_d.values())))

</pallas_src>

<mosaic_0001>
#map = affine_map<(d0, d1) -> (0, 0)>
#map1 = affine_map<(d0, d1) -> (0, 0, 0)>
#map2 = affine_map<(d0, d1) -> (0)>
module attributes {stable_mosaic.version = 14 : i64} {
  func.func @_sc_body(%arg0: i32, %arg1: i32, %arg2: memref<10000x128xf32, #tpu.memory_space<hbm>>, %arg3: memref<10000x256xf32, #tpu.memory_space<hbm>>, %arg4: memref<320000x128xf32, #tpu.memory_space<hbm>>, %arg5: memref<32x5x2000xi32, #tpu.memory_space<hbm>>, %arg6: memref<32x5x2000xi32, #tpu.memory_space<hbm>>, %arg7: memref<144xf32, #tpu.memory_space<hbm>>, %arg8: memref<10000x128xf32, #tpu.memory_space<hbm>>, %arg9: memref<2x10000x128xf32, #tpu.memory_space<hbm>>, %arg10: memref<2x80x128xf32, #tpu.memory_space<hbm>>, %arg11: memref<10000x128xf32, #tpu.memory_space<vmem_shared>>, %arg12: memref<80x128xf32, #tpu.memory_space<vmem_shared>>, %arg13: memref<2000xi32, #tpu.memory_space<vmem>>, %arg14: memref<2000xi32, #tpu.memory_space<vmem>>, %arg15: memref<16x128xf32, #tpu.memory_space<vmem>>, %arg16: memref<16x128xf32, #tpu.memory_space<vmem>>, %arg17: memref<16x256xf32, #tpu.memory_space<vmem>>, %arg18: memref<16x256xf32, #tpu.memory_space<vmem>>, %arg19: memref<16x128xf32, #tpu.memory_space<vmem>>, %arg20: memref<16x128xf32, #tpu.memory_space<vmem>>, %arg21: memref<16x128xf32, #tpu.memory_space<vmem>>, %arg22: memref<16x128xf32, #tpu.memory_space<vmem>>, %arg23: memref<16xf32, #tpu.memory_space<vmem>>, %arg24: memref<16xi32, #tpu.memory_space<vmem>>, %arg25: memref<16xi32, #tpu.memory_space<vmem>>, %arg26: memref<80x128xf32, #tpu.memory_space<vmem>>, %arg27: memref<144xf32, #tpu.memory_space<vmem>>, %arg28: memref<80xi32, #tpu.memory_space<vmem>>, %arg29: memref<!tpu.dma_semaphore, #tpu.memory_space<semaphore_mem>>, %arg30: memref<!tpu.dma_semaphore, #tpu.memory_space<semaphore_mem>>, %arg31: memref<!tpu.dma_semaphore, #tpu.memory_space<semaphore_mem>>, %arg32: memref<!tpu.dma_semaphore, #tpu.memory_space<semaphore_mem>>) attributes {dimension_semantics = [#tpu.dimension_semantics<core_parallel>, #tpu.dimension_semantics<subcore_parallel>], iteration_bounds = array<i64: 2, 16>, scalar_prefetch = 0 : i64, scratch_operands = 22 : i64, tpu.core_type = #tpu.core_type<sc_vector_subcore>, window_params = [{transform_indices = #map}, {transform_indices = #map}, {transform_indices = #map}, {transform_indices = #map1}, {transform_indices = #map1}, {transform_indices = #map2}, {transform_indices = #map}, {transform_indices = #map1}, {transform_indices = #map1}]} {
    %mul3A = arith.constant 16 : i32
    %mul3A_0 = arith.muli %arg0, %mul3A : i32
    %add3A = arith.addi %mul3A_0, %arg1 : i32
    "tpu.region"() ({
      %run_scoped3A = tpu.sem_alloc : memref<!tpu.dma_semaphore, #tpu.memory_space<semaphore_mem>>
      tpu.enqueue_dma source(%arg7 : memref<144xf32, #tpu.memory_space<hbm>>) target(%arg27 : memref<144xf32, #tpu.memory_space<vmem>>) target_semaphore(%run_scoped3A : memref<!tpu.dma_semaphore, #tpu.memory_space<semaphore_mem>>)
      tpu.wait_dma2 semaphore(%run_scoped3A : memref<!tpu.dma_semaphore, #tpu.memory_space<semaphore_mem>>) src(%arg7 : memref<144xf32, #tpu.memory_space<hbm>>) dst(%arg27 : memref<144xf32, #tpu.memory_space<vmem>>)
      tpu.yield
    }) : () -> ()
    "tpu.region"() ({
      %run_scoped3A = tpu.sem_alloc : memref<!tpu.dma_semaphore, #tpu.memory_space<semaphore_mem>>
      %dma_start3A = arith.constant 0 : i32
      %dma_start3A_106 = arith.constant 0 : i32
      %dma_start3A_107 = tpu.memref_slice %arg8[%dma_start3A, %dma_start3A_106] : memref<10000x128xf32, #tpu.memory_space<hbm>> -> memref<80x128xf32, #tpu.memory_space<hbm>>
      %dma_start3A_108 = arith.constant 0 : i32
      %dma_start3A_109 = arith.constant 0 : i32
      %dma_start3A_110 = tpu.memref_slice %arg8[%dma_start3A_108, %dma_start3A_109] : memref<10000x128xf32, #tpu.memory_space<hbm>> -> memref<80x128xf32, #tpu.memory_space<hbm>>
      tpu.enqueue_dma source(%dma_start3A_110 : memref<80x128xf32, #tpu.memory_space<hbm>>) target(%arg26 : memref<80x128xf32, #tpu.memory_space<vmem>>) target_semaphore(%run_scoped3A : memref<!tpu.dma_semaphore, #tpu.memory_space<semaphore_mem>>)
      %dma_wait3A_111 = arith.constant 0 : i32
      %dma_wait3A_112 = arith.constant 0 : i32
      %dma_wait3A_113 = tpu.memref_slice %arg8[%dma_wait3A_111, %dma_wait3A_112] : memref<10000x128xf32, #tpu.memory_space<hbm>> -> memref<80x128xf32, #tpu.memory_space<hbm>>
      %dma_wait3A_114 = arith.constant 0 : i32
      %dma_wait3A_115 = arith.constant 0 : i32
      %dma_wait3A_116 = tpu.memref_slice %arg8[%dma_wait3A_114, %dma_wait3A_115] : memref<10000x128xf32, #tpu.memory_space<hbm>> -> memref<80x128xf32, #tpu.memory_space<hbm>>
      tpu.wait_dma2 semaphore(%run_scoped3A : memref<!tpu.dma_semaphore, #tpu.memory_space<semaphore_mem>>) src(%dma_wait3A_116 : memref<80x128xf32, #tpu.memory_space<hbm>>) dst(%arg26 : memref<80x128xf32, #tpu.memory_space<vmem>>)
      tpu.yield
    }) : () -> ()
    %mul3A_1 = arith.constant 624 : i32
    %mul3A_2 = arith.muli %arg1, %mul3A_1 : i32
    %multiple_of3A = tpu.assume_multiple %mul3A_2, 8 : i32
    "tpu.region"() ({
      %run_scoped3A = tpu.sem_alloc : memref<!tpu.dma_semaphore, #tpu.memory_space<semaphore_mem>>
      %dma_start3A = arith.constant 0 : i32
      %dma_start3A_106 = tpu.memref_slice %arg11[%multiple_of3A, %dma_start3A] : memref<10000x128xf32, #tpu.memory_space<vmem_shared>> -> memref<624x128xf32, #tpu.memory_space<vmem_shared>>
      %dma_start3A_107 = arith.constant 0 : i32
      %dma_start3A_108 = tpu.memref_slice %arg8[%multiple_of3A, %dma_start3A_107] : memref<10000x128xf32, #tpu.memory_space<hbm>> -> memref<624x128xf32, #tpu.memory_space<hbm>>
      tpu.enqueue_dma source(%dma_start3A_108 : memref<624x128xf32, #tpu.memory_space<hbm>>) target(%dma_start3A_106 : memref<624x128xf32, #tpu.memory_space<vmem_shared>>) target_semaphore(%run_scoped3A : memref<!tpu.dma_semaphore, #tpu.memory_space<semaphore_mem>>)
      %dma_wait3A_109 = arith.constant 0 : i32
      %dma_wait3A_110 = tpu.memref_slice %arg11[%multiple_of3A, %dma_wait3A_109] : memref<10000x128xf32, #tpu.memory_space<vmem_shared>> -> memref<624x128xf32, #tpu.memory_space<vmem_shared>>
      %dma_wait3A_111 = arith.constant 0 : i32
      %dma_wait3A_112 = tpu.memref_slice %arg8[%multiple_of3A, %dma_wait3A_111] : memref<10000x128xf32, #tpu.memory_space<hbm>> -> memref<624x128xf32, #tpu.memory_space<hbm>>
      tpu.wait_dma2 semaphore(%run_scoped3A : memref<!tpu.dma_semaphore, #tpu.memory_space<semaphore_mem>>) src(%dma_wait3A_112 : memref<624x128xf32, #tpu.memory_space<hbm>>) dst(%dma_wait3A_110 : memref<624x128xf32, #tpu.memory_space<vmem_shared>>)
      tpu.yield
    }) : () -> ()
    %eq3A = arith.constant 15 : i32
    %eq3A_3 = arith.cmpi eq, %arg1, %eq3A : i32
    %convert_element_type3A = arith.extui %eq3A_3 : i1 to i32
    %cond3A = arith.constant 0 : i32
    %cond3A_4 = arith.cmpi ne, %convert_element_type3A, %cond3A : i32
    scf.if %cond3A_4 {
      "tpu.region"() ({
        %run_scoped3A = tpu.sem_alloc : memref<!tpu.dma_semaphore, #tpu.memory_space<semaphore_mem>>
        %dma_start3A = arith.constant 9984 : i32
        %dma_start3A_106 = arith.constant 0 : i32
        %dma_start3A_107 = tpu.memref_slice %arg11[%dma_start3A, %dma_start3A_106] : memref<10000x128xf32, #tpu.memory_space<vmem_shared>> -> memref<16x128xf32, #tpu.memory_space<vmem_shared>>
        %dma_start3A_108 = arith.constant 9984 : i32
        %dma_start3A_109 = arith.constant 0 : i32
        %dma_start3A_110 = tpu.memref_slice %arg8[%dma_start3A_108, %dma_start3A_109] : memref<10000x128xf32, #tpu.memory_space<hbm>> -> memref<16x128xf32, #tpu.memory_space<hbm>>
        tpu.enqueue_dma source(%dma_start3A_110 : memref<16x128xf32, #tpu.memory_space<hbm>>) target(%dma_start3A_107 : memref<16x128xf32, #tpu.memory_space<vmem_shared>>) target_semaphore(%run_scoped3A : memref<!tpu.dma_semaphore, #tpu.memory_space<semaphore_mem>>)
        %dma_wait3A_111 = arith.constant 9984 : i32
        %dma_wait3A_112 = arith.constant 0 : i32
        %dma_wait3A_113 = tpu.memref_slice %arg11[%dma_wait3A_111, %dma_wait3A_112] : memref<10000x128xf32, #tpu.memory_space<vmem_shared>> -> memref<16x128xf32, #tpu.memory_space<vmem_shared>>
        %dma_wait3A_114 = arith.constant 9984 : i32
        %dma_wait3A_115 = arith.constant 0 : i32
        %dma_wait3A_116 = tpu.memref_slice %arg8[%dma_wait3A_114, %dma_wait3A_115] : memref<10000x128xf32, #tpu.memory_space<hbm>> -> memref<16x128xf32, #tpu.memory_space<hbm>>
        tpu.wait_dma2 semaphore(%run_scoped3A : memref<!tpu.dma_semaphore, #tpu.memory_space<semaphore_mem>>) src(%dma_wait3A_116 : memref<16x128xf32, #tpu.memory_space<hbm>>) dst(%dma_wait3A_113 : memref<16x128xf32, #tpu.memory_space<vmem_shared>>)
        tpu.yield
      }) : () -> ()
    } else {
    }
    %eq3A_5 = arith.constant 0 : i32
    %eq3A_6 = arith.cmpi eq, %arg1, %eq3A_5 : i32
    %convert_element_type3A_7 = arith.extui %eq3A_6 : i1 to i32
    %cond3A_8 = arith.constant 0 : i32
    %cond3A_9 = arith.cmpi ne, %convert_element_type3A_7, %cond3A_8 : i32
    scf.if %cond3A_9 {
      "tpu.region"() ({
        %run_scoped3A = tpu.sem_alloc : memref<!tpu.dma_semaphore, #tpu.memory_space<semaphore_mem>>
        %dma_start3A = arith.constant 0 : i32
        %dma_start3A_106 = arith.constant 0 : i32
        %dma_start3A_107 = tpu.memref_slice %arg8[%dma_start3A, %dma_start3A_106] : memref<10000x128xf32, #tpu.memory_space<hbm>> -> memref<80x128xf32, #tpu.memory_space<hbm>>
        tpu.enqueue_dma source(%dma_start3A_107 : memref<80x128xf32, #tpu.memory_space<hbm>>) target(%arg12 : memref<80x128xf32, #tpu.memory_space<vmem_shared>>) target_semaphore(%run_scoped3A : memref<!tpu.dma_semaphore, #tpu.memory_space<semaphore_mem>>)
        %dma_wait3A_108 = arith.constant 0 : i32
        %dma_wait3A_109 = arith.constant 0 : i32
        %dma_wait3A_110 = tpu.memref_slice %arg8[%dma_wait3A_108, %dma_wait3A_109] : memref<10000x128xf32, #tpu.memory_space<hbm>> -> memref<80x128xf32, #tpu.memory_space<hbm>>
        tpu.wait_dma2 semaphore(%run_scoped3A : memref<!tpu.dma_semaphore, #tpu.memory_space<semaphore_mem>>) src(%dma_wait3A_110 : memref<80x128xf32, #tpu.memory_space<hbm>>) dst(%arg12 : memref<80x128xf32, #tpu.memory_space<vmem_shared>>)
        tpu.yield
      }) : () -> ()
    } else {
    }
    %iota3A = tpu.iota {dimensions = array<i32: 0>} : vector<16xi32>
    %add3A_10 = arith.constant 0 : i32
    %add3A_11 = vector.broadcast %add3A_10 : i32 to vector<16xi32>
    %add3A_12 = arith.addi %iota3A, %add3A_11 : vector<16xi32>
    %swap3A = arith.constant 0 : index
    %swap3A_13 = tpu.vector_load %arg28[%swap3A] {strides = array<i32>} : memref<80xi32, #tpu.memory_space<vmem>>, vector<16xi32>,
    tpu.vector_store %arg28[%swap3A], %add3A_12 {strides = array<i32>} : memref<80xi32, #tpu.memory_space<vmem>>, vector<16xi32>,
    %iota3A_14 = tpu.iota {dimensions = array<i32: 0>} : vector<16xi32>
    %add3A_15 = arith.constant 16 : i32
    %add3A_16 = vector.broadcast %add3A_15 : i32 to vector<16xi32>
    %add3A_17 = arith.addi %iota3A_14, %add3A_16 : vector<16xi32>
    %swap3A_18 = arith.constant 16 : index
    %swap3A_19 = tpu.vector_load %arg28[%swap3A_18] {strides = array<i32>} : memref<80xi32, #tpu.memory_space<vmem>>, vector<16xi32>,
    tpu.vector_store %arg28[%swap3A_18], %add3A_17 {strides = array<i32>} : memref<80xi32, #tpu.memory_space<vmem>>, vector<16xi32>,
    %iota3A_20 = tpu.iota {dimensions = array<i32: 0>} : vector<16xi32>
    %add3A_21 = arith.constant 32 : i32
    %add3A_22 = vector.broadcast %add3A_21 : i32 to vector<16xi32>
    %add3A_23 = arith.addi %iota3A_20, %add3A_22 : vector<16xi32>
    %swap3A_24 = arith.constant 32 : index
    %swap3A_25 = tpu.vector_load %arg28[%swap3A_24] {strides = array<i32>} : memref<80xi32, #tpu.memory_space<vmem>>, vector<16xi32>,
    tpu.vector_store %arg28[%swap3A_24], %add3A_23 {strides = array<i32>} : memref<80xi32, #tpu.memory_space<vmem>>, vector<16xi32>,
    %iota3A_26 = tpu.iota {dimensions = array<i32: 0>} : vector<16xi32>
    %add3A_27 = arith.constant 48 : i32
    %add3A_28 = vector.broadcast %add3A_27 : i32 to vector<16xi32>
    %add3A_29 = arith.addi %iota3A_26, %add3A_28 : vector<16xi32>
    %swap3A_30 = arith.constant 48 : index
    %swap3A_31 = tpu.vector_load %arg28[%swap3A_30] {strides = array<i32>} : memref<80xi32, #tpu.memory_space<vmem>>, vector<16xi32>,
    tpu.vector_store %arg28[%swap3A_30], %add3A_29 {strides = array<i32>} : memref<80xi32, #tpu.memory_space<vmem>>, vector<16xi32>,
    %iota3A_32 = tpu.iota {dimensions = array<i32: 0>} : vector<16xi32>
    %add3A_33 = arith.constant 64 : i32
    %add3A_34 = vector.broadcast %add3A_33 : i32 to vector<16xi32>
    %add3A_35 = arith.addi %iota3A_32, %add3A_34 : vector<16xi32>
    %swap3A_36 = arith.constant 64 : index
    %swap3A_37 = tpu.vector_load %arg28[%swap3A_36] {strides = array<i32>} : memref<80xi32, #tpu.memory_space<vmem>>, vector<16xi32>,
    tpu.vector_store %arg28[%swap3A_36], %add3A_35 {strides = array<i32>} : memref<80xi32, #tpu.memory_space<vmem>>, vector<16xi32>,
    %get3A = arith.constant 0 : index
    %get3A_38 = tpu.vector_load %arg27[%get3A] {strides = array<i32>} : memref<144xf32, #tpu.memory_space<vmem>>, vector<16xf32>,
    %get3A_39 = arith.constant 16 : index
    %get3A_40 = tpu.vector_load %arg27[%get3A_39] {strides = array<i32>} : memref<144xf32, #tpu.memory_space<vmem>>, vector<16xf32>,
    %get3A_41 = arith.constant 32 : index
    %get3A_42 = tpu.vector_load %arg27[%get3A_41] {strides = array<i32>} : memref<144xf32, #tpu.memory_space<vmem>>, vector<16xf32>,
    %get3A_43 = arith.constant 48 : index
    %get3A_44 = tpu.vector_load %arg27[%get3A_43] {strides = array<i32>} : memref<144xf32, #tpu.memory_space<vmem>>, vector<16xf32>,
    %get3A_45 = arith.constant 64 : index
    %get3A_46 = tpu.vector_load %arg27[%get3A_45] {strides = array<i32>} : memref<144xf32, #tpu.memory_space<vmem>>, vector<16xf32>,
    %get3A_47 = arith.constant 80 : index
    %get3A_48 = tpu.vector_load %arg27[%get3A_47] {strides = array<i32>} : memref<144xf32, #tpu.memory_space<vmem>>, vector<16xf32>,
    %get3A_49 = arith.constant 96 : index
    %get3A_50 = tpu.vector_load %arg27[%get3A_49] {strides = array<i32>} : memref<144xf32, #tpu.memory_space<vmem>>, vector<16xf32>,
    %get3A_51 = arith.constant 112 : index
    %get3A_52 = tpu.vector_load %arg27[%get3A_51] {strides = array<i32>} : memref<144xf32, #tpu.memory_space<vmem>>, vector<16xf32>,
    %get3A_53 = arith.constant 128 : index
    %get3A_54 = tpu.vector_load %arg27[%get3A_53] {strides = array<i32>} : memref<144xf32, #tpu.memory_space<vmem>>, vector<16xf32>,
    %iota3A_55 = tpu.iota {dimensions = array<i32: 0>} : vector<16xi32>
    %add3A_56 = arith.constant 8 : i32
    %add3A_57 = vector.broadcast %add3A_56 : i32 to vector<16xi32>
    %add3A_58 = arith.addi %iota3A_55, %add3A_57 : vector<16xi32>
    %and3A = arith.constant 15 : i32
    %and3A_59 = vector.broadcast %and3A : i32 to vector<16xi32>
    %and3A_60 = arith.andi %add3A_58, %and3A_59 : vector<16xi32>
    %add3A_61 = arith.constant 4 : i32
    %add3A_62 = vector.broadcast %add3A_61 : i32 to vector<16xi32>
    %add3A_63 = arith.addi %iota3A_55, %add3A_62 : vector<16xi32>
    %and3A_64 = arith.constant 15 : i32
    %and3A_65 = vector.broadcast %and3A_64 : i32 to vector<16xi32>
    %and3A_66 = arith.andi %add3A_63, %and3A_65 : vector<16xi32>
    %add3A_67 = arith.constant 2 : i32
    %add3A_68 = vector.broadcast %add3A_67 : i32 to vector<16xi32>
    %add3A_69 = arith.addi %iota3A_55, %add3A_68 : vector<16xi32>
    %and3A_70 = arith.constant 15 : i32
    %and3A_71 = vector.broadcast %and3A_70 : i32 to vector<16xi32>
    %and3A_72 = arith.andi %add3A_69, %and3A_71 : vector<16xi32>
    %add3A_73 = arith.constant 1 : i32
    %add3A_74 = vector.broadcast %add3A_73 : i32 to vector<16xi32>
    %add3A_75 = arith.addi %iota3A_55, %add3A_74 : vector<16xi32>
    %and3A_76 = arith.constant 15 : i32
    %and3A_77 = vector.broadcast %and3A_76 : i32 to vector<16xi32>
    %and3A_78 = arith.andi %add3A_75, %and3A_77 : vector<16xi32>
    %barrier3A = arith.constant 0 : index
    tpu.barrier barrier_id(%barrier3A)
    %scan3A = arith.constant 0 : i32
    %scan3A_79 = arith.constant 0 : i32
    %scan3A_80 = arith.constant 5 : i32
    %scan3A_81 = arith.addi %scan3A_79, %scan3A_80 : i32
    %scan3A_82 = arith.constant 1 : i32
    scf.for %scan3A_106 = %scan3A_79 to %scan3A_81 step %scan3A_82  : i32 {
      %mul3A_107 = arith.constant 625 : i32
      %mul3A_108 = arith.muli %add3A, %mul3A_107 : i32
      %mul3A_109 = arith.constant 125 : i32
      %mul3A_110 = arith.muli %scan3A_106, %mul3A_109 : i32
      %add3A_111 = arith.addi %mul3A_108, %mul3A_110 : i32
      "tpu.region"() ({
        %run_scoped3A = tpu.sem_alloc : memref<!tpu.dma_semaphore, #tpu.memory_space<semaphore_mem>>
        %dma_start3A_184 = arith.constant 0 : i32
        %dma_start3A_185 = tpu.memref_slice %arg5[%add3A, %scan3A_106, %dma_start3A_184] : memref<32x5x2000xi32, #tpu.memory_space<hbm>> -> memref<1x1x2000xi32, #tpu.memory_space<hbm>>
        %dma_start3A_186 = tpu.memref_squeeze %dma_start3A_185 : memref<1x1x2000xi32, #tpu.memory_space<hbm>> -> memref<2000xi32, #tpu.memory_space<hbm>>
        %dma_start3A_187 = arith.constant 0 : i32
        %dma_start3A_188 = tpu.memref_slice %arg5[%add3A, %scan3A_106, %dma_start3A_187] : memref<32x5x2000xi32, #tpu.memory_space<hbm>> -> memref<1x1x2000xi32, #tpu.memory_space<hbm>>
        %dma_start3A_189 = tpu.memref_squeeze %dma_start3A_188 : memref<1x1x2000xi32, #tpu.memory_space<hbm>> -> memref<2000xi32, #tpu.memory_space<hbm>>
        tpu.enqueue_dma source(%dma_start3A_189 : memref<2000xi32, #tpu.memory_space<hbm>>) target(%arg13 : memref<2000xi32, #tpu.memory_space<vmem>>) target_semaphore(%run_scoped3A : memref<!tpu.dma_semaphore, #tpu.memory_space<semaphore_mem>>)
        %dma_wait3A_190 = arith.constant 0 : i32
        %dma_wait3A_191 = tpu.memref_slice %arg5[%add3A, %scan3A_106, %dma_wait3A_190] : memref<32x5x2000xi32, #tpu.memory_space<hbm>> -> memref<1x1x2000xi32, #tpu.memory_space<hbm>>
        %dma_wait3A_192 = tpu.memref_squeeze %dma_wait3A_191 : memref<1x1x2000xi32, #tpu.memory_space<hbm>> -> memref<2000xi32, #tpu.memory_space<hbm>>
        %dma_wait3A_193 = arith.constant 0 : i32
        %dma_wait3A_194 = tpu.memref_slice %arg5[%add3A, %scan3A_106, %dma_wait3A_193] : memref<32x5x2000xi32, #tpu.memory_space<hbm>> -> memref<1x1x2000xi32, #tpu.memory_space<hbm>>
        %dma_wait3A_195 = tpu.memref_squeeze %dma_wait3A_194 : memref<1x1x2000xi32, #tpu.memory_space<hbm>> -> memref<2000xi32, #tpu.memory_space<hbm>>
        tpu.wait_dma2 semaphore(%run_scoped3A : memref<!tpu.dma_semaphore, #tpu.memory_space<semaphore_mem>>) src(%dma_wait3A_195 : memref<2000xi32, #tpu.memory_space<hbm>>) dst(%arg13 : memref<2000xi32, #tpu.memory_space<vmem>>)
        tpu.yield
      }) : () -> ()
      "tpu.region"() ({
        %run_scoped3A = tpu.sem_alloc : memref<!tpu.dma_semaphore, #tpu.memory_space<semaphore_mem>>
        %dma_start3A_184 = arith.constant 0 : i32
        %dma_start3A_185 = tpu.memref_slice %arg6[%add3A, %scan3A_106, %dma_start3A_184] : memref<32x5x2000xi32, #tpu.memory_space<hbm>> -> memref<1x1x2000xi32, #tpu.memory_space<hbm>>
        %dma_start3A_186 = tpu.memref_squeeze %dma_start3A_185 : memref<1x1x2000xi32, #tpu.memory_space<hbm>> -> memref<2000xi32, #tpu.memory_space<hbm>>
        %dma_start3A_187 = arith.constant 0 : i32
        %dma_start3A_188 = tpu.memref_slice %arg6[%add3A, %scan3A_106, %dma_start3A_187] : memref<32x5x2000xi32, #tpu.memory_space<hbm>> -> memref<1x1x2000xi32, #tpu.memory_space<hbm>>
        %dma_start3A_189 = tpu.memref_squeeze %dma_start3A_188 : memref<1x1x2000xi32, #tpu.memory_space<hbm>> -> memref<2000xi32, #tpu.memory_space<hbm>>
        tpu.enqueue_dma source(%dma_start3A_189 : memref<2000xi32, #tpu.memory_space<hbm>>) target(%arg14 : memref<2000xi32, #tpu.memory_space<vmem>>) target_semaphore(%run_scoped3A : memref<!tpu.dma_semaphore, #tpu.memory_space<semaphore_mem>>)
        %dma_wait3A_190 = arith.constant 0 : i32
        %dma_wait3A_191 = tpu.memref_slice %arg6[%add3A, %scan3A_106, %dma_wait3A_190] : memref<32x5x2000xi32, #tpu.memory_space<hbm>> -> memref<1x1x2000xi32, #tpu.memory_space<hbm>>
        %dma_wait3A_192 = tpu.memref_squeeze %dma_wait3A_191 : memref<1x1x2000xi32, #tpu.memory_space<hbm>> -> memref<2000xi32, #tpu.memory_space<hbm>>
        %dma_wait3A_193 = arith.constant 0 : i32
        %dma_wait3A_194 = tpu.memref_slice %arg6[%add3A, %scan3A_106, %dma_wait3A_193] : memref<32x5x2000xi32, #tpu.memory_space<hbm>> -> memref<1x1x2000xi32, #tpu.memory_space<hbm>>
        %dma_wait3A_195 = tpu.memref_squeeze %dma_wait3A_194 : memref<1x1x2000xi32, #tpu.memory_space<hbm>> -> memref<2000xi32, #tpu.memory_space<hbm>>
        tpu.wait_dma2 semaphore(%run_scoped3A : memref<!tpu.dma_semaphore, #tpu.memory_space<semaphore_mem>>) src(%dma_wait3A_195 : memref<2000xi32, #tpu.memory_space<hbm>>) dst(%arg14 : memref<2000xi32, #tpu.memory_space<vmem>>)
        tpu.yield
      }) : () -> ()
      %multiple_of3A_112 = arith.constant 0 : i32
      %multiple_of3A_113 = tpu.assume_multiple %multiple_of3A_112, 8 : i32
      %dma_start3A = tpu.memref_slice %arg13[%multiple_of3A_113] : memref<2000xi32, #tpu.memory_space<vmem>> -> memref<16xi32, #tpu.memory_space<vmem>>
      %dma_start3A_114 = arith.constant 0 : i32
      %dma_start3A_115 = arith.constant 0 : i32
      %dma_start3A_116 = tpu.memref_slice %arg2[%dma_start3A_114, %dma_start3A_115] : memref<10000x128xf32, #tpu.memory_space<hbm>> -> memref<10000x128xf32, #tpu.memory_space<hbm>>
      tpu.enqueue_indirect_dma source(%dma_start3A_116 : memref<10000x128xf32, #tpu.memory_space<hbm>>) target(%arg15 : memref<16x128xf32, #tpu.memory_space<vmem>>) offsets(%dma_start3A : memref<16xi32, #tpu.memory_space<vmem>>) semaphore(%arg29 : memref<!tpu.dma_semaphore, #tpu.memory_space<semaphore_mem>>)
      %dma_start3A_117 = tpu.memref_slice %arg14[%multiple_of3A_113] : memref<2000xi32, #tpu.memory_space<vmem>> -> memref<16xi32, #tpu.memory_space<vmem>>
      %dma_start3A_118 = arith.constant 0 : i32
      %dma_start3A_119 = arith.constant 0 : i32
      %dma_start3A_120 = tpu.memref_slice %arg3[%dma_start3A_118, %dma_start3A_119] : memref<10000x256xf32, #tpu.memory_space<hbm>> -> memref<10000x256xf32, #tpu.memory_space<hbm>>
      tpu.enqueue_indirect_dma source(%dma_start3A_120 : memref<10000x256xf32, #tpu.memory_space<hbm>>) target(%arg17 : memref<16x256xf32, #tpu.memory_space<vmem>>) offsets(%dma_start3A_117 : memref<16xi32, #tpu.memory_space<vmem>>) semaphore(%arg29 : memref<!tpu.dma_semaphore, #tpu.memory_space<semaphore_mem>>)
      %add3A_121 = arith.constant 0 : i32
      %add3A_122 = arith.addi %add3A_111, %add3A_121 : i32
      %mul3A_123 = arith.constant 16 : i32
      %mul3A_124 = arith.muli %add3A_122, %mul3A_123 : i32
      %dma_start3A_125 = arith.constant 0 : i32
      %dma_start3A_126 = tpu.memref_slice %arg4[%mul3A_124, %dma_start3A_125] : memref<320000x128xf32, #tpu.memory_space<hbm>> -> memref<16x128xf32, #tpu.memory_space<hbm>>
      %dma_start3A_127 = arith.constant 0 : i32
      %dma_start3A_128 = tpu.memref_slice %arg4[%mul3A_124, %dma_start3A_127] : memref<320000x128xf32, #tpu.memory_space<hbm>> -> memref<16x128xf32, #tpu.memory_space<hbm>>
      tpu.enqueue_dma source(%dma_start3A_128 : memref<16x128xf32, #tpu.memory_space<hbm>>) target(%arg19 : memref<16x128xf32, #tpu.memory_space<vmem>>) target_semaphore(%arg29 : memref<!tpu.dma_semaphore, #tpu.memory_space<semaphore_mem>>)
      %scan3A_129 = arith.constant 0 : i32
      %scan3A_130 = arith.constant 0 : i32
      %scan3A_131 = arith.constant 62 : i32
      %scan3A_132 = arith.addi %scan3A_130, %scan3A_131 : i32
      %scan3A_133 = arith.constant 1 : i32
      scf.for %scan3A_184 = %scan3A_130 to %scan3A_132 step %scan3A_133  : i32 {
        %mul3A_185 = arith.constant 2 : i32
        %mul3A_186 = arith.muli %scan3A_184, %mul3A_185 : i32
        %add3A_187 = arith.constant 1 : i32
        %add3A_188 = arith.addi %mul3A_186, %add3A_187 : i32
        %mul3A_189 = arith.constant 16 : i32
        %mul3A_190 = arith.muli %add3A_188, %mul3A_189 : i32
        %multiple_of3A_191 = tpu.assume_multiple %mul3A_190, 8 : i32
        %dma_start3A_192 = tpu.memref_slice %arg13[%multiple_of3A_191] : memref<2000xi32, #tpu.memory_space<vmem>> -> memref<16xi32, #tpu.memory_space<vmem>>
        %dma_start3A_193 = arith.constant 0 : i32
        %dma_start3A_194 = arith.constant 0 : i32
        %dma_start3A_195 = tpu.memref_slice %arg2[%dma_start3A_193, %dma_start3A_194] : memref<10000x128xf32, #tpu.memory_space<hbm>> -> memref<10000x128xf32, #tpu.memory_space<hbm>>
        tpu.enqueue_indirect_dma source(%dma_start3A_195 : memref<10000x128xf32, #tpu.memory_space<hbm>>) target(%arg16 : memref<16x128xf32, #tpu.memory_space<vmem>>) offsets(%dma_start3A_192 : memref<16xi32, #tpu.memory_space<vmem>>) semaphore(%arg30 : memref<!tpu.dma_semaphore, #tpu.memory_space<semaphore_mem>>)
        %dma_start3A_196 = tpu.memref_slice %arg14[%multiple_of3A_191] : memref<2000xi32, #tpu.memory_space<vmem>> -> memref<16xi32, #tpu.memory_space<vmem>>
        %dma_start3A_197 = arith.constant 0 : i32
        %dma_start3A_198 = arith.constant 0 : i32
        %dma_start3A_199 = tpu.memref_slice %arg3[%dma_start3A_197, %dma_start3A_198] : memref<10000x256xf32, #tpu.memory_space<hbm>> -> memref<10000x256xf32, #tpu.memory_space<hbm>>
        tpu.enqueue_indirect_dma source(%dma_start3A_199 : memref<10000x256xf32, #tpu.memory_space<hbm>>) target(%arg18 : memref<16x256xf32, #tpu.memory_space<vmem>>) offsets(%dma_start3A_196 : memref<16xi32, #tpu.memory_space<vmem>>) semaphore(%arg30 : memref<!tpu.dma_semaphore, #tpu.memory_space<semaphore_mem>>)
        %add3A_200 = arith.addi %add3A_111, %add3A_188 : i32
        %mul3A_201 = arith.constant 16 : i32
        %mul3A_202 = arith.muli %add3A_200, %mul3A_201 : i32
        %dma_start3A_203 = arith.constant 0 : i32
        %dma_start3A_204 = tpu.memref_slice %arg4[%mul3A_202, %dma_start3A_203] : memref<320000x128xf32, #tpu.memory_space<hbm>> -> memref<16x128xf32, #tpu.memory_space<hbm>>
        %dma_start3A_205 = arith.constant 0 : i32
        %dma_start3A_206 = tpu.memref_slice %arg4[%mul3A_202, %dma_start3A_205] : memref<320000x128xf32, #tpu.memory_space<hbm>> -> memref<16x128xf32, #tpu.memory_space<hbm>>
        tpu.enqueue_dma source(%dma_start3A_206 : memref<16x128xf32, #tpu.memory_space<hbm>>) target(%arg20 : memref<16x128xf32, #tpu.memory_space<vmem>>) target_semaphore(%arg30 : memref<!tpu.dma_semaphore, #tpu.memory_space<semaphore_mem>>)
        %dma_wait3A_207 = arith.constant 0 : i32
        %dma_wait3A_208 = arith.constant 0 : i32
        %dma_wait3A_209 = tpu.memref_slice %arg2[%dma_wait3A_207, %dma_wait3A_208] : memref<10000x128xf32, #tpu.memory_space<hbm>> -> memref<16x128xf32, #tpu.memory_space<hbm>>
        %dma_wait3A_210 = arith.constant 0 : i32
        %dma_wait3A_211 = arith.constant 0 : i32
        %dma_wait3A_212 = tpu.memref_slice %arg2[%dma_wait3A_210, %dma_wait3A_211] : memref<10000x128xf32, #tpu.memory_space<hbm>> -> memref<16x128xf32, #tpu.memory_space<hbm>>
        tpu.wait_dma2 semaphore(%arg29 : memref<!tpu.dma_semaphore, #tpu.memory_space<semaphore_mem>>) src(%dma_wait3A_212 : memref<16x128xf32, #tpu.memory_space<hbm>>) dst(%arg15 : memref<16x128xf32, #tpu.memory_space<vmem>>)
        %dma_wait3A_213 = arith.constant 0 : i32
        %dma_wait3A_214 = arith.constant 0 : i32
        %dma_wait3A_215 = tpu.memref_slice %arg3[%dma_wait3A_213, %dma_wait3A_214] : memref<10000x256xf32, #tpu.memory_space<hbm>> -> memref<16x256xf32, #tpu.memory_space<hbm>>
        %dma_wait3A_216 = arith.constant 0 : i32
        %dma_wait3A_217 = arith.constant 0 : i32
        %dma_wait3A_218 = tpu.memref_slice %arg3[%dma_wait3A_216, %dma_wait3A_217] : memref<10000x256xf32, #tpu.memory_space<hbm>> -> memref<16x256xf32, #tpu.memory_space<hbm>>
        tpu.wait_dma2 semaphore(%arg29 : memref<!tpu.dma_semaphore, #tpu.memory_space<semaphore_mem>>) src(%dma_wait3A_218 : memref<16x256xf32, #tpu.memory_space<hbm>>) dst(%arg17 : memref<16x256xf32, #tpu.memory_space<vmem>>)
        %dma_wait3A_219 = arith.constant 0 : i32
        %dma_wait3A_220 = arith.constant 0 : i32
        %dma_wait3A_221 = tpu.memref_slice %arg4[%dma_wait3A_219, %dma_wait3A_220] : memref<320000x128xf32, #tpu.memory_space<hbm>> -> memref<16x128xf32, #tpu.memory_space<hbm>>
        %dma_wait3A_222 = arith.constant 0 : i32
        %dma_wait3A_223 = arith.constant 0 : i32
        %dma_wait3A_224 = tpu.memref_slice %arg4[%dma_wait3A_222, %dma_wait3A_223] : memref<320000x128xf32, #tpu.memory_space<hbm>> -> memref<16x128xf32, #tpu.memory_space<hbm>>
        tpu.wait_dma2 semaphore(%arg29 : memref<!tpu.dma_semaphore, #tpu.memory_space<semaphore_mem>>) src(%dma_wait3A_224 : memref<16x128xf32, #tpu.memory_space<hbm>>) dst(%arg19 : memref<16x128xf32, #tpu.memory_space<vmem>>)
        %mul3A_225 = arith.constant 125 : i32
        %mul3A_226 = arith.muli %scan3A_106, %mul3A_225 : i32
        %add3A_227 = arith.addi %mul3A_226, %mul3A_186 : i32
        %ge3A_228 = arith.constant 2 : i32
        %ge3A_229 = arith.cmpi sge, %add3A_227, %ge3A_228 : i32
        %convert_element_type3A_230 = arith.extui %ge3A_229 : i1 to i32
        %cond3A_231 = arith.constant 0 : i32
        %cond3A_232 = arith.cmpi ne, %convert_element_type3A_230, %cond3A_231 : i32
        scf.if %cond3A_232 {
          %dma_wait3A_331 = arith.constant 0 : i32
          %dma_wait3A_332 = arith.constant 0 : i32
          %dma_wait3A_333 = tpu.memref_slice %arg11[%dma_wait3A_331, %dma_wait3A_332] : memref<10000x128xf32, #tpu.memory_space<vmem_shared>> -> memref<16x128xf32, #tpu.memory_space<vmem_shared>>
          %dma_wait3A_334 = arith.constant 0 : i32
          %dma_wait3A_335 = arith.constant 0 : i32
          %dma_wait3A_336 = tpu.memref_slice %arg11[%dma_wait3A_334, %dma_wait3A_335] : memref<10000x128xf32, #tpu.memory_space<vmem_shared>> -> memref<16x128xf32, #tpu.memory_space<vmem_shared>>
          tpu.wait_dma2 semaphore(%arg31 : memref<!tpu.dma_semaphore, #tpu.memory_space<semaphore_mem>>) src(%arg21 : memref<16x128xf32, #tpu.memory_space<vmem>>) dst(%dma_wait3A_336 : memref<16x128xf32, #tpu.memory_space<vmem_shared>>)
        } else {
        }
        %scan3A_233 = arith.constant 0 : i32
        %scan3A_234 = arith.constant 0 : i32
        %scan3A_235 = arith.constant 16 : i32
        %scan3A_236 = arith.addi %scan3A_234, %scan3A_235 : i32
        %scan3A_237 = arith.constant 2 : i32
        scf.for %scan3A_331 = %scan3A_234 to %scan3A_236 step %scan3A_237  : i32 {
          %broadcast_in_dim3A = arith.constant 0.000000e+00 : f32
          %broadcast_in_dim3A_332 = vector.broadcast %broadcast_in_dim3A : f32 to vector<16xf32>
          %broadcast_in_dim3A_333 = arith.constant 0.000000e+00 : f32
          %broadcast_in_dim3A_334 = vector.broadcast %broadcast_in_dim3A_333 : f32 to vector<16xf32>
          %get3A_335 = arith.index_cast %scan3A_331 : i32 to index
          %get3A_336 = arith.constant 0 : index
          %get3A_337 = tpu.vector_load %arg15[%get3A_335, %get3A_336] {strides = array<i32>} : memref<16x128xf32, #tpu.memory_space<vmem>>, vector<16xf32>,
          %get3A_338 = arith.index_cast %scan3A_331 : i32 to index
          %get3A_339 = arith.constant 0 : index
          %get3A_340 = tpu.vector_load %arg17[%get3A_338, %get3A_339] {strides = array<i32>} : memref<16x256xf32, #tpu.memory_space<vmem>>, vector<16xf32>,
          %add3A_341 = arith.addf %get3A_337, %get3A_340 : vector<16xf32>
          %get3A_342 = arith.index_cast %scan3A_331 : i32 to index
          %get3A_343 = arith.constant 0 : index
          %get3A_344 = tpu.vector_load %arg19[%get3A_342, %get3A_343] {strides = array<i32>} : memref<16x128xf32, #tpu.memory_space<vmem>>, vector<16xf32>,
          %add3A_345 = arith.addf %add3A_341, %get3A_344 : vector<16xf32>
          %exp3A = math.exp %add3A_345 : vector<16xf32>
          %add3A_346 = arith.constant 1.000000e+00 : f32
          %add3A_347 = vector.broadcast %add3A_346 : f32 to vector<16xf32>
          %add3A_348 = arith.addf %exp3A, %add3A_347 : vector<16xf32>
          %div3A = arith.constant 1.000000e+00 : f32
          %div3A_349 = vector.broadcast %div3A : f32 to vector<16xf32>
          %div3A_350 = arith.divf %div3A_349, %add3A_348 : vector<16xf32>
          %mul3A_351 = arith.mulf %get3A_38, %div3A_350 : vector<16xf32>
          %add3A_352 = arith.addf %broadcast_in_dim3A_332, %mul3A_351 : vector<16xf32>
          %get3A_353 = arith.index_cast %scan3A_331 : i32 to index
          %get3A_354 = arith.constant 16 : index
          %get3A_355 = tpu.vector_load %arg15[%get3A_353, %get3A_354] {strides = array<i32>} : memref<16x128xf32, #tpu.memory_space<vmem>>, vector<16xf32>,
          %get3A_356 = arith.index_cast %scan3A_331 : i32 to index
          %get3A_357 = arith.constant 16 : index
          %get3A_358 = tpu.vector_load %arg17[%get3A_356, %get3A_357] {strides = array<i32>} : memref<16x256xf32, #tpu.memory_space<vmem>>, vector<16xf32>,
          %add3A_359 = arith.addf %get3A_355, %get3A_358 : vector<16xf32>
          %get3A_360 = arith.index_cast %scan3A_331 : i32 to index
          %get3A_361 = arith.constant 16 : index
          %get3A_362 = tpu.vector_load %arg19[%get3A_360, %get3A_361] {strides = array<i32>} : memref<16x128xf32, #tpu.memory_space<vmem>>, vector<16xf32>,
          %add3A_363 = arith.addf %add3A_359, %get3A_362 : vector<16xf32>
          %exp3A_364 = math.exp %add3A_363 : vector<16xf32>
          %add3A_365 = arith.constant 1.000000e+00 : f32
          %add3A_366 = vector.broadcast %add3A_365 : f32 to vector<16xf32>
          %add3A_367 = arith.addf %exp3A_364, %add3A_366 : vector<16xf32>
          %div3A_368 = arith.constant 1.000000e+00 : f32
          %div3A_369 = vector.broadcast %div3A_368 : f32 to vector<16xf32>
          %div3A_370 = arith.divf %div3A_369, %add3A_367 : vector<16xf32>
          %mul3A_371 = arith.mulf %get3A_40, %div3A_370 : vector<16xf32>
          %add3A_372 = arith.addf %broadcast_in_dim3A_334, %mul3A_371 : vector<16xf32>
          %get3A_373 = arith.index_cast %scan3A_331 : i32 to index
          %get3A_374 = arith.constant 32 : index
          %get3A_375 = tpu.vector_load %arg15[%get3A_373, %get3A_374] {strides = array<i32>} : memref<16x128xf32, #tpu.memory_space<vmem>>, vector<16xf32>,
          %get3A_376 = arith.index_cast %scan3A_331 : i32 to index
          %get3A_377 = arith.constant 32 : index
          %get3A_378 = tpu.vector_load %arg17[%get3A_376, %get3A_377] {strides = array<i32>} : memref<16x256xf32, #tpu.memory_space<vmem>>, vector<16xf32>,
          %add3A_379 = arith.addf %get3A_375, %get3A_378 : vector<16xf32>
          %get3A_380 = arith.index_cast %scan3A_331 : i32 to index
          %get3A_381 = arith.constant 32 : index
          %get3A_382 = tpu.vector_load %arg19[%get3A_380, %get3A_381] {strides = array<i32>} : memref<16x128xf32, #tpu.memory_space<vmem>>, vector<16xf32>,
          %add3A_383 = arith.addf %add3A_379, %get3A_382 : vector<16xf32>
          %exp3A_384 = math.exp %add3A_383 : vector<16xf32>
          %add3A_385 = arith.constant 1.000000e+00 : f32
          %add3A_386 = vector.broadcast %add3A_385 : f32 to vector<16xf32>
          %add3A_387 = arith.addf %exp3A_384, %add3A_386 : vector<16xf32>
          %div3A_388 = arith.constant 1.000000e+00 : f32
          %div3A_389 = vector.broadcast %div3A_388 : f32 to vector<16xf32>
          %div3A_390 = arith.divf %div3A_389, %add3A_387 : vector<16xf32>
          %mul3A_391 = arith.mulf %get3A_42, %div3A_390 : vector<16xf32>
          %add3A_392 = arith.addf %add3A_352, %mul3A_391 : vector<16xf32>
          %get3A_393 = arith.index_cast %scan3A_331 : i32 to index
          %get3A_394 = arith.constant 48 : index
          %get3A_395 = tpu.vector_load %arg15[%get3A_393, %get3A_394] {strides = array<i32>} : memref<16x128xf32, #tpu.memory_space<vmem>>, vector<16xf32>,
          %get3A_396 = arith.index_cast %scan3A_331 : i32 to index
          %get3A_397 = arith.constant 48 : index
          %get3A_398 = tpu.vector_load %arg17[%get3A_396, %get3A_397] {strides = array<i32>} : memref<16x256xf32, #tpu.memory_space<vmem>>, vector<16xf32>,
          %add3A_399 = arith.addf %get3A_395, %get3A_398 : vector<16xf32>
          %get3A_400 = arith.index_cast %scan3A_331 : i32 to index
          %get3A_401 = arith.constant 48 : index
          %get3A_402 = tpu.vector_load %arg19[%get3A_400, %get3A_401] {strides = array<i32>} : memref<16x128xf32, #tpu.memory_space<vmem>>, vector<16xf32>,
          %add3A_403 = arith.addf %add3A_399, %get3A_402 : vector<16xf32>
          %exp3A_404 = math.exp %add3A_403 : vector<16xf32>
          %add3A_405 = arith.constant 1.000000e+00 : f32
          %add3A_406 = vector.broadcast %add3A_405 : f32 to vector<16xf32>
          %add3A_407 = arith.addf %exp3A_404, %add3A_406 : vector<16xf32>
          %div3A_408 = arith.constant 1.000000e+00 : f32
          %div3A_409 = vector.broadcast %div3A_408 : f32 to vector<16xf32>
          %div3A_410 = arith.divf %div3A_409, %add3A_407 : vector<16xf32>
          %mul3A_411 = arith.mulf %get3A_44, %div3A_410 : vector<16xf32>
          %add3A_412 = arith.addf %add3A_372, %mul3A_411 : vector<16xf32>
          %get3A_413 = arith.index_cast %scan3A_331 : i32 to index
          %get3A_414 = arith.constant 64 : index
          %get3A_415 = tpu.vector_load %arg15[%get3A_413, %get3A_414] {strides = array<i32>} : memref<16x128xf32, #tpu.memory_space<vmem>>, vector<16xf32>,
          %get3A_416 = arith.index_cast %scan3A_331 : i32 to index
          %get3A_417 = arith.constant 64 : index
          %get3A_418 = tpu.vector_load %arg17[%get3A_416, %get3A_417] {strides = array<i32>} : memref<16x256xf32, #tpu.memory_space<vmem>>, vector<16xf32>,
          %add3A_419 = arith.addf %get3A_415, %get3A_418 : vector<16xf32>
          %get3A_420 = arith.index_cast %scan3A_331 : i32 to index
          %get3A_421 = arith.constant 64 : index
          %get3A_422 = tpu.vector_load %arg19[%get3A_420, %get3A_421] {strides = array<i32>} : memref<16x128xf32, #tpu.memory_space<vmem>>, vector<16xf32>,
          %add3A_423 = arith.addf %add3A_419, %get3A_422 : vector<16xf32>
          %exp3A_424 = math.exp %add3A_423 : vector<16xf32>
          %add3A_425 = arith.constant 1.000000e+00 : f32
          %add3A_426 = vector.broadcast %add3A_425 : f32 to vector<16xf32>
          %add3A_427 = arith.addf %exp3A_424, %add3A_426 : vector<16xf32>
          %div3A_428 = arith.constant 1.000000e+00 : f32
          %div3A_429 = vector.broadcast %div3A_428 : f32 to vector<16xf32>
          %div3A_430 = arith.divf %div3A_429, %add3A_427 : vector<16xf32>
          %mul3A_431 = arith.mulf %get3A_46, %div3A_430 : vector<16xf32>
          %add3A_432 = arith.addf %add3A_392, %mul3A_431 : vector<16xf32>
          %get3A_433 = arith.index_cast %scan3A_331 : i32 to index
          %get3A_434 = arith.constant 80 : index
          %get3A_435 = tpu.vector_load %arg15[%get3A_433, %get3A_434] {strides = array<i32>} : memref<16x128xf32, #tpu.memory_space<vmem>>, vector<16xf32>,
          %get3A_436 = arith.index_cast %scan3A_331 : i32 to index
          %get3A_437 = arith.constant 80 : index
          %get3A_438 = tpu.vector_load %arg17[%get3A_436, %get3A_437] {strides = array<i32>} : memref<16x256xf32, #tpu.memory_space<vmem>>, vector<16xf32>,
          %add3A_439 = arith.addf %get3A_435, %get3A_438 : vector<16xf32>
          %get3A_440 = arith.index_cast %scan3A_331 : i32 to index
          %get3A_441 = arith.constant 80 : index
          %get3A_442 = tpu.vector_load %arg19[%get3A_440, %get3A_441] {strides = array<i32>} : memref<16x128xf32, #tpu.memory_space<vmem>>, vector<16xf32>,
          %add3A_443 = arith.addf %add3A_439, %get3A_442 : vector<16xf32>
          %exp3A_444 = math.exp %add3A_443 : vector<16xf32>
          %add3A_445 = arith.constant 1.000000e+00 : f32
          %add3A_446 = vector.broadcast %add3A_445 : f32 to vector<16xf32>
          %add3A_447 = arith.addf %exp3A_444, %add3A_446 : vector<16xf32>
          %div3A_448 = arith.constant 1.000000e+00 : f32
          %div3A_449 = vector.broadcast %div3A_448 : f32 to vector<16xf32>
          %div3A_450 = arith.divf %div3A_449, %add3A_447 : vector<16xf32>
          %mul3A_451 = arith.mulf %get3A_48, %div3A_450 : vector<16xf32>
          %add3A_452 = arith.addf %add3A_412, %mul3A_451 : vector<16xf32>
          %get3A_453 = arith.index_cast %scan3A_331 : i32 to index
          %get3A_454 = arith.constant 96 : index
          %get3A_455 = tpu.vector_load %arg15[%get3A_453, %get3A_454] {strides = array<i32>} : memref<16x128xf32, #tpu.memory_space<vmem>>, vector<16xf32>,
          %get3A_456 = arith.index_cast %scan3A_331 : i32 to index
          %get3A_457 = arith.constant 96 : index
          %get3A_458 = tpu.vector_load %arg17[%get3A_456, %get3A_457] {strides = array<i32>} : memref<16x256xf32, #tpu.memory_space<vmem>>, vector<16xf32>,
          %add3A_459 = arith.addf %get3A_455, %get3A_458 : vector<16xf32>
          %get3A_460 = arith.index_cast %scan3A_331 : i32 to index
          %get3A_461 = arith.constant 96 : index
          %get3A_462 = tpu.vector_load %arg19[%get3A_460, %get3A_461] {strides = array<i32>} : memref<16x128xf32, #tpu.memory_space<vmem>>, vector<16xf32>,
          %add3A_463 = arith.addf %add3A_459, %get3A_462 : vector<16xf32>
          %exp3A_464 = math.exp %add3A_463 : vector<16xf32>
          %add3A_465 = arith.constant 1.000000e+00 : f32
          %add3A_466 = vector.broadcast %add3A_465 : f32 to vector<16xf32>
          %add3A_467 = arith.addf %exp3A_464, %add3A_466 : vector<16xf32>
          %div3A_468 = arith.constant 1.000000e+00 : f32
          %div3A_469 = vector.broadcast %div3A_468 : f32 to vector<16xf32>
          %div3A_470 = arith.divf %div3A_469, %add3A_467 : vector<16xf32>
          %mul3A_471 = arith.mulf %get3A_50, %div3A_470 : vector<16xf32>
          %add3A_472 = arith.addf %add3A_432, %mul3A_471 : vector<16xf32>
          %get3A_473 = arith.index_cast %scan3A_331 : i32 to index
          %get3A_474 = arith.constant 112 : index
          %get3A_475 = tpu.vector_load %arg15[%get3A_473, %get3A_474] {strides = array<i32>} : memref<16x128xf32, #tpu.memory_space<vmem>>, vector<16xf32>,
          %get3A_476 = arith.index_cast %scan3A_331 : i32 to index
          %get3A_477 = arith.constant 112 : index
          %get3A_478 = tpu.vector_load %arg17[%get3A_476, %get3A_477] {strides = array<i32>} : memref<16x256xf32, #tpu.memory_space<vmem>>, vector<16xf32>,
          %add3A_479 = arith.addf %get3A_475, %get3A_478 : vector<16xf32>
          %get3A_480 = arith.index_cast %scan3A_331 : i32 to index
          %get3A_481 = arith.constant 112 : index
          %get3A_482 = tpu.vector_load %arg19[%get3A_480, %get3A_481] {strides = array<i32>} : memref<16x128xf32, #tpu.memory_space<vmem>>, vector<16xf32>,
          %add3A_483 = arith.addf %add3A_479, %get3A_482 : vector<16xf32>
          %exp3A_484 = math.exp %add3A_483 : vector<16xf32>
          %add3A_485 = arith.constant 1.000000e+00 : f32
          %add3A_486 = vector.broadcast %add3A_485 : f32 to vector<16xf32>
          %add3A_487 = arith.addf %exp3A_484, %add3A_486 : vector<16xf32>
          %div3A_488 = arith.constant 1.000000e+00 : f32
          %div3A_489 = vector.broadcast %div3A_488 : f32 to vector<16xf32>
          %div3A_490 = arith.divf %div3A_489, %add3A_487 : vector<16xf32>
          %mul3A_491 = arith.mulf %get3A_52, %div3A_490 : vector<16xf32>
          %add3A_492 = arith.addf %add3A_452, %mul3A_491 : vector<16xf32>
          %add3A_493 = arith.addf %add3A_472, %add3A_492 : vector<16xf32>
          %lt3A = arith.constant 0 : i32
          %lt3A_494 = vector.broadcast %lt3A : i32 to vector<16xi32>
          %lt3A_495 = arith.cmpi slt, %and3A_60, %lt3A_494 : vector<16xi32>
          %add3A_496 = arith.constant 16 : i32
          %add3A_497 = vector.broadcast %add3A_496 : i32 to vector<16xi32>
          %add3A_498 = arith.addi %and3A_60, %add3A_497 : vector<16xi32>
          %select_n3A = arith.select %lt3A_495, %add3A_498, %and3A_60 : vector<16xi1>, vector<16xi32>
          %broadcast_in_dim3A_499 = vector.shape_cast %select_n3A : vector<16xi32> to vector<16x1xi32>
          %gather3A = vector.shape_cast %broadcast_in_dim3A_499 : vector<16x1xi32> to vector<16xi32>
          %gather3A_500 = tpu.dynamic_gather %add3A_493[%gather3A] in [0] : vector<16xf32>, vector<16xi32> -> vector<16xf32>
          %add3A_501 = arith.addf %add3A_493, %gather3A_500 : vector<16xf32>
          %lt3A_502 = arith.constant 0 : i32
          %lt3A_503 = vector.broadcast %lt3A_502 : i32 to vector<16xi32>
          %lt3A_504 = arith.cmpi slt, %and3A_66, %lt3A_503 : vector<16xi32>
          %add3A_505 = arith.constant 16 : i32
          %add3A_506 = vector.broadcast %add3A_505 : i32 to vector<16xi32>
          %add3A_507 = arith.addi %and3A_66, %add3A_506 : vector<16xi32>
          %select_n3A_508 = arith.select %lt3A_504, %add3A_507, %and3A_66 : vector<16xi1>, vector<16xi32>
          %broadcast_in_dim3A_509 = vector.shape_cast %select_n3A_508 : vector<16xi32> to vector<16x1xi32>
          %gather3A_510 = vector.shape_cast %broadcast_in_dim3A_509 : vector<16x1xi32> to vector<16xi32>
          %gather3A_511 = tpu.dynamic_gather %add3A_501[%gather3A_510] in [0] : vector<16xf32>, vector<16xi32> -> vector<16xf32>
          %add3A_512 = arith.addf %add3A_501, %gather3A_511 : vector<16xf32>
          %lt3A_513 = arith.constant 0 : i32
          %lt3A_514 = vector.broadcast %lt3A_513 : i32 to vector<16xi32>
          %lt3A_515 = arith.cmpi slt, %and3A_72, %lt3A_514 : vector<16xi32>
          %add3A_516 = arith.constant 16 : i32
          %add3A_517 = vector.broadcast %add3A_516 : i32 to vector<16xi32>
          %add3A_518 = arith.addi %and3A_72, %add3A_517 : vector<16xi32>
          %select_n3A_519 = arith.select %lt3A_515, %add3A_518, %and3A_72 : vector<16xi1>, vector<16xi32>
          %broadcast_in_dim3A_520 = vector.shape_cast %select_n3A_519 : vector<16xi32> to vector<16x1xi32>
          %gather3A_521 = vector.shape_cast %broadcast_in_dim3A_520 : vector<16x1xi32> to vector<16xi32>
          %gather3A_522 = tpu.dynamic_gather %add3A_512[%gather3A_521] in [0] : vector<16xf32>, vector<16xi32> -> vector<16xf32>
          %add3A_523 = arith.addf %add3A_512, %gather3A_522 : vector<16xf32>
          %lt3A_524 = arith.constant 0 : i32
          %lt3A_525 = vector.broadcast %lt3A_524 : i32 to vector<16xi32>
          %lt3A_526 = arith.cmpi slt, %and3A_78, %lt3A_525 : vector<16xi32>
          %add3A_527 = arith.constant 16 : i32
          %add3A_528 = vector.broadcast %add3A_527 : i32 to vector<16xi32>
          %add3A_529 = arith.addi %and3A_78, %add3A_528 : vector<16xi32>
          %select_n3A_530 = arith.select %lt3A_526, %add3A_529, %and3A_78 : vector<16xi1>, vector<16xi32>
          %broadcast_in_dim3A_531 = vector.shape_cast %select_n3A_530 : vector<16xi32> to vector<16x1xi32>
          %gather3A_532 = vector.shape_cast %broadcast_in_dim3A_531 : vector<16x1xi32> to vector<16xi32>
          %gather3A_533 = tpu.dynamic_gather %add3A_523[%gather3A_532] in [0] : vector<16xf32>, vector<16xi32> -> vector<16xf32>
          %add3A_534 = arith.addf %add3A_523, %gather3A_533 : vector<16xf32>
          %sub3A_535 = arith.subf %get3A_54, %add3A_534 : vector<16xf32>
          %exp3A_536 = math.exp %sub3A_535 : vector<16xf32>
          %get3A_537 = arith.index_cast %scan3A_331 : i32 to index
          %get3A_538 = arith.constant 128 : index
          %get3A_539 = tpu.vector_load %arg17[%get3A_537, %get3A_538] {strides = array<i32>} : memref<16x256xf32, #tpu.memory_space<vmem>>, vector<16xf32>,
          %mul3A_540 = arith.mulf %exp3A_536, %get3A_539 : vector<16xf32>
          %swap3A_541 = arith.index_cast %scan3A_331 : i32 to index
          %swap3A_542 = arith.constant 0 : index
          %swap3A_543 = tpu.vector_load %arg21[%swap3A_541, %swap3A_542] {strides = array<i32>} : memref<16x128xf32, #tpu.memory_space<vmem>>, vector<16xf32>,
          tpu.vector_store %arg21[%swap3A_541, %swap3A_542], %mul3A_540 {strides = array<i32>} : memref<16x128xf32, #tpu.memory_space<vmem>>, vector<16xf32>,
          %get3A_544 = arith.index_cast %scan3A_331 : i32 to index
          %get3A_545 = arith.constant 144 : index
          %get3A_546 = tpu.vector_load %arg17[%get3A_544, %get3A_545] {strides = array<i32>} : memref<16x256xf32, #tpu.memory_space<vmem>>, vector<16xf32>,
          %mul3A_547 = arith.mulf %exp3A_536, %get3A_546 : vector<16xf32>
          %swap3A_548 = arith.index_cast %scan3A_331 : i32 to index
          %swap3A_549 = arith.constant 16 : index
          %swap3A_550 = tpu.vector_load %arg21[%swap3A_548, %swap3A_549] {strides = array<i32>} : memref<16x128xf32, #tpu.memory_space<vmem>>, vector<16xf32>,
          tpu.vector_store %arg21[%swap3A_548, %swap3A_549], %mul3A_547 {strides = array<i32>} : memref<16x128xf32, #tpu.memory_space<vmem>>, vector<16xf32>,
          %get3A_551 = arith.index_cast %scan3A_331 : i32 to index
          %get3A_552 = arith.constant 160 : index
          %get3A_553 = tpu.vector_load %arg17[%get3A_551, %get3A_552] {strides = array<i32>} : memref<16x256xf32, #tpu.memory_space<vmem>>, vector<16xf32>,
          %mul3A_554 = arith.mulf %exp3A_536, %get3A_553 : vector<16xf32>
          %swap3A_555 = arith.index_cast %scan3A_331 : i32 to index
          %swap3A_556 = arith.constant 32 : index
          %swap3A_557 = tpu.vector_load %arg21[%swap3A_555, %swap3A_556] {strides = array<i32>} : memref<16x128xf32, #tpu.memory_space<vmem>>, vector<16xf32>,
          tpu.vector_store %arg21[%swap3A_555, %swap3A_556], %mul3A_554 {strides = array<i32>} : memref<16x128xf32, #tpu.memory_space<vmem>>, vector<16xf32>,
          %get3A_558 = arith.index_cast %scan3A_331 : i32 to index
          %get3A_559 = arith.constant 176 : index
          %get3A_560 = tpu.vector_load %arg17[%get3A_558, %get3A_559] {strides = array<i32>} : memref<16x256xf32, #tpu.memory_space<vmem>>, vector<16xf32>,
          %mul3A_561 = arith.mulf %exp3A_536, %get3A_560 : vector<16xf32>
          %swap3A_562 = arith.index_cast %scan3A_331 : i32 to index
          %swap3A_563 = arith.constant 48 : index
          %swap3A_564 = tpu.vector_load %arg21[%swap3A_562, %swap3A_563] {strides = array<i32>} : memref<16x128xf32, #tpu.memory_space<vmem>>, vector<16xf32>,
          tpu.vector_store %arg21[%swap3A_562, %swap3A_563], %mul3A_561 {strides = array<i32>} : memref<16x128xf32, #tpu.memory_space<vmem>>, vector<16xf32>,
          %get3A_565 = arith.index_cast %scan3A_331 : i32 to index
          %get3A_566 = arith.constant 192 : index
          %get3A_567 = tpu.vector_load %arg17[%get3A_565, %get3A_566] {strides = array<i32>} : memref<16x256xf32, #tpu.memory_space<vmem>>, vector<16xf32>,
          %mul3A_568 = arith.mulf %exp3A_536, %get3A_567 : vector<16xf32>
          %swap3A_569 = arith.index_cast %scan3A_331 : i32 to index
          %swap3A_570 = arith.constant 64 : index
          %swap3A_571 = tpu.vector_load %arg21[%swap3A_569, %swap3A_570] {strides = array<i32>} : memref<16x128xf32, #tpu.memory_space<vmem>>, vector<16xf32>,
          tpu.vector_store %arg21[%swap3A_569, %swap3A_570], %mul3A_568 {strides = array<i32>} : memref<16x128xf32, #tpu.memory_space<vmem>>, vector<16xf32>,
          %get3A_572 = arith.index_cast %scan3A_331 : i32 to index
          %get3A_573 = arith.constant 208 : index
          %get3A_574 = tpu.vector_load %arg17[%get3A_572, %get3A_573] {strides = array<i32>} : memref<16x256xf32, #tpu.memory_space<vmem>>, vector<16xf32>,
          %mul3A_575 = arith.mulf %exp3A_536, %get3A_574 : vector<16xf32>
          %swap3A_576 = arith.index_cast %scan3A_331 : i32 to index
          %swap3A_577 = arith.constant 80 : index
          %swap3A_578 = tpu.vector_load %arg21[%swap3A_576, %swap3A_577] {strides = array<i32>} : memref<16x128xf32, #tpu.memory_space<vmem>>, vector<16xf32>,
          tpu.vector_store %arg21[%swap3A_576, %swap3A_577], %mul3A_575 {strides = array<i32>} : memref<16x128xf32, #tpu.memory_space<vmem>>, vector<16xf32>,
          %get3A_579 = arith.index_cast %scan3A_331 : i32 to index
          %get3A_580 = arith.constant 224 : index
          %get3A_581 = tpu.vector_load %arg17[%get3A_579, %get3A_580] {strides = array<i32>} : memref<16x256xf32, #tpu.memory_space<vmem>>, vector<16xf32>,
          %mul3A_582 = arith.mulf %exp3A_536, %get3A_581 : vector<16xf32>
          %swap3A_583 = arith.index_cast %scan3A_331 : i32 to index
          %swap3A_584 = arith.constant 96 : index
          %swap3A_585 = tpu.vector_load %arg21[%swap3A_583, %swap3A_584] {strides = array<i32>} : memref<16x128xf32, #tpu.memory_space<vmem>>, vector<16xf32>,
          tpu.vector_store %arg21[%swap3A_583, %swap3A_584], %mul3A_582 {strides = array<i32>} : memref<16x128xf32, #tpu.memory_space<vmem>>, vector<16xf32>,
          %get3A_586 = arith.index_cast %scan3A_331 : i32 to index
          %get3A_587 = arith.constant 240 : index
          %get3A_588 = tpu.vector_load %arg17[%get3A_586, %get3A_587] {strides = array<i32>} : memref<16x256xf32, #tpu.memory_space<vmem>>, vector<16xf32>,
          %mul3A_589 = arith.mulf %exp3A_536, %get3A_588 : vector<16xf32>
          %swap3A_590 = arith.index_cast %scan3A_331 : i32 to index
          %swap3A_591 = arith.constant 112 : index
          %swap3A_592 = tpu.vector_load %arg21[%swap3A_590, %swap3A_591] {strides = array<i32>} : memref<16x128xf32, #tpu.memory_space<vmem>>, vector<16xf32>,
          tpu.vector_store %arg21[%swap3A_590, %swap3A_591], %mul3A_589 {strides = array<i32>} : memref<16x128xf32, #tpu.memory_space<vmem>>, vector<16xf32>,
          %eq3A_593 = vector.broadcast %scan3A_331 : i32 to vector<16xi32>
          %eq3A_594 = arith.cmpi eq, %iota3A_55, %eq3A_593 : vector<16xi32>
          tpu.vector_store_idx %arg23[%iota3A_55], %exp3A_536 masked %eq3A_594 : memref<16xf32, #tpu.memory_space<vmem>>[vector<16xi32>], vector<16xf32>, vector<16xi1>
          %scan3A_595 = arith.constant 1 : i32
          %scan3A_596 = arith.addi %scan3A_331, %scan3A_595 : i32
          %broadcast_in_dim3A_597 = arith.constant 0.000000e+00 : f32
          %broadcast_in_dim3A_598 = vector.broadcast %broadcast_in_dim3A_597 : f32 to vector<16xf32>
          %broadcast_in_dim3A_599 = arith.constant 0.000000e+00 : f32
          %broadcast_in_dim3A_600 = vector.broadcast %broadcast_in_dim3A_599 : f32 to vector<16xf32>
          %get3A_601 = arith.index_cast %scan3A_596 : i32 to index
          %get3A_602 = arith.constant 0 : index
          %get3A_603 = tpu.vector_load %arg15[%get3A_601, %get3A_602] {strides = array<i32>} : memref<16x128xf32, #tpu.memory_space<vmem>>, vector<16xf32>,
          %get3A_604 = arith.index_cast %scan3A_596 : i32 to index
          %get3A_605 = arith.constant 0 : index
          %get3A_606 = tpu.vector_load %arg17[%get3A_604, %get3A_605] {strides = array<i32>} : memref<16x256xf32, #tpu.memory_space<vmem>>, vector<16xf32>,
          %add3A_607 = arith.addf %get3A_603, %get3A_606 : vector<16xf32>
          %get3A_608 = arith.index_cast %scan3A_596 : i32 to index
          %get3A_609 = arith.constant 0 : index
          %get3A_610 = tpu.vector_load %arg19[%get3A_608, %get3A_609] {strides = array<i32>} : memref<16x128xf32, #tpu.memory_space<vmem>>, vector<16xf32>,
          %add3A_611 = arith.addf %add3A_607, %get3A_610 : vector<16xf32>
          %exp3A_612 = math.exp %add3A_611 : vector<16xf32>
          %add3A_613 = arith.constant 1.000000e+00 : f32
          %add3A_614 = vector.broadcast %add3A_613 : f32 to vector<16xf32>
          %add3A_615 = arith.addf %exp3A_612, %add3A_614 : vector<16xf32>
          %div3A_616 = arith.constant 1.000000e+00 : f32
          %div3A_617 = vector.broadcast %div3A_616 : f32 to vector<16xf32>
          %div3A_618 = arith.divf %div3A_617, %add3A_615 : vector<16xf32>
          %mul3A_619 = arith.mulf %get3A_38, %div3A_618 : vector<16xf32>
          %add3A_620 = arith.addf %broadcast_in_dim3A_598, %mul3A_619 : vector<16xf32>
          %get3A_621 = arith.index_cast %scan3A_596 : i32 to index
          %get3A_622 = arith.constant 16 : index
          %get3A_623 = tpu.vector_load %arg15[%get3A_621, %get3A_622] {strides = array<i32>} : memref<16x128xf32, #tpu.memory_space<vmem>>, vector<16xf32>,
          %get3A_624 = arith.index_cast %scan3A_596 : i32 to index
          %get3A_625 = arith.constant 16 : index
          %get3A_626 = tpu.vector_load %arg17[%get3A_624, %get3A_625] {strides = array<i32>} : memref<16x256xf32, #tpu.memory_space<vmem>>, vector<16xf32>,
          %add3A_627 = arith.addf %get3A_623, %get3A_626 : vector<16xf32>
          %get3A_628 = arith.index_cast %scan3A_596 : i32 to index
          %get3A_629 = arith.constant 16 : index
          %get3A_630 = tpu.vector_load %arg19[%get3A_628, %get3A_629] {strides = array<i32>} : memref<16x128xf32, #tpu.memory_space<vmem>>, vector<16xf32>,
          %add3A_631 = arith.addf %add3A_627, %get3A_630 : vector<16xf32>
          %exp3A_632 = math.exp %add3A_631 : vector<16xf32>
          %add3A_633 = arith.constant 1.000000e+00 : f32
          %add3A_634 = vector.broadcast %add3A_633 : f32 to vector<16xf32>
          %add3A_635 = arith.addf %exp3A_632, %add3A_634 : vector<16xf32>
          %div3A_636 = arith.constant 1.000000e+00 : f32
          %div3A_637 = vector.broadcast %div3A_636 : f32 to vector<16xf32>
          %div3A_638 = arith.divf %div3A_637, %add3A_635 : vector<16xf32>
          %mul3A_639 = arith.mulf %get3A_40, %div3A_638 : vector<16xf32>
          %add3A_640 = arith.addf %broadcast_in_dim3A_600, %mul3A_639 : vector<16xf32>
          %get3A_641 = arith.index_cast %scan3A_596 : i32 to index
          %get3A_642 = arith.constant 32 : index
          %get3A_643 = tpu.vector_load %arg15[%get3A_641, %get3A_642] {strides = array<i32>} : memref<16x128xf32, #tpu.memory_space<vmem>>, vector<16xf32>,
          %get3A_644 = arith.index_cast %scan3A_596 : i32 to index
          %get3A_645 = arith.constant 32 : index
          %get3A_646 = tpu.vector_load %arg17[%get3A_644, %get3A_645] {strides = array<i32>} : memref<16x256xf32, #tpu.memory_space<vmem>>, vector<16xf32>,
          %add3A_647 = arith.addf %get3A_643, %get3A_646 : vector<16xf32>
          %get3A_648 = arith.index_cast %scan3A_596 : i32 to index
          %get3A_649 = arith.constant 32 : index
          %get3A_650 = tpu.vector_load %arg19[%get3A_648, %get3A_649] {strides = array<i32>} : memref<16x128xf32, #tpu.memory_space<vmem>>, vector<16xf32>,
          %add3A_651 = arith.addf %add3A_647, %get3A_650 : vector<16xf32>
          %exp3A_652 = math.exp %add3A_651 : vector<16xf32>
          %add3A_653 = arith.constant 1.000000e+00 : f32
          %add3A_654 = vector.broadcast %add3A_653 : f32 to vector<16xf32>
          %add3A_655 = arith.addf %exp3A_652, %add3A_654 : vector<16xf32>
          %div3A_656 = arith.constant 1.000000e+00 : f32
          %div3A_657 = vector.broadcast %div3A_656 : f32 to vector<16xf32>
          %div3A_658 = arith.divf %div3A_657, %add3A_655 : vector<16xf32>
          %mul3A_659 = arith.mulf %get3A_42, %div3A_658 : vector<16xf32>
          %add3A_660 = arith.addf %add3A_620, %mul3A_659 : vector<16xf32>
          %get3A_661 = arith.index_cast %scan3A_596 : i32 to index
          %get3A_662 = arith.constant 48 : index
          %get3A_663 = tpu.vector_load %arg15[%get3A_661, %get3A_662] {strides = array<i32>} : memref<16x128xf32, #tpu.memory_space<vmem>>, vector<16xf32>,
          %get3A_664 = arith.index_cast %scan3A_596 : i32 to index
          %get3A_665 = arith.constant 48 : index
          %get3A_666 = tpu.vector_load %arg17[%get3A_664, %get3A_665] {strides = array<i32>} : memref<16x256xf32, #tpu.memory_space<vmem>>, vector<16xf32>,
          %add3A_667 = arith.addf %get3A_663, %get3A_666 : vector<16xf32>
          %get3A_668 = arith.index_cast %scan3A_596 : i32 to index
          %get3A_669 = arith.constant 48 : index
          %get3A_670 = tpu.vector_load %arg19[%get3A_668, %get3A_669] {strides = array<i32>} : memref<16x128xf32, #tpu.memory_space<vmem>>, vector<16xf32>,
          %add3A_671 = arith.addf %add3A_667, %get3A_670 : vector<16xf32>
          %exp3A_672 = math.exp %add3A_671 : vector<16xf32>
          %add3A_673 = arith.constant 1.000000e+00 : f32
          %add3A_674 = vector.broadcast %add3A_673 : f32 to vector<16xf32>
          %add3A_675 = arith.addf %exp3A_672, %add3A_674 : vector<16xf32>
          %div3A_676 = arith.constant 1.000000e+00 : f32
          %div3A_677 = vector.broadcast %div3A_676 : f32 to vector<16xf32>
          %div3A_678 = arith.divf %div3A_677, %add3A_675 : vector<16xf32>
          %mul3A_679 = arith.mulf %get3A_44, %div3A_678 : vector<16xf32>
          %add3A_680 = arith.addf %add3A_640, %mul3A_679 : vector<16xf32>
          %get3A_681 = arith.index_cast %scan3A_596 : i32 to index
          %get3A_682 = arith.constant 64 : index
          %get3A_683 = tpu.vector_load %arg15[%get3A_681, %get3A_682] {strides = array<i32>} : memref<16x128xf32, #tpu.memory_space<vmem>>, vector<16xf32>,
          %get3A_684 = arith.index_cast %scan3A_596 : i32 to index
          %get3A_685 = arith.constant 64 : index
          %get3A_686 = tpu.vector_load %arg17[%get3A_684, %get3A_685] {strides = array<i32>} : memref<16x256xf32, #tpu.memory_space<vmem>>, vector<16xf32>,
          %add3A_687 = arith.addf %get3A_683, %get3A_686 : vector<16xf32>
          %get3A_688 = arith.index_cast %scan3A_596 : i32 to index
          %get3A_689 = arith.constant 64 : index
          %get3A_690 = tpu.vector_load %arg19[%get3A_688, %get3A_689] {strides = array<i32>} : memref<16x128xf32, #tpu.memory_space<vmem>>, vector<16xf32>,
          %add3A_691 = arith.addf %add3A_687, %get3A_690 : vector<16xf32>
          %exp3A_692 = math.exp %add3A_691 : vector<16xf32>
          %add3A_693 = arith.constant 1.000000e+00 : f32
          %add3A_694 = vector.broadcast %add3A_693 : f32 to vector<16xf32>
          %add3A_695 = arith.addf %exp3A_692, %add3A_694 : vector<16xf32>
          %div3A_696 = arith.constant 1.000000e+00 : f32
          %div3A_697 = vector.broadcast %div3A_696 : f32 to vector<16xf32>
          %div3A_698 = arith.divf %div3A_697, %add3A_695 : vector<16xf32>
          %mul3A_699 = arith.mulf %get3A_46, %div3A_698 : vector<16xf32>
          %add3A_700 = arith.addf %add3A_660, %mul3A_699 : vector<16xf32>
          %get3A_701 = arith.index_cast %scan3A_596 : i32 to index
          %get3A_702 = arith.constant 80 : index
          %get3A_703 = tpu.vector_load %arg15[%get3A_701, %get3A_702] {strides = array<i32>} : memref<16x128xf32, #tpu.memory_space<vmem>>, vector<16xf32>,
          %get3A_704 = arith.index_cast %scan3A_596 : i32 to index
          %get3A_705 = arith.constant 80 : index
          %get3A_706 = tpu.vector_load %arg17[%get3A_704, %get3A_705] {strides = array<i32>} : memref<16x256xf32, #tpu.memory_space<vmem>>, vector<16xf32>,
          %add3A_707 = arith.addf %get3A_703, %get3A_706 : vector<16xf32>
          %get3A_708 = arith.index_cast %scan3A_596 : i32 to index
          %get3A_709 = arith.constant 80 : index
          %get3A_710 = tpu.vector_load %arg19[%get3A_708, %get3A_709] {strides = array<i32>} : memref<16x128xf32, #tpu.memory_space<vmem>>, vector<16xf32>,
          %add3A_711 = arith.addf %add3A_707, %get3A_710 : vector<16xf32>
          %exp3A_712 = math.exp %add3A_711 : vector<16xf32>
          %add3A_713 = arith.constant 1.000000e+00 : f32
          %add3A_714 = vector.broadcast %add3A_713 : f32 to vector<16xf32>
          %add3A_715 = arith.addf %exp3A_712, %add3A_714 : vector<16xf32>
          %div3A_716 = arith.constant 1.000000e+00 : f32
          %div3A_717 = vector.broadcast %div3A_716 : f32 to vector<16xf32>
          %div3A_718 = arith.divf %div3A_717, %add3A_715 : vector<16xf32>
          %mul3A_719 = arith.mulf %get3A_48, %div3A_718 : vector<16xf32>
          %add3A_720 = arith.addf %add3A_680, %mul3A_719 : vector<16xf32>
          %get3A_721 = arith.index_cast %scan3A_596 : i32 to index
          %get3A_722 = arith.constant 96 : index
          %get3A_723 = tpu.vector_load %arg15[%get3A_721, %get3A_722] {strides = array<i32>} : memref<16x128xf32, #tpu.memory_space<vmem>>, vector<16xf32>,
          %get3A_724 = arith.index_cast %scan3A_596 : i32 to index
          %get3A_725 = arith.constant 96 : index
          %get3A_726 = tpu.vector_load %arg17[%get3A_724, %get3A_725] {strides = array<i32>} : memref<16x256xf32, #tpu.memory_space<vmem>>, vector<16xf32>,
          %add3A_727 = arith.addf %get3A_723, %get3A_726 : vector<16xf32>
          %get3A_728 = arith.index_cast %scan3A_596 : i32 to index
          %get3A_729 = arith.constant 96 : index
          %get3A_730 = tpu.vector_load %arg19[%get3A_728, %get3A_729] {strides = array<i32>} : memref<16x128xf32, #tpu.memory_space<vmem>>, vector<16xf32>,
          %add3A_731 = arith.addf %add3A_727, %get3A_730 : vector<16xf32>
          %exp3A_732 = math.exp %add3A_731 : vector<16xf32>
          %add3A_733 = arith.constant 1.000000e+00 : f32
          %add3A_734 = vector.broadcast %add3A_733 : f32 to vector<16xf32>
          %add3A_735 = arith.addf %exp3A_732, %add3A_734 : vector<16xf32>
          %div3A_736 = arith.constant 1.000000e+00 : f32
          %div3A_737 = vector.broadcast %div3A_736 : f32 to vector<16xf32>
          %div3A_738 = arith.divf %div3A_737, %add3A_735 : vector<16xf32>
          %mul3A_739 = arith.mulf %get3A_50, %div3A_738 : vector<16xf32>
          %add3A_740 = arith.addf %add3A_700, %mul3A_739 : vector<16xf32>
          %get3A_741 = arith.index_cast %scan3A_596 : i32 to index
          %get3A_742 = arith.constant 112 : index
          %get3A_743 = tpu.vector_load %arg15[%get3A_741, %get3A_742] {strides = array<i32>} : memref<16x128xf32, #tpu.memory_space<vmem>>, vector<16xf32>,
          %get3A_744 = arith.index_cast %scan3A_596 : i32 to index
          %get3A_745 = arith.constant 112 : index
          %get3A_746 = tpu.vector_load %arg17[%get3A_744, %get3A_745] {strides = array<i32>} : memref<16x256xf32, #tpu.memory_space<vmem>>, vector<16xf32>,
          %add3A_747 = arith.addf %get3A_743, %get3A_746 : vector<16xf32>
          %get3A_748 = arith.index_cast %scan3A_596 : i32 to index
          %get3A_749 = arith.constant 112 : index
          %get3A_750 = tpu.vector_load %arg19[%get3A_748, %get3A_749] {strides = array<i32>} : memref<16x128xf32, #tpu.memory_space<vmem>>, vector<16xf32>,
          %add3A_751 = arith.addf %add3A_747, %get3A_750 : vector<16xf32>
          %exp3A_752 = math.exp %add3A_751 : vector<16xf32>
          %add3A_753 = arith.constant 1.000000e+00 : f32
          %add3A_754 = vector.broadcast %add3A_753 : f32 to vector<16xf32>
          %add3A_755 = arith.addf %exp3A_752, %add3A_754 : vector<16xf32>
          %div3A_756 = arith.constant 1.000000e+00 : f32
          %div3A_757 = vector.broadcast %div3A_756 : f32 to vector<16xf32>
          %div3A_758 = arith.divf %div3A_757, %add3A_755 : vector<16xf32>
          %mul3A_759 = arith.mulf %get3A_52, %div3A_758 : vector<16xf32>
          %add3A_760 = arith.addf %add3A_720, %mul3A_759 : vector<16xf32>
          %add3A_761 = arith.addf %add3A_740, %add3A_760 : vector<16xf32>
          %lt3A_762 = arith.constant 0 : i32
          %lt3A_763 = vector.broadcast %lt3A_762 : i32 to vector<16xi32>
          %lt3A_764 = arith.cmpi slt, %and3A_60, %lt3A_763 : vector<16xi32>
          %add3A_765 = arith.constant 16 : i32
          %add3A_766 = vector.broadcast %add3A_765 : i32 to vector<16xi32>
          %add3A_767 = arith.addi %and3A_60, %add3A_766 : vector<16xi32>
          %select_n3A_768 = arith.select %lt3A_764, %add3A_767, %and3A_60 : vector<16xi1>, vector<16xi32>
          %broadcast_in_dim3A_769 = vector.shape_cast %select_n3A_768 : vector<16xi32> to vector<16x1xi32>
          %gather3A_770 = vector.shape_cast %broadcast_in_dim3A_769 : vector<16x1xi32> to vector<16xi32>
          %gather3A_771 = tpu.dynamic_gather %add3A_761[%gather3A_770] in [0] : vector<16xf32>, vector<16xi32> -> vector<16xf32>
          %add3A_772 = arith.addf %add3A_761, %gather3A_771 : vector<16xf32>
          %lt3A_773 = arith.constant 0 : i32
          %lt3A_774 = vector.broadcast %lt3A_773 : i32 to vector<16xi32>
          %lt3A_775 = arith.cmpi slt, %and3A_66, %lt3A_774 : vector<16xi32>
          %add3A_776 = arith.constant 16 : i32
          %add3A_777 = vector.broadcast %add3A_776 : i32 to vector<16xi32>
          %add3A_778 = arith.addi %and3A_66, %add3A_777 : vector<16xi32>
          %select_n3A_779 = arith.select %lt3A_775, %add3A_778, %and3A_66 : vector<16xi1>, vector<16xi32>
          %broadcast_in_dim3A_780 = vector.shape_cast %select_n3A_779 : vector<16xi32> to vector<16x1xi32>
          %gather3A_781 = vector.shape_cast %broadcast_in_dim3A_780 : vector<16x1xi32> to vector<16xi32>
          %gather3A_782 = tpu.dynamic_gather %add3A_772[%gather3A_781] in [0] : vector<16xf32>, vector<16xi32> -> vector<16xf32>
          %add3A_783 = arith.addf %add3A_772, %gather3A_782 : vector<16xf32>
          %lt3A_784 = arith.constant 0 : i32
          %lt3A_785 = vector.broadcast %lt3A_784 : i32 to vector<16xi32>
          %lt3A_786 = arith.cmpi slt, %and3A_72, %lt3A_785 : vector<16xi32>
          %add3A_787 = arith.constant 16 : i32
          %add3A_788 = vector.broadcast %add3A_787 : i32 to vector<16xi32>
          %add3A_789 = arith.addi %and3A_72, %add3A_788 : vector<16xi32>
          %select_n3A_790 = arith.select %lt3A_786, %add3A_789, %and3A_72 : vector<16xi1>, vector<16xi32>
          %broadcast_in_dim3A_791 = vector.shape_cast %select_n3A_790 : vector<16xi32> to vector<16x1xi32>
          %gather3A_792 = vector.shape_cast %broadcast_in_dim3A_791 : vector<16x1xi32> to vector<16xi32>
          %gather3A_793 = tpu.dynamic_gather %add3A_783[%gather3A_792] in [0] : vector<16xf32>, vector<16xi32> -> vector<16xf32>
          %add3A_794 = arith.addf %add3A_783, %gather3A_793 : vector<16xf32>
          %lt3A_795 = arith.constant 0 : i32
          %lt3A_796 = vector.broadcast %lt3A_795 : i32 to vector<16xi32>
          %lt3A_797 = arith.cmpi slt, %and3A_78, %lt3A_796 : vector<16xi32>
          %add3A_798 = arith.constant 16 : i32
          %add3A_799 = vector.broadcast %add3A_798 : i32 to vector<16xi32>
          %add3A_800 = arith.addi %and3A_78, %add3A_799 : vector<16xi32>
          %select_n3A_801 = arith.select %lt3A_797, %add3A_800, %and3A_78 : vector<16xi1>, vector<16xi32>
          %broadcast_in_dim3A_802 = vector.shape_cast %select_n3A_801 : vector<16xi32> to vector<16x1xi32>
          %gather3A_803 = vector.shape_cast %broadcast_in_dim3A_802 : vector<16x1xi32> to vector<16xi32>
          %gather3A_804 = tpu.dynamic_gather %add3A_794[%gather3A_803] in [0] : vector<16xf32>, vector<16xi32> -> vector<16xf32>
          %add3A_805 = arith.addf %add3A_794, %gather3A_804 : vector<16xf32>
          %sub3A_806 = arith.subf %get3A_54, %add3A_805 : vector<16xf32>
          %exp3A_807 = math.exp %sub3A_806 : vector<16xf32>
          %get3A_808 = arith.index_cast %scan3A_596 : i32 to index
          %get3A_809 = arith.constant 128 : index
          %get3A_810 = tpu.vector_load %arg17[%get3A_808, %get3A_809] {strides = array<i32>} : memref<16x256xf32, #tpu.memory_space<vmem>>, vector<16xf32>,
          %mul3A_811 = arith.mulf %exp3A_807, %get3A_810 : vector<16xf32>
          %swap3A_812 = arith.index_cast %scan3A_596 : i32 to index
          %swap3A_813 = arith.constant 0 : index
          %swap3A_814 = tpu.vector_load %arg21[%swap3A_812, %swap3A_813] {strides = array<i32>} : memref<16x128xf32, #tpu.memory_space<vmem>>, vector<16xf32>,
          tpu.vector_store %arg21[%swap3A_812, %swap3A_813], %mul3A_811 {strides = array<i32>} : memref<16x128xf32, #tpu.memory_space<vmem>>, vector<16xf32>,
          %get3A_815 = arith.index_cast %scan3A_596 : i32 to index
          %get3A_816 = arith.constant 144 : index
          %get3A_817 = tpu.vector_load %arg17[%get3A_815, %get3A_816] {strides = array<i32>} : memref<16x256xf32, #tpu.memory_space<vmem>>, vector<16xf32>,
          %mul3A_818 = arith.mulf %exp3A_807, %get3A_817 : vector<16xf32>
          %swap3A_819 = arith.index_cast %scan3A_596 : i32 to index
          %swap3A_820 = arith.constant 16 : index
          %swap3A_821 = tpu.vector_load %arg21[%swap3A_819, %swap3A_820] {strides = array<i32>} : memref<16x128xf32, #tpu.memory_space<vmem>>, vector<16xf32>,
          tpu.vector_store %arg21[%swap3A_819, %swap3A_820], %mul3A_818 {strides = array<i32>} : memref<16x128xf32, #tpu.memory_space<vmem>>, vector<16xf32>,
          %get3A_822 = arith.index_cast %scan3A_596 : i32 to index
          %get3A_823 = arith.constant 160 : index
          %get3A_824 = tpu.vector_load %arg17[%get3A_822, %get3A_823] {strides = array<i32>} : memref<16x256xf32, #tpu.memory_space<vmem>>, vector<16xf32>,
          %mul3A_825 = arith.mulf %exp3A_807, %get3A_824 : vector<16xf32>
          %swap3A_826 = arith.index_cast %scan3A_596 : i32 to index
          %swap3A_827 = arith.constant 32 : index
          %swap3A_828 = tpu.vector_load %arg21[%swap3A_826, %swap3A_827] {strides = array<i32>} : memref<16x128xf32, #tpu.memory_space<vmem>>, vector<16xf32>,
          tpu.vector_store %arg21[%swap3A_826, %swap3A_827], %mul3A_825 {strides = array<i32>} : memref<16x128xf32, #tpu.memory_space<vmem>>, vector<16xf32>,
          %get3A_829 = arith.index_cast %scan3A_596 : i32 to index
          %get3A_830 = arith.constant 176 : index
          %get3A_831 = tpu.vector_load %arg17[%get3A_829, %get3A_830] {strides = array<i32>} : memref<16x256xf32, #tpu.memory_space<vmem>>, vector<16xf32>,
          %mul3A_832 = arith.mulf %exp3A_807, %get3A_831 : vector<16xf32>
          %swap3A_833 = arith.index_cast %scan3A_596 : i32 to index
          %swap3A_834 = arith.constant 48 : index
          %swap3A_835 = tpu.vector_load %arg21[%swap3A_833, %swap3A_834] {strides = array<i32>} : memref<16x128xf32, #tpu.memory_space<vmem>>, vector<16xf32>,
          tpu.vector_store %arg21[%swap3A_833, %swap3A_834], %mul3A_832 {strides = array<i32>} : memref<16x128xf32, #tpu.memory_space<vmem>>, vector<16xf32>,
          %get3A_836 = arith.index_cast %scan3A_596 : i32 to index
          %get3A_837 = arith.constant 192 : index
          %get3A_838 = tpu.vector_load %arg17[%get3A_836, %get3A_837] {strides = array<i32>} : memref<16x256xf32, #tpu.memory_space<vmem>>, vector<16xf32>,
          %mul3A_839 = arith.mulf %exp3A_807, %get3A_838 : vector<16xf32>
          %swap3A_840 = arith.index_cast %scan3A_596 : i32 to index
          %swap3A_841 = arith.constant 64 : index
          %swap3A_842 = tpu.vector_load %arg21[%swap3A_840, %swap3A_841] {strides = array<i32>} : memref<16x128xf32, #tpu.memory_space<vmem>>, vector<16xf32>,
          tpu.vector_store %arg21[%swap3A_840, %swap3A_841], %mul3A_839 {strides = array<i32>} : memref<16x128xf32, #tpu.memory_space<vmem>>, vector<16xf32>,
          %get3A_843 = arith.index_cast %scan3A_596 : i32 to index
          %get3A_844 = arith.constant 208 : index
          %get3A_845 = tpu.vector_load %arg17[%get3A_843, %get3A_844] {strides = array<i32>} : memref<16x256xf32, #tpu.memory_space<vmem>>, vector<16xf32>,
          %mul3A_846 = arith.mulf %exp3A_807, %get3A_845 : vector<16xf32>
          %swap3A_847 = arith.index_cast %scan3A_596 : i32 to index
          %swap3A_848 = arith.constant 80 : index
          %swap3A_849 = tpu.vector_load %arg21[%swap3A_847, %swap3A_848] {strides = array<i32>} : memref<16x128xf32, #tpu.memory_space<vmem>>, vector<16xf32>,
          tpu.vector_store %arg21[%swap3A_847, %swap3A_848], %mul3A_846 {strides = array<i32>} : memref<16x128xf32, #tpu.memory_space<vmem>>, vector<16xf32>,
          %get3A_850 = arith.index_cast %scan3A_596 : i32 to index
          %get3A_851 = arith.constant 224 : index
          %get3A_852 = tpu.vector_load %arg17[%get3A_850, %get3A_851] {strides = array<i32>} : memref<16x256xf32, #tpu.memory_space<vmem>>, vector<16xf32>,
          %mul3A_853 = arith.mulf %exp3A_807, %get3A_852 : vector<16xf32>
          %swap3A_854 = arith.index_cast %scan3A_596 : i32 to index
          %swap3A_855 = arith.constant 96 : index
          %swap3A_856 = tpu.vector_load %arg21[%swap3A_854, %swap3A_855] {strides = array<i32>} : memref<16x128xf32, #tpu.memory_space<vmem>>, vector<16xf32>,
          tpu.vector_store %arg21[%swap3A_854, %swap3A_855], %mul3A_853 {strides = array<i32>} : memref<16x128xf32, #tpu.memory_space<vmem>>, vector<16xf32>,
          %get3A_857 = arith.index_cast %scan3A_596 : i32 to index
          %get3A_858 = arith.constant 240 : index
          %get3A_859 = tpu.vector_load %arg17[%get3A_857, %get3A_858] {strides = array<i32>} : memref<16x256xf32, #tpu.memory_space<vmem>>, vector<16xf32>,
          %mul3A_860 = arith.mulf %exp3A_807, %get3A_859 : vector<16xf32>
          %swap3A_861 = arith.index_cast %scan3A_596 : i32 to index
          %swap3A_862 = arith.constant 112 : index
          %swap3A_863 = tpu.vector_load %arg21[%swap3A_861, %swap3A_862] {strides = array<i32>} : memref<16x128xf32, #tpu.memory_space<vmem>>, vector<16xf32>,
          tpu.vector_store %arg21[%swap3A_861, %swap3A_862], %mul3A_860 {strides = array<i32>} : memref<16x128xf32, #tpu.memory_space<vmem>>, vector<16xf32>,
          %eq3A_864 = vector.broadcast %scan3A_596 : i32 to vector<16xi32>
          %eq3A_865 = arith.cmpi eq, %iota3A_55, %eq3A_864 : vector<16xi32>
          tpu.vector_store_idx %arg23[%iota3A_55], %exp3A_807 masked %eq3A_865 : memref<16xf32, #tpu.memory_space<vmem>>[vector<16xi32>], vector<16xf32>, vector<16xi1>
        }
        %scan3A_238 = arith.constant 16 : i32
        %mul3A_239 = arith.constant 16 : i32
        %mul3A_240 = arith.muli %mul3A_186, %mul3A_239 : i32
        %multiple_of3A_241 = tpu.assume_multiple %mul3A_240, 8 : i32
        %get3A_242 = arith.index_cast %multiple_of3A_241 : i32 to index
        %get3A_243 = tpu.vector_load %arg13[%get3A_242] {strides = array<i32>} : memref<2000xi32, #tpu.memory_space<vmem>>, vector<16xi32>,
        %swap3A_244 = arith.constant 0 : index
        %swap3A_245 = tpu.vector_load %arg24[%swap3A_244] {strides = array<i32>} : memref<16xi32, #tpu.memory_space<vmem>>, vector<16xi32>,
        tpu.vector_store %arg24[%swap3A_244], %get3A_243 {strides = array<i32>} : memref<16xi32, #tpu.memory_space<vmem>>, vector<16xi32>,
        %get3A_246 = arith.constant 0 : index
        %get3A_247 = tpu.vector_load %arg23[%get3A_246] {strides = array<i32>} : memref<16xf32, #tpu.memory_space<vmem>>, vector<16xf32>,
        %shift_right_logical3A_248 = arith.constant 7 : i32
        %shift_right_logical3A_249 = vector.broadcast %shift_right_logical3A_248 : i32 to vector<16xi32>
        %shift_right_logical3A_250 = arith.shrui %get3A_243, %shift_right_logical3A_249 : vector<16xi32>
        %and3A_251 = arith.constant 127 : i32
        %and3A_252 = vector.broadcast %and3A_251 : i32 to vector<16xi32>
        %and3A_253 = arith.andi %get3A_243, %and3A_252 : vector<16xi32>
        tpu.vector_store_idx %arg26[%shift_right_logical3A_250, %and3A_253], %get3A_247 {add = true} : memref<80x128xf32, #tpu.memory_space<vmem>>[vector<16xi32>, vector<16xi32>], vector<16xf32>,
        %dma_start3A_254 = arith.constant 0 : i32
        %dma_start3A_255 = arith.constant 0 : i32
        %dma_start3A_256 = tpu.memref_slice %arg11[%dma_start3A_254, %dma_start3A_255] : memref<10000x128xf32, #tpu.memory_space<vmem_shared>> -> memref<10000x128xf32, #tpu.memory_space<vmem_shared>>
        tpu.enqueue_indirect_dma source(%arg21 : memref<16x128xf32, #tpu.memory_space<vmem>>) target(%dma_start3A_256 : memref<10000x128xf32, #tpu.memory_space<vmem_shared>>) offsets(%arg24 : memref<16xi32, #tpu.memory_space<vmem>>) semaphore(%arg31 : memref<!tpu.dma_semaphore, #tpu.memory_space<semaphore_mem>>) {add = true}
        %add3A_257 = arith.constant 2 : i32
        %add3A_258 = arith.addi %mul3A_186, %add3A_257 : i32
        %mul3A_259 = arith.constant 16 : i32
        %mul3A_260 = arith.muli %add3A_258, %mul3A_259 : i32
        %multiple_of3A_261 = tpu.assume_multiple %mul3A_260, 8 : i32
        %dma_start3A_262 = tpu.memref_slice %arg13[%multiple_of3A_261] : memref<2000xi32, #tpu.memory_space<vmem>> -> memref<16xi32, #tpu.memory_space<vmem>>
        %dma_start3A_263 = arith.constant 0 : i32
        %dma_start3A_264 = arith.constant 0 : i32
        %dma_start3A_265 = tpu.memref_slice %arg2[%dma_start3A_263, %dma_start3A_264] : memref<10000x128xf32, #tpu.memory_space<hbm>> -> memref<10000x128xf32, #tpu.memory_space<hbm>>
        tpu.enqueue_indirect_dma source(%dma_start3A_265 : memref<10000x128xf32, #tpu.memory_space<hbm>>) target(%arg15 : memref<16x128xf32, #tpu.memory_space<vmem>>) offsets(%dma_start3A_262 : memref<16xi32, #tpu.memory_space<vmem>>) semaphore(%arg29 : memref<!tpu.dma_semaphore, #tpu.memory_space<semaphore_mem>>)
        %dma_start3A_266 = tpu.memref_slice %arg14[%multiple_of3A_261] : memref<2000xi32, #tpu.memory_space<vmem>> -> memref<16xi32, #tpu.memory_space<vmem>>
        %dma_start3A_267 = arith.constant 0 : i32
        %dma_start3A_268 = arith.constant 0 : i32
        %dma_start3A_269 = tpu.memref_slice %arg3[%dma_start3A_267, %dma_start3A_268] : memref<10000x256xf32, #tpu.memory_space<hbm>> -> memref<10000x256xf32, #tpu.memory_space<hbm>>
        tpu.enqueue_indirect_dma source(%dma_start3A_269 : memref<10000x256xf32, #tpu.memory_space<hbm>>) target(%arg17 : memref<16x256xf32, #tpu.memory_space<vmem>>) offsets(%dma_start3A_266 : memref<16xi32, #tpu.memory_space<vmem>>) semaphore(%arg29 : memref<!tpu.dma_semaphore, #tpu.memory_space<semaphore_mem>>)
        %add3A_270 = arith.addi %add3A_111, %add3A_258 : i32
        %mul3A_271 = arith.constant 16 : i32
        %mul3A_272 = arith.muli %add3A_270, %mul3A_271 : i32
        %dma_start3A_273 = arith.constant 0 : i32
        %dma_start3A_274 = tpu.memref_slice %arg4[%mul3A_272, %dma_start3A_273] : memref<320000x128xf32, #tpu.memory_space<hbm>> -> memref<16x128xf32, #tpu.memory_space<hbm>>
        %dma_start3A_275 = arith.constant 0 : i32
        %dma_start3A_276 = tpu.memref_slice %arg4[%mul3A_272, %dma_start3A_275] : memref<320000x128xf32, #tpu.memory_space<hbm>> -> memref<16x128xf32, #tpu.memory_space<hbm>>
        tpu.enqueue_dma source(%dma_start3A_276 : memref<16x128xf32, #tpu.memory_space<hbm>>) target(%arg19 : memref<16x128xf32, #tpu.memory_space<vmem>>) target_semaphore(%arg29 : memref<!tpu.dma_semaphore, #tpu.memory_space<semaphore_mem>>)
        %dma_wait3A_277 = arith.constant 0 : i32
        %dma_wait3A_278 = arith.constant 0 : i32
        %dma_wait3A_279 = tpu.memref_slice %arg2[%dma_wait3A_277, %dma_wait3A_278] : memref<10000x128xf32, #tpu.memory_space<hbm>> -> memref<16x128xf32, #tpu.memory_space<hbm>>
        %dma_wait3A_280 = arith.constant 0 : i32
        %dma_wait3A_281 = arith.constant 0 : i32
        %dma_wait3A_282 = tpu.memref_slice %arg2[%dma_wait3A_280, %dma_wait3A_281] : memref<10000x128xf32, #tpu.memory_space<hbm>> -> memref<16x128xf32, #tpu.memory_space<hbm>>
        tpu.wait_dma2 semaphore(%arg30 : memref<!tpu.dma_semaphore, #tpu.memory_space<semaphore_mem>>) src(%dma_wait3A_282 : memref<16x128xf32, #tpu.memory_space<hbm>>) dst(%arg16 : memref<16x128xf32, #tpu.memory_space<vmem>>)
        %dma_wait3A_283 = arith.constant 0 : i32
        %dma_wait3A_284 = arith.constant 0 : i32
        %dma_wait3A_285 = tpu.memref_slice %arg3[%dma_wait3A_283, %dma_wait3A_284] : memref<10000x256xf32, #tpu.memory_space<hbm>> -> memref<16x256xf32, #tpu.memory_space<hbm>>
        %dma_wait3A_286 = arith.constant 0 : i32
        %dma_wait3A_287 = arith.constant 0 : i32
        %dma_wait3A_288 = tpu.memref_slice %arg3[%dma_wait3A_286, %dma_wait3A_287] : memref<10000x256xf32, #tpu.memory_space<hbm>> -> memref<16x256xf32, #tpu.memory_space<hbm>>
        tpu.wait_dma2 semaphore(%arg30 : memref<!tpu.dma_semaphore, #tpu.memory_space<semaphore_mem>>) src(%dma_wait3A_288 : memref<16x256xf32, #tpu.memory_space<hbm>>) dst(%arg18 : memref<16x256xf32, #tpu.memory_space<vmem>>)
        %dma_wait3A_289 = arith.constant 0 : i32
        %dma_wait3A_290 = arith.constant 0 : i32
        %dma_wait3A_291 = tpu.memref_slice %arg4[%dma_wait3A_289, %dma_wait3A_290] : memref<320000x128xf32, #tpu.memory_space<hbm>> -> memref<16x128xf32, #tpu.memory_space<hbm>>
        %dma_wait3A_292 = arith.constant 0 : i32
        %dma_wait3A_293 = arith.constant 0 : i32
        %dma_wait3A_294 = tpu.memref_slice %arg4[%dma_wait3A_292, %dma_wait3A_293] : memref<320000x128xf32, #tpu.memory_space<hbm>> -> memref<16x128xf32, #tpu.memory_space<hbm>>
        tpu.wait_dma2 semaphore(%arg30 : memref<!tpu.dma_semaphore, #tpu.memory_space<semaphore_mem>>) src(%dma_wait3A_294 : memref<16x128xf32, #tpu.memory_space<hbm>>) dst(%arg20 : memref<16x128xf32, #tpu.memory_space<vmem>>)
        %add3A_295 = arith.constant 1 : i32
        %add3A_296 = arith.addi %mul3A_186, %add3A_295 : i32
        %mul3A_297 = arith.constant 125 : i32
        %mul3A_298 = arith.muli %scan3A_106, %mul3A_297 : i32
        %add3A_299 = arith.addi %mul3A_298, %mul3A_186 : i32
        %add3A_300 = arith.constant 1 : i32
        %add3A_301 = arith.addi %add3A_299, %add3A_300 : i32
        %ge3A_302 = arith.constant 2 : i32
        %ge3A_303 = arith.cmpi sge, %add3A_301, %ge3A_302 : i32
        %convert_element_type3A_304 = arith.extui %ge3A_303 : i1 to i32
        %cond3A_305 = arith.constant 0 : i32
        %cond3A_306 = arith.cmpi ne, %convert_element_type3A_304, %cond3A_305 : i32
        scf.if %cond3A_306 {
          %dma_wait3A_331 = arith.constant 0 : i32
          %dma_wait3A_332 = arith.constant 0 : i32
          %dma_wait3A_333 = tpu.memref_slice %arg11[%dma_wait3A_331, %dma_wait3A_332] : memref<10000x128xf32, #tpu.memory_space<vmem_shared>> -> memref<16x128xf32, #tpu.memory_space<vmem_shared>>
          %dma_wait3A_334 = arith.constant 0 : i32
          %dma_wait3A_335 = arith.constant 0 : i32
          %dma_wait3A_336 = tpu.memref_slice %arg11[%dma_wait3A_334, %dma_wait3A_335] : memref<10000x128xf32, #tpu.memory_space<vmem_shared>> -> memref<16x128xf32, #tpu.memory_space<vmem_shared>>
          tpu.wait_dma2 semaphore(%arg32 : memref<!tpu.dma_semaphore, #tpu.memory_space<semaphore_mem>>) src(%arg22 : memref<16x128xf32, #tpu.memory_space<vmem>>) dst(%dma_wait3A_336 : memref<16x128xf32, #tpu.memory_space<vmem_shared>>)
        } else {
        }
        %scan3A_307 = arith.constant 0 : i32
        %scan3A_308 = arith.constant 0 : i32
        %scan3A_309 = arith.constant 16 : i32
        %scan3A_310 = arith.addi %scan3A_308, %scan3A_309 : i32
        %scan3A_311 = arith.constant 2 : i32
        scf.for %scan3A_331 = %scan3A_308 to %scan3A_310 step %scan3A_311  : i32 {
          %broadcast_in_dim3A = arith.constant 0.000000e+00 : f32
          %broadcast_in_dim3A_332 = vector.broadcast %broadcast_in_dim3A : f32 to vector<16xf32>
          %broadcast_in_dim3A_333 = arith.constant 0.000000e+00 : f32
          %broadcast_in_dim3A_334 = vector.broadcast %broadcast_in_dim3A_333 : f32 to vector<16xf32>
          %get3A_335 = arith.index_cast %scan3A_331 : i32 to index
          %get3A_336 = arith.constant 0 : index
          %get3A_337 = tpu.vector_load %arg16[%get3A_335, %get3A_336] {strides = array<i32>} : memref<16x128xf32, #tpu.memory_space<vmem>>, vector<16xf32>,
          %get3A_338 = arith.index_cast %scan3A_331 : i32 to index
          %get3A_339 = arith.constant 0 : index
          %get3A_340 = tpu.vector_load %arg18[%get3A_338, %get3A_339] {strides = array<i32>} : memref<16x256xf32, #tpu.memory_space<vmem>>, vector<16xf32>,
          %add3A_341 = arith.addf %get3A_337, %get3A_340 : vector<16xf32>
          %get3A_342 = arith.index_cast %scan3A_331 : i32 to index
          %get3A_343 = arith.constant 0 : index
          %get3A_344 = tpu.vector_load %arg20[%get3A_342, %get3A_343] {strides = array<i32>} : memref<16x128xf32, #tpu.memory_space<vmem>>, vector<16xf32>,
          %add3A_345 = arith.addf %add3A_341, %get3A_344 : vector<16xf32>
          %exp3A = math.exp %add3A_345 : vector<16xf32>
          %add3A_346 = arith.constant 1.000000e+00 : f32
          %add3A_347 = vector.broadcast %add3A_346 : f32 to vector<16xf32>
          %add3A_348 = arith.addf %exp3A, %add3A_347 : vector<16xf32>
          %div3A = arith.constant 1.000000e+00 : f32
          %div3A_349 = vector.broadcast %div3A : f32 to vector<16xf32>
          %div3A_350 = arith.divf %div3A_349, %add3A_348 : vector<16xf32>
          %mul3A_351 = arith.mulf %get3A_38, %div3A_350 : vector<16xf32>
          %add3A_352 = arith.addf %broadcast_in_dim3A_332, %mul3A_351 : vector<16xf32>
          %get3A_353 = arith.index_cast %scan3A_331 : i32 to index
          %get3A_354 = arith.constant 16 : index
          %get3A_355 = tpu.vector_load %arg16[%get3A_353, %get3A_354] {strides = array<i32>} : memref<16x128xf32, #tpu.memory_space<vmem>>, vector<16xf32>,
          %get3A_356 = arith.index_cast %scan3A_331 : i32 to index
          %get3A_357 = arith.constant 16 : index
          %get3A_358 = tpu.vector_load %arg18[%get3A_356, %get3A_357] {strides = array<i32>} : memref<16x256xf32, #tpu.memory_space<vmem>>, vector<16xf32>,
          %add3A_359 = arith.addf %get3A_355, %get3A_358 : vector<16xf32>
          %get3A_360 = arith.index_cast %scan3A_331 : i32 to index
          %get3A_361 = arith.constant 16 : index
          %get3A_362 = tpu.vector_load %arg20[%get3A_360, %get3A_361] {strides = array<i32>} : memref<16x128xf32, #tpu.memory_space<vmem>>, vector<16xf32>,
          %add3A_363 = arith.addf %add3A_359, %get3A_362 : vector<16xf32>
          %exp3A_364 = math.exp %add3A_363 : vector<16xf32>
          %add3A_365 = arith.constant 1.000000e+00 : f32
          %add3A_366 = vector.broadcast %add3A_365 : f32 to vector<16xf32>
          %add3A_367 = arith.addf %exp3A_364, %add3A_366 : vector<16xf32>
          %div3A_368 = arith.constant 1.000000e+00 : f32
          %div3A_369 = vector.broadcast %div3A_368 : f32 to vector<16xf32>
          %div3A_370 = arith.divf %div3A_369, %add3A_367 : vector<16xf32>
          %mul3A_371 = arith.mulf %get3A_40, %div3A_370 : vector<16xf32>
          %add3A_372 = arith.addf %broadcast_in_dim3A_334, %mul3A_371 : vector<16xf32>
          %get3A_373 = arith.index_cast %scan3A_331 : i32 to index
          %get3A_374 = arith.constant 32 : index
          %get3A_375 = tpu.vector_load %arg16[%get3A_373, %get3A_374] {strides = array<i32>} : memref<16x128xf32, #tpu.memory_space<vmem>>, vector<16xf32>,
          %get3A_376 = arith.index_cast %scan3A_331 : i32 to index
          %get3A_377 = arith.constant 32 : index
          %get3A_378 = tpu.vector_load %arg18[%get3A_376, %get3A_377] {strides = array<i32>} : memref<16x256xf32, #tpu.memory_space<vmem>>, vector<16xf32>,
          %add3A_379 = arith.addf %get3A_375, %get3A_378 : vector<16xf32>
          %get3A_380 = arith.index_cast %scan3A_331 : i32 to index
          %get3A_381 = arith.constant 32 : index
          %get3A_382 = tpu.vector_load %arg20[%get3A_380, %get3A_381] {strides = array<i32>} : memref<16x128xf32, #tpu.memory_space<vmem>>, vector<16xf32>,
          %add3A_383 = arith.addf %add3A_379, %get3A_382 : vector<16xf32>
          %exp3A_384 = math.exp %add3A_383 : vector<16xf32>
          %add3A_385 = arith.constant 1.000000e+00 : f32
          %add3A_386 = vector.broadcast %add3A_385 : f32 to vector<16xf32>
          %add3A_387 = arith.addf %exp3A_384, %add3A_386 : vector<16xf32>
          %div3A_388 = arith.constant 1.000000e+00 : f32
          %div3A_389 = vector.broadcast %div3A_388 : f32 to vector<16xf32>
          %div3A_390 = arith.divf %div3A_389, %add3A_387 : vector<16xf32>
          %mul3A_391 = arith.mulf %get3A_42, %div3A_390 : vector<16xf32>
          %add3A_392 = arith.addf %add3A_352, %mul3A_391 : vector<16xf32>
          %get3A_393 = arith.index_cast %scan3A_331 : i32 to index
          %get3A_394 = arith.constant 48 : index
          %get3A_395 = tpu.vector_load %arg16[%get3A_393, %get3A_394] {strides = array<i32>} : memref<16x128xf32, #tpu.memory_space<vmem>>, vector<16xf32>,
          %get3A_396 = arith.index_cast %scan3A_331 : i32 to index
          %get3A_397 = arith.constant 48 : index
          %get3A_398 = tpu.vector_load %arg18[%get3A_396, %get3A_397] {strides = array<i32>} : memref<16x256xf32, #tpu.memory_space<vmem>>, vector<16xf32>,
          %add3A_399 = arith.addf %get3A_395, %get3A_398 : vector<16xf32>
          %get3A_400 = arith.index_cast %scan3A_331 : i32 to index
          %get3A_401 = arith.constant 48 : index
          %get3A_402 = tpu.vector_load %arg20[%get3A_400, %get3A_401] {strides = array<i32>} : memref<16x128xf32, #tpu.memory_space<vmem>>, vector<16xf32>,
          %add3A_403 = arith.addf %add3A_399, %get3A_402 : vector<16xf32>
          %exp3A_404 = math.exp %add3A_403 : vector<16xf32>
          %add3A_405 = arith.constant 1.000000e+00 : f32
          %add3A_406 = vector.broadcast %add3A_405 : f32 to vector<16xf32>
          %add3A_407 = arith.addf %exp3A_404, %add3A_406 : vector<16xf32>
          %div3A_408 = arith.constant 1.000000e+00 : f32
          %div3A_409 = vector.broadcast %div3A_408 : f32 to vector<16xf32>
          %div3A_410 = arith.divf %div3A_409, %add3A_407 : vector<16xf32>
          %mul3A_411 = arith.mulf %get3A_44, %div3A_410 : vector<16xf32>
          %add3A_412 = arith.addf %add3A_372, %mul3A_411 : vector<16xf32>
          %get3A_413 = arith.index_cast %scan3A_331 : i32 to index
          %get3A_414 = arith.constant 64 : index
          %get3A_415 = tpu.vector_load %arg16[%get3A_413, %get3A_414] {strides = array<i32>} : memref<16x128xf32, #tpu.memory_space<vmem>>, vector<16xf32>,
          %get3A_416 = arith.index_cast %scan3A_331 : i32 to index
          %get3A_417 = arith.constant 64 : index
          %get3A_418 = tpu.vector_load %arg18[%get3A_416, %get3A_417] {strides = array<i32>} : memref<16x256xf32, #tpu.memory_space<vmem>>, vector<16xf32>,
          %add3A_419 = arith.addf %get3A_415, %get3A_418 : vector<16xf32>
          %get3A_420 = arith.index_cast %scan3A_331 : i32 to index
          %get3A_421 = arith.constant 64 : index
          %get3A_422 = tpu.vector_load %arg20[%get3A_420, %get3A_421] {strides = array<i32>} : memref<16x128xf32, #tpu.memory_space<vmem>>, vector<16xf32>,
          %add3A_423 = arith.addf %add3A_419, %get3A_422 : vector<16xf32>
          %exp3A_424 = math.exp %add3A_423 : vector<16xf32>
          %add3A_425 = arith.constant 1.000000e+00 : f32
          %add3A_426 = vector.broadcast %add3A_425 : f32 to vector<16xf32>
          %add3A_427 = arith.addf %exp3A_424, %add3A_426 : vector<16xf32>
          %div3A_428 = arith.constant 1.000000e+00 : f32
          %div3A_429 = vector.broadcast %div3A_428 : f32 to vector<16xf32>
          %div3A_430 = arith.divf %div3A_429, %add3A_427 : vector<16xf32>
          %mul3A_431 = arith.mulf %get3A_46, %div3A_430 : vector<16xf32>
          %add3A_432 = arith.addf %add3A_392, %mul3A_431 : vector<16xf32>
          %get3A_433 = arith.index_cast %scan3A_331 : i32 to index
          %get3A_434 = arith.constant 80 : index
          %get3A_435 = tpu.vector_load %arg16[%get3A_433, %get3A_434] {strides = array<i32>} : memref<16x128xf32, #tpu.memory_space<vmem>>, vector<16xf32>,
          %get3A_436 = arith.index_cast %scan3A_331 : i32 to index
          %get3A_437 = arith.constant 80 : index
          %get3A_438 = tpu.vector_load %arg18[%get3A_436, %get3A_437] {strides = array<i32>} : memref<16x256xf32, #tpu.memory_space<vmem>>, vector<16xf32>,
          %add3A_439 = arith.addf %get3A_435, %get3A_438 : vector<16xf32>
          %get3A_440 = arith.index_cast %scan3A_331 : i32 to index
          %get3A_441 = arith.constant 80 : index
          %get3A_442 = tpu.vector_load %arg20[%get3A_440, %get3A_441] {strides = array<i32>} : memref<16x128xf32, #tpu.memory_space<vmem>>, vector<16xf32>,
          %add3A_443 = arith.addf %add3A_439, %get3A_442 : vector<16xf32>
          %exp3A_444 = math.exp %add3A_443 : vector<16xf32>
          %add3A_445 = arith.constant 1.000000e+00 : f32
          %add3A_446 = vector.broadcast %add3A_445 : f32 to vector<16xf32>
          %add3A_447 = arith.addf %exp3A_444, %add3A_446 : vector<16xf32>
          %div3A_448 = arith.constant 1.000000e+00 : f32
          %div3A_449 = vector.broadcast %div3A_448 : f32 to vector<16xf32>
          %div3A_450 = arith.divf %div3A_449, %add3A_447 : vector<16xf32>
          %mul3A_451 = arith.mulf %get3A_48, %div3A_450 : vector<16xf32>
          %add3A_452 = arith.addf %add3A_412, %mul3A_451 : vector<16xf32>
          %get3A_453 = arith.index_cast %scan3A_331 : i32 to index
          %get3A_454 = arith.constant 96 : index
          %get3A_455 = tpu.vector_load %arg16[%get3A_453, %get3A_454] {strides = array<i32>} : memref<16x128xf32, #tpu.memory_space<vmem>>, vector<16xf32>,
          %get3A_456 = arith.index_cast %scan3A_331 : i32 to index
          %get3A_457 = arith.constant 96 : index
          %get3A_458 = tpu.vector_load %arg18[%get3A_456, %get3A_457] {strides = array<i32>} : memref<16x256xf32, #tpu.memory_space<vmem>>, vector<16xf32>,
          %add3A_459 = arith.addf %get3A_455, %get3A_458 : vector<16xf32>
          %get3A_460 = arith.index_cast %scan3A_331 : i32 to index
          %get3A_461 = arith.constant 96 : index
          %get3A_462 = tpu.vector_load %arg20[%get3A_460, %get3A_461] {strides = array<i32>} : memref<16x128xf32, #tpu.memory_space<vmem>>, vector<16xf32>,
          %add3A_463 = arith.addf %add3A_459, %get3A_462 : vector<16xf32>
          %exp3A_464 = math.exp %add3A_463 : vector<16xf32>
          %add3A_465 = arith.constant 1.000000e+00 : f32
          %add3A_466 = vector.broadcast %add3A_465 : f32 to vector<16xf32>
          %add3A_467 = arith.addf %exp3A_464, %add3A_466 : vector<16xf32>
          %div3A_468 = arith.constant 1.000000e+00 : f32
          %div3A_469 = vector.broadcast %div3A_468 : f32 to vector<16xf32>
          %div3A_470 = arith.divf %div3A_469, %add3A_467 : vector<16xf32>
          %mul3A_471 = arith.mulf %get3A_50, %div3A_470 : vector<16xf32>
          %add3A_472 = arith.addf %add3A_432, %mul3A_471 : vector<16xf32>
          %get3A_473 = arith.index_cast %scan3A_331 : i32 to index
          %get3A_474 = arith.constant 112 : index
          %get3A_475 = tpu.vector_load %arg16[%get3A_473, %get3A_474] {strides = array<i32>} : memref<16x128xf32, #tpu.memory_space<vmem>>, vector<16xf32>,
          %get3A_476 = arith.index_cast %scan3A_331 : i32 to index
          %get3A_477 = arith.constant 112 : index
          %get3A_478 = tpu.vector_load %arg18[%get3A_476, %get3A_477] {strides = array<i32>} : memref<16x256xf32, #tpu.memory_space<vmem>>, vector<16xf32>,
          %add3A_479 = arith.addf %get3A_475, %get3A_478 : vector<16xf32>
          %get3A_480 = arith.index_cast %scan3A_331 : i32 to index
          %get3A_481 = arith.constant 112 : index
          %get3A_482 = tpu.vector_load %arg20[%get3A_480, %get3A_481] {strides = array<i32>} : memref<16x128xf32, #tpu.memory_space<vmem>>, vector<16xf32>,
          %add3A_483 = arith.addf %add3A_479, %get3A_482 : vector<16xf32>
          %exp3A_484 = math.exp %add3A_483 : vector<16xf32>
          %add3A_485 = arith.constant 1.000000e+00 : f32
          %add3A_486 = vector.broadcast %add3A_485 : f32 to vector<16xf32>
          %add3A_487 = arith.addf %exp3A_484, %add3A_486 : vector<16xf32>
          %div3A_488 = arith.constant 1.000000e+00 : f32
          %div3A_489 = vector.broadcast %div3A_488 : f32 to vector<16xf32>
          %div3A_490 = arith.divf %div3A_489, %add3A_487 : vector<16xf32>
          %mul3A_491 = arith.mulf %get3A_52, %div3A_490 : vector<16xf32>
          %add3A_492 = arith.addf %add3A_452, %mul3A_491 : vector<16xf32>
          %add3A_493 = arith.addf %add3A_472, %add3A_492 : vector<16xf32>
          %lt3A = arith.constant 0 : i32
          %lt3A_494 = vector.broadcast %lt3A : i32 to vector<16xi32>
          %lt3A_495 = arith.cmpi slt, %and3A_60, %lt3A_494 : vector<16xi32>
          %add3A_496 = arith.constant 16 : i32
          %add3A_497 = vector.broadcast %add3A_496 : i32 to vector<16xi32>
          %add3A_498 = arith.addi %and3A_60, %add3A_497 : vector<16xi32>
          %select_n3A = arith.select %lt3A_495, %add3A_498, %and3A_60 : vector<16xi1>, vector<16xi32>
          %broadcast_in_dim3A_499 = vector.shape_cast %select_n3A : vector<16xi32> to vector<16x1xi32>
          %gather3A = vector.shape_cast %broadcast_in_dim3A_499 : vector<16x1xi32> to vector<16xi32>
          %gather3A_500 = tpu.dynamic_gather %add3A_493[%gather3A] in [0] : vector<16xf32>, vector<16xi32> -> vector<16xf32>
          %add3A_501 = arith.addf %add3A_493, %gather3A_500 : vector<16xf32>
          %lt3A_502 = arith.constant 0 : i32
          %lt3A_503 = vector.broadcast %lt3A_502 : i32 to vector<16xi32>
          %lt3A_504 = arith.cmpi slt, %and3A_66, %lt3A_503 : vector<16xi32>
          %add3A_505 = arith.constant 16 : i32
          %add3A_506 = vector.broadcast %add3A_505 : i32 to vector<16xi32>
          %add3A_507 = arith.addi %and3A_66, %add3A_506 : vector<16xi32>
          %select_n3A_508 = arith.select %lt3A_504, %add3A_507, %and3A_66 : vector<16xi1>, vector<16xi32>
          %broadcast_in_dim3A_509 = vector.shape_cast %select_n3A_508 : vector<16xi32> to vector<16x1xi32>
          %gather3A_510 = vector.shape_cast %broadcast_in_dim3A_509 : vector<16x1xi32> to vector<16xi32>
          %gather3A_511 = tpu.dynamic_gather %add3A_501[%gather3A_510] in [0] : vector<16xf32>, vector<16xi32> -> vector<16xf32>
          %add3A_512 = arith.addf %add3A_501, %gather3A_511 : vector<16xf32>
          %lt3A_513 = arith.constant 0 : i32
          %lt3A_514 = vector.broadcast %lt3A_513 : i32 to vector<16xi32>
          %lt3A_515 = arith.cmpi slt, %and3A_72, %lt3A_514 : vector<16xi32>
          %add3A_516 = arith.constant 16 : i32
          %add3A_517 = vector.broadcast %add3A_516 : i32 to vector<16xi32>
          %add3A_518 = arith.addi %and3A_72, %add3A_517 : vector<16xi32>
          %select_n3A_519 = arith.select %lt3A_515, %add3A_518, %and3A_72 : vector<16xi1>, vector<16xi32>
          %broadcast_in_dim3A_520 = vector.shape_cast %select_n3A_519 : vector<16xi32> to vector<16x1xi32>
          %gather3A_521 = vector.shape_cast %broadcast_in_dim3A_520 : vector<16x1xi32> to vector<16xi32>
          %gather3A_522 = tpu.dynamic_gather %add3A_512[%gather3A_521] in [0] : vector<16xf32>, vector<16xi32> -> vector<16xf32>
          %add3A_523 = arith.addf %add3A_512, %gather3A_522 : vector<16xf32>
          %lt3A_524 = arith.constant 0 : i32
          %lt3A_525 = vector.broadcast %lt3A_524 : i32 to vector<16xi32>
          %lt3A_526 = arith.cmpi slt, %and3A_78, %lt3A_525 : vector<16xi32>
          %add3A_527 = arith.constant 16 : i32
          %add3A_528 = vector.broadcast %add3A_527 : i32 to vector<16xi32>
          %add3A_529 = arith.addi %and3A_78, %add3A_528 : vector<16xi32>
          %select_n3A_530 = arith.select %lt3A_526, %add3A_529, %and3A_78 : vector<16xi1>, vector<16xi32>
          %broadcast_in_dim3A_531 = vector.shape_cast %select_n3A_530 : vector<16xi32> to vector<16x1xi32>
          %gather3A_532 = vector.shape_cast %broadcast_in_dim3A_531 : vector<16x1xi32> to vector<16xi32>
          %gather3A_533 = tpu.dynamic_gather %add3A_523[%gather3A_532] in [0] : vector<16xf32>, vector<16xi32> -> vector<16xf32>
          %add3A_534 = arith.addf %add3A_523, %gather3A_533 : vector<16xf32>
          %sub3A_535 = arith.subf %get3A_54, %add3A_534 : vector<16xf32>
          %exp3A_536 = math.exp %sub3A_535 : vector<16xf32>
          %get3A_537 = arith.index_cast %scan3A_331 : i32 to index
          %get3A_538 = arith.constant 128 : index
          %get3A_539 = tpu.vector_load %arg18[%get3A_537, %get3A_538] {strides = array<i32>} : memref<16x256xf32, #tpu.memory_space<vmem>>, vector<16xf32>,
          %mul3A_540 = arith.mulf %exp3A_536, %get3A_539 : vector<16xf32>
          %swap3A_541 = arith.index_cast %scan3A_331 : i32 to index
          %swap3A_542 = arith.constant 0 : index
          %swap3A_543 = tpu.vector_load %arg22[%swap3A_541, %swap3A_542] {strides = array<i32>} : memref<16x128xf32, #tpu.memory_space<vmem>>, vector<16xf32>,
          tpu.vector_store %arg22[%swap3A_541, %swap3A_542], %mul3A_540 {strides = array<i32>} : memref<16x128xf32, #tpu.memory_space<vmem>>, vector<16xf32>,
          %get3A_544 = arith.index_cast %scan3A_331 : i32 to index
          %get3A_545 = arith.constant 144 : index
          %get3A_546 = tpu.vector_load %arg18[%get3A_544, %get3A_545] {strides = array<i32>} : memref<16x256xf32, #tpu.memory_space<vmem>>, vector<16xf32>,
          %mul3A_547 = arith.mulf %exp3A_536, %get3A_546 : vector<16xf32>
          %swap3A_548 = arith.index_cast %scan3A_331 : i32 to index
          %swap3A_549 = arith.constant 16 : index
          %swap3A_550 = tpu.vector_load %arg22[%swap3A_548, %swap3A_549] {strides = array<i32>} : memref<16x128xf32, #tpu.memory_space<vmem>>, vector<16xf32>,
          tpu.vector_store %arg22[%swap3A_548, %swap3A_549], %mul3A_547 {strides = array<i32>} : memref<16x128xf32, #tpu.memory_space<vmem>>, vector<16xf32>,
          %get3A_551 = arith.index_cast %scan3A_331 : i32 to index
          %get3A_552 = arith.constant 160 : index
          %get3A_553 = tpu.vector_load %arg18[%get3A_551, %get3A_552] {strides = array<i32>} : memref<16x256xf32, #tpu.memory_space<vmem>>, vector<16xf32>,
          %mul3A_554 = arith.mulf %exp3A_536, %get3A_553 : vector<16xf32>
          %swap3A_555 = arith.index_cast %scan3A_331 : i32 to index
          %swap3A_556 = arith.constant 32 : index
          %swap3A_557 = tpu.vector_load %arg22[%swap3A_555, %swap3A_556] {strides = array<i32>} : memref<16x128xf32, #tpu.memory_space<vmem>>, vector<16xf32>,
          tpu.vector_store %arg22[%swap3A_555, %swap3A_556], %mul3A_554 {strides = array<i32>} : memref<16x128xf32, #tpu.memory_space<vmem>>, vector<16xf32>,
          %get3A_558 = arith.index_cast %scan3A_331 : i32 to index
          %get3A_559 = arith.constant 176 : index
          %get3A_560 = tpu.vector_load %arg18[%get3A_558, %get3A_559] {strides = array<i32>} : memref<16x256xf32, #tpu.memory_space<vmem>>, vector<16xf32>,
          %mul3A_561 = arith.mulf %exp3A_536, %get3A_560 : vector<16xf32>
          %swap3A_562 = arith.index_cast %scan3A_331 : i32 to index
          %swap3A_563 = arith.constant 48 : index
          %swap3A_564 = tpu.vector_load %arg22[%swap3A_562, %swap3A_563] {strides = array<i32>} : memref<16x128xf32, #tpu.memory_space<vmem>>, vector<16xf32>,
          tpu.vector_store %arg22[%swap3A_562, %swap3A_563], %mul3A_561 {strides = array<i32>} : memref<16x128xf32, #tpu.memory_space<vmem>>, vector<16xf32>,
          %get3A_565 = arith.index_cast %scan3A_331 : i32 to index
          %get3A_566 = arith.constant 192 : index
          %get3A_567 = tpu.vector_load %arg18[%get3A_565, %get3A_566] {strides = array<i32>} : memref<16x256xf32, #tpu.memory_space<vmem>>, vector<16xf32>,
          %mul3A_568 = arith.mulf %exp3A_536, %get3A_567 : vector<16xf32>
          %swap3A_569 = arith.index_cast %scan3A_331 : i32 to index
          %swap3A_570 = arith.constant 64 : index
          %swap3A_571 = tpu.vector_load %arg22[%swap3A_569, %swap3A_570] {strides = array<i32>} : memref<16x128xf32, #tpu.memory_space<vmem>>, vector<16xf32>,
          tpu.vector_store %arg22[%swap3A_569, %swap3A_570], %mul3A_568 {strides = array<i32>} : memref<16x128xf32, #tpu.memory_space<vmem>>, vector<16xf32>,
          %get3A_572 = arith.index_cast %scan3A_331 : i32 to index
          %get3A_573 = arith.constant 208 : index
          %get3A_574 = tpu.vector_load %arg18[%get3A_572, %get3A_573] {strides = array<i32>} : memref<16x256xf32, #tpu.memory_space<vmem>>, vector<16xf32>,
          %mul3A_575 = arith.mulf %exp3A_536, %get3A_574 : vector<16xf32>
          %swap3A_576 = arith.index_cast %scan3A_331 : i32 to index
          %swap3A_577 = arith.constant 80 : index
          %swap3A_578 = tpu.vector_load %arg22[%swap3A_576, %swap3A_577] {strides = array<i32>} : memref<16x128xf32, #tpu.memory_space<vmem>>, vector<16xf32>,
          tpu.vector_store %arg22[%swap3A_576, %swap3A_577], %mul3A_575 {strides = array<i32>} : memref<16x128xf32, #tpu.memory_space<vmem>>, vector<16xf32>,
          %get3A_579 = arith.index_cast %scan3A_331 : i32 to index
          %get3A_580 = arith.constant 224 : index
          %get3A_581 = tpu.vector_load %arg18[%get3A_579, %get3A_580] {strides = array<i32>} : memref<16x256xf32, #tpu.memory_space<vmem>>, vector<16xf32>,
          %mul3A_582 = arith.mulf %exp3A_536, %get3A_581 : vector<16xf32>
          %swap3A_583 = arith.index_cast %scan3A_331 : i32 to index
          %swap3A_584 = arith.constant 96 : index
          %swap3A_585 = tpu.vector_load %arg22[%swap3A_583, %swap3A_584] {strides = array<i32>} : memref<16x128xf32, #tpu.memory_space<vmem>>, vector<16xf32>,
          tpu.vector_store %arg22[%swap3A_583, %swap3A_584], %mul3A_582 {strides = array<i32>} : memref<16x128xf32, #tpu.memory_space<vmem>>, vector<16xf32>,
          %get3A_586 = arith.index_cast %scan3A_331 : i32 to index
          %get3A_587 = arith.constant 240 : index
          %get3A_588 = tpu.vector_load %arg18[%get3A_586, %get3A_587] {strides = array<i32>} : memref<16x256xf32, #tpu.memory_space<vmem>>, vector<16xf32>,
          %mul3A_589 = arith.mulf %exp3A_536, %get3A_588 : vector<16xf32>
          %swap3A_590 = arith.index_cast %scan3A_331 : i32 to index
          %swap3A_591 = arith.constant 112 : index
          %swap3A_592 = tpu.vector_load %arg22[%swap3A_590, %swap3A_591] {strides = array<i32>} : memref<16x128xf32, #tpu.memory_space<vmem>>, vector<16xf32>,
          tpu.vector_store %arg22[%swap3A_590, %swap3A_591], %mul3A_589 {strides = array<i32>} : memref<16x128xf32, #tpu.memory_space<vmem>>, vector<16xf32>,
          %eq3A_593 = vector.broadcast %scan3A_331 : i32 to vector<16xi32>
          %eq3A_594 = arith.cmpi eq, %iota3A_55, %eq3A_593 : vector<16xi32>
          tpu.vector_store_idx %arg23[%iota3A_55], %exp3A_536 masked %eq3A_594 : memref<16xf32, #tpu.memory_space<vmem>>[vector<16xi32>], vector<16xf32>, vector<16xi1>
          %scan3A_595 = arith.constant 1 : i32
          %scan3A_596 = arith.addi %scan3A_331, %scan3A_595 : i32
          %broadcast_in_dim3A_597 = arith.constant 0.000000e+00 : f32
          %broadcast_in_dim3A_598 = vector.broadcast %broadcast_in_dim3A_597 : f32 to vector<16xf32>
          %broadcast_in_dim3A_599 = arith.constant 0.000000e+00 : f32
          %broadcast_in_dim3A_600 = vector.broadcast %broadcast_in_dim3A_599 : f32 to vector<16xf32>
          %get3A_601 = arith.index_cast %scan3A_596 : i32 to index
          %get3A_602 = arith.constant 0 : index
          %get3A_603 = tpu.vector_load %arg16[%get3A_601, %get3A_602] {strides = array<i32>} : memref<16x128xf32, #tpu.memory_space<vmem>>, vector<16xf32>,
          %get3A_604 = arith.index_cast %scan3A_596 : i32 to index
          %get3A_605 = arith.constant 0 : index
          %get3A_606 = tpu.vector_load %arg18[%get3A_604, %get3A_605] {strides = array<i32>} : memref<16x256xf32, #tpu.memory_space<vmem>>, vector<16xf32>,
          %add3A_607 = arith.addf %get3A_603, %get3A_606 : vector<16xf32>
          %get3A_608 = arith.index_cast %scan3A_596 : i32 to index
          %get3A_609 = arith.constant 0 : index
          %get3A_610 = tpu.vector_load %arg20[%get3A_608, %get3A_609] {strides = array<i32>} : memref<16x128xf32, #tpu.memory_space<vmem>>, vector<16xf32>,
          %add3A_611 = arith.addf %add3A_607, %get3A_610 : vector<16xf32>
          %exp3A_612 = math.exp %add3A_611 : vector<16xf32>
          %add3A_613 = arith.constant 1.000000e+00 : f32
          %add3A_614 = vector.broadcast %add3A_613 : f32 to vector<16xf32>
          %add3A_615 = arith.addf %exp3A_612, %add3A_614 : vector<16xf32>
          %div3A_616 = arith.constant 1.000000e+00 : f32
          %div3A_617 = vector.broadcast %div3A_616 : f32 to vector<16xf32>
          %div3A_618 = arith.divf %div3A_617, %add3A_615 : vector<16xf32>
          %mul3A_619 = arith.mulf %get3A_38, %div3A_618 : vector<16xf32>
          %add3A_620 = arith.addf %broadcast_in_dim3A_598, %mul3A_619 : vector<16xf32>
          %get3A_621 = arith.index_cast %scan3A_596 : i32 to index
          %get3A_622 = arith.constant 16 : index
          %get3A_623 = tpu.vector_load %arg16[%get3A_621, %get3A_622] {strides = array<i32>} : memref<16x128xf32, #tpu.memory_space<vmem>>, vector<16xf32>,
          %get3A_624 = arith.index_cast %scan3A_596 : i32 to index
          %get3A_625 = arith.constant 16 : index
          %get3A_626 = tpu.vector_load %arg18[%get3A_624, %get3A_625] {strides = array<i32>} : memref<16x256xf32, #tpu.memory_space<vmem>>, vector<16xf32>,
          %add3A_627 = arith.addf %get3A_623, %get3A_626 : vector<16xf32>
          %get3A_628 = arith.index_cast %scan3A_596 : i32 to index
          %get3A_629 = arith.constant 16 : index
          %get3A_630 = tpu.vector_load %arg20[%get3A_628, %get3A_629] {strides = array<i32>} : memref<16x128xf32, #tpu.memory_space<vmem>>, vector<16xf32>,
          %add3A_631 = arith.addf %add3A_627, %get3A_630 : vector<16xf32>
          %exp3A_632 = math.exp %add3A_631 : vector<16xf32>
          %add3A_633 = arith.constant 1.000000e+00 : f32
          %add3A_634 = vector.broadcast %add3A_633 : f32 to vector<16xf32>
          %add3A_635 = arith.addf %exp3A_632, %add3A_634 : vector<16xf32>
          %div3A_636 = arith.constant 1.000000e+00 : f32
          %div3A_637 = vector.broadcast %div3A_636 : f32 to vector<16xf32>
          %div3A_638 = arith.divf %div3A_637, %add3A_635 : vector<16xf32>
          %mul3A_639 = arith.mulf %get3A_40, %div3A_638 : vector<16xf32>
          %add3A_640 = arith.addf %broadcast_in_dim3A_600, %mul3A_639 : vector<16xf32>
          %get3A_641 = arith.index_cast %scan3A_596 : i32 to index
          %get3A_642 = arith.constant 32 : index
          %get3A_643 = tpu.vector_load %arg16[%get3A_641, %get3A_642] {strides = array<i32>} : memref<16x128xf32, #tpu.memory_space<vmem>>, vector<16xf32>,
          %get3A_644 = arith.index_cast %scan3A_596 : i32 to index
          %get3A_645 = arith.constant 32 : index
          %get3A_646 = tpu.vector_load %arg18[%get3A_644, %get3A_645] {strides = array<i32>} : memref<16x256xf32, #tpu.memory_space<vmem>>, vector<16xf32>,
          %add3A_647 = arith.addf %get3A_643, %get3A_646 : vector<16xf32>
          %get3A_648 = arith.index_cast %scan3A_596 : i32 to index
          %get3A_649 = arith.constant 32 : index
          %get3A_650 = tpu.vector_load %arg20[%get3A_648, %get3A_649] {strides = array<i32>} : memref<16x128xf32, #tpu.memory_space<vmem>>, vector<16xf32>,
          %add3A_651 = arith.addf %add3A_647, %get3A_650 : vector<16xf32>
          %exp3A_652 = math.exp %add3A_651 : vector<16xf32>
          %add3A_653 = arith.constant 1.000000e+00 : f32
          %add3A_654 = vector.broadcast %add3A_653 : f32 to vector<16xf32>
          %add3A_655 = arith.addf %exp3A_652, %add3A_654 : vector<16xf32>
          %div3A_656 = arith.constant 1.000000e+00 : f32
          %div3A_657 = vector.broadcast %div3A_656 : f32 to vector<16xf32>
          %div3A_658 = arith.divf %div3A_657, %add3A_655 : vector<16xf32>
          %mul3A_659 = arith.mulf %get3A_42, %div3A_658 : vector<16xf32>
          %add3A_660 = arith.addf %add3A_620, %mul3A_659 : vector<16xf32>
          %get3A_661 = arith.index_cast %scan3A_596 : i32 to index
          %get3A_662 = arith.constant 48 : index
          %get3A_663 = tpu.vector_load %arg16[%get3A_661, %get3A_662] {strides = array<i32>} : memref<16x128xf32, #tpu.memory_space<vmem>>, vector<16xf32>,
          %get3A_664 = arith.index_cast %scan3A_596 : i32 to index
          %get3A_665 = arith.constant 48 : index
          %get3A_666 = tpu.vector_load %arg18[%get3A_664, %get3A_665] {strides = array<i32>} : memref<16x256xf32, #tpu.memory_space<vmem>>, vector<16xf32>,
          %add3A_667 = arith.addf %get3A_663, %get3A_666 : vector<16xf32>
          %get3A_668 = arith.index_cast %scan3A_596 : i32 to index
          %get3A_669 = arith.constant 48 : index
          %get3A_670 = tpu.vector_load %arg20[%get3A_668, %get3A_669] {strides = array<i32>} : memref<16x128xf32, #tpu.memory_space<vmem>>, vector<16xf32>,
          %add3A_671 = arith.addf %add3A_667, %get3A_670 : vector<16xf32>
          %exp3A_672 = math.exp %add3A_671 : vector<16xf32>
          %add3A_673 = arith.constant 1.000000e+00 : f32
          %add3A_674 = vector.broadcast %add3A_673 : f32 to vector<16xf32>
          %add3A_675 = arith.addf %exp3A_672, %add3A_674 : vector<16xf32>
          %div3A_676 = arith.constant 1.000000e+00 : f32
          %div3A_677 = vector.broadcast %div3A_676 : f32 to vector<16xf32>
          %div3A_678 = arith.divf %div3A_677, %add3A_675 : vector<16xf32>
          %mul3A_679 = arith.mulf %get3A_44, %div3A_678 : vector<16xf32>
          %add3A_680 = arith.addf %add3A_640, %mul3A_679 : vector<16xf32>
          %get3A_681 = arith.index_cast %scan3A_596 : i32 to index
          %get3A_682 = arith.constant 64 : index
          %get3A_683 = tpu.vector_load %arg16[%get3A_681, %get3A_682] {strides = array<i32>} : memref<16x128xf32, #tpu.memory_space<vmem>>, vector<16xf32>,
          %get3A_684 = arith.index_cast %scan3A_596 : i32 to index
          %get3A_685 = arith.constant 64 : index
          %get3A_686 = tpu.vector_load %arg18[%get3A_684, %get3A_685] {strides = array<i32>} : memref<16x256xf32, #tpu.memory_space<vmem>>, vector<16xf32>,
          %add3A_687 = arith.addf %get3A_683, %get3A_686 : vector<16xf32>
          %get3A_688 = arith.index_cast %scan3A_596 : i32 to index
          %get3A_689 = arith.constant 64 : index
          %get3A_690 = tpu.vector_load %arg20[%get3A_688, %get3A_689] {strides = array<i32>} : memref<16x128xf32, #tpu.memory_space<vmem>>, vector<16xf32>,
          %add3A_691 = arith.addf %add3A_687, %get3A_690 : vector<16xf32>
          %exp3A_692 = math.exp %add3A_691 : vector<16xf32>
          %add3A_693 = arith.constant 1.000000e+00 : f32
          %add3A_694 = vector.broadcast %add3A_693 : f32 to vector<16xf32>
          %add3A_695 = arith.addf %exp3A_692, %add3A_694 : vector<16xf32>
          %div3A_696 = arith.constant 1.000000e+00 : f32
          %div3A_697 = vector.broadcast %div3A_696 : f32 to vector<16xf32>
          %div3A_698 = arith.divf %div3A_697, %add3A_695 : vector<16xf32>
          %mul3A_699 = arith.mulf %get3A_46, %div3A_698 : vector<16xf32>
          %add3A_700 = arith.addf %add3A_660, %mul3A_699 : vector<16xf32>
          %get3A_701 = arith.index_cast %scan3A_596 : i32 to index
          %get3A_702 = arith.constant 80 : index
          %get3A_703 = tpu.vector_load %arg16[%get3A_701, %get3A_702] {strides = array<i32>} : memref<16x128xf32, #tpu.memory_space<vmem>>, vector<16xf32>,
          %get3A_704 = arith.index_cast %scan3A_596 : i32 to index
          %get3A_705 = arith.constant 80 : index
          %get3A_706 = tpu.vector_load %arg18[%get3A_704, %get3A_705] {strides = array<i32>} : memref<16x256xf32, #tpu.memory_space<vmem>>, vector<16xf32>,
          %add3A_707 = arith.addf %get3A_703, %get3A_706 : vector<16xf32>
          %get3A_708 = arith.index_cast %scan3A_596 : i32 to index
          %get3A_709 = arith.constant 80 : index
          %get3A_710 = tpu.vector_load %arg20[%get3A_708, %get3A_709] {strides = array<i32>} : memref<16x128xf32, #tpu.memory_space<vmem>>, vector<16xf32>,
          %add3A_711 = arith.addf %add3A_707, %get3A_710 : vector<16xf32>
          %exp3A_712 = math.exp %add3A_711 : vector<16xf32>
          %add3A_713 = arith.constant 1.000000e+00 : f32
          %add3A_714 = vector.broadcast %add3A_713 : f32 to vector<16xf32>
          %add3A_715 = arith.addf %exp3A_712, %add3A_714 : vector<16xf32>
          %div3A_716 = arith.constant 1.000000e+00 : f32
          %div3A_717 = vector.broadcast %div3A_716 : f32 to vector<16xf32>
          %div3A_718 = arith.divf %div3A_717, %add3A_715 : vector<16xf32>
          %mul3A_719 = arith.mulf %get3A_48, %div3A_718 : vector<16xf32>
          %add3A_720 = arith.addf %add3A_680, %mul3A_719 : vector<16xf32>
          %get3A_721 = arith.index_cast %scan3A_596 : i32 to index
          %get3A_722 = arith.constant 96 : index
          %get3A_723 = tpu.vector_load %arg16[%get3A_721, %get3A_722] {strides = array<i32>} : memref<16x128xf32, #tpu.memory_space<vmem>>, vector<16xf32>,
          %get3A_724 = arith.index_cast %scan3A_596 : i32 to index
          %get3A_725 = arith.constant 96 : index
          %get3A_726 = tpu.vector_load %arg18[%get3A_724, %get3A_725] {strides = array<i32>} : memref<16x256xf32, #tpu.memory_space<vmem>>, vector<16xf32>,
          %add3A_727 = arith.addf %get3A_723, %get3A_726 : vector<16xf32>
          %get3A_728 = arith.index_cast %scan3A_596 : i32 to index
          %get3A_729 = arith.constant 96 : index
          %get3A_730 = tpu.vector_load %arg20[%get3A_728, %get3A_729] {strides = array<i32>} : memref<16x128xf32, #tpu.memory_space<vmem>>, vector<16xf32>,
          %add3A_731 = arith.addf %add3A_727, %get3A_730 : vector<16xf32>
          %exp3A_732 = math.exp %add3A_731 : vector<16xf32>
          %add3A_733 = arith.constant 1.000000e+00 : f32
          %add3A_734 = vector.broadcast %add3A_733 : f32 to vector<16xf32>
          %add3A_735 = arith.addf %exp3A_732, %add3A_734 : vector<16xf32>
          %div3A_736 = arith.constant 1.000000e+00 : f32
          %div3A_737 = vector.broadcast %div3A_736 : f32 to vector<16xf32>
          %div3A_738 = arith.divf %div3A_737, %add3A_735 : vector<16xf32>
          %mul3A_739 = arith.mulf %get3A_50, %div3A_738 : vector<16xf32>
          %add3A_740 = arith.addf %add3A_700, %mul3A_739 : vector<16xf32>
          %get3A_741 = arith.index_cast %scan3A_596 : i32 to index
          %get3A_742 = arith.constant 112 : index
          %get3A_743 = tpu.vector_load %arg16[%get3A_741, %get3A_742] {strides = array<i32>} : memref<16x128xf32, #tpu.memory_space<vmem>>, vector<16xf32>,
          %get3A_744 = arith.index_cast %scan3A_596 : i32 to index
          %get3A_745 = arith.constant 112 : index
          %get3A_746 = tpu.vector_load %arg18[%get3A_744, %get3A_745] {strides = array<i32>} : memref<16x256xf32, #tpu.memory_space<vmem>>, vector<16xf32>,
          %add3A_747 = arith.addf %get3A_743, %get3A_746 : vector<16xf32>
          %get3A_748 = arith.index_cast %scan3A_596 : i32 to index
          %get3A_749 = arith.constant 112 : index
          %get3A_750 = tpu.vector_load %arg20[%get3A_748, %get3A_749] {strides = array<i32>} : memref<16x128xf32, #tpu.memory_space<vmem>>, vector<16xf32>,
          %add3A_751 = arith.addf %add3A_747, %get3A_750 : vector<16xf32>
          %exp3A_752 = math.exp %add3A_751 : vector<16xf32>
          %add3A_753 = arith.constant 1.000000e+00 : f32
          %add3A_754 = vector.broadcast %add3A_753 : f32 to vector<16xf32>
          %add3A_755 = arith.addf %exp3A_752, %add3A_754 : vector<16xf32>
          %div3A_756 = arith.constant 1.000000e+00 : f32
          %div3A_757 = vector.broadcast %div3A_756 : f32 to vector<16xf32>
          %div3A_758 = arith.divf %div3A_757, %add3A_755 : vector<16xf32>
          %mul3A_759 = arith.mulf %get3A_52, %div3A_758 : vector<16xf32>
          %add3A_760 = arith.addf %add3A_720, %mul3A_759 : vector<16xf32>
          %add3A_761 = arith.addf %add3A_740, %add3A_760 : vector<16xf32>
          %lt3A_762 = arith.constant 0 : i32
          %lt3A_763 = vector.broadcast %lt3A_762 : i32 to vector<16xi32>
          %lt3A_764 = arith.cmpi slt, %and3A_60, %lt3A_763 : vector<16xi32>
          %add3A_765 = arith.constant 16 : i32
          %add3A_766 = vector.broadcast %add3A_765 : i32 to vector<16xi32>
          %add3A_767 = arith.addi %and3A_60, %add3A_766 : vector<16xi32>
          %select_n3A_768 = arith.select %lt3A_764, %add3A_767, %and3A_60 : vector<16xi1>, vector<16xi32>
          %broadcast_in_dim3A_769 = vector.shape_cast %select_n3A_768 : vector<16xi32> to vector<16x1xi32>
          %gather3A_770 = vector.shape_cast %broadcast_in_dim3A_769 : vector<16x1xi32> to vector<16xi32>
          %gather3A_771 = tpu.dynamic_gather %add3A_761[%gather3A_770] in [0] : vector<16xf32>, vector<16xi32> -> vector<16xf32>
          %add3A_772 = arith.addf %add3A_761, %gather3A_771 : vector<16xf32>
          %lt3A_773 = arith.constant 0 : i32
          %lt3A_774 = vector.broadcast %lt3A_773 : i32 to vector<16xi32>
          %lt3A_775 = arith.cmpi slt, %and3A_66, %lt3A_774 : vector<16xi32>
          %add3A_776 = arith.constant 16 : i32
          %add3A_777 = vector.broadcast %add3A_776 : i32 to vector<16xi32>
          %add3A_778 = arith.addi %and3A_66, %add3A_777 : vector<16xi32>
          %select_n3A_779 = arith.select %lt3A_775, %add3A_778, %and3A_66 : vector<16xi1>, vector<16xi32>
          %broadcast_in_dim3A_780 = vector.shape_cast %select_n3A_779 : vector<16xi32> to vector<16x1xi32>
          %gather3A_781 = vector.shape_cast %broadcast_in_dim3A_780 : vector<16x1xi32> to vector<16xi32>
          %gather3A_782 = tpu.dynamic_gather %add3A_772[%gather3A_781] in [0] : vector<16xf32>, vector<16xi32> -> vector<16xf32>
          %add3A_783 = arith.addf %add3A_772, %gather3A_782 : vector<16xf32>
          %lt3A_784 = arith.constant 0 : i32
          %lt3A_785 = vector.broadcast %lt3A_784 : i32 to vector<16xi32>
          %lt3A_786 = arith.cmpi slt, %and3A_72, %lt3A_785 : vector<16xi32>
          %add3A_787 = arith.constant 16 : i32
          %add3A_788 = vector.broadcast %add3A_787 : i32 to vector<16xi32>
          %add3A_789 = arith.addi %and3A_72, %add3A_788 : vector<16xi32>
          %select_n3A_790 = arith.select %lt3A_786, %add3A_789, %and3A_72 : vector<16xi1>, vector<16xi32>
          %broadcast_in_dim3A_791 = vector.shape_cast %select_n3A_790 : vector<16xi32> to vector<16x1xi32>
          %gather3A_792 = vector.shape_cast %broadcast_in_dim3A_791 : vector<16x1xi32> to vector<16xi32>
          %gather3A_793 = tpu.dynamic_gather %add3A_783[%gather3A_792] in [0] : vector<16xf32>, vector<16xi32> -> vector<16xf32>
          %add3A_794 = arith.addf %add3A_783, %gather3A_793 : vector<16xf32>
          %lt3A_795 = arith.constant 0 : i32
          %lt3A_796 = vector.broadcast %lt3A_795 : i32 to vector<16xi32>
          %lt3A_797 = arith.cmpi slt, %and3A_78, %lt3A_796 : vector<16xi32>
          %add3A_798 = arith.constant 16 : i32
          %add3A_799 = vector.broadcast %add3A_798 : i32 to vector<16xi32>
          %add3A_800 = arith.addi %and3A_78, %add3A_799 : vector<16xi32>
          %select_n3A_801 = arith.select %lt3A_797, %add3A_800, %and3A_78 : vector<16xi1>, vector<16xi32>
          %broadcast_in_dim3A_802 = vector.shape_cast %select_n3A_801 : vector<16xi32> to vector<16x1xi32>
          %gather3A_803 = vector.shape_cast %broadcast_in_dim3A_802 : vector<16x1xi32> to vector<16xi32>
          %gather3A_804 = tpu.dynamic_gather %add3A_794[%gather3A_803] in [0] : vector<16xf32>, vector<16xi32> -> vector<16xf32>
          %add3A_805 = arith.addf %add3A_794, %gather3A_804 : vector<16xf32>
          %sub3A_806 = arith.subf %get3A_54, %add3A_805 : vector<16xf32>
          %exp3A_807 = math.exp %sub3A_806 : vector<16xf32>
          %get3A_808 = arith.index_cast %scan3A_596 : i32 to index
          %get3A_809 = arith.constant 128 : index
          %get3A_810 = tpu.vector_load %arg18[%get3A_808, %get3A_809] {strides = array<i32>} : memref<16x256xf32, #tpu.memory_space<vmem>>, vector<16xf32>,
          %mul3A_811 = arith.mulf %exp3A_807, %get3A_810 : vector<16xf32>
          %swap3A_812 = arith.index_cast %scan3A_596 : i32 to index
          %swap3A_813 = arith.constant 0 : index
          %swap3A_814 = tpu.vector_load %arg22[%swap3A_812, %swap3A_813] {strides = array<i32>} : memref<16x128xf32, #tpu.memory_space<vmem>>, vector<16xf32>,
          tpu.vector_store %arg22[%swap3A_812, %swap3A_813], %mul3A_811 {strides = array<i32>} : memref<16x128xf32, #tpu.memory_space<vmem>>, vector<16xf32>,
          %get3A_815 = arith.index_cast %scan3A_596 : i32 to index
          %get3A_816 = arith.constant 144 : index
          %get3A_817 = tpu.vector_load %arg18[%get3A_815, %get3A_816] {strides = array<i32>} : memref<16x256xf32, #tpu.memory_space<vmem>>, vector<16xf32>,
          %mul3A_818 = arith.mulf %exp3A_807, %get3A_817 : vector<16xf32>
          %swap3A_819 = arith.index_cast %scan3A_596 : i32 to index
          %swap3A_820 = arith.constant 16 : index
          %swap3A_821 = tpu.vector_load %arg22[%swap3A_819, %swap3A_820] {strides = array<i32>} : memref<16x128xf32, #tpu.memory_space<vmem>>, vector<16xf32>,
          tpu.vector_store %arg22[%swap3A_819, %swap3A_820], %mul3A_818 {strides = array<i32>} : memref<16x128xf32, #tpu.memory_space<vmem>>, vector<16xf32>,
          %get3A_822 = arith.index_cast %scan3A_596 : i32 to index
          %get3A_823 = arith.constant 160 : index
          %get3A_824 = tpu.vector_load %arg18[%get3A_822, %get3A_823] {strides = array<i32>} : memref<16x256xf32, #tpu.memory_space<vmem>>, vector<16xf32>,
          %mul3A_825 = arith.mulf %exp3A_807, %get3A_824 : vector<16xf32>
          %swap3A_826 = arith.index_cast %scan3A_596 : i32 to index
          %swap3A_827 = arith.constant 32 : index
          %swap3A_828 = tpu.vector_load %arg22[%swap3A_826, %swap3A_827] {strides = array<i32>} : memref<16x128xf32, #tpu.memory_space<vmem>>, vector<16xf32>,
          tpu.vector_store %arg22[%swap3A_826, %swap3A_827], %mul3A_825 {strides = array<i32>} : memref<16x128xf32, #tpu.memory_space<vmem>>, vector<16xf32>,
          %get3A_829 = arith.index_cast %scan3A_596 : i32 to index
          %get3A_830 = arith.constant 176 : index
          %get3A_831 = tpu.vector_load %arg18[%get3A_829, %get3A_830] {strides = array<i32>} : memref<16x256xf32, #tpu.memory_space<vmem>>, vector<16xf32>,
          %mul3A_832 = arith.mulf %exp3A_807, %get3A_831 : vector<16xf32>
          %swap3A_833 = arith.index_cast %scan3A_596 : i32 to index
          %swap3A_834 = arith.constant 48 : index
          %swap3A_835 = tpu.vector_load %arg22[%swap3A_833, %swap3A_834] {strides = array<i32>} : memref<16x128xf32, #tpu.memory_space<vmem>>, vector<16xf32>,
          tpu.vector_store %arg22[%swap3A_833, %swap3A_834], %mul3A_832 {strides = array<i32>} : memref<16x128xf32, #tpu.memory_space<vmem>>, vector<16xf32>,
          %get3A_836 = arith.index_cast %scan3A_596 : i32 to index
          %get3A_837 = arith.constant 192 : index
          %get3A_838 = tpu.vector_load %arg18[%get3A_836, %get3A_837] {strides = array<i32>} : memref<16x256xf32, #tpu.memory_space<vmem>>, vector<16xf32>,
          %mul3A_839 = arith.mulf %exp3A_807, %get3A_838 : vector<16xf32>
          %swap3A_840 = arith.index_cast %scan3A_596 : i32 to index
          %swap3A_841 = arith.constant 64 : index
          %swap3A_842 = tpu.vector_load %arg22[%swap3A_840, %swap3A_841] {strides = array<i32>} : memref<16x128xf32, #tpu.memory_space<vmem>>, vector<16xf32>,
          tpu.vector_store %arg22[%swap3A_840, %swap3A_841], %mul3A_839 {strides = array<i32>} : memref<16x128xf32, #tpu.memory_space<vmem>>, vector<16xf32>,
          %get3A_843 = arith.index_cast %scan3A_596 : i32 to index
          %get3A_844 = arith.constant 208 : index
          %get3A_845 = tpu.vector_load %arg18[%get3A_843, %get3A_844] {strides = array<i32>} : memref<16x256xf32, #tpu.memory_space<vmem>>, vector<16xf32>,
          %mul3A_846 = arith.mulf %exp3A_807, %get3A_845 : vector<16xf32>
          %swap3A_847 = arith.index_cast %scan3A_596 : i32 to index
          %swap3A_848 = arith.constant 80 : index
          %swap3A_849 = tpu.vector_load %arg22[%swap3A_847, %swap3A_848] {strides = array<i32>} : memref<16x128xf32, #tpu.memory_space<vmem>>, vector<16xf32>,
          tpu.vector_store %arg22[%swap3A_847, %swap3A_848], %mul3A_846 {strides = array<i32>} : memref<16x128xf32, #tpu.memory_space<vmem>>, vector<16xf32>,
          %get3A_850 = arith.index_cast %scan3A_596 : i32 to index
          %get3A_851 = arith.constant 224 : index
          %get3A_852 = tpu.vector_load %arg18[%get3A_850, %get3A_851] {strides = array<i32>} : memref<16x256xf32, #tpu.memory_space<vmem>>, vector<16xf32>,
          %mul3A_853 = arith.mulf %exp3A_807, %get3A_852 : vector<16xf32>
          %swap3A_854 = arith.index_cast %scan3A_596 : i32 to index
          %swap3A_855 = arith.constant 96 : index
          %swap3A_856 = tpu.vector_load %arg22[%swap3A_854, %swap3A_855] {strides = array<i32>} : memref<16x128xf32, #tpu.memory_space<vmem>>, vector<16xf32>,
          tpu.vector_store %arg22[%swap3A_854, %swap3A_855], %mul3A_853 {strides = array<i32>} : memref<16x128xf32, #tpu.memory_space<vmem>>, vector<16xf32>,
          %get3A_857 = arith.index_cast %scan3A_596 : i32 to index
          %get3A_858 = arith.constant 240 : index
          %get3A_859 = tpu.vector_load %arg18[%get3A_857, %get3A_858] {strides = array<i32>} : memref<16x256xf32, #tpu.memory_space<vmem>>, vector<16xf32>,
          %mul3A_860 = arith.mulf %exp3A_807, %get3A_859 : vector<16xf32>
          %swap3A_861 = arith.index_cast %scan3A_596 : i32 to index
          %swap3A_862 = arith.constant 112 : index
          %swap3A_863 = tpu.vector_load %arg22[%swap3A_861, %swap3A_862] {strides = array<i32>} : memref<16x128xf32, #tpu.memory_space<vmem>>, vector<16xf32>,
          tpu.vector_store %arg22[%swap3A_861, %swap3A_862], %mul3A_860 {strides = array<i32>} : memref<16x128xf32, #tpu.memory_space<vmem>>, vector<16xf32>,
          %eq3A_864 = vector.broadcast %scan3A_596 : i32 to vector<16xi32>
          %eq3A_865 = arith.cmpi eq, %iota3A_55, %eq3A_864 : vector<16xi32>
          tpu.vector_store_idx %arg23[%iota3A_55], %exp3A_807 masked %eq3A_865 : memref<16xf32, #tpu.memory_space<vmem>>[vector<16xi32>], vector<16xf32>, vector<16xi1>
        }
        %scan3A_312 = arith.constant 16 : i32
        %mul3A_313 = arith.constant 16 : i32
        %mul3A_314 = arith.muli %add3A_296, %mul3A_313 : i32
        %multiple_of3A_315 = tpu.assume_multiple %mul3A_314, 8 : i32
        %get3A_316 = arith.index_cast %multiple_of3A_315 : i32 to index
        %get3A_317 = tpu.vector_load %arg13[%get3A_316] {strides = array<i32>} : memref<2000xi32, #tpu.memory_space<vmem>>, vector<16xi32>,
        %swap3A_318 = arith.constant 0 : index
        %swap3A_319 = tpu.vector_load %arg25[%swap3A_318] {strides = array<i32>} : memref<16xi32, #tpu.memory_space<vmem>>, vector<16xi32>,
        tpu.vector_store %arg25[%swap3A_318], %get3A_317 {strides = array<i32>} : memref<16xi32, #tpu.memory_space<vmem>>, vector<16xi32>,
        %get3A_320 = arith.constant 0 : index
        %get3A_321 = tpu.vector_load %arg23[%get3A_320] {strides = array<i32>} : memref<16xf32, #tpu.memory_space<vmem>>, vector<16xf32>,
        %shift_right_logical3A_322 = arith.constant 7 : i32
        %shift_right_logical3A_323 = vector.broadcast %shift_right_logical3A_322 : i32 to vector<16xi32>
        %shift_right_logical3A_324 = arith.shrui %get3A_317, %shift_right_logical3A_323 : vector<16xi32>
        %and3A_325 = arith.constant 127 : i32
        %and3A_326 = vector.broadcast %and3A_325 : i32 to vector<16xi32>
        %and3A_327 = arith.andi %get3A_317, %and3A_326 : vector<16xi32>
        tpu.vector_store_idx %arg26[%shift_right_logical3A_324, %and3A_327], %get3A_321 {add = true} : memref<80x128xf32, #tpu.memory_space<vmem>>[vector<16xi32>, vector<16xi32>], vector<16xf32>,
        %dma_start3A_328 = arith.constant 0 : i32
        %dma_start3A_329 = arith.constant 0 : i32
        %dma_start3A_330 = tpu.memref_slice %arg11[%dma_start3A_328, %dma_start3A_329] : memref<10000x128xf32, #tpu.memory_space<vmem_shared>> -> memref<10000x128xf32, #tpu.memory_space<vmem_shared>>
        tpu.enqueue_indirect_dma source(%arg22 : memref<16x128xf32, #tpu.memory_space<vmem>>) target(%dma_start3A_330 : memref<10000x128xf32, #tpu.memory_space<vmem_shared>>) offsets(%arg25 : memref<16xi32, #tpu.memory_space<vmem>>) semaphore(%arg32 : memref<!tpu.dma_semaphore, #tpu.memory_space<semaphore_mem>>) {add = true}
      }
      %scan3A_134 = arith.constant 62 : i32
      %dma_wait3A_135 = arith.constant 0 : i32
      %dma_wait3A_136 = arith.constant 0 : i32
      %dma_wait3A_137 = tpu.memref_slice %arg2[%dma_wait3A_135, %dma_wait3A_136] : memref<10000x128xf32, #tpu.memory_space<hbm>> -> memref<16x128xf32, #tpu.memory_space<hbm>>
      %dma_wait3A_138 = arith.constant 0 : i32
      %dma_wait3A_139 = arith.constant 0 : i32
      %dma_wait3A_140 = tpu.memref_slice %arg2[%dma_wait3A_138, %dma_wait3A_139] : memref<10000x128xf32, #tpu.memory_space<hbm>> -> memref<16x128xf32, #tpu.memory_space<hbm>>
      tpu.wait_dma2 semaphore(%arg29 : memref<!tpu.dma_semaphore, #tpu.memory_space<semaphore_mem>>) src(%dma_wait3A_140 : memref<16x128xf32, #tpu.memory_space<hbm>>) dst(%arg15 : memref<16x128xf32, #tpu.memory_space<vmem>>)
      %dma_wait3A_141 = arith.constant 0 : i32
      %dma_wait3A_142 = arith.constant 0 : i32
      %dma_wait3A_143 = tpu.memref_slice %arg3[%dma_wait3A_141, %dma_wait3A_142] : memref<10000x256xf32, #tpu.memory_space<hbm>> -> memref<16x256xf32, #tpu.memory_space<hbm>>
      %dma_wait3A_144 = arith.constant 0 : i32
      %dma_wait3A_145 = arith.constant 0 : i32
      %dma_wait3A_146 = tpu.memref_slice %arg3[%dma_wait3A_144, %dma_wait3A_145] : memref<10000x256xf32, #tpu.memory_space<hbm>> -> memref<16x256xf32, #tpu.memory_space<hbm>>
      tpu.wait_dma2 semaphore(%arg29 : memref<!tpu.dma_semaphore, #tpu.memory_space<semaphore_mem>>) src(%dma_wait3A_146 : memref<16x256xf32, #tpu.memory_space<hbm>>) dst(%arg17 : memref<16x256xf32, #tpu.memory_space<vmem>>)
      %dma_wait3A_147 = arith.constant 0 : i32
      %dma_wait3A_148 = arith.constant 0 : i32
      %dma_wait3A_149 = tpu.memref_slice %arg4[%dma_wait3A_147, %dma_wait3A_148] : memref<320000x128xf32, #tpu.memory_space<hbm>> -> memref<16x128xf32, #tpu.memory_space<hbm>>
      %dma_wait3A_150 = arith.constant 0 : i32
      %dma_wait3A_151 = arith.constant 0 : i32
      %dma_wait3A_152 = tpu.memref_slice %arg4[%dma_wait3A_150, %dma_wait3A_151] : memref<320000x128xf32, #tpu.memory_space<hbm>> -> memref<16x128xf32, #tpu.memory_space<hbm>>
      tpu.wait_dma2 semaphore(%arg29 : memref<!tpu.dma_semaphore, #tpu.memory_space<semaphore_mem>>) src(%dma_wait3A_152 : memref<16x128xf32, #tpu.memory_space<hbm>>) dst(%arg19 : memref<16x128xf32, #tpu.memory_space<vmem>>)
      %mul3A_153 = arith.constant 125 : i32
      %mul3A_154 = arith.muli %scan3A_106, %mul3A_153 : i32
      %add3A_155 = arith.constant 125 : i32
      %add3A_156 = arith.addi %mul3A_154, %add3A_155 : i32
      %sub3A = arith.constant 1 : i32
      %sub3A_157 = arith.subi %add3A_156, %sub3A : i32
      %ge3A = arith.constant 2 : i32
      %ge3A_158 = arith.cmpi sge, %sub3A_157, %ge3A : i32
      %convert_element_type3A_159 = arith.extui %ge3A_158 : i1 to i32
      %cond3A_160 = arith.constant 0 : i32
      %cond3A_161 = arith.cmpi ne, %convert_element_type3A_159, %cond3A_160 : i32
      scf.if %cond3A_161 {
        %dma_wait3A_184 = arith.constant 0 : i32
        %dma_wait3A_185 = arith.constant 0 : i32
        %dma_wait3A_186 = tpu.memref_slice %arg11[%dma_wait3A_184, %dma_wait3A_185] : memref<10000x128xf32, #tpu.memory_space<vmem_shared>> -> memref<16x128xf32, #tpu.memory_space<vmem_shared>>
        %dma_wait3A_187 = arith.constant 0 : i32
        %dma_wait3A_188 = arith.constant 0 : i32
        %dma_wait3A_189 = tpu.memref_slice %arg11[%dma_wait3A_187, %dma_wait3A_188] : memref<10000x128xf32, #tpu.memory_space<vmem_shared>> -> memref<16x128xf32, #tpu.memory_space<vmem_shared>>
        tpu.wait_dma2 semaphore(%arg31 : memref<!tpu.dma_semaphore, #tpu.memory_space<semaphore_mem>>) src(%arg21 : memref<16x128xf32, #tpu.memory_space<vmem>>) dst(%dma_wait3A_189 : memref<16x128xf32, #tpu.memory_space<vmem_shared>>)
      } else {
      }
      %scan3A_162 = arith.constant 0 : i32
      %scan3A_163 = arith.constant 0 : i32
      %scan3A_164 = arith.constant 16 : i32
      %scan3A_165 = arith.addi %scan3A_163, %scan3A_164 : i32
      %scan3A_166 = arith.constant 2 : i32
      scf.for %scan3A_184 = %scan3A_163 to %scan3A_165 step %scan3A_166  : i32 {
        %broadcast_in_dim3A = arith.constant 0.000000e+00 : f32
        %broadcast_in_dim3A_185 = vector.broadcast %broadcast_in_dim3A : f32 to vector<16xf32>
        %broadcast_in_dim3A_186 = arith.constant 0.000000e+00 : f32
        %broadcast_in_dim3A_187 = vector.broadcast %broadcast_in_dim3A_186 : f32 to vector<16xf32>
        %get3A_188 = arith.index_cast %scan3A_184 : i32 to index
        %get3A_189 = arith.constant 0 : index
        %get3A_190 = tpu.vector_load %arg15[%get3A_188, %get3A_189] {strides = array<i32>} : memref<16x128xf32, #tpu.memory_space<vmem>>, vector<16xf32>,
        %get3A_191 = arith.index_cast %scan3A_184 : i32 to index
        %get3A_192 = arith.constant 0 : index
        %get3A_193 = tpu.vector_load %arg17[%get3A_191, %get3A_192] {strides = array<i32>} : memref<16x256xf32, #tpu.memory_space<vmem>>, vector<16xf32>,
        %add3A_194 = arith.addf %get3A_190, %get3A_193 : vector<16xf32>
        %get3A_195 = arith.index_cast %scan3A_184 : i32 to index
        %get3A_196 = arith.constant 0 : index
        %get3A_197 = tpu.vector_load %arg19[%get3A_195, %get3A_196] {strides = array<i32>} : memref<16x128xf32, #tpu.memory_space<vmem>>, vector<16xf32>,
        %add3A_198 = arith.addf %add3A_194, %get3A_197 : vector<16xf32>
        %exp3A = math.exp %add3A_198 : vector<16xf32>
        %add3A_199 = arith.constant 1.000000e+00 : f32
        %add3A_200 = vector.broadcast %add3A_199 : f32 to vector<16xf32>
        %add3A_201 = arith.addf %exp3A, %add3A_200 : vector<16xf32>
        %div3A = arith.constant 1.000000e+00 : f32
        %div3A_202 = vector.broadcast %div3A : f32 to vector<16xf32>
        %div3A_203 = arith.divf %div3A_202, %add3A_201 : vector<16xf32>
        %mul3A_204 = arith.mulf %get3A_38, %div3A_203 : vector<16xf32>
        %add3A_205 = arith.addf %broadcast_in_dim3A_185, %mul3A_204 : vector<16xf32>
        %get3A_206 = arith.index_cast %scan3A_184 : i32 to index
        %get3A_207 = arith.constant 16 : index
        %get3A_208 = tpu.vector_load %arg15[%get3A_206, %get3A_207] {strides = array<i32>} : memref<16x128xf32, #tpu.memory_space<vmem>>, vector<16xf32>,
        %get3A_209 = arith.index_cast %scan3A_184 : i32 to index
        %get3A_210 = arith.constant 16 : index
        %get3A_211 = tpu.vector_load %arg17[%get3A_209, %get3A_210] {strides = array<i32>} : memref<16x256xf32, #tpu.memory_space<vmem>>, vector<16xf32>,
        %add3A_212 = arith.addf %get3A_208, %get3A_211 : vector<16xf32>
        %get3A_213 = arith.index_cast %scan3A_184 : i32 to index
        %get3A_214 = arith.constant 16 : index
        %get3A_215 = tpu.vector_load %arg19[%get3A_213, %get3A_214] {strides = array<i32>} : memref<16x128xf32, #tpu.memory_space<vmem>>, vector<16xf32>,
        %add3A_216 = arith.addf %add3A_212, %get3A_215 : vector<16xf32>
        %exp3A_217 = math.exp %add3A_216 : vector<16xf32>
        %add3A_218 = arith.constant 1.000000e+00 : f32
        %add3A_219 = vector.broadcast %add3A_218 : f32 to vector<16xf32>
        %add3A_220 = arith.addf %exp3A_217, %add3A_219 : vector<16xf32>
        %div3A_221 = arith.constant 1.000000e+00 : f32
        %div3A_222 = vector.broadcast %div3A_221 : f32 to vector<16xf32>
        %div3A_223 = arith.divf %div3A_222, %add3A_220 : vector<16xf32>
        %mul3A_224 = arith.mulf %get3A_40, %div3A_223 : vector<16xf32>
        %add3A_225 = arith.addf %broadcast_in_dim3A_187, %mul3A_224 : vector<16xf32>
        %get3A_226 = arith.index_cast %scan3A_184 : i32 to index
        %get3A_227 = arith.constant 32 : index
        %get3A_228 = tpu.vector_load %arg15[%get3A_226, %get3A_227] {strides = array<i32>} : memref<16x128xf32, #tpu.memory_space<vmem>>, vector<16xf32>,
        %get3A_229 = arith.index_cast %scan3A_184 : i32 to index
        %get3A_230 = arith.constant 32 : index
        %get3A_231 = tpu.vector_load %arg17[%get3A_229, %get3A_230] {strides = array<i32>} : memref<16x256xf32, #tpu.memory_space<vmem>>, vector<16xf32>,
        %add3A_232 = arith.addf %get3A_228, %get3A_231 : vector<16xf32>
        %get3A_233 = arith.index_cast %scan3A_184 : i32 to index
        %get3A_234 = arith.constant 32 : index
        %get3A_235 = tpu.vector_load %arg19[%get3A_233, %get3A_234] {strides = array<i32>} : memref<16x128xf32, #tpu.memory_space<vmem>>, vector<16xf32>,
        %add3A_236 = arith.addf %add3A_232, %get3A_235 : vector<16xf32>
        %exp3A_237 = math.exp %add3A_236 : vector<16xf32>
        %add3A_238 = arith.constant 1.000000e+00 : f32
        %add3A_239 = vector.broadcast %add3A_238 : f32 to vector<16xf32>
        %add3A_240 = arith.addf %exp3A_237, %add3A_239 : vector<16xf32>
        %div3A_241 = arith.constant 1.000000e+00 : f32
        %div3A_242 = vector.broadcast %div3A_241 : f32 to vector<16xf32>
        %div3A_243 = arith.divf %div3A_242, %add3A_240 : vector<16xf32>
        %mul3A_244 = arith.mulf %get3A_42, %div3A_243 : vector<16xf32>
        %add3A_245 = arith.addf %add3A_205, %mul3A_244 : vector<16xf32>
        %get3A_246 = arith.index_cast %scan3A_184 : i32 to index
        %get3A_247 = arith.constant 48 : index
        %get3A_248 = tpu.vector_load %arg15[%get3A_246, %get3A_247] {strides = array<i32>} : memref<16x128xf32, #tpu.memory_space<vmem>>, vector<16xf32>,
        %get3A_249 = arith.index_cast %scan3A_184 : i32 to index
        %get3A_250 = arith.constant 48 : index
        %get3A_251 = tpu.vector_load %arg17[%get3A_249, %get3A_250] {strides = array<i32>} : memref<16x256xf32, #tpu.memory_space<vmem>>, vector<16xf32>,
        %add3A_252 = arith.addf %get3A_248, %get3A_251 : vector<16xf32>
        %get3A_253 = arith.index_cast %scan3A_184 : i32 to index
        %get3A_254 = arith.constant 48 : index
        %get3A_255 = tpu.vector_load %arg19[%get3A_253, %get3A_254] {strides = array<i32>} : memref<16x128xf32, #tpu.memory_space<vmem>>, vector<16xf32>,
        %add3A_256 = arith.addf %add3A_252, %get3A_255 : vector<16xf32>
        %exp3A_257 = math.exp %add3A_256 : vector<16xf32>
        %add3A_258 = arith.constant 1.000000e+00 : f32
        %add3A_259 = vector.broadcast %add3A_258 : f32 to vector<16xf32>
        %add3A_260 = arith.addf %exp3A_257, %add3A_259 : vector<16xf32>
        %div3A_261 = arith.constant 1.000000e+00 : f32
        %div3A_262 = vector.broadcast %div3A_261 : f32 to vector<16xf32>
        %div3A_263 = arith.divf %div3A_262, %add3A_260 : vector<16xf32>
        %mul3A_264 = arith.mulf %get3A_44, %div3A_263 : vector<16xf32>
        %add3A_265 = arith.addf %add3A_225, %mul3A_264 : vector<16xf32>
        %get3A_266 = arith.index_cast %scan3A_184 : i32 to index
        %get3A_267 = arith.constant 64 : index
        %get3A_268 = tpu.vector_load %arg15[%get3A_266, %get3A_267] {strides = array<i32>} : memref<16x128xf32, #tpu.memory_space<vmem>>, vector<16xf32>,
        %get3A_269 = arith.index_cast %scan3A_184 : i32 to index
        %get3A_270 = arith.constant 64 : index
        %get3A_271 = tpu.vector_load %arg17[%get3A_269, %get3A_270] {strides = array<i32>} : memref<16x256xf32, #tpu.memory_space<vmem>>, vector<16xf32>,
        %add3A_272 = arith.addf %get3A_268, %get3A_271 : vector<16xf32>
        %get3A_273 = arith.index_cast %scan3A_184 : i32 to index
        %get3A_274 = arith.constant 64 : index
        %get3A_275 = tpu.vector_load %arg19[%get3A_273, %get3A_274] {strides = array<i32>} : memref<16x128xf32, #tpu.memory_space<vmem>>, vector<16xf32>,
        %add3A_276 = arith.addf %add3A_272, %get3A_275 : vector<16xf32>
        %exp3A_277 = math.exp %add3A_276 : vector<16xf32>
        %add3A_278 = arith.constant 1.000000e+00 : f32
        %add3A_279 = vector.broadcast %add3A_278 : f32 to vector<16xf32>
        %add3A_280 = arith.addf %exp3A_277, %add3A_279 : vector<16xf32>
        %div3A_281 = arith.constant 1.000000e+00 : f32
        %div3A_282 = vector.broadcast %div3A_281 : f32 to vector<16xf32>
        %div3A_283 = arith.divf %div3A_282, %add3A_280 : vector<16xf32>
        %mul3A_284 = arith.mulf %get3A_46, %div3A_283 : vector<16xf32>
        %add3A_285 = arith.addf %add3A_245, %mul3A_284 : vector<16xf32>
        %get3A_286 = arith.index_cast %scan3A_184 : i32 to index
        %get3A_287 = arith.constant 80 : index
        %get3A_288 = tpu.vector_load %arg15[%get3A_286, %get3A_287] {strides = array<i32>} : memref<16x128xf32, #tpu.memory_space<vmem>>, vector<16xf32>,
        %get3A_289 = arith.index_cast %scan3A_184 : i32 to index
        %get3A_290 = arith.constant 80 : index
        %get3A_291 = tpu.vector_load %arg17[%get3A_289, %get3A_290] {strides = array<i32>} : memref<16x256xf32, #tpu.memory_space<vmem>>, vector<16xf32>,
        %add3A_292 = arith.addf %get3A_288, %get3A_291 : vector<16xf32>
        %get3A_293 = arith.index_cast %scan3A_184 : i32 to index
        %get3A_294 = arith.constant 80 : index
        %get3A_295 = tpu.vector_load %arg19[%get3A_293, %get3A_294] {strides = array<i32>} : memref<16x128xf32, #tpu.memory_space<vmem>>, vector<16xf32>,
        %add3A_296 = arith.addf %add3A_292, %get3A_295 : vector<16xf32>
        %exp3A_297 = math.exp %add3A_296 : vector<16xf32>
        %add3A_298 = arith.constant 1.000000e+00 : f32
        %add3A_299 = vector.broadcast %add3A_298 : f32 to vector<16xf32>
        %add3A_300 = arith.addf %exp3A_297, %add3A_299 : vector<16xf32>
        %div3A_301 = arith.constant 1.000000e+00 : f32
        %div3A_302 = vector.broadcast %div3A_301 : f32 to vector<16xf32>
        %div3A_303 = arith.divf %div3A_302, %add3A_300 : vector<16xf32>
        %mul3A_304 = arith.mulf %get3A_48, %div3A_303 : vector<16xf32>
        %add3A_305 = arith.addf %add3A_265, %mul3A_304 : vector<16xf32>
        %get3A_306 = arith.index_cast %scan3A_184 : i32 to index
        %get3A_307 = arith.constant 96 : index
        %get3A_308 = tpu.vector_load %arg15[%get3A_306, %get3A_307] {strides = array<i32>} : memref<16x128xf32, #tpu.memory_space<vmem>>, vector<16xf32>,
        %get3A_309 = arith.index_cast %scan3A_184 : i32 to index
        %get3A_310 = arith.constant 96 : index
        %get3A_311 = tpu.vector_load %arg17[%get3A_309, %get3A_310] {strides = array<i32>} : memref<16x256xf32, #tpu.memory_space<vmem>>, vector<16xf32>,
        %add3A_312 = arith.addf %get3A_308, %get3A_311 : vector<16xf32>
        %get3A_313 = arith.index_cast %scan3A_184 : i32 to index
        %get3A_314 = arith.constant 96 : index
        %get3A_315 = tpu.vector_load %arg19[%get3A_313, %get3A_314] {strides = array<i32>} : memref<16x128xf32, #tpu.memory_space<vmem>>, vector<16xf32>,
        %add3A_316 = arith.addf %add3A_312, %get3A_315 : vector<16xf32>
        %exp3A_317 = math.exp %add3A_316 : vector<16xf32>
        %add3A_318 = arith.constant 1.000000e+00 : f32
        %add3A_319 = vector.broadcast %add3A_318 : f32 to vector<16xf32>
        %add3A_320 = arith.addf %exp3A_317, %add3A_319 : vector<16xf32>
        %div3A_321 = arith.constant 1.000000e+00 : f32
        %div3A_322 = vector.broadcast %div3A_321 : f32 to vector<16xf32>
        %div3A_323 = arith.divf %div3A_322, %add3A_320 : vector<16xf32>
        %mul3A_324 = arith.mulf %get3A_50, %div3A_323 : vector<16xf32>
        %add3A_325 = arith.addf %add3A_285, %mul3A_324 : vector<16xf32>
        %get3A_326 = arith.index_cast %scan3A_184 : i32 to index
        %get3A_327 = arith.constant 112 : index
        %get3A_328 = tpu.vector_load %arg15[%get3A_326, %get3A_327] {strides = array<i32>} : memref<16x128xf32, #tpu.memory_space<vmem>>, vector<16xf32>,
        %get3A_329 = arith.index_cast %scan3A_184 : i32 to index
        %get3A_330 = arith.constant 112 : index
        %get3A_331 = tpu.vector_load %arg17[%get3A_329, %get3A_330] {strides = array<i32>} : memref<16x256xf32, #tpu.memory_space<vmem>>, vector<16xf32>,
        %add3A_332 = arith.addf %get3A_328, %get3A_331 : vector<16xf32>
        %get3A_333 = arith.index_cast %scan3A_184 : i32 to index
        %get3A_334 = arith.constant 112 : index
        %get3A_335 = tpu.vector_load %arg19[%get3A_333, %get3A_334] {strides = array<i32>} : memref<16x128xf32, #tpu.memory_space<vmem>>, vector<16xf32>,
        %add3A_336 = arith.addf %add3A_332, %get3A_335 : vector<16xf32>
        %exp3A_337 = math.exp %add3A_336 : vector<16xf32>
        %add3A_338 = arith.constant 1.000000e+00 : f32
        %add3A_339 = vector.broadcast %add3A_338 : f32 to vector<16xf32>
        %add3A_340 = arith.addf %exp3A_337, %add3A_339 : vector<16xf32>
        %div3A_341 = arith.constant 1.000000e+00 : f32
        %div3A_342 = vector.broadcast %div3A_341 : f32 to vector<16xf32>
        %div3A_343 = arith.divf %div3A_342, %add3A_340 : vector<16xf32>
        %mul3A_344 = arith.mulf %get3A_52, %div3A_343 : vector<16xf32>
        %add3A_345 = arith.addf %add3A_305, %mul3A_344 : vector<16xf32>
        %add3A_346 = arith.addf %add3A_325, %add3A_345 : vector<16xf32>
        %lt3A = arith.constant 0 : i32
        %lt3A_347 = vector.broadcast %lt3A : i32 to vector<16xi32>
        %lt3A_348 = arith.cmpi slt, %and3A_60, %lt3A_347 : vector<16xi32>
        %add3A_349 = arith.constant 16 : i32
        %add3A_350 = vector.broadcast %add3A_349 : i32 to vector<16xi32>
        %add3A_351 = arith.addi %and3A_60, %add3A_350 : vector<16xi32>
        %select_n3A = arith.select %lt3A_348, %add3A_351, %and3A_60 : vector<16xi1>, vector<16xi32>
        %broadcast_in_dim3A_352 = vector.shape_cast %select_n3A : vector<16xi32> to vector<16x1xi32>
        %gather3A = vector.shape_cast %broadcast_in_dim3A_352 : vector<16x1xi32> to vector<16xi32>
        %gather3A_353 = tpu.dynamic_gather %add3A_346[%gather3A] in [0] : vector<16xf32>, vector<16xi32> -> vector<16xf32>
        %add3A_354 = arith.addf %add3A_346, %gather3A_353 : vector<16xf32>
        %lt3A_355 = arith.constant 0 : i32
        %lt3A_356 = vector.broadcast %lt3A_355 : i32 to vector<16xi32>
        %lt3A_357 = arith.cmpi slt, %and3A_66, %lt3A_356 : vector<16xi32>
        %add3A_358 = arith.constant 16 : i32
        %add3A_359 = vector.broadcast %add3A_358 : i32 to vector<16xi32>
        %add3A_360 = arith.addi %and3A_66, %add3A_359 : vector<16xi32>
        %select_n3A_361 = arith.select %lt3A_357, %add3A_360, %and3A_66 : vector<16xi1>, vector<16xi32>
        %broadcast_in_dim3A_362 = vector.shape_cast %select_n3A_361 : vector<16xi32> to vector<16x1xi32>
        %gather3A_363 = vector.shape_cast %broadcast_in_dim3A_362 : vector<16x1xi32> to vector<16xi32>
        %gather3A_364 = tpu.dynamic_gather %add3A_354[%gather3A_363] in [0] : vector<16xf32>, vector<16xi32> -> vector<16xf32>
        %add3A_365 = arith.addf %add3A_354, %gather3A_364 : vector<16xf32>
        %lt3A_366 = arith.constant 0 : i32
        %lt3A_367 = vector.broadcast %lt3A_366 : i32 to vector<16xi32>
        %lt3A_368 = arith.cmpi slt, %and3A_72, %lt3A_367 : vector<16xi32>
        %add3A_369 = arith.constant 16 : i32
        %add3A_370 = vector.broadcast %add3A_369 : i32 to vector<16xi32>
        %add3A_371 = arith.addi %and3A_72, %add3A_370 : vector<16xi32>
        %select_n3A_372 = arith.select %lt3A_368, %add3A_371, %and3A_72 : vector<16xi1>, vector<16xi32>
        %broadcast_in_dim3A_373 = vector.shape_cast %select_n3A_372 : vector<16xi32> to vector<16x1xi32>
        %gather3A_374 = vector.shape_cast %broadcast_in_dim3A_373 : vector<16x1xi32> to vector<16xi32>
        %gather3A_375 = tpu.dynamic_gather %add3A_365[%gather3A_374] in [0] : vector<16xf32>, vector<16xi32> -> vector<16xf32>
        %add3A_376 = arith.addf %add3A_365, %gather3A_375 : vector<16xf32>
        %lt3A_377 = arith.constant 0 : i32
        %lt3A_378 = vector.broadcast %lt3A_377 : i32 to vector<16xi32>
        %lt3A_379 = arith.cmpi slt, %and3A_78, %lt3A_378 : vector<16xi32>
        %add3A_380 = arith.constant 16 : i32
        %add3A_381 = vector.broadcast %add3A_380 : i32 to vector<16xi32>
        %add3A_382 = arith.addi %and3A_78, %add3A_381 : vector<16xi32>
        %select_n3A_383 = arith.select %lt3A_379, %add3A_382, %and3A_78 : vector<16xi1>, vector<16xi32>
        %broadcast_in_dim3A_384 = vector.shape_cast %select_n3A_383 : vector<16xi32> to vector<16x1xi32>
        %gather3A_385 = vector.shape_cast %broadcast_in_dim3A_384 : vector<16x1xi32> to vector<16xi32>
        %gather3A_386 = tpu.dynamic_gather %add3A_376[%gather3A_385] in [0] : vector<16xf32>, vector<16xi32> -> vector<16xf32>
        %add3A_387 = arith.addf %add3A_376, %gather3A_386 : vector<16xf32>
        %sub3A_388 = arith.subf %get3A_54, %add3A_387 : vector<16xf32>
        %exp3A_389 = math.exp %sub3A_388 : vector<16xf32>
        %get3A_390 = arith.index_cast %scan3A_184 : i32 to index
        %get3A_391 = arith.constant 128 : index
        %get3A_392 = tpu.vector_load %arg17[%get3A_390, %get3A_391] {strides = array<i32>} : memref<16x256xf32, #tpu.memory_space<vmem>>, vector<16xf32>,
        %mul3A_393 = arith.mulf %exp3A_389, %get3A_392 : vector<16xf32>
        %swap3A_394 = arith.index_cast %scan3A_184 : i32 to index
        %swap3A_395 = arith.constant 0 : index
        %swap3A_396 = tpu.vector_load %arg21[%swap3A_394, %swap3A_395] {strides = array<i32>} : memref<16x128xf32, #tpu.memory_space<vmem>>, vector<16xf32>,
        tpu.vector_store %arg21[%swap3A_394, %swap3A_395], %mul3A_393 {strides = array<i32>} : memref<16x128xf32, #tpu.memory_space<vmem>>, vector<16xf32>,
        %get3A_397 = arith.index_cast %scan3A_184 : i32 to index
        %get3A_398 = arith.constant 144 : index
        %get3A_399 = tpu.vector_load %arg17[%get3A_397, %get3A_398] {strides = array<i32>} : memref<16x256xf32, #tpu.memory_space<vmem>>, vector<16xf32>,
        %mul3A_400 = arith.mulf %exp3A_389, %get3A_399 : vector<16xf32>
        %swap3A_401 = arith.index_cast %scan3A_184 : i32 to index
        %swap3A_402 = arith.constant 16 : index
        %swap3A_403 = tpu.vector_load %arg21[%swap3A_401, %swap3A_402] {strides = array<i32>} : memref<16x128xf32, #tpu.memory_space<vmem>>, vector<16xf32>,
        tpu.vector_store %arg21[%swap3A_401, %swap3A_402], %mul3A_400 {strides = array<i32>} : memref<16x128xf32, #tpu.memory_space<vmem>>, vector<16xf32>,
        %get3A_404 = arith.index_cast %scan3A_184 : i32 to index
        %get3A_405 = arith.constant 160 : index
        %get3A_406 = tpu.vector_load %arg17[%get3A_404, %get3A_405] {strides = array<i32>} : memref<16x256xf32, #tpu.memory_space<vmem>>, vector<16xf32>,
        %mul3A_407 = arith.mulf %exp3A_389, %get3A_406 : vector<16xf32>
        %swap3A_408 = arith.index_cast %scan3A_184 : i32 to index
        %swap3A_409 = arith.constant 32 : index
        %swap3A_410 = tpu.vector_load %arg21[%swap3A_408, %swap3A_409] {strides = array<i32>} : memref<16x128xf32, #tpu.memory_space<vmem>>, vector<16xf32>,
        tpu.vector_store %arg21[%swap3A_408, %swap3A_409], %mul3A_407 {strides = array<i32>} : memref<16x128xf32, #tpu.memory_space<vmem>>, vector<16xf32>,
        %get3A_411 = arith.index_cast %scan3A_184 : i32 to index
        %get3A_412 = arith.constant 176 : index
        %get3A_413 = tpu.vector_load %arg17[%get3A_411, %get3A_412] {strides = array<i32>} : memref<16x256xf32, #tpu.memory_space<vmem>>, vector<16xf32>,
        %mul3A_414 = arith.mulf %exp3A_389, %get3A_413 : vector<16xf32>
        %swap3A_415 = arith.index_cast %scan3A_184 : i32 to index
        %swap3A_416 = arith.constant 48 : index
        %swap3A_417 = tpu.vector_load %arg21[%swap3A_415, %swap3A_416] {strides = array<i32>} : memref<16x128xf32, #tpu.memory_space<vmem>>, vector<16xf32>,
        tpu.vector_store %arg21[%swap3A_415, %swap3A_416], %mul3A_414 {strides = array<i32>} : memref<16x128xf32, #tpu.memory_space<vmem>>, vector<16xf32>,
        %get3A_418 = arith.index_cast %scan3A_184 : i32 to index
        %get3A_419 = arith.constant 192 : index
        %get3A_420 = tpu.vector_load %arg17[%get3A_418, %get3A_419] {strides = array<i32>} : memref<16x256xf32, #tpu.memory_space<vmem>>, vector<16xf32>,
        %mul3A_421 = arith.mulf %exp3A_389, %get3A_420 : vector<16xf32>
        %swap3A_422 = arith.index_cast %scan3A_184 : i32 to index
        %swap3A_423 = arith.constant 64 : index
        %swap3A_424 = tpu.vector_load %arg21[%swap3A_422, %swap3A_423] {strides = array<i32>} : memref<16x128xf32, #tpu.memory_space<vmem>>, vector<16xf32>,
        tpu.vector_store %arg21[%swap3A_422, %swap3A_423], %mul3A_421 {strides = array<i32>} : memref<16x128xf32, #tpu.memory_space<vmem>>, vector<16xf32>,
        %get3A_425 = arith.index_cast %scan3A_184 : i32 to index
        %get3A_426 = arith.constant 208 : index
        %get3A_427 = tpu.vector_load %arg17[%get3A_425, %get3A_426] {strides = array<i32>} : memref<16x256xf32, #tpu.memory_space<vmem>>, vector<16xf32>,
        %mul3A_428 = arith.mulf %exp3A_389, %get3A_427 : vector<16xf32>
        %swap3A_429 = arith.index_cast %scan3A_184 : i32 to index
        %swap3A_430 = arith.constant 80 : index
        %swap3A_431 = tpu.vector_load %arg21[%swap3A_429, %swap3A_430] {strides = array<i32>} : memref<16x128xf32, #tpu.memory_space<vmem>>, vector<16xf32>,
        tpu.vector_store %arg21[%swap3A_429, %swap3A_430], %mul3A_428 {strides = array<i32>} : memref<16x128xf32, #tpu.memory_space<vmem>>, vector<16xf32>,
        %get3A_432 = arith.index_cast %scan3A_184 : i32 to index
        %get3A_433 = arith.constant 224 : index
        %get3A_434 = tpu.vector_load %arg17[%get3A_432, %get3A_433] {strides = array<i32>} : memref<16x256xf32, #tpu.memory_space<vmem>>, vector<16xf32>,
        %mul3A_435 = arith.mulf %exp3A_389, %get3A_434 : vector<16xf32>
        %swap3A_436 = arith.index_cast %scan3A_184 : i32 to index
        %swap3A_437 = arith.constant 96 : index
        %swap3A_438 = tpu.vector_load %arg21[%swap3A_436, %swap3A_437] {strides = array<i32>} : memref<16x128xf32, #tpu.memory_space<vmem>>, vector<16xf32>,
        tpu.vector_store %arg21[%swap3A_436, %swap3A_437], %mul3A_435 {strides = array<i32>} : memref<16x128xf32, #tpu.memory_space<vmem>>, vector<16xf32>,
        %get3A_439 = arith.index_cast %scan3A_184 : i32 to index
        %get3A_440 = arith.constant 240 : index
        %get3A_441 = tpu.vector_load %arg17[%get3A_439, %get3A_440] {strides = array<i32>} : memref<16x256xf32, #tpu.memory_space<vmem>>, vector<16xf32>,
        %mul3A_442 = arith.mulf %exp3A_389, %get3A_441 : vector<16xf32>
        %swap3A_443 = arith.index_cast %scan3A_184 : i32 to index
        %swap3A_444 = arith.constant 112 : index
        %swap3A_445 = tpu.vector_load %arg21[%swap3A_443, %swap3A_444] {strides = array<i32>} : memref<16x128xf32, #tpu.memory_space<vmem>>, vector<16xf32>,
        tpu.vector_store %arg21[%swap3A_443, %swap3A_444], %mul3A_442 {strides = array<i32>} : memref<16x128xf32, #tpu.memory_space<vmem>>, vector<16xf32>,
        %eq3A_446 = vector.broadcast %scan3A_184 : i32 to vector<16xi32>
        %eq3A_447 = arith.cmpi eq, %iota3A_55, %eq3A_446 : vector<16xi32>
        tpu.vector_store_idx %arg23[%iota3A_55], %exp3A_389 masked %eq3A_447 : memref<16xf32, #tpu.memory_space<vmem>>[vector<16xi32>], vector<16xf32>, vector<16xi1>
        %scan3A_448 = arith.constant 1 : i32
        %scan3A_449 = arith.addi %scan3A_184, %scan3A_448 : i32
        %broadcast_in_dim3A_450 = arith.constant 0.000000e+00 : f32
        %broadcast_in_dim3A_451 = vector.broadcast %broadcast_in_dim3A_450 : f32 to vector<16xf32>
        %broadcast_in_dim3A_452 = arith.constant 0.000000e+00 : f32
        %broadcast_in_dim3A_453 = vector.broadcast %broadcast_in_dim3A_452 : f32 to vector<16xf32>
        %get3A_454 = arith.index_cast %scan3A_449 : i32 to index
        %get3A_455 = arith.constant 0 : index
        %get3A_456 = tpu.vector_load %arg15[%get3A_454, %get3A_455] {strides = array<i32>} : memref<16x128xf32, #tpu.memory_space<vmem>>, vector<16xf32>,
        %get3A_457 = arith.index_cast %scan3A_449 : i32 to index
        %get3A_458 = arith.constant 0 : index
        %get3A_459 = tpu.vector_load %arg17[%get3A_457, %get3A_458] {strides = array<i32>} : memref<16x256xf32, #tpu.memory_space<vmem>>, vector<16xf32>,
        %add3A_460 = arith.addf %get3A_456, %get3A_459 : vector<16xf32>
        %get3A_461 = arith.index_cast %scan3A_449 : i32 to index
        %get3A_462 = arith.constant 0 : index
        %get3A_463 = tpu.vector_load %arg19[%get3A_461, %get3A_462] {strides = array<i32>} : memref<16x128xf32, #tpu.memory_space<vmem>>, vector<16xf32>,
        %add3A_464 = arith.addf %add3A_460, %get3A_463 : vector<16xf32>
        %exp3A_465 = math.exp %add3A_464 : vector<16xf32>
        %add3A_466 = arith.constant 1.000000e+00 : f32
        %add3A_467 = vector.broadcast %add3A_466 : f32 to vector<16xf32>
        %add3A_468 = arith.addf %exp3A_465, %add3A_467 : vector<16xf32>
        %div3A_469 = arith.constant 1.000000e+00 : f32
        %div3A_470 = vector.broadcast %div3A_469 : f32 to vector<16xf32>
        %div3A_471 = arith.divf %div3A_470, %add3A_468 : vector<16xf32>
        %mul3A_472 = arith.mulf %get3A_38, %div3A_471 : vector<16xf32>
        %add3A_473 = arith.addf %broadcast_in_dim3A_451, %mul3A_472 : vector<16xf32>
        %get3A_474 = arith.index_cast %scan3A_449 : i32 to index
        %get3A_475 = arith.constant 16 : index
        %get3A_476 = tpu.vector_load %arg15[%get3A_474, %get3A_475] {strides = array<i32>} : memref<16x128xf32, #tpu.memory_space<vmem>>, vector<16xf32>,
        %get3A_477 = arith.index_cast %scan3A_449 : i32 to index
        %get3A_478 = arith.constant 16 : index
        %get3A_479 = tpu.vector_load %arg17[%get3A_477, %get3A_478] {strides = array<i32>} : memref<16x256xf32, #tpu.memory_space<vmem>>, vector<16xf32>,
        %add3A_480 = arith.addf %get3A_476, %get3A_479 : vector<16xf32>
        %get3A_481 = arith.index_cast %scan3A_449 : i32 to index
        %get3A_482 = arith.constant 16 : index
        %get3A_483 = tpu.vector_load %arg19[%get3A_481, %get3A_482] {strides = array<i32>} : memref<16x128xf32, #tpu.memory_space<vmem>>, vector<16xf32>,
        %add3A_484 = arith.addf %add3A_480, %get3A_483 : vector<16xf32>
        %exp3A_485 = math.exp %add3A_484 : vector<16xf32>
        %add3A_486 = arith.constant 1.000000e+00 : f32
        %add3A_487 = vector.broadcast %add3A_486 : f32 to vector<16xf32>
        %add3A_488 = arith.addf %exp3A_485, %add3A_487 : vector<16xf32>
        %div3A_489 = arith.constant 1.000000e+00 : f32
        %div3A_490 = vector.broadcast %div3A_489 : f32 to vector<16xf32>
        %div3A_491 = arith.divf %div3A_490, %add3A_488 : vector<16xf32>
        %mul3A_492 = arith.mulf %get3A_40, %div3A_491 : vector<16xf32>
        %add3A_493 = arith.addf %broadcast_in_dim3A_453, %mul3A_492 : vector<16xf32>
        %get3A_494 = arith.index_cast %scan3A_449 : i32 to index
        %get3A_495 = arith.constant 32 : index
        %get3A_496 = tpu.vector_load %arg15[%get3A_494, %get3A_495] {strides = array<i32>} : memref<16x128xf32, #tpu.memory_space<vmem>>, vector<16xf32>,
        %get3A_497 = arith.index_cast %scan3A_449 : i32 to index
        %get3A_498 = arith.constant 32 : index
        %get3A_499 = tpu.vector_load %arg17[%get3A_497, %get3A_498] {strides = array<i32>} : memref<16x256xf32, #tpu.memory_space<vmem>>, vector<16xf32>,
        %add3A_500 = arith.addf %get3A_496, %get3A_499 : vector<16xf32>
        %get3A_501 = arith.index_cast %scan3A_449 : i32 to index
        %get3A_502 = arith.constant 32 : index
        %get3A_503 = tpu.vector_load %arg19[%get3A_501, %get3A_502] {strides = array<i32>} : memref<16x128xf32, #tpu.memory_space<vmem>>, vector<16xf32>,
        %add3A_504 = arith.addf %add3A_500, %get3A_503 : vector<16xf32>
        %exp3A_505 = math.exp %add3A_504 : vector<16xf32>
        %add3A_506 = arith.constant 1.000000e+00 : f32
        %add3A_507 = vector.broadcast %add3A_506 : f32 to vector<16xf32>
        %add3A_508 = arith.addf %exp3A_505, %add3A_507 : vector<16xf32>
        %div3A_509 = arith.constant 1.000000e+00 : f32
        %div3A_510 = vector.broadcast %div3A_509 : f32 to vector<16xf32>
        %div3A_511 = arith.divf %div3A_510, %add3A_508 : vector<16xf32>
        %mul3A_512 = arith.mulf %get3A_42, %div3A_511 : vector<16xf32>
        %add3A_513 = arith.addf %add3A_473, %mul3A_512 : vector<16xf32>
        %get3A_514 = arith.index_cast %scan3A_449 : i32 to index
        %get3A_515 = arith.constant 48 : index
        %get3A_516 = tpu.vector_load %arg15[%get3A_514, %get3A_515] {strides = array<i32>} : memref<16x128xf32, #tpu.memory_space<vmem>>, vector<16xf32>,
        %get3A_517 = arith.index_cast %scan3A_449 : i32 to index
        %get3A_518 = arith.constant 48 : index
        %get3A_519 = tpu.vector_load %arg17[%get3A_517, %get3A_518] {strides = array<i32>} : memref<16x256xf32, #tpu.memory_space<vmem>>, vector<16xf32>,
        %add3A_520 = arith.addf %get3A_516, %get3A_519 : vector<16xf32>
        %get3A_521 = arith.index_cast %scan3A_449 : i32 to index
        %get3A_522 = arith.constant 48 : index
        %get3A_523 = tpu.vector_load %arg19[%get3A_521, %get3A_522] {strides = array<i32>} : memref<16x128xf32, #tpu.memory_space<vmem>>, vector<16xf32>,
        %add3A_524 = arith.addf %add3A_520, %get3A_523 : vector<16xf32>
        %exp3A_525 = math.exp %add3A_524 : vector<16xf32>
        %add3A_526 = arith.constant 1.000000e+00 : f32
        %add3A_527 = vector.broadcast %add3A_526 : f32 to vector<16xf32>
        %add3A_528 = arith.addf %exp3A_525, %add3A_527 : vector<16xf32>
        %div3A_529 = arith.constant 1.000000e+00 : f32
        %div3A_530 = vector.broadcast %div3A_529 : f32 to vector<16xf32>
        %div3A_531 = arith.divf %div3A_530, %add3A_528 : vector<16xf32>
        %mul3A_532 = arith.mulf %get3A_44, %div3A_531 : vector<16xf32>
        %add3A_533 = arith.addf %add3A_493, %mul3A_532 : vector<16xf32>
        %get3A_534 = arith.index_cast %scan3A_449 : i32 to index
        %get3A_535 = arith.constant 64 : index
        %get3A_536 = tpu.vector_load %arg15[%get3A_534, %get3A_535] {strides = array<i32>} : memref<16x128xf32, #tpu.memory_space<vmem>>, vector<16xf32>,
        %get3A_537 = arith.index_cast %scan3A_449 : i32 to index
        %get3A_538 = arith.constant 64 : index
        %get3A_539 = tpu.vector_load %arg17[%get3A_537, %get3A_538] {strides = array<i32>} : memref<16x256xf32, #tpu.memory_space<vmem>>, vector<16xf32>,
        %add3A_540 = arith.addf %get3A_536, %get3A_539 : vector<16xf32>
        %get3A_541 = arith.index_cast %scan3A_449 : i32 to index
        %get3A_542 = arith.constant 64 : index
        %get3A_543 = tpu.vector_load %arg19[%get3A_541, %get3A_542] {strides = array<i32>} : memref<16x128xf32, #tpu.memory_space<vmem>>, vector<16xf32>,
        %add3A_544 = arith.addf %add3A_540, %get3A_543 : vector<16xf32>
        %exp3A_545 = math.exp %add3A_544 : vector<16xf32>
        %add3A_546 = arith.constant 1.000000e+00 : f32
        %add3A_547 = vector.broadcast %add3A_546 : f32 to vector<16xf32>
        %add3A_548 = arith.addf %exp3A_545, %add3A_547 : vector<16xf32>
        %div3A_549 = arith.constant 1.000000e+00 : f32
        %div3A_550 = vector.broadcast %div3A_549 : f32 to vector<16xf32>
        %div3A_551 = arith.divf %div3A_550, %add3A_548 : vector<16xf32>
        %mul3A_552 = arith.mulf %get3A_46, %div3A_551 : vector<16xf32>
        %add3A_553 = arith.addf %add3A_513, %mul3A_552 : vector<16xf32>
        %get3A_554 = arith.index_cast %scan3A_449 : i32 to index
        %get3A_555 = arith.constant 80 : index
        %get3A_556 = tpu.vector_load %arg15[%get3A_554, %get3A_555] {strides = array<i32>} : memref<16x128xf32, #tpu.memory_space<vmem>>, vector<16xf32>,
        %get3A_557 = arith.index_cast %scan3A_449 : i32 to index
        %get3A_558 = arith.constant 80 : index
        %get3A_559 = tpu.vector_load %arg17[%get3A_557, %get3A_558] {strides = array<i32>} : memref<16x256xf32, #tpu.memory_space<vmem>>, vector<16xf32>,
        %add3A_560 = arith.addf %get3A_556, %get3A_559 : vector<16xf32>
        %get3A_561 = arith.index_cast %scan3A_449 : i32 to index
        %get3A_562 = arith.constant 80 : index
        %get3A_563 = tpu.vector_load %arg19[%get3A_561, %get3A_562] {strides = array<i32>} : memref<16x128xf32, #tpu.memory_space<vmem>>, vector<16xf32>,
        %add3A_564 = arith.addf %add3A_560, %get3A_563 : vector<16xf32>
        %exp3A_565 = math.exp %add3A_564 : vector<16xf32>
        %add3A_566 = arith.constant 1.000000e+00 : f32
        %add3A_567 = vector.broadcast %add3A_566 : f32 to vector<16xf32>
        %add3A_568 = arith.addf %exp3A_565, %add3A_567 : vector<16xf32>
        %div3A_569 = arith.constant 1.000000e+00 : f32
        %div3A_570 = vector.broadcast %div3A_569 : f32 to vector<16xf32>
        %div3A_571 = arith.divf %div3A_570, %add3A_568 : vector<16xf32>
        %mul3A_572 = arith.mulf %get3A_48, %div3A_571 : vector<16xf32>
        %add3A_573 = arith.addf %add3A_533, %mul3A_572 : vector<16xf32>
        %get3A_574 = arith.index_cast %scan3A_449 : i32 to index
        %get3A_575 = arith.constant 96 : index
        %get3A_576 = tpu.vector_load %arg15[%get3A_574, %get3A_575] {strides = array<i32>} : memref<16x128xf32, #tpu.memory_space<vmem>>, vector<16xf32>,
        %get3A_577 = arith.index_cast %scan3A_449 : i32 to index
        %get3A_578 = arith.constant 96 : index
        %get3A_579 = tpu.vector_load %arg17[%get3A_577, %get3A_578] {strides = array<i32>} : memref<16x256xf32, #tpu.memory_space<vmem>>, vector<16xf32>,
        %add3A_580 = arith.addf %get3A_576, %get3A_579 : vector<16xf32>
        %get3A_581 = arith.index_cast %scan3A_449 : i32 to index
        %get3A_582 = arith.constant 96 : index
        %get3A_583 = tpu.vector_load %arg19[%get3A_581, %get3A_582] {strides = array<i32>} : memref<16x128xf32, #tpu.memory_space<vmem>>, vector<16xf32>,
        %add3A_584 = arith.addf %add3A_580, %get3A_583 : vector<16xf32>
        %exp3A_585 = math.exp %add3A_584 : vector<16xf32>
        %add3A_586 = arith.constant 1.000000e+00 : f32
        %add3A_587 = vector.broadcast %add3A_586 : f32 to vector<16xf32>
        %add3A_588 = arith.addf %exp3A_585, %add3A_587 : vector<16xf32>
        %div3A_589 = arith.constant 1.000000e+00 : f32
        %div3A_590 = vector.broadcast %div3A_589 : f32 to vector<16xf32>
        %div3A_591 = arith.divf %div3A_590, %add3A_588 : vector<16xf32>
        %mul3A_592 = arith.mulf %get3A_50, %div3A_591 : vector<16xf32>
        %add3A_593 = arith.addf %add3A_553, %mul3A_592 : vector<16xf32>
        %get3A_594 = arith.index_cast %scan3A_449 : i32 to index
        %get3A_595 = arith.constant 112 : index
        %get3A_596 = tpu.vector_load %arg15[%get3A_594, %get3A_595] {strides = array<i32>} : memref<16x128xf32, #tpu.memory_space<vmem>>, vector<16xf32>,
        %get3A_597 = arith.index_cast %scan3A_449 : i32 to index
        %get3A_598 = arith.constant 112 : index
        %get3A_599 = tpu.vector_load %arg17[%get3A_597, %get3A_598] {strides = array<i32>} : memref<16x256xf32, #tpu.memory_space<vmem>>, vector<16xf32>,
        %add3A_600 = arith.addf %get3A_596, %get3A_599 : vector<16xf32>
        %get3A_601 = arith.index_cast %scan3A_449 : i32 to index
        %get3A_602 = arith.constant 112 : index
        %get3A_603 = tpu.vector_load %arg19[%get3A_601, %get3A_602] {strides = array<i32>} : memref<16x128xf32, #tpu.memory_space<vmem>>, vector<16xf32>,
        %add3A_604 = arith.addf %add3A_600, %get3A_603 : vector<16xf32>
        %exp3A_605 = math.exp %add3A_604 : vector<16xf32>
        %add3A_606 = arith.constant 1.000000e+00 : f32
        %add3A_607 = vector.broadcast %add3A_606 : f32 to vector<16xf32>
        %add3A_608 = arith.addf %exp3A_605, %add3A_607 : vector<16xf32>
        %div3A_609 = arith.constant 1.000000e+00 : f32
        %div3A_610 = vector.broadcast %div3A_609 : f32 to vector<16xf32>
        %div3A_611 = arith.divf %div3A_610, %add3A_608 : vector<16xf32>
        %mul3A_612 = arith.mulf %get3A_52, %div3A_611 : vector<16xf32>
        %add3A_613 = arith.addf %add3A_573, %mul3A_612 : vector<16xf32>
        %add3A_614 = arith.addf %add3A_593, %add3A_613 : vector<16xf32>
        %lt3A_615 = arith.constant 0 : i32
        %lt3A_616 = vector.broadcast %lt3A_615 : i32 to vector<16xi32>
        %lt3A_617 = arith.cmpi slt, %and3A_60, %lt3A_616 : vector<16xi32>
        %add3A_618 = arith.constant 16 : i32
        %add3A_619 = vector.broadcast %add3A_618 : i32 to vector<16xi32>
        %add3A_620 = arith.addi %and3A_60, %add3A_619 : vector<16xi32>
        %select_n3A_621 = arith.select %lt3A_617, %add3A_620, %and3A_60 : vector<16xi1>, vector<16xi32>
        %broadcast_in_dim3A_622 = vector.shape_cast %select_n3A_621 : vector<16xi32> to vector<16x1xi32>
        %gather3A_623 = vector.shape_cast %broadcast_in_dim3A_622 : vector<16x1xi32> to vector<16xi32>
        %gather3A_624 = tpu.dynamic_gather %add3A_614[%gather3A_623] in [0] : vector<16xf32>, vector<16xi32> -> vector<16xf32>
        %add3A_625 = arith.addf %add3A_614, %gather3A_624 : vector<16xf32>
        %lt3A_626 = arith.constant 0 : i32
        %lt3A_627 = vector.broadcast %lt3A_626 : i32 to vector<16xi32>
        %lt3A_628 = arith.cmpi slt, %and3A_66, %lt3A_627 : vector<16xi32>
        %add3A_629 = arith.constant 16 : i32
        %add3A_630 = vector.broadcast %add3A_629 : i32 to vector<16xi32>
        %add3A_631 = arith.addi %and3A_66, %add3A_630 : vector<16xi32>
        %select_n3A_632 = arith.select %lt3A_628, %add3A_631, %and3A_66 : vector<16xi1>, vector<16xi32>
        %broadcast_in_dim3A_633 = vector.shape_cast %select_n3A_632 : vector<16xi32> to vector<16x1xi32>
        %gather3A_634 = vector.shape_cast %broadcast_in_dim3A_633 : vector<16x1xi32> to vector<16xi32>
        %gather3A_635 = tpu.dynamic_gather %add3A_625[%gather3A_634] in [0] : vector<16xf32>, vector<16xi32> -> vector<16xf32>
        %add3A_636 = arith.addf %add3A_625, %gather3A_635 : vector<16xf32>
        %lt3A_637 = arith.constant 0 : i32
        %lt3A_638 = vector.broadcast %lt3A_637 : i32 to vector<16xi32>
        %lt3A_639 = arith.cmpi slt, %and3A_72, %lt3A_638 : vector<16xi32>
        %add3A_640 = arith.constant 16 : i32
        %add3A_641 = vector.broadcast %add3A_640 : i32 to vector<16xi32>
        %add3A_642 = arith.addi %and3A_72, %add3A_641 : vector<16xi32>
        %select_n3A_643 = arith.select %lt3A_639, %add3A_642, %and3A_72 : vector<16xi1>, vector<16xi32>
        %broadcast_in_dim3A_644 = vector.shape_cast %select_n3A_643 : vector<16xi32> to vector<16x1xi32>
        %gather3A_645 = vector.shape_cast %broadcast_in_dim3A_644 : vector<16x1xi32> to vector<16xi32>
        %gather3A_646 = tpu.dynamic_gather %add3A_636[%gather3A_645] in [0] : vector<16xf32>, vector<16xi32> -> vector<16xf32>
        %add3A_647 = arith.addf %add3A_636, %gather3A_646 : vector<16xf32>
        %lt3A_648 = arith.constant 0 : i32
        %lt3A_649 = vector.broadcast %lt3A_648 : i32 to vector<16xi32>
        %lt3A_650 = arith.cmpi slt, %and3A_78, %lt3A_649 : vector<16xi32>
        %add3A_651 = arith.constant 16 : i32
        %add3A_652 = vector.broadcast %add3A_651 : i32 to vector<16xi32>
        %add3A_653 = arith.addi %and3A_78, %add3A_652 : vector<16xi32>
        %select_n3A_654 = arith.select %lt3A_650, %add3A_653, %and3A_78 : vector<16xi1>, vector<16xi32>
        %broadcast_in_dim3A_655 = vector.shape_cast %select_n3A_654 : vector<16xi32> to vector<16x1xi32>
        %gather3A_656 = vector.shape_cast %broadcast_in_dim3A_655 : vector<16x1xi32> to vector<16xi32>
        %gather3A_657 = tpu.dynamic_gather %add3A_647[%gather3A_656] in [0] : vector<16xf32>, vector<16xi32> -> vector<16xf32>
        %add3A_658 = arith.addf %add3A_647, %gather3A_657 : vector<16xf32>
        %sub3A_659 = arith.subf %get3A_54, %add3A_658 : vector<16xf32>
        %exp3A_660 = math.exp %sub3A_659 : vector<16xf32>
        %get3A_661 = arith.index_cast %scan3A_449 : i32 to index
        %get3A_662 = arith.constant 128 : index
        %get3A_663 = tpu.vector_load %arg17[%get3A_661, %get3A_662] {strides = array<i32>} : memref<16x256xf32, #tpu.memory_space<vmem>>, vector<16xf32>,
        %mul3A_664 = arith.mulf %exp3A_660, %get3A_663 : vector<16xf32>
        %swap3A_665 = arith.index_cast %scan3A_449 : i32 to index
        %swap3A_666 = arith.constant 0 : index
        %swap3A_667 = tpu.vector_load %arg21[%swap3A_665, %swap3A_666] {strides = array<i32>} : memref<16x128xf32, #tpu.memory_space<vmem>>, vector<16xf32>,
        tpu.vector_store %arg21[%swap3A_665, %swap3A_666], %mul3A_664 {strides = array<i32>} : memref<16x128xf32, #tpu.memory_space<vmem>>, vector<16xf32>,
        %get3A_668 = arith.index_cast %scan3A_449 : i32 to index
        %get3A_669 = arith.constant 144 : index
        %get3A_670 = tpu.vector_load %arg17[%get3A_668, %get3A_669] {strides = array<i32>} : memref<16x256xf32, #tpu.memory_space<vmem>>, vector<16xf32>,
        %mul3A_671 = arith.mulf %exp3A_660, %get3A_670 : vector<16xf32>
        %swap3A_672 = arith.index_cast %scan3A_449 : i32 to index
        %swap3A_673 = arith.constant 16 : index
        %swap3A_674 = tpu.vector_load %arg21[%swap3A_672, %swap3A_673] {strides = array<i32>} : memref<16x128xf32, #tpu.memory_space<vmem>>, vector<16xf32>,
        tpu.vector_store %arg21[%swap3A_672, %swap3A_673], %mul3A_671 {strides = array<i32>} : memref<16x128xf32, #tpu.memory_space<vmem>>, vector<16xf32>,
        %get3A_675 = arith.index_cast %scan3A_449 : i32 to index
        %get3A_676 = arith.constant 160 : index
        %get3A_677 = tpu.vector_load %arg17[%get3A_675, %get3A_676] {strides = array<i32>} : memref<16x256xf32, #tpu.memory_space<vmem>>, vector<16xf32>,
        %mul3A_678 = arith.mulf %exp3A_660, %get3A_677 : vector<16xf32>
        %swap3A_679 = arith.index_cast %scan3A_449 : i32 to index
        %swap3A_680 = arith.constant 32 : index
        %swap3A_681 = tpu.vector_load %arg21[%swap3A_679, %swap3A_680] {strides = array<i32>} : memref<16x128xf32, #tpu.memory_space<vmem>>, vector<16xf32>,
        tpu.vector_store %arg21[%swap3A_679, %swap3A_680], %mul3A_678 {strides = array<i32>} : memref<16x128xf32, #tpu.memory_space<vmem>>, vector<16xf32>,
        %get3A_682 = arith.index_cast %scan3A_449 : i32 to index
        %get3A_683 = arith.constant 176 : index
        %get3A_684 = tpu.vector_load %arg17[%get3A_682, %get3A_683] {strides = array<i32>} : memref<16x256xf32, #tpu.memory_space<vmem>>, vector<16xf32>,
        %mul3A_685 = arith.mulf %exp3A_660, %get3A_684 : vector<16xf32>
        %swap3A_686 = arith.index_cast %scan3A_449 : i32 to index
        %swap3A_687 = arith.constant 48 : index
        %swap3A_688 = tpu.vector_load %arg21[%swap3A_686, %swap3A_687] {strides = array<i32>} : memref<16x128xf32, #tpu.memory_space<vmem>>, vector<16xf32>,
        tpu.vector_store %arg21[%swap3A_686, %swap3A_687], %mul3A_685 {strides = array<i32>} : memref<16x128xf32, #tpu.memory_space<vmem>>, vector<16xf32>,
        %get3A_689 = arith.index_cast %scan3A_449 : i32 to index
        %get3A_690 = arith.constant 192 : index
        %get3A_691 = tpu.vector_load %arg17[%get3A_689, %get3A_690] {strides = array<i32>} : memref<16x256xf32, #tpu.memory_space<vmem>>, vector<16xf32>,
        %mul3A_692 = arith.mulf %exp3A_660, %get3A_691 : vector<16xf32>
        %swap3A_693 = arith.index_cast %scan3A_449 : i32 to index
        %swap3A_694 = arith.constant 64 : index
        %swap3A_695 = tpu.vector_load %arg21[%swap3A_693, %swap3A_694] {strides = array<i32>} : memref<16x128xf32, #tpu.memory_space<vmem>>, vector<16xf32>,
        tpu.vector_store %arg21[%swap3A_693, %swap3A_694], %mul3A_692 {strides = array<i32>} : memref<16x128xf32, #tpu.memory_space<vmem>>, vector<16xf32>,
        %get3A_696 = arith.index_cast %scan3A_449 : i32 to index
        %get3A_697 = arith.constant 208 : index
        %get3A_698 = tpu.vector_load %arg17[%get3A_696, %get3A_697] {strides = array<i32>} : memref<16x256xf32, #tpu.memory_space<vmem>>, vector<16xf32>,
        %mul3A_699 = arith.mulf %exp3A_660, %get3A_698 : vector<16xf32>
        %swap3A_700 = arith.index_cast %scan3A_449 : i32 to index
        %swap3A_701 = arith.constant 80 : index
        %swap3A_702 = tpu.vector_load %arg21[%swap3A_700, %swap3A_701] {strides = array<i32>} : memref<16x128xf32, #tpu.memory_space<vmem>>, vector<16xf32>,
        tpu.vector_store %arg21[%swap3A_700, %swap3A_701], %mul3A_699 {strides = array<i32>} : memref<16x128xf32, #tpu.memory_space<vmem>>, vector<16xf32>,
        %get3A_703 = arith.index_cast %scan3A_449 : i32 to index
        %get3A_704 = arith.constant 224 : index
        %get3A_705 = tpu.vector_load %arg17[%get3A_703, %get3A_704] {strides = array<i32>} : memref<16x256xf32, #tpu.memory_space<vmem>>, vector<16xf32>,
        %mul3A_706 = arith.mulf %exp3A_660, %get3A_705 : vector<16xf32>
        %swap3A_707 = arith.index_cast %scan3A_449 : i32 to index
        %swap3A_708 = arith.constant 96 : index
        %swap3A_709 = tpu.vector_load %arg21[%swap3A_707, %swap3A_708] {strides = array<i32>} : memref<16x128xf32, #tpu.memory_space<vmem>>, vector<16xf32>,
        tpu.vector_store %arg21[%swap3A_707, %swap3A_708], %mul3A_706 {strides = array<i32>} : memref<16x128xf32, #tpu.memory_space<vmem>>, vector<16xf32>,
        %get3A_710 = arith.index_cast %scan3A_449 : i32 to index
        %get3A_711 = arith.constant 240 : index
        %get3A_712 = tpu.vector_load %arg17[%get3A_710, %get3A_711] {strides = array<i32>} : memref<16x256xf32, #tpu.memory_space<vmem>>, vector<16xf32>,
        %mul3A_713 = arith.mulf %exp3A_660, %get3A_712 : vector<16xf32>
        %swap3A_714 = arith.index_cast %scan3A_449 : i32 to index
        %swap3A_715 = arith.constant 112 : index
        %swap3A_716 = tpu.vector_load %arg21[%swap3A_714, %swap3A_715] {strides = array<i32>} : memref<16x128xf32, #tpu.memory_space<vmem>>, vector<16xf32>,
        tpu.vector_store %arg21[%swap3A_714, %swap3A_715], %mul3A_713 {strides = array<i32>} : memref<16x128xf32, #tpu.memory_space<vmem>>, vector<16xf32>,
        %eq3A_717 = vector.broadcast %scan3A_449 : i32 to vector<16xi32>
        %eq3A_718 = arith.cmpi eq, %iota3A_55, %eq3A_717 : vector<16xi32>
        tpu.vector_store_idx %arg23[%iota3A_55], %exp3A_660 masked %eq3A_718 : memref<16xf32, #tpu.memory_space<vmem>>[vector<16xi32>], vector<16xf32>, vector<16xi1>
      }
      %scan3A_167 = arith.constant 16 : i32
      %multiple_of3A_168 = arith.constant 1984 : i32
      %multiple_of3A_169 = tpu.assume_multiple %multiple_of3A_168, 8 : i32
      %get3A_170 = arith.index_cast %multiple_of3A_169 : i32 to index
      %get3A_171 = tpu.vector_load %arg13[%get3A_170] {strides = array<i32>} : memref<2000xi32, #tpu.memory_space<vmem>>, vector<16xi32>,
      %swap3A_172 = arith.constant 0 : index
      %swap3A_173 = tpu.vector_load %arg24[%swap3A_172] {strides = array<i32>} : memref<16xi32, #tpu.memory_space<vmem>>, vector<16xi32>,
      tpu.vector_store %arg24[%swap3A_172], %get3A_171 {strides = array<i32>} : memref<16xi32, #tpu.memory_space<vmem>>, vector<16xi32>,
      %get3A_174 = arith.constant 0 : index
      %get3A_175 = tpu.vector_load %arg23[%get3A_174] {strides = array<i32>} : memref<16xf32, #tpu.memory_space<vmem>>, vector<16xf32>,
      %shift_right_logical3A = arith.constant 7 : i32
      %shift_right_logical3A_176 = vector.broadcast %shift_right_logical3A : i32 to vector<16xi32>
      %shift_right_logical3A_177 = arith.shrui %get3A_171, %shift_right_logical3A_176 : vector<16xi32>
      %and3A_178 = arith.constant 127 : i32
      %and3A_179 = vector.broadcast %and3A_178 : i32 to vector<16xi32>
      %and3A_180 = arith.andi %get3A_171, %and3A_179 : vector<16xi32>
      tpu.vector_store_idx %arg26[%shift_right_logical3A_177, %and3A_180], %get3A_175 {add = true} : memref<80x128xf32, #tpu.memory_space<vmem>>[vector<16xi32>, vector<16xi32>], vector<16xf32>,
      %dma_start3A_181 = arith.constant 0 : i32
      %dma_start3A_182 = arith.constant 0 : i32
      %dma_start3A_183 = tpu.memref_slice %arg11[%dma_start3A_181, %dma_start3A_182] : memref<10000x128xf32, #tpu.memory_space<vmem_shared>> -> memref<10000x128xf32, #tpu.memory_space<vmem_shared>>
      tpu.enqueue_indirect_dma source(%arg21 : memref<16x128xf32, #tpu.memory_space<vmem>>) target(%dma_start3A_183 : memref<10000x128xf32, #tpu.memory_space<vmem_shared>>) offsets(%arg24 : memref<16xi32, #tpu.memory_space<vmem>>) semaphore(%arg31 : memref<!tpu.dma_semaphore, #tpu.memory_space<semaphore_mem>>) {add = true}
    }
    %scan3A_83 = arith.constant 5 : i32
    %dma_wait3A = arith.constant 0 : i32
    %dma_wait3A_84 = arith.constant 0 : i32
    %dma_wait3A_85 = tpu.memref_slice %arg11[%dma_wait3A, %dma_wait3A_84] : memref<10000x128xf32, #tpu.memory_space<vmem_shared>> -> memref<16x128xf32, #tpu.memory_space<vmem_shared>>
    %dma_wait3A_86 = arith.constant 0 : i32
    %dma_wait3A_87 = arith.constant 0 : i32
    %dma_wait3A_88 = tpu.memref_slice %arg11[%dma_wait3A_86, %dma_wait3A_87] : memref<10000x128xf32, #tpu.memory_space<vmem_shared>> -> memref<16x128xf32, #tpu.memory_space<vmem_shared>>
    tpu.wait_dma2 semaphore(%arg31 : memref<!tpu.dma_semaphore, #tpu.memory_space<semaphore_mem>>) src(%arg21 : memref<16x128xf32, #tpu.memory_space<vmem>>) dst(%dma_wait3A_88 : memref<16x128xf32, #tpu.memory_space<vmem_shared>>)
    %dma_wait3A_89 = arith.constant 0 : i32
    %dma_wait3A_90 = arith.constant 0 : i32
    %dma_wait3A_91 = tpu.memref_slice %arg11[%dma_wait3A_89, %dma_wait3A_90] : memref<10000x128xf32, #tpu.memory_space<vmem_shared>> -> memref<16x128xf32, #tpu.memory_space<vmem_shared>>
    %dma_wait3A_92 = arith.constant 0 : i32
    %dma_wait3A_93 = arith.constant 0 : i32
    %dma_wait3A_94 = tpu.memref_slice %arg11[%dma_wait3A_92, %dma_wait3A_93] : memref<10000x128xf32, #tpu.memory_space<vmem_shared>> -> memref<16x128xf32, #tpu.memory_space<vmem_shared>>
    tpu.wait_dma2 semaphore(%arg32 : memref<!tpu.dma_semaphore, #tpu.memory_space<semaphore_mem>>) src(%arg22 : memref<16x128xf32, #tpu.memory_space<vmem>>) dst(%dma_wait3A_94 : memref<16x128xf32, #tpu.memory_space<vmem_shared>>)
    "tpu.region"() ({
      %run_scoped3A = tpu.sem_alloc : memref<!tpu.dma_semaphore, #tpu.memory_space<semaphore_mem>>
      %dma_start3A = arith.constant 0 : i32
      %dma_start3A_106 = arith.constant 0 : i32
      %dma_start3A_107 = tpu.memref_slice %arg12[%dma_start3A, %dma_start3A_106] : memref<80x128xf32, #tpu.memory_space<vmem_shared>> -> memref<80x128xf32, #tpu.memory_space<vmem_shared>>
      tpu.enqueue_indirect_dma source(%arg26 : memref<80x128xf32, #tpu.memory_space<vmem>>) target(%dma_start3A_107 : memref<80x128xf32, #tpu.memory_space<vmem_shared>>) offsets(%arg28 : memref<80xi32, #tpu.memory_space<vmem>>) semaphore(%run_scoped3A : memref<!tpu.dma_semaphore, #tpu.memory_space<semaphore_mem>>) {add = true}
      %dma_wait3A_108 = arith.constant 0 : i32
      %dma_wait3A_109 = arith.constant 0 : i32
      %dma_wait3A_110 = tpu.memref_slice %arg12[%dma_wait3A_108, %dma_wait3A_109] : memref<80x128xf32, #tpu.memory_space<vmem_shared>> -> memref<80x128xf32, #tpu.memory_space<vmem_shared>>
      tpu.wait_indirect_dma semaphore(%run_scoped3A : memref<!tpu.dma_semaphore, #tpu.memory_space<semaphore_mem>>) src(%arg26 : memref<80x128xf32, #tpu.memory_space<vmem>>) dst(%dma_wait3A_110 : memref<80x128xf32, #tpu.memory_space<vmem_shared>>)
      tpu.yield
    }) : () -> ()
    %barrier3A_95 = arith.constant 0 : index
    tpu.barrier barrier_id(%barrier3A_95)
    "tpu.region"() ({
      %run_scoped3A = tpu.sem_alloc : memref<!tpu.dma_semaphore, #tpu.memory_space<semaphore_mem>>
      %dma_start3A = arith.constant 0 : i32
      %dma_start3A_106 = tpu.memref_slice %arg9[%arg0, %multiple_of3A, %dma_start3A] : memref<2x10000x128xf32, #tpu.memory_space<hbm>> -> memref<1x624x128xf32, #tpu.memory_space<hbm>>
      %dma_start3A_107 = tpu.memref_squeeze %dma_start3A_106 : memref<1x624x128xf32, #tpu.memory_space<hbm>> -> memref<624x128xf32, #tpu.memory_space<hbm>>
      %dma_start3A_108 = arith.constant 0 : i32
      %dma_start3A_109 = tpu.memref_slice %arg11[%multiple_of3A, %dma_start3A_108] : memref<10000x128xf32, #tpu.memory_space<vmem_shared>> -> memref<624x128xf32, #tpu.memory_space<vmem_shared>>
      tpu.enqueue_dma source(%dma_start3A_109 : memref<624x128xf32, #tpu.memory_space<vmem_shared>>) target(%dma_start3A_107 : memref<624x128xf32, #tpu.memory_space<hbm>>) target_semaphore(%run_scoped3A : memref<!tpu.dma_semaphore, #tpu.memory_space<semaphore_mem>>)
      %dma_wait3A_110 = arith.constant 0 : i32
      %dma_wait3A_111 = tpu.memref_slice %arg9[%arg0, %multiple_of3A, %dma_wait3A_110] : memref<2x10000x128xf32, #tpu.memory_space<hbm>> -> memref<1x624x128xf32, #tpu.memory_space<hbm>>
      %dma_wait3A_112 = tpu.memref_squeeze %dma_wait3A_111 : memref<1x624x128xf32, #tpu.memory_space<hbm>> -> memref<624x128xf32, #tpu.memory_space<hbm>>
      %dma_wait3A_113 = arith.constant 0 : i32
      %dma_wait3A_114 = tpu.memref_slice %arg11[%multiple_of3A, %dma_wait3A_113] : memref<10000x128xf32, #tpu.memory_space<vmem_shared>> -> memref<624x128xf32, #tpu.memory_space<vmem_shared>>
      tpu.wait_dma2 semaphore(%run_scoped3A : memref<!tpu.dma_semaphore, #tpu.memory_space<semaphore_mem>>) src(%dma_wait3A_114 : memref<624x128xf32, #tpu.memory_space<vmem_shared>>) dst(%dma_wait3A_112 : memref<624x128xf32, #tpu.memory_space<hbm>>)
      tpu.yield
    }) : () -> ()
    %eq3A_96 = arith.constant 15 : i32
    %eq3A_97 = arith.cmpi eq, %arg1, %eq3A_96 : i32
    %convert_element_type3A_98 = arith.extui %eq3A_97 : i1 to i32
    %cond3A_99 = arith.constant 0 : i32
    %cond3A_100 = arith.cmpi ne, %convert_element_type3A_98, %cond3A_99 : i32
    scf.if %cond3A_100 {
      "tpu.region"() ({
        %run_scoped3A = tpu.sem_alloc : memref<!tpu.dma_semaphore, #tpu.memory_space<semaphore_mem>>
        %dma_start3A = arith.constant 9984 : i32
        %dma_start3A_106 = arith.constant 0 : i32
        %dma_start3A_107 = tpu.memref_slice %arg9[%arg0, %dma_start3A, %dma_start3A_106] : memref<2x10000x128xf32, #tpu.memory_space<hbm>> -> memref<1x16x128xf32, #tpu.memory_space<hbm>>
        %dma_start3A_108 = tpu.memref_squeeze %dma_start3A_107 : memref<1x16x128xf32, #tpu.memory_space<hbm>> -> memref<16x128xf32, #tpu.memory_space<hbm>>
        %dma_start3A_109 = arith.constant 9984 : i32
        %dma_start3A_110 = arith.constant 0 : i32
        %dma_start3A_111 = tpu.memref_slice %arg11[%dma_start3A_109, %dma_start3A_110] : memref<10000x128xf32, #tpu.memory_space<vmem_shared>> -> memref<16x128xf32, #tpu.memory_space<vmem_shared>>
        tpu.enqueue_dma source(%dma_start3A_111 : memref<16x128xf32, #tpu.memory_space<vmem_shared>>) target(%dma_start3A_108 : memref<16x128xf32, #tpu.memory_space<hbm>>) target_semaphore(%run_scoped3A : memref<!tpu.dma_semaphore, #tpu.memory_space<semaphore_mem>>)
        %dma_wait3A_112 = arith.constant 9984 : i32
        %dma_wait3A_113 = arith.constant 0 : i32
        %dma_wait3A_114 = tpu.memref_slice %arg9[%arg0, %dma_wait3A_112, %dma_wait3A_113] : memref<2x10000x128xf32, #tpu.memory_space<hbm>> -> memref<1x16x128xf32, #tpu.memory_space<hbm>>
        %dma_wait3A_115 = tpu.memref_squeeze %dma_wait3A_114 : memref<1x16x128xf32, #tpu.memory_space<hbm>> -> memref<16x128xf32, #tpu.memory_space<hbm>>
        %dma_wait3A_116 = arith.constant 9984 : i32
        %dma_wait3A_117 = arith.constant 0 : i32
        %dma_wait3A_118 = tpu.memref_slice %arg11[%dma_wait3A_116, %dma_wait3A_117] : memref<10000x128xf32, #tpu.memory_space<vmem_shared>> -> memref<16x128xf32, #tpu.memory_space<vmem_shared>>
        tpu.wait_dma2 semaphore(%run_scoped3A : memref<!tpu.dma_semaphore, #tpu.memory_space<semaphore_mem>>) src(%dma_wait3A_118 : memref<16x128xf32, #tpu.memory_space<vmem_shared>>) dst(%dma_wait3A_115 : memref<16x128xf32, #tpu.memory_space<hbm>>)
        tpu.yield
      }) : () -> ()
    } else {
    }
    %eq3A_101 = arith.constant 0 : i32
    %eq3A_102 = arith.cmpi eq, %arg1, %eq3A_101 : i32
    %convert_element_type3A_103 = arith.extui %eq3A_102 : i1 to i32
    %cond3A_104 = arith.constant 0 : i32
    %cond3A_105 = arith.cmpi ne, %convert_element_type3A_103, %cond3A_104 : i32
    scf.if %cond3A_105 {
      "tpu.region"() ({
        %run_scoped3A = tpu.sem_alloc : memref<!tpu.dma_semaphore, #tpu.memory_space<semaphore_mem>>
        %dma_start3A = arith.constant 0 : i32
        %dma_start3A_106 = arith.constant 0 : i32
        %dma_start3A_107 = tpu.memref_slice %arg10[%arg0, %dma_start3A, %dma_start3A_106] : memref<2x80x128xf32, #tpu.memory_space<hbm>> -> memref<1x80x128xf32, #tpu.memory_space<hbm>>
        %dma_start3A_108 = tpu.memref_squeeze %dma_start3A_107 : memref<1x80x128xf32, #tpu.memory_space<hbm>> -> memref<80x128xf32, #tpu.memory_space<hbm>>
        tpu.enqueue_dma source(%arg12 : memref<80x128xf32, #tpu.memory_space<vmem_shared>>) target(%dma_start3A_108 : memref<80x128xf32, #tpu.memory_space<hbm>>) target_semaphore(%run_scoped3A : memref<!tpu.dma_semaphore, #tpu.memory_space<semaphore_mem>>)
        %dma_wait3A_109 = arith.constant 0 : i32
        %dma_wait3A_110 = arith.constant 0 : i32
        %dma_wait3A_111 = tpu.memref_slice %arg10[%arg0, %dma_wait3A_109, %dma_wait3A_110] : memref<2x80x128xf32, #tpu.memory_space<hbm>> -> memref<1x80x128xf32, #tpu.memory_space<hbm>>
        %dma_wait3A_112 = tpu.memref_squeeze %dma_wait3A_111 : memref<1x80x128xf32, #tpu.memory_space<hbm>> -> memref<80x128xf32, #tpu.memory_space<hbm>>
        tpu.wait_dma2 semaphore(%run_scoped3A : memref<!tpu.dma_semaphore, #tpu.memory_space<semaphore_mem>>) src(%arg12 : memref<80x128xf32, #tpu.memory_space<vmem_shared>>) dst(%dma_wait3A_112 : memref<80x128xf32, #tpu.memory_space<hbm>>)
        tpu.yield
      }) : () -> ()
    } else {
    }
    return
  }
}

module attributes {stable_mosaic.version = 14 : i64} {
  func.func @_node_body(%arg0: i32, %arg1: memref<400x128xf32, #tpu.memory_space<vmem>>, %arg2: memref<128x128xf32, #tpu.memory_space<vmem>>, %arg3: memref<1x128xf32, #tpu.memory_space<vmem>>, %arg4: memref<128x128xf32, #tpu.memory_space<vmem>>, %arg5: memref<128x128xf32, #tpu.memory_space<vmem>>, %arg6: memref<400x128xf32, #tpu.memory_space<vmem>>, %arg7: memref<400x256xf32, #tpu.memory_space<vmem>>) attributes {dimension_semantics = [#tpu.dimension_semantics<arbitrary>], iteration_bounds = array<i64: 25>, scalar_prefetch = 0 : i64, scratch_operands = 0 : i64, tpu.core_type = #tpu.core_type<tc>, window_params = [{transform_indices = @transform_0, window_bounds = array<i64: 400, 128>}, {pipeline_mode = #tpu.pipeline_mode<synchronous>, transform_indices = @transform_1, window_bounds = array<i64: 128, 128>}, {pipeline_mode = #tpu.pipeline_mode<synchronous>, transform_indices = @transform_2, window_bounds = array<i64: 1, 128>}, {pipeline_mode = #tpu.pipeline_mode<synchronous>, transform_indices = @transform_3, window_bounds = array<i64: 128, 128>}, {pipeline_mode = #tpu.pipeline_mode<synchronous>, transform_indices = @transform_4, window_bounds = array<i64: 128, 128>}, {transform_indices = @transform_5, window_bounds = array<i64: 400, 128>}, {transform_indices = @transform_6, window_bounds = array<i64: 400, 256>}]} {
    %get3A = arith.constant 0 : index
    %get3A_0 = arith.constant 0 : index
    %get3A_1 = vector.load %arg1[%get3A, %get3A_0] : memref<400x128xf32, #tpu.memory_space<vmem>>, vector<400x128xf32>
    %get3A_2 = arith.constant 0 : index
    %get3A_3 = arith.constant 0 : index
    %get3A_4 = vector.load %arg2[%get3A_2, %get3A_3] : memref<128x128xf32, #tpu.memory_space<vmem>>, vector<128x128xf32>
    %dot_general3A = arith.constant dense<0.000000e+00> : vector<400x128xf32>
    %dot_general3A_5 = tpu.matmul %get3A_1, %get3A_4, %dot_general3A {dimension_numbers = #tpu.dot_dimension_numbers<[1], [0], [0], [1], [0, 0, 1, 1], [], []>, transpose_lhs_hint = false} : vector<400x128xf32>, vector<128x128xf32>, vector<400x128xf32> -> vector<400x128xf32>
    %get3A_6 = arith.constant 0 : index
    %get3A_7 = arith.constant 0 : index
    %get3A_8 = vector.load %arg3[%get3A_6, %get3A_7] : memref<1x128xf32, #tpu.memory_space<vmem>>, vector<1x128xf32>
    %add3A = vector.broadcast %get3A_8 : vector<1x128xf32> to vector<400x128xf32>
    %add3A_9 = arith.addf %dot_general3A_5, %add3A : vector<400x128xf32>
    %get3A_10 = arith.constant 0 : index
    %get3A_11 = arith.constant 0 : index
    %get3A_12 = vector.load %arg4[%get3A_10, %get3A_11] : memref<128x128xf32, #tpu.memory_space<vmem>>, vector<128x128xf32>
    %dot_general3A_13 = arith.constant dense<0.000000e+00> : vector<400x128xf32>
    %dot_general3A_14 = tpu.matmul %add3A_9, %get3A_12, %dot_general3A_13 {dimension_numbers = #tpu.dot_dimension_numbers<[1], [0], [0], [1], [0, 0, 1, 1], [], []>, transpose_lhs_hint = false} : vector<400x128xf32>, vector<128x128xf32>, vector<400x128xf32> -> vector<400x128xf32>
    %swap3A = arith.constant 0 : index
    %swap3A_15 = arith.constant 0 : index
    %swap3A_16 = vector.load %arg6[%swap3A, %swap3A_15] : memref<400x128xf32, #tpu.memory_space<vmem>>, vector<400x128xf32>
    tpu.vector_store %arg6[%swap3A, %swap3A_15], %dot_general3A_14 {strides = array<i32>} : memref<400x128xf32, #tpu.memory_space<vmem>>, vector<400x128xf32>,
    %get3A_17 = arith.constant 0 : index
    %get3A_18 = arith.constant 0 : index
    %get3A_19 = vector.load %arg5[%get3A_17, %get3A_18] : memref<128x128xf32, #tpu.memory_space<vmem>>, vector<128x128xf32>
    %dot_general3A_20 = arith.constant dense<0.000000e+00> : vector<400x128xf32>
    %dot_general3A_21 = tpu.matmul %add3A_9, %get3A_19, %dot_general3A_20 {dimension_numbers = #tpu.dot_dimension_numbers<[1], [0], [0], [1], [0, 0, 1, 1], [], []>, transpose_lhs_hint = false} : vector<400x128xf32>, vector<128x128xf32>, vector<400x128xf32> -> vector<400x128xf32>
    %swap3A_22 = arith.constant 0 : index
    %swap3A_23 = arith.constant 0 : index
    %swap3A_24 = vector.load %arg7[%swap3A_22, %swap3A_23] : memref<400x256xf32, #tpu.memory_space<vmem>>, vector<400x128xf32>
    tpu.vector_store %arg7[%swap3A_22, %swap3A_23], %dot_general3A_21 {strides = array<i32>} : memref<400x256xf32, #tpu.memory_space<vmem>>, vector<400x128xf32>,
    %swap3A_25 = arith.constant 0 : index
    %swap3A_26 = arith.constant 128 : index
    %swap3A_27 = vector.load %arg7[%swap3A_25, %swap3A_26] : memref<400x256xf32, #tpu.memory_space<vmem>>, vector<400x128xf32>
    tpu.vector_store %arg7[%swap3A_25, %swap3A_26], %add3A_9 {strides = array<i32>} : memref<400x256xf32, #tpu.memory_space<vmem>>, vector<400x128xf32>,
    return
  }
  func.func @transform_0(%arg0: i32) -> (i32, i32) {
    %c0_i32 = arith.constant 0 : i32
    %c0_i32_0 = arith.constant 0 : i32
    return %arg0, %c0_i32 : i32, i32
  }
  func.func @transform_1(%arg0: i32) -> (i32, i32) {
    %c0_i32 = arith.constant 0 : i32
    %c0_i32_0 = arith.constant 0 : i32
    %c0_i32_1 = arith.constant 0 : i32
    return %c0_i32, %c0_i32_0 : i32, i32
  }
  func.func @transform_2(%arg0: i32) -> (i32, i32) {
    %c0_i32 = arith.constant 0 : i32
    %c0_i32_0 = arith.constant 0 : i32
    %c0_i32_1 = arith.constant 0 : i32
    return %c0_i32, %c0_i32_0 : i32, i32
  }
  func.func @transform_3(%arg0: i32) -> (i32, i32) {
    %c0_i32 = arith.constant 0 : i32
    %c0_i32_0 = arith.constant 0 : i32
    %c0_i32_1 = arith.constant 0 : i32
    return %c0_i32, %c0_i32_0 : i32, i32
  }
  func.func @transform_4(%arg0: i32) -> (i32, i32) {
    %c0_i32 = arith.constant 0 : i32
    %c0_i32_0 = arith.constant 0 : i32
    %c0_i32_1 = arith.constant 0 : i32
    return %c0_i32, %c0_i32_0 : i32, i32
  }
  func.func @transform_5(%arg0: i32) -> (i32, i32) {
    %c0_i32 = arith.constant 0 : i32
    %c0_i32_0 = arith.constant 0 : i32
    return %arg0, %c0_i32 : i32, i32
  }
  func.func @transform_6(%arg0: i32) -> (i32, i32) {
    %c0_i32 = arith.constant 0 : i32
    %c0_i32_0 = arith.constant 0 : i32
    return %arg0, %c0_i32 : i32, i32
  }
}

module attributes {stable_mosaic.version = 14 : i64} {
  func.func @_edge_body(%arg0: i32, %arg1: memref<2000x16xf32, #tpu.memory_space<vmem>>, %arg2: memref<16x128xf32, #tpu.memory_space<vmem>>, %arg3: memref<1x128xf32, #tpu.memory_space<vmem>>, %arg4: memref<128x128xf32, #tpu.memory_space<vmem>>, %arg5: memref<1x128xf32, #tpu.memory_space<vmem>>, %arg6: memref<2000x128xf32, #tpu.memory_space<vmem>>) attributes {dimension_semantics = [#tpu.dimension_semantics<arbitrary>], iteration_bounds = array<i64: 160>, scalar_prefetch = 0 : i64, scratch_operands = 0 : i64, tpu.core_type = #tpu.core_type<tc>, window_params = [{transform_indices = @transform_0, window_bounds = array<i64: 2000, 16>}, {pipeline_mode = #tpu.pipeline_mode<synchronous>, transform_indices = @transform_1, window_bounds = array<i64: 16, 128>}, {pipeline_mode = #tpu.pipeline_mode<synchronous>, transform_indices = @transform_2, window_bounds = array<i64: 1, 128>}, {pipeline_mode = #tpu.pipeline_mode<synchronous>, transform_indices = @transform_3, window_bounds = array<i64: 128, 128>}, {pipeline_mode = #tpu.pipeline_mode<synchronous>, transform_indices = @transform_4, window_bounds = array<i64: 1, 128>}, {transform_indices = @transform_5, window_bounds = array<i64: 2000, 128>}]} {
    %get3A = arith.constant 0 : index
    %get3A_0 = arith.constant 0 : index
    %get3A_1 = vector.load %arg4[%get3A, %get3A_0] : memref<128x128xf32, #tpu.memory_space<vmem>>, vector<128x128xf32>
    %get3A_2 = arith.constant 0 : index
    %get3A_3 = arith.constant 0 : index
    %get3A_4 = vector.load %arg2[%get3A_2, %get3A_3] : memref<16x128xf32, #tpu.memory_space<vmem>>, vector<16x128xf32>
    %dot_general3A = arith.constant dense<0.000000e+00> : vector<16x128xf32>
    %dot_general3A_5 = tpu.matmul %get3A_4, %get3A_1, %dot_general3A {dimension_numbers = #tpu.dot_dimension_numbers<[1], [0], [0], [1], [0, 0, 1, 1], [], []>, transpose_lhs_hint = false} : vector<16x128xf32>, vector<128x128xf32>, vector<16x128xf32> -> vector<16x128xf32>
    %get3A_6 = arith.constant 0 : index
    %get3A_7 = arith.constant 0 : index
    %get3A_8 = vector.load %arg3[%get3A_6, %get3A_7] : memref<1x128xf32, #tpu.memory_space<vmem>>, vector<1x128xf32>
    %dot_general3A_9 = arith.constant dense<0.000000e+00> : vector<1x128xf32>
    %dot_general3A_10 = tpu.matmul %get3A_8, %get3A_1, %dot_general3A_9 {dimension_numbers = #tpu.dot_dimension_numbers<[1], [0], [0], [1], [0, 0, 1, 1], [], []>, transpose_lhs_hint = false} : vector<1x128xf32>, vector<128x128xf32>, vector<1x128xf32> -> vector<1x128xf32>
    %get3A_11 = arith.constant 0 : index
    %get3A_12 = arith.constant 0 : index
    %get3A_13 = vector.load %arg5[%get3A_11, %get3A_12] : memref<1x128xf32, #tpu.memory_space<vmem>>, vector<1x128xf32>
    %add3A = arith.addf %dot_general3A_10, %get3A_13 : vector<1x128xf32>
    %get3A_14 = arith.constant 0 : index
    %get3A_15 = arith.constant 0 : index
    %get3A_16 = vector.load %arg1[%get3A_14, %get3A_15] : memref<2000x16xf32, #tpu.memory_space<vmem>>, vector<2000x16xf32>
    %dot_general3A_17 = arith.constant dense<0.000000e+00> : vector<2000x128xf32>
    %dot_general3A_18 = tpu.matmul %get3A_16, %dot_general3A_5, %dot_general3A_17 {dimension_numbers = #tpu.dot_dimension_numbers<[1], [0], [0], [1], [0, 0, 1, 1], [], []>, transpose_lhs_hint = false} : vector<2000x16xf32>, vector<16x128xf32>, vector<2000x128xf32> -> vector<2000x128xf32>
    %add3A_19 = vector.broadcast %add3A : vector<1x128xf32> to vector<2000x128xf32>
    %add3A_20 = arith.addf %dot_general3A_18, %add3A_19 : vector<2000x128xf32>
    %swap3A = arith.constant 0 : index
    %swap3A_21 = arith.constant 0 : index
    %swap3A_22 = vector.load %arg6[%swap3A, %swap3A_21] : memref<2000x128xf32, #tpu.memory_space<vmem>>, vector<2000x128xf32>
    tpu.vector_store %arg6[%swap3A, %swap3A_21], %add3A_20 {strides = array<i32>} : memref<2000x128xf32, #tpu.memory_space<vmem>>, vector<2000x128xf32>,
    return
  }
  func.func @transform_0(%arg0: i32) -> (i32, i32) {
    %c0_i32 = arith.constant 0 : i32
    %c0_i32_0 = arith.constant 0 : i32
    return %arg0, %c0_i32 : i32, i32
  }
  func.func @transform_1(%arg0: i32) -> (i32, i32) {
    %c0_i32 = arith.constant 0 : i32
    %c0_i32_0 = arith.constant 0 : i32
    %c0_i32_1 = arith.constant 0 : i32
    return %c0_i32, %c0_i32_0 : i32, i32
  }
  func.func @transform_2(%arg0: i32) -> (i32, i32) {
    %c0_i32 = arith.constant 0 : i32
    %c0_i32_0 = arith.constant 0 : i32
    %c0_i32_1 = arith.constant 0 : i32
    return %c0_i32, %c0_i32_0 : i32, i32
  }
  func.func @transform_3(%arg0: i32) -> (i32, i32) {
    %c0_i32 = arith.constant 0 : i32
    %c0_i32_0 = arith.constant 0 : i32
    %c0_i32_1 = arith.constant 0 : i32
    return %c0_i32, %c0_i32_0 : i32, i32
  }
  func.func @transform_4(%arg0: i32) -> (i32, i32) {
    %c0_i32 = arith.constant 0 : i32
    %c0_i32_0 = arith.constant 0 : i32
    %c0_i32_1 = arith.constant 0 : i32
    return %c0_i32, %c0_i32_0 : i32, i32
  }
  func.func @transform_5(%arg0: i32) -> (i32, i32) {
    %c0_i32 = arith.constant 0 : i32
    %c0_i32_0 = arith.constant 0 : i32
    return %arg0, %c0_i32 : i32, i32
  }
}

module attributes {stable_mosaic.version = 14 : i64} {
  func.func @_final_body(%arg0: i32, %arg1: memref<400x128xf32, #tpu.memory_space<vmem>>, %arg2: memref<400x128xf32, #tpu.memory_space<vmem>>, %arg3: memref<400x1xf32, #tpu.memory_space<vmem>>, %arg4: memref<400x1xf32, #tpu.memory_space<vmem>>, %arg5: memref<128x128xf32, #tpu.memory_space<vmem>>, %arg6: memref<1x128xf32, #tpu.memory_space<vmem>>, %arg7: memref<1x128xf32, #tpu.memory_space<vmem>>, %arg8: memref<1x128xf32, #tpu.memory_space<vmem>>, %arg9: memref<400x128xf32, #tpu.memory_space<vmem>>) attributes {dimension_semantics = [#tpu.dimension_semantics<arbitrary>], iteration_bounds = array<i64: 25>, scalar_prefetch = 0 : i64, scratch_operands = 0 : i64, tpu.core_type = #tpu.core_type<tc>, window_params = [{transform_indices = @transform_0, window_bounds = array<i64: 400, 128>}, {transform_indices = @transform_1, window_bounds = array<i64: 400, 128>}, {transform_indices = @transform_2, window_bounds = array<i64: 400, 1>}, {transform_indices = @transform_3, window_bounds = array<i64: 400, 1>}, {pipeline_mode = #tpu.pipeline_mode<synchronous>, transform_indices = @transform_4, window_bounds = array<i64: 128, 128>}, {pipeline_mode = #tpu.pipeline_mode<synchronous>, transform_indices = @transform_5, window_bounds = array<i64: 1, 128>}, {pipeline_mode = #tpu.pipeline_mode<synchronous>, transform_indices = @transform_6, window_bounds = array<i64: 1, 128>}, {pipeline_mode = #tpu.pipeline_mode<synchronous>, transform_indices = @transform_7, window_bounds = array<i64: 1, 128>}, {transform_indices = @transform_8, window_bounds = array<i64: 400, 128>}]} {
    %get3A = arith.constant 0 : index
    %get3A_0 = arith.constant 0 : index
    %get3A_1 = vector.load %arg1[%get3A, %get3A_0] : memref<400x128xf32, #tpu.memory_space<vmem>>, vector<400x128xf32>
    %get3A_2 = arith.constant 0 : index
    %get3A_3 = arith.constant 0 : index
    %get3A_4 = vector.load %arg2[%get3A_2, %get3A_3] : memref<400x128xf32, #tpu.memory_space<vmem>>, vector<400x128xf32>
    %add3A = arith.addf %get3A_1, %get3A_4 : vector<400x128xf32>
    %get3A_5 = arith.constant 0 : index
    %get3A_6 = arith.constant 0 : index
    %get3A_7 = vector.load %arg3[%get3A_5, %get3A_6] : memref<400x1xf32, #tpu.memory_space<vmem>>, vector<400x1xf32>
    %get3A_8 = arith.constant 0 : index
    %get3A_9 = arith.constant 0 : index
    %get3A_10 = vector.load %arg4[%get3A_8, %get3A_9] : memref<400x1xf32, #tpu.memory_space<vmem>>, vector<400x1xf32>
    %add3A_11 = arith.addf %get3A_7, %get3A_10 : vector<400x1xf32>
    %gt3A = arith.constant 0.000000e+00 : f32
    %gt3A_12 = vector.broadcast %gt3A : f32 to vector<400x1xf32>
    %gt3A_13 = arith.cmpf ogt, %add3A_11, %gt3A_12 : vector<400x1xf32>
    %div3A = vector.broadcast %add3A_11 : vector<400x1xf32> to vector<400x128xf32>
    %div3A_14 = arith.divf %add3A, %div3A : vector<400x128xf32>
    %jit3A = arith.constant 0.000000e+00 : f32
    %broadcast_in_dim3A = vector.shape_cast %gt3A_13 : vector<400x1xi1> to vector<400x1xi1>
    %broadcast_in_dim3A_15 = vector.broadcast %broadcast_in_dim3A : vector<400x1xi1> to vector<400x128xi1>
    %broadcast_in_dim3A_16 = vector.broadcast %jit3A : f32 to vector<400x128xf32>
    %select_n3A = arith.select %broadcast_in_dim3A_15, %div3A_14, %broadcast_in_dim3A_16 : vector<400x128xi1>, vector<400x128xf32>
    %get3A_17 = arith.constant 0 : index
    %get3A_18 = arith.constant 0 : index
    %get3A_19 = vector.load %arg5[%get3A_17, %get3A_18] : memref<128x128xf32, #tpu.memory_space<vmem>>, vector<128x128xf32>
    %dot_general3A = arith.constant dense<0.000000e+00> : vector<400x128xf32>
    %dot_general3A_20 = tpu.matmul %select_n3A, %get3A_19, %dot_general3A {dimension_numbers = #tpu.dot_dimension_numbers<[1], [0], [0], [1], [0, 0, 1, 1], [], []>, transpose_lhs_hint = false} : vector<400x128xf32>, vector<128x128xf32>, vector<400x128xf32> -> vector<400x128xf32>
    %get3A_21 = arith.constant 0 : index
    %get3A_22 = arith.constant 0 : index
    %get3A_23 = vector.load %arg6[%get3A_21, %get3A_22] : memref<1x128xf32, #tpu.memory_space<vmem>>, vector<1x128xf32>
    %add3A_24 = vector.broadcast %get3A_23 : vector<1x128xf32> to vector<400x128xf32>
    %add3A_25 = arith.addf %dot_general3A_20, %add3A_24 : vector<400x128xf32>
    %reduce_sum3A = arith.constant dense<0.000000e+00> : vector<400xf32>
    %reduce_sum3A_26 = vector.multi_reduction <add>, %add3A_25, %reduce_sum3A [1] : vector<400x128xf32> to vector<400xf32>
    %broadcast_in_dim3A_27 = vector.shape_cast %reduce_sum3A_26 : vector<400xf32> to vector<400x1xf32>
    %div3A_28 = arith.constant 1.280000e+02 : f32
    %div3A_29 = vector.broadcast %div3A_28 : f32 to vector<400x1xf32>
    %div3A_30 = arith.divf %broadcast_in_dim3A_27, %div3A_29 : vector<400x1xf32>
    %sub3A = vector.broadcast %div3A_30 : vector<400x1xf32> to vector<400x128xf32>
    %sub3A_31 = arith.subf %add3A_25, %sub3A : vector<400x128xf32>
    %integer_pow3A = arith.mulf %sub3A_31, %sub3A_31 : vector<400x128xf32>
    %reduce_sum3A_32 = arith.constant dense<0.000000e+00> : vector<400xf32>
    %reduce_sum3A_33 = vector.multi_reduction <add>, %integer_pow3A, %reduce_sum3A_32 [1] : vector<400x128xf32> to vector<400xf32>
    %broadcast_in_dim3A_34 = vector.shape_cast %reduce_sum3A_33 : vector<400xf32> to vector<400x1xf32>
    %div3A_35 = arith.constant 1.280000e+02 : f32
    %div3A_36 = vector.broadcast %div3A_35 : f32 to vector<400x1xf32>
    %div3A_37 = arith.divf %broadcast_in_dim3A_34, %div3A_36 : vector<400x1xf32>
    %get3A_38 = arith.constant 0 : index
    %get3A_39 = arith.constant 0 : index
    %get3A_40 = vector.load %arg7[%get3A_38, %get3A_39] : memref<1x128xf32, #tpu.memory_space<vmem>>, vector<1x128xf32>
    %sub3A_41 = vector.broadcast %div3A_30 : vector<400x1xf32> to vector<400x128xf32>
    %sub3A_42 = arith.subf %add3A_25, %sub3A_41 : vector<400x128xf32>
    %mul3A = vector.broadcast %get3A_40 : vector<1x128xf32> to vector<400x128xf32>
    %mul3A_43 = arith.mulf %mul3A, %sub3A_42 : vector<400x128xf32>
    %add3A_44 = arith.constant 9.99999974E-6 : f32
    %add3A_45 = vector.broadcast %add3A_44 : f32 to vector<400x1xf32>
    %add3A_46 = arith.addf %div3A_37, %add3A_45 : vector<400x1xf32>
    %rsqrt3A = math.rsqrt %add3A_46 : vector<400x1xf32>
    %mul3A_47 = vector.broadcast %rsqrt3A : vector<400x1xf32> to vector<400x128xf32>
    %mul3A_48 = arith.mulf %mul3A_43, %mul3A_47 : vector<400x128xf32>
    %get3A_49 = arith.constant 0 : index
    %get3A_50 = arith.constant 0 : index
    %get3A_51 = vector.load %arg8[%get3A_49, %get3A_50] : memref<1x128xf32, #tpu.memory_space<vmem>>, vector<1x128xf32>
    %add3A_52 = vector.broadcast %get3A_51 : vector<1x128xf32> to vector<400x128xf32>
    %add3A_53 = arith.addf %mul3A_48, %add3A_52 : vector<400x128xf32>
    %max3A = arith.constant 0.000000e+00 : f32
    %max3A_54 = vector.broadcast %max3A : f32 to vector<400x128xf32>
    %max3A_55 = arith.maximumf %add3A_53, %max3A_54 : vector<400x128xf32>
    %swap3A = arith.constant 0 : index
    %swap3A_56 = arith.constant 0 : index
    %swap3A_57 = vector.load %arg9[%swap3A, %swap3A_56] : memref<400x128xf32, #tpu.memory_space<vmem>>, vector<400x128xf32>
    tpu.vector_store %arg9[%swap3A, %swap3A_56], %max3A_55 {strides = array<i32>} : memref<400x128xf32, #tpu.memory_space<vmem>>, vector<400x128xf32>,
    return
  }
  func.func @transform_0(%arg0: i32) -> (i32, i32) {
    %c0_i32 = arith.constant 0 : i32
    %c0_i32_0 = arith.constant 0 : i32
    return %arg0, %c0_i32 : i32, i32
  }
  func.func @transform_1(%arg0: i32) -> (i32, i32) {
    %c0_i32 = arith.constant 0 : i32
    %c0_i32_0 = arith.constant 0 : i32
    return %arg0, %c0_i32 : i32, i32
  }
  func.func @transform_2(%arg0: i32) -> (i32, i32) {
    %c0_i32 = arith.constant 0 : i32
    %c0_i32_0 = arith.constant 0 : i32
    return %arg0, %c0_i32 : i32, i32
  }
  func.func @transform_3(%arg0: i32) -> (i32, i32) {
    %c0_i32 = arith.constant 0 : i32
    %c0_i32_0 = arith.constant 0 : i32
    return %arg0, %c0_i32 : i32, i32
  }
  func.func @transform_4(%arg0: i32) -> (i32, i32) {
    %c0_i32 = arith.constant 0 : i32
    %c0_i32_0 = arith.constant 0 : i32
    %c0_i32_1 = arith.constant 0 : i32
    return %c0_i32, %c0_i32_0 : i32, i32
  }
  func.func @transform_5(%arg0: i32) -> (i32, i32) {
    %c0_i32 = arith.constant 0 : i32
    %c0_i32_0 = arith.constant 0 : i32
    %c0_i32_1 = arith.constant 0 : i32
    return %c0_i32, %c0_i32_0 : i32, i32
  }
  func.func @transform_6(%arg0: i32) -> (i32, i32) {
    %c0_i32 = arith.constant 0 : i32
    %c0_i32_0 = arith.constant 0 : i32
    %c0_i32_1 = arith.constant 0 : i32
    return %c0_i32, %c0_i32_0 : i32, i32
  }
  func.func @transform_7(%arg0: i32) -> (i32, i32) {
    %c0_i32 = arith.constant 0 : i32
    %c0_i32_0 = arith.constant 0 : i32
    %c0_i32_1 = arith.constant 0 : i32
    return %c0_i32, %c0_i32_0 : i32, i32
  }
  func.func @transform_8(%arg0: i32) -> (i32, i32) {
    %c0_i32 = arith.constant 0 : i32
    %c0_i32_0 = arith.constant 0 : i32
    return %arg0, %c0_i32 : i32, i32
  }
}

</mosaic_0001>

<sc_bundles>
// kernel: kernel.6.cloned.1.call-start
scs
__scs_entry_jumppad:
0x0: {  	(pc) =	sbr.rel $0x88, $3  }
0x1: {  	(tag) =	ssettag $0x0;
	lr =	simm.s32 $0x1  }
0x2: {  	[smem:$0x3F92] =	sst lr;
	_ =	strace $0xD0000000  }
0x3: {  	_ = 	snop  }
0x4: {  	_ = 	snop  }
0x5: {  	_ = 	snop  }
0x6: {  	_ = 	snop  }
0x7: {  	_ = 	snop  }
__scs_overlays_trampoline_lowered:
0x8: {  	[smem:$0x3FA1] =	sst s0  }
0x9: {  	[smem:$0x3FA2] =	sst s1  }
0xa: {  	[smem:$0x3FA3] =	sst s2  }
0xb: {  	[smem:$0x3FA4] =	sst s3  }
0xc: {  	[smem:$0x3FA5] =	sst s4  }
0xd: {  	[smem:$0x3FA6] =	sst s5  }
0xe: {  	[smem:$0x3FA7] =	sst s6  }
0xf: {  	[smem:$0x3FA8] =	sst s7  }
0x10: {  	[smem:$0x3FA9] =	sst s8  }
0x11: {  	[smem:$0x3FAA] =	sst s9;
	s0 =	simm.s32 @!p0 $0x0  }
0x12: {  	s1 =	sld [smem:$0x3F90];
	s0 =	simm.s32 @p0 $0x1  }
0x13: {  	[smem:$0x3FAB] =	sst s0;
	s0 =	simm.s32 @!p1 $0x0  }
0x14: {  	s2 =	sld [smem:$0x3F8F];
	s0 =	simm.s32 @p1 $0x1  }
0x15: {  	[smem:$0x3FAC] =	sst s0;
	s0 =	simm.s32 @!p2 $0x0  }
0x16: {  	s3 =	sld [smem:$0x3FDB];
	s0 =	simm.s32 @p2 $0x1  }
0x17: {  	s4 =	simm.s32 $0x1BF5;
	[smem:$0x3FAE] =	sst s0  }
0x18: {  	s0 =	sld [smem:$0x3F91];
	_ =	swait.ge [sflag:s4], $0x0  }
0x19: {  	s7 =	sld [smem:$0x3F92]  }
0x1a: {  	s8 =	sadd.s32 $0xFFFFE003, lr  }
0x1b: {  	s9 =	sadd.s32 $0xFFFFFEF7, lr;
	s5 =	simm.s32 $0xFFFFFFFF;
	p2 =	slt.u32 s8, $0xFFFFF086  }
0x1c: {  	p1 =	slt.u32 s9, $0xF7A;
	s5 =	simm.s32 @!p2 $0x0  }
0x1d: {  	s5 =	simm.s32 @p1 $0x1;
	p0 =	seq.s32 s7, s2  }
0x1e: {  	s7 =	smul.u32 @!p0 $0xF7A, s2;
	p2 =	seq.s32 @!p0 s5, $0x0  }
0x1f: {  	s9 =	smul.u32 $0xF7A, s1;
	s8 =	simm.s32 @!p0 $0x1BF5;
	p2 =	por !p2, p0  }
0x20: {  	[sflag:s8] =	ssyncset.s32 @!p0 $0xFFFFF086;
	s6 =	sadd.s32 @!p0 s3, s7;
	s7 =	simm.s32 @!p0 $0x108  }
0x21: {  	s3 =	sadd.s32 s3, s9;
	s6 =	sadd.s32 @!p0 $0x88, s6;
	s7 =	simm.s32 @p2 $0x1082  }
0x22: {  	[simem:s7], [sflag:s8] =	dma.local @!p0 [hbm:s6], $0xF7A  }
0x23: {  	s9 =	sor.u32 $0xD0000000, s2;
	s6 =	simm.s32 $0x108;
	_ =	swait.ge @!p0 [sflag:s8], $0x0  }
0x24: {  	s3 =	sadd.s32 $0x88, s3;
	s6 =	simm.s32 @!p1 $0x1082;
	[sflag:s4] =	ssyncset.s32 $0xFFFFF086  }
0x25: {  	[simem:s6], [sflag:s4] =	dma.local [hbm:s3], $0xF7A  }
0x26: {  	[smem:$0x3F92] =	sst s1;
	(tag) =	ssettag s2;
	_ =	strace s9  }
0x27: {  	s1 =	sld [smem:$0x3FA2]  }
0x28: {  	s2 =	sld [smem:$0x3FA3]  }
0x29: {  	s4 =	sld [smem:$0x3FA5]  }
0x2a: {  	p0 =	seq.s32 s5, $0x0;
	s5 =	sld [smem:$0x3FA6]  }
0x2b: {  	s6 =	sld [smem:$0x3FA7]  }
0x2c: {  	s7 =	sld [smem:$0x3FA8]  }
0x2d: {  	s3 =	simm.s32 $0x108;
	s8 =	sld [smem:$0x3FA9]  }
0x2e: {  	s3 =	simm.s32 @!p0 $0x1082;
	s9 =	sld [smem:$0x3FAA]  }
0x2f: {  	lr =	sadd.s32 s0, s3;
	s0 =	sld [smem:$0x3FA1]  }
0x30: {  	s3 =	sld [smem:$0x3FA4]  }
0x31: {  	[smem:$0x3FAD] =	sst s10  }
0x32: {  	s10 =	sld [smem:$0x3FAB];
	_ =	sdelay $0x3  }
0x33: {  	p0 =	seq.s32 s10, $0x1;
	s10 =	sld [smem:$0x3FAD];
	_ =	sdelay $0x3  }
0x34: {  	[smem:$0x3FAD] =	sst s10  }
0x35: {  	s10 =	sld [smem:$0x3FAC];
	_ =	sdelay $0x3  }
0x36: {  	p1 =	seq.s32 s10, $0x1;
	s10 =	sld [smem:$0x3FAD];
	_ =	sdelay $0x3  }
0x37: {  	[smem:$0x3FAD] =	sst s10  }
0x38: {  	s10 =	sld [smem:$0x3FAE]  }
0x39: {  	_ = 	snop;
	(pc) =	sbr.ind lr, $3  }
0x3a: {  	_ = 	snop  }
0x3b: {  	_ = 	snop  }
0x3c: {  	p2 =	seq.s32 s10, $0x1;
	s10 =	sld [smem:$0x3FAD]  }
0x3d: {  	_ =	shalt  }
0x3e: {  	_ =	shalt  }
0x3f: {  	_ =	shalt  }
0x40: {  	_ =	shalt  }
0x41: {  	_ =	shalt  }
0x42: {  	_ =	shalt  }
0x43: {  	_ =	shalt  }
0x44: {  	_ =	shalt  }
0x45: {  	_ =	shalt  }
0x46: {  	_ =	shalt  }
0x47: {  	_ =	shalt  }
0x48: {  	_ =	shalt  }
0x49: {  	_ =	shalt  }
0x4a: {  	_ =	shalt  }
0x4b: {  	_ =	shalt  }
0x4c: {  	_ =	shalt  }
0x4d: {  	_ =	shalt  }
0x4e: {  	_ =	shalt  }
0x4f: {  	_ =	shalt  }
0x50: {  	_ =	shalt  }
0x51: {  	_ =	shalt  }
0x52: {  	_ =	shalt  }
0x53: {  	_ =	shalt  }
0x54: {  	_ =	shalt  }
0x55: {  	_ =	shalt  }
0x56: {  	_ =	shalt  }
0x57: {  	_ =	shalt  }
0x58: {  	_ =	shalt  }
0x59: {  	_ =	shalt  }
0x5a: {  	_ =	shalt  }
0x5b: {  	_ =	shalt  }
0x5c: {  	_ =	shalt  }
0x5d: {  	_ =	shalt  }
0x5e: {  	_ =	shalt  }
0x5f: {  	_ =	shalt  }
0x60: {  	_ =	shalt  }
0x61: {  	_ =	shalt  }
0x62: {  	_ =	shalt  }
0x63: {  	_ =	shalt  }
0x64: {  	_ =	shalt  }
0x65: {  	_ =	shalt  }
0x66: {  	_ =	shalt  }
0x67: {  	_ =	shalt  }
0x68: {  	_ =	shalt  }
0x69: {  	_ =	shalt  }
0x6a: {  	_ =	shalt  }
0x6b: {  	_ =	shalt  }
0x6c: {  	_ =	shalt  }
0x6d: {  	_ =	shalt  }
0x6e: {  	_ =	shalt  }
0x6f: {  	_ =	shalt  }
0x70: {  	_ =	shalt  }
0x71: {  	_ =	shalt  }
0x72: {  	_ =	shalt  }
0x73: {  	_ =	shalt  }
0x74: {  	_ =	shalt  }
0x75: {  	_ =	shalt  }
0x76: {  	_ =	shalt  }
0x77: {  	_ =	shalt  }
0x78: {  	_ =	shalt  }
0x79: {  	_ =	shalt  }
0x7a: {  	_ =	shalt  }
0x7b: {  	_ =	shalt  }
0x7c: {  	_ =	shalt  }
0x7d: {  	_ =	shalt  }
0x7e: {  	_ =	shalt  }
0x7f: {  	_ =	shalt  }
0x80: {  	_ =	shalt  }
0x81: {  	_ =	shalt  }
0x82: {  	_ =	shalt  }
0x83: {  	_ =	shalt  }
0x84: {  	_ =	shalt  }
0x85: {  	_ =	shalt  }
0x86: {  	_ =	shalt  }
0x87: {  	_ =	shalt  }
.Lfunc_end0:
.L_simem_size_0:
called_computation_lowered:
.L_overlay_start_0:
0x88: {  	s2 =	sld [smem:$0x3FD9]  }
0x89: {  	s3 =	sld [smem:$0x3FFE];
	_ =	sdelay $0x1  }
0x8a: {  	s1 =	srdreg.scid  }
0x8b: {  	s0 =	sand.u32 $0x1, s1  }
0x8c: {  	s17 =	sshll.u32 s0, $0xA;
	s2 =	sadd.s32 s3, s2  }
0x8d: {  	s2 =	sadd.s32 s2, s17  }
0x8e: {  	[smem:$0x3FB9] =	sst s2  }
0x8f: {  	_ = 	snop  }
0x90: {  	s2 =	sld [smem:$0x3FD0];
	(tm) =	ssettm $0x1  }
0x91: {  	s18 =	sld [smem:$0x3FFB];
	_ =	sdelay $0x3  }
0x92: {  	_ =	strace s18  }
0x93: {  	s3 =	sld [smem:$0x3FFC];
	_ =	sdelay $0x3  }
0x94: {  	_ =	strace s3  }
0x95: {  	s3 =	sld [smem:$0x3FFD];
	_ =	sdelay $0x3  }
0x96: {  	_ =	strace s3  }
0x97: {  	_ =	strace $0x8FFFFFFF  }
0x98: {  	s19 =	sld [smem:$0x3FDB];
	_ =	sdelay $0x1  }
0x99: {  	s4 =	simm.s32 $_scs_section_size  }
0x9a: {  	s5 =	simm.s32 $_size__tile_overlayer_lowered;
	s6 =	simm.s32 $_tile_overlayer_lowered  }
0x9b: {  	s22 =	simm.s32 $0x1BFF;
	s21 =	sshll.u32 s6, $0x1;
	s3 =	sadd.s32 s4, s19  }
0x9c: {  	s7 =	simm.s32 $0x0;
	s20 =	sshll.u32 s5, $0x1;
	s5 =	sadd.s32 s21, s3  }
0x9d: {  	[timem:s7], [sflag:s22] =	dma.local [hbm:s5], s20  }
0x9e: {  	_ =	swait.ge [sflag:s22], s20  }
0x9f: {  	s4 =	ssub.s32 $0x0, s20;
	[sflag:s22] =	ssyncset.done $0x0  }
0xa0: {  	[sflag:s22] =	ssyncadd.s32 s4;
	_ =	sdelay $0x1  }
0xa1: {  	s23 =	simm.s32 $0x1B8B  }
0xa2: {  	_ =	swait.ge [sflag:s23], $0x1  }
0xa3: {  	[sflag:s23] =	ssyncset.done $0x0  }
0xa4: {  	s25 =	simm.s32 $0x1B8E;
	s24 =	sld [smem:$0x3FFE];
	[sflag:s23] =	ssyncadd.s32 $0xFFFFFFFF  }
0xa5: {  	s26 =	simm.s32 $execute0_lowered;
	[smem:$0x3FD2] =	sst s25  }
0xa6: {  	s5 =	sshll.u32 s26, $0x1;
	_ =	strace $0x80000046;
	[dreg:$0x1] =	wrdreg $0xFFFFFFFF  }
0xa7: {  	s28 =	simm.s32 $_size_execute0_lowered;
	s3 =	sadd.s32 s3, s5;
	[dreg:$0x0] =	wrdreg $0x0  }
0xa8: {  	s5 =	sshll.u32 s28, $0x1;
	[dreg:$0x2] =	wrdreg s3  }
0xa9: {  	[dreg:$0x3] =	wrdreg s5  }
0xaa: {  	[dreg:$0x4] =	wrdreg $0xC0  }
0xab: {  	_ =	task [dreg:s7], $0x5FFFF  }
0xac: {  	[dreg:$0x1] =	wrdreg $0xFFFFFFFF  }
0xad: {  	[dreg:$0x0] =	wrdreg $0x60  }
0xae: {  	[dreg:$0x2] =	wrdreg s2  }
0xaf: {  	[dreg:$0x3] =	wrdreg s24  }
0xb0: {  	[dreg:$0x4] =	wrdreg $0x0  }
0xb1: {  	[dreg:$0x5] =	wrdreg $0x138800  }
0xb2: {  	[dreg:$0x6] =	wrdreg $0x9  }
0xb3: {  	_ =	task.clear_ibuf [dreg:s7], $0x7FFFF;
	_ =	strace $0x90000046  }
0xb4: {  	s29 =	simm.s32 $0x9;
	_ =	strace $0x80000048  }
0xb5: {  	_ =	swait.ge [sflag:s29], $0x1  }
0xb6: {  	[sflag:s29] =	ssyncadd.s32 $0xFFFFFFFF  }
0xb7: {  	_ =	strace $0x90000048  }
0xb8: {  	_ =	sfence  }
0xb9: {  	s30 =	sld [smem:$0x0];
	_ =	sdelay $0x2  }
0xba: {  	s31 =	sshll.u32 s1, $0xD;
	s1 =	sshrl.u32 s1, $0x2  }
0xbb: {  	s3 =	sand.u32 $0x4000, s31;
	s1 =	sadd.s32 s1, s30  }
0xbc: {  	s0 =	sor.u32 s3, s0;
	s1 =	sshll.u32 s1, $0x11  }
0xbd: {  	s0 =	sor.u32 s1, s0  }
0xbe: {  	s0 =	sadd.s32 $0x8F2B, s0  }
0xbf: {  	[sflag:s0] =	ssyncadd.remote.s32 $0x1  }
0xc0: {  	_ =	sfence.sel $0xFFFF  }
0xc1: {  	[dreg:$0x0] =	wrdreg $0xFFFFFFFF;
	(pc) =	sbr.abs _section_cstart, $3  }
0xc2: {  	[dreg:$0x1] =	wrdreg $0xFFFFFFFF  }
0xc3: {  	_ =	task.clear_ibuf [dreg:s7], $0x2FFFF;
	_ =	strace $0x9FFFFFFF  }
0xc4: {  	(tm) =	ssettm $0x7FFFFFFF  }
0xc5: {  	_ =	shalt  }
tec
execute0_lowered:
.L_overlay_start_1:
0x0: {  	(tag) =	ssettag $0x1  }
0x1: {  	s1 =	rddreg [dreg:$0x0]  }
0x2: {  	s0 =	rddreg [dreg:$0x1]  }
0x3: {  	s2 =	rddreg [dreg:$0x2]  }
0x4: {  	s14 =	rddreg [dreg:$0x3];
	s4 =	simm.s32 $0x0;
	s18 =	srdreg.scid  }
0x5: {  	s15 =	stileid.u32;
	[smem:$0x7FF] =	sst s4  }
0x6: {  	p1 =	por $0x0, $0x0;
	s5 =	sadd.s32 $0x504600, s0;
	s6 =	sadd.s32 $0x552800, s0  }
0x7: {  	s30 =	simm.s32 $0x10;
	s3 =	sadd.s32 $0x4E4400, s0;
	s7 =	sadd.s32 $0x4F4400, s0  }
0x8: {  	s19 =	sadd.s32 $0x504400, s0;
	s16 =	sadd.s32 $0x2200, s0;
	s8 =	sadd.s32 $0x29400, s0  }
0x9: {  	s10 =	smul.u32 $0x4E000, s15;
	_ =	strace $0x80000047;
	[dreg:$0x5] =	wrdreg s3  }
0xa: {  	s13 =	smul.u32 $0x13800, s15;
	p0 =	seq.s32 s15, $0x0;
	[dreg:$0x6] =	wrdreg s7  }
0xb: {  	p4 =	sne.s32 s15, $0xF;
	[dreg:$0x7] =	wrdreg s19;
	s3 =	sand.u32 $0x1, s18  }
0xc: {  	[dreg:$0x8] =	wrdreg s16;
	p3 =	sne.s32 @!p0 s15, $0xF;
	s18 =	simm.s32 $0x1  }
0xd: {  	s19 =	simm.s32 $0x19B00;
	s20 =	smul.u32 $0x500, s3;
	s9 =	ssub.s32 $0x2, s3  }
0xe: {  	v2 =	vimm.s32 $0x3210FEDC;
	v3 =	vimm.s32 $0xBA987654;
	v8 =	vimm.s32 $0x76543210;
	s12 =	sshll.u32 s3, $0x4;
	s10 =	sshrl.u32 s10, $0x2;
	s22 =	sshrl.u32 s13, $0x3  }
0xf: {  	v0 =	vlaneseq.u32;
	v9 =	vimm.s32 $0xFEDCBA98;
	v10 =	vimm.s32 $0x10FEDCBA;
	s3 =	smul.u32 $0x138800, s3;
	p2 =	por p3, p0;
	p3 =	por !p3, p0  }
0x10: {  	v12 =	vimm.s32 $0x87654321;
	v6 =	vunpack.c.l.s4.s8 v2;
	v7 =	vunpack.c.l.s4.s8 v3;
	s11 =	sshrl.u32 s9, $0x1;
	s21 =	sor.u32 s15, s12;
	s10 =	sadd.s32 s10, s2  }
0x11: {  	vm0 =	vmmov $0xffff;
	v1 =	vor.u32 $0x10, v0;
	v2 =	vor.u32 $0x20, v0;
	s23 =	sadd.s32 s16, s22;
	s12 =	sadd.s32 $0x138000, s2;
	s22 =	simm.s32 $0x16300  }
0x12: {  	v10 =	vunpack.c.l.s4.s8 v10;
	v6 =	vunpack.c.0.s8.s32 v6;
	v7 =	vunpack.c.0.s8.s32 v7;
	s7 =	sadd.s32 s20, s0;
	s9 =	ssub.s32 s9, s11;
	[dreg:$0x9] =	wrdreg s10  }
0x13: {  	v9 =	vunpack.c.l.s4.s8 v9;
	v12 =	vunpack.c.l.s4.s8 v12;
	v8 =	vunpack.c.l.s4.s8 v8;
	[dreg:$0xa] =	wrdreg s23;
	s0 =	sadd.s32 $0x29200, s0;
	s24 =	sadd.s32 s13, s3  }
0x14: {  	s3 =	sshrl.u32 s3, $0x3;
	s25 =	smul.u32 $0x271, s21;
	v11 =	vcombine.low v7, v6;
	v6 =	vimm.s32 $0x98765432;
	v7 =	vimm.s32 $0xFEDCBA9;
	[dreg:$0xb] =	wrdreg s12  }
0x15: {  	v9 =	vunpack.c.0.s8.s32 v9;
	s26 =	sshll.u32 s21, $0xB;
	s23 =	simm.s32 $0x19C80;
	[dreg:$0xc] =	wrdreg s0;
	v6 =	vunpack.c.l.s4.s8 v6;
	v7 =	vunpack.c.l.s4.s8 v7  }
0x16: {  	v10 =	vunpack.c.0.s8.s32 v10;
	v12 =	vunpack.c.0.s8.s32 v12;
	v8 =	vunpack.c.0.s8.s32 v8;
	s10 =	simm.s32 $0x17B00;
	s20 =	simm.s32 $0x19B80;
	[dreg:$0xe] =	wrdreg s26  }
0x17: {  	v9 =	vand.u32 $0xF, v9;
	s21 =	simm.s32 $0x18B00;
	s29 =	sadd.s32 $0x77600, s7;
	[dreg:$0xd] =	wrdreg s25;
	v6 =	vunpack.c.0.s8.s32 v6;
	v7 =	vunpack.c.0.s8.s32 v7  }
0x18: {  	v3 =	vor.u32 $0x30, v0;
	v4 =	vor.u32 $0x40, v0;
	s0 =	sshrl.u32 s24, $0x3;
	s31 =	smax.u32 s9, $0x1;
	v8 =	vcombine.low v9, v8;
	[dreg:$0x11] =	wrdreg s29  }
0x19: {  	v5 =	vand.u32 $0x7, v0;
	s3 =	sadd.s32 s8, s3;
	s0 =	sadd.s32 s8, s0;
	[dreg:$0x12] =	wrdreg s31;
	v10 =	vcombine.low v6, v10;
	v12 =	vcombine.low v12, v7  }
0x1a: {  	s9 =	simm.s32 $0x0;
	s28 =	sadd.s32 $0x27000, s3;
	v9 =	vand.u32 $0xF, v11;
	[dreg:$0xf] =	wrdreg s0;
	v6 =	vshrl.u32 v0, $0x3;
	v7 =	vor.u32 $0x8, v0  }
0x1b: {  	s8 =	simm.s32 $0x5;
	s3 =	simm.s32 $0x2;
	[dreg:$0x10] =	wrdreg s28;
	v6 =	vmul.u32 $0x8, v6;
	v10 =	vand.u32 $0xF, v10;
	v11 =	vand.u32 $0xF, v12  }
.LBB2_1:
0x1c: {  	[dreg:$0x13] =	wrdreg s9  }
0x1d: {  	s0 =	rddreg [dreg:$0x7];
	s7 =	simm.s32 $0x1C480  }
0x1e: {  	[tilespmem:s7], [sflag:$0x5] =	stream.linear.gather [hbm4b:s0+s4], $0x100, $0x38;
	[tilespmem:$0x1C600] =	vst v63  }
0x1f: {  	_ =	swait.ge [sflag:s8], $0x100  }
0x20: {  	[sflag:s8] =	ssyncset.done $0x0  }
0x21: {  	s7 =	rddreg [dreg:$0x8];
	[sflag:s8] =	ssyncadd.s32 $0xFFFFFF00  }
0x22: {  	[tilespmem:s23], [sflag:$0x5] =	stream.linear.gather [hbm4b:s7+s4], $0x2800, $0x38;
	[tilespmem:$0x1C600] =	vst v63  }
0x23: {  	s28 =	stileid.u32;
	_ =	swait.ge [sflag:s8], $0x2800  }
0x24: {  	s0 =	sshll.u32 s28, $0x6;
	s29 =	rddreg [dreg:$0x9]  }
0x25: {  	[sflag:s8] =	ssyncset.done $0x0;
	s31 =	rddreg [dreg:$0xa];
	s11 =	sshrl.u32 s29, $0x3  }
0x26: {  	s9 =	sor.u32 $0x1C05, s0;
	[sflag:s8] =	ssyncadd.s32 $0xFFFFD800;
	[dreg:$0x15] =	wrdreg s11  }
0x27: {  	[spmem:s11], [sflag:s9] =	dma.local [hbm:s31], $0x2700  }
0x28: {  	_ =	swait.ge [sflag:s8], $0x2700  }
0x29: {  	[sflag:s8] =	ssyncset.done $0x0  }
0x2a: {  	s0 =	sshrl.u32 @p0 s14, $0x3;
	[sflag:s8] =	ssyncadd.s32 $0xFFFFD900  }
0x2b: {  	[spmem:s0], [sflag:s9] =	dma.local @p0 [hbm:s7], $0x500  }
0x2c: {  	s0 =	simm.s32 @p0 $0x5  }
0x2d: {  	_ =	swait.ge @p0 [sflag:s0], $0x500  }
0x2e: {  	[dreg:$0x14] =	wrdreg s9;
	[sflag:s0] =	ssyncset.done @p0 $0x0  }
0x2f: {  	s7 =	rddreg [dreg:$0xc];
	[sflag:s0] =	ssyncadd.s32 @p0 $0xFFFFFB00;
	s0 =	sshrl.u32 @!p2 s12, $0x3  }
0x30: {  	[spmem:s0], [sflag:s9] =	dma.local @!p2 [hbm:s7], $0x100  }
0x31: {  	s0 =	simm.s32 @!p2 $0x5  }
0x32: {  	_ =	swait.ge @!p2 [sflag:s0], $0x100  }
0x33: {  	[sflag:s0] =	ssyncset.done @!p2 $0x0  }
0x34: {  	[sflag:s0] =	ssyncadd.s32 @!p2 $0xFFFFFF00  }
0x35: {  	v12 =	vld [tilespmem:$0x1C480]  }
0x36: {  	v13 =	vld [tilespmem:$0x1C490]  }
0x37: {  	v14 =	vld [tilespmem:$0x1C4A0]  }
0x38: {  	v15 =	vld [tilespmem:$0x1C4B0];
	[tilespmem:$0x1C580] =	vst v0  }
0x39: {  	v16 =	vld [tilespmem:$0x1C4C0];
	[tilespmem:$0x1C590] =	vst v1  }
0x3a: {  	v17 =	vld [tilespmem:$0x1C4D0];
	[tilespmem:$0x1C5A0] =	vst v2  }
0x3b: {  	p6 =	por @!p2 $0x0, $0x0;
	v18 =	vld [tilespmem:$0x1C4E0];
	[tilespmem:$0x1C5B0] =	vst v3  }
0x3c: {  	p5 =	por @p0 $0x1, $0x1;
	p6 =	por @!p3 p1, p1;
	v19 =	vld [tilespmem:$0x1C4F0];
	[tilespmem:$0x1C5C0] =	vst v4  }
0x3d: {  	s13 =	simm.s32 $0x0;
	p5 =	por @!p0 p6, p6;
	v20 =	vld [tilespmem:$0x1C500];
	[bflag:$0x0] =	sbarrier.arrive $0xFFFF  }
.LBB2_2:
0x3e: {  	s0 =	sshll.u32 s13, $0x4;
	s7 =	rddreg [dreg:$0xe]  }
0x3f: {  	s24 =	rddreg [dreg:$0x5];
	s9 =	simm.s32 $0x80;
	s0 =	sadd.s32 s7, s0  }
0x40: {  	s11 =	simm.s32 $0x400;
	s12 =	simm.s32 $0x13B00;
	s7 =	sadd.s32 s24, s0  }
0x41: {  	[tilespmem:s12], [sflag:$0x5] =	stream.strided.gather [hbm4b:s7+s9], $0x800, s11, s9, $0x38;
	[tilespmem:$0x1C600] =	vst v63  }
0x42: {  	_ =	swait.ge [sflag:s8], $0x800  }
0x43: {  	[sflag:s8] =	ssyncset.done $0x0;
	s25 =	rddreg [dreg:$0x6]  }
0x44: {  	s26 =	simm.s32 $0x14300;
	[sflag:s8] =	ssyncadd.s32 $0xFFFFF800;
	s0 =	sadd.s32 s25, s0  }
0x45: {  	[tilespmem:s26], [sflag:$0x5] =	stream.strided.gather [hbm4b:s0+s9], $0x800, s11, s9, $0x38;
	[tilespmem:$0x1C600] =	vst v63  }
0x46: {  	_ =	swait.ge [sflag:s8], $0x800  }
0x47: {  	[sflag:s8] =	ssyncset.done $0x0  }
0x48: {  	s28 =	simm.s32 $0x14B00;
	[sflag:s8] =	ssyncadd.s32 $0xFFFFF800  }
0x49: {  	[tilespmem:s28], [sflag:$0x1] =	stream.indirect.gather [hbm4b:s1+s30], $0x80, s12, s30, $0xb8;
	[tilespmem:$0x1C600] =	vst v63  }
0x4a: {  	v21 =	vld [tilespmem:$0x14300];
	_ =	sdelay $0x4  }
0x4b: {  	v22 =	vshll.u32 v21, $0x1  }
0x4c: {  	v21 =	vand.u32 $0x7, v21;
	v22 =	vand.u32 $0xFFFFFFF0, v22  }
0x4d: {  	v21 =	vor.u32 v21, v22  }
0x4e: {  	v22 =	vperm.xlane v21, v5;
	_ =	sdelay $0x1  }
0x4f: {  	v21 =	vperm.xlane v21, v7;
	v22 =	vadd.s32 v6, v22;
	_ =	sdelay $0x1  }
0x50: {  	s8 =	smul.u32 $0x7D, s13;
	v21 =	vadd.s32 v6, v21  }
0x51: {  	s31 =	rddreg [dreg:$0xd]  }
0x52: {  	s16 =	simm.s32 $0x0;
	s29 =	simm.s32 $0x15B00;
	s17 =	sadd.s32 s31, s8  }
0x53: {  	[tilespmem:s29], [sflag:$0x1] =	stream.indirect_vreg.gather [hbm4b:s5+s16], $0x80, v22, vm0, $0xb8;
	[tilespmem:$0x1C600] =	vst v63  }
0x54: {  	s0 =	sshll.u32 s17, $0x8  }
0x55: {  	[tilespmem:s22], [sflag:$0x1] =	stream.indirect_vreg.gather [hbm4b:s5+s16], $0x80, v21, vm0, $0xb8;
	[tilespmem:$0x1C600] =	vst v63  }
0x56: {  	s25 =	simm.s32 $0x0;
	[dreg:$0x16] =	wrdreg s13;
	s0 =	sadd.s32 s6, s0  }
0x57: {  	[tilespmem:s10], [sflag:$0x1] =	stream.linear.gather [hbm4b:s0+s16], $0x800, $0x38;
	[tilespmem:$0x1C600] =	vst v63  }
.LBB2_3:
0x58: {  	s0 =	sshllo.u32 s25, $0x1  }
0x59: {  	s26 =	sshll.u32 s0, $0x4  }
0x5a: {  	s9 =	simm.s32 $0x15300;
	s7 =	sadd.s32 $0x13B00, s26  }
0x5b: {  	[tilespmem:s9], [sflag:$0x2] =	stream.indirect.gather [hbm4b:s1+s30], $0x80, s7, s30, $0xb8;
	[tilespmem:$0x1C600] =	vst v63  }
0x5c: {  	v21 =	vld [tilespmem:s26+$0x14300];
	_ =	sdelay $0x4  }
0x5d: {  	v22 =	vshll.u32 v21, $0x1  }
0x5e: {  	v21 =	vand.u32 $0x7, v21;
	v22 =	vand.u32 $0xFFFFFFF0, v22  }
0x5f: {  	v21 =	vor.u32 v21, v22  }
0x60: {  	v22 =	vperm.xlane v21, v5;
	_ =	sdelay $0x1  }
0x61: {  	v21 =	vperm.xlane v21, v7;
	v22 =	vadd.s32 v6, v22;
	_ =	sdelay $0x1  }
0x62: {  	v21 =	vadd.s32 v6, v21  }
0x63: {  	s0 =	sadd.s32 s17, s0  }
0x64: {  	s11 =	simm.s32 $0x16B00;
	s0 =	sshll.u32 s0, $0x8  }
0x65: {  	[tilespmem:s11], [sflag:$0x2] =	stream.indirect_vreg.gather [hbm4b:s5+s4], $0x80, v22, vm0, $0xb8;
	[tilespmem:$0x1C600] =	vst v63  }
0x66: {  	s12 =	simm.s32 $0x17300;
	s0 =	sand.u32 $0x1FFFFF00, s0  }
0x67: {  	[tilespmem:s12], [sflag:$0x2] =	stream.indirect_vreg.gather [hbm4b:s5+s4], $0x80, v21, vm0, $0xb8;
	[tilespmem:$0x1C600] =	vst v63  }
0x68: {  	s13 =	simm.s32 $0x18300;
	s0 =	sadd.s32 s6, s0  }
0x69: {  	[tilespmem:s13], [sflag:$0x2] =	stream.linear.gather [hbm4b:s0+s4], $0x800, $0x38;
	[tilespmem:$0x1C600] =	vst v63  }
0x6a: {  	_ =	swait.ge [sflag:s18], $0x800  }
0x6b: {  	[sflag:s18] =	ssyncset.done $0x0  }
0x6c: {  	[sflag:s18] =	ssyncadd.s32 $0xFFFFF800  }
0x6d: {  	_ =	swait.ge [sflag:s18], $0x1000  }
0x6e: {  	[sflag:s18] =	ssyncset.done $0x0  }
0x6f: {  	s29 =	sshll.u32 s25, $0x1;
	[sflag:s18] =	ssyncadd.s32 $0xFFFFF000  }
0x70: {  	s28 =	sadd.s32 s8, s29;
	_ =	swait.ge [sflag:s18], $0x800  }
0x71: {  	p6 =	slt.u32 s28, $0x2;
	[sflag:s18] =	ssyncset.done $0x0  }
0x72: {  	s0 =	simm.s32 @!p6 $0x3;
	[sflag:s18] =	ssyncadd.s32 $0xFFFFF800  }
0x73: {  	_ =	swait.ge @!p6 [sflag:s0], $0x800  }
0x74: {  	[sflag:s0] =	ssyncset.done @!p6 $0x0  }
0x75: {  	s14 =	simm.s32 $0x14B80;
	[sflag:s0] =	ssyncadd.s32 @!p6 $0xFFFFF800  }
0x76: {  	s15 =	simm.s32 $0x17B80;
	v21 =	vld [tilespmem:s14+$0xFFFFFFE0]  }
0x77: {  	v22 =	vld [tilespmem:s15+$0xFFFFFFC0]  }
0x78: {  	v23 =	vld [tilespmem:s14+$0xFFFFFFF0]  }
0x79: {  	v25 =	vld [tilespmem:s14+$0xFFFFFFC0]  }
0x7a: {  	v26 =	vld [tilespmem:s15+$0xFFFFFFA0]  }
0x7b: {  	v27 =	vld [tilespmem:s15+$0xFFFFFFB0]  }
0x7c: {  	v28 =	vld [tilespmem:s14+$0xFFFFFF80]  }
0x7d: {  	s24 =	simm.s32 $0x0;
	s11 =	sand.u32 $0x800, s16;
	v29 =	vld [tilespmem:s14+$0xFFFFFFA0]  }
0x7e: {  	s7 =	sand.u32 $0x300, s24;
	s11 =	sadd.s32 $0x15B00, s11;
	v30 =	vld [tilespmem:s14+$0xFFFFFF90]  }
0x7f: {  	s7 =	sadd.s32 s7, s11;
	v31 =	vld [tilespmem:s14+$0xFFFFFFB0]  }
0x80: {  	v32 =	vld [tilespmem:s7+$0x20]  }
0x81: {  	v33 =	vld [tilespmem:s7+$0x30]  }
0x82: {  	v34 =	vld [tilespmem:s7+$0x10]  }
0x83: {  	v35 =	vld [tilespmem:s7+$0x0]  }
0x84: {  	v36 =	vld [tilespmem:s15+$0xFFFFFF90]  }
0x85: {  	v37 =	vld [tilespmem:s15+$0xFFFFFF80]  }
0x86: {  	v41 =	vld [tilespmem:s14+$0xFFFFFFD0];
	v31 =	vadd.f32 v33, v31  }
0x87: {  	v42 =	vld [tilespmem:s7+$0x50];
	v29 =	vadd.f32 v32, v29  }
0x88: {  	v43 =	vld [tilespmem:s7+$0x40];
	v30 =	vadd.f32 v34, v30;
	v27 =	vadd.f32 v27, v31  }
0x89: {  	v44 =	vld [tilespmem:s7+$0x70];
	v28 =	vadd.f32 v35, v28;
	v26 =	vadd.f32 v26, v29  }
0x8a: {  	v24 =	vld [tilespmem:s15+$0xFFFFFFD0];
	v30 =	vadd.f32 v36, v30;
	v27 =	vmul.f32 $1.442695020e+00, v27  }
0x8b: {  	v45 =	vld [tilespmem:s7+$0x60];
	v28 =	vadd.f32 v37, v28;
	v26 =	vmul.f32 $1.442695020e+00, v26  }
0x8c: {  	v46 =	vld [tilespmem:s15+$0xFFFFFFF0];
	v32 =	vadd.f32 v42, v41;
	v30 =	vmul.f32 $1.442695020e+00, v30;
	(erf) = vpow2.f32 v27  }
0x8d: {  	v47 =	vld [tilespmem:s15+$0xFFFFFFE0];
	v25 =	vadd.f32 v43, v25;
	v48 =	vmul.f32 $1.442695020e+00, v28;
	(erf) = vpow2.f32 v26  }
0x8e: {  	v23 =	vadd.f32 v44, v23;
	(erf) = vpow2.f32 v30  }
0x8f: {  	v24 =	vadd.f32 v24, v32;
	v22 =	vadd.f32 v22, v25;
	(erf) = vpow2.f32 v48  }
0x90: {  	v21 =	vadd.f32 v45, v21  }
0x91: {  	v23 =	vadd.f32 v46, v23;
	v24 =	vmul.f32 $1.442695020e+00, v24;
	v22 =	vmul.f32 $1.442695020e+00, v22  }
0x92: {  	v21 =	vadd.f32 v47, v21  }
0x93: {  	v23 =	vmul.f32 $1.442695020e+00, v23;
	(erf) = vpow2.f32 v24  }
0x94: {  	v21 =	vmul.f32 $1.442695020e+00, v21;
	(erf) = vpow2.f32 v22  }
0x95: {  	(erf) = vpow2.f32 v23;
	v22 =	vpop (erf)  }
0x96: {  	(erf) = vpow2.f32 v21;
	v21 =	vadd.f32 $1.000000000e+00, v22;
	v22 =	vpop (erf)  }
0x97: {  	v23 =	vpop (erf)  }
0x98: {  	v49 =	vpop (erf)  }
0x99: {  	v22 =	vadd.f32 $1.000000000e+00, v22;
	(erf) = vrcp.f32 v21;
	v21 =	vadd.f32 $1.000000000e+00, v49  }
0x9a: {  	v23 =	vadd.f32 $1.000000000e+00, v23  }
0x9b: {  	(erf) = vrcp.f32 v22  }
0x9c: {  	(erf) = vrcp.f32 v23  }
0x9d: {  	(erf) = vrcp.f32 v21;
	v21 =	vpop (erf)  }
0x9e: {  	v21 =	vadd.f32 $1.000000000e+00, v21;
	_ =	sdelay $0x1  }
0x9f: {  	v22 =	vpop (erf)  }
0xa0: {  	v23 =	vpop (erf)  }
0xa1: {  	v22 =	vadd.f32 $1.000000000e+00, v22;
	(erf) = vrcp.f32 v21;
	v21 =	vpop (erf)  }
0xa2: {  	v21 =	vadd.f32 $1.000000000e+00, v21  }
0xa3: {  	v23 =	vadd.f32 $1.000000000e+00, v23  }
0xa4: {  	(erf) = vrcp.f32 v22  }
0xa5: {  	(erf) = vrcp.f32 v23;
	v22 =	vpop (erf)  }
0xa6: {  	(erf) = vrcp.f32 v21;
	v21 =	vpop (erf)  }
0xa7: {  	v23 =	vpop (erf)  }
0xa8: {  	v23 =	vmul.f32 v23, v13;
	_ =	sdelay $0x1  }
0xa9: {  	v22 =	vmul.f32 v22, v15;
	v50 =	vpop (erf);
	v23 =	vadd.f32 $0.0e+00, v23  }
0xaa: {  	v24 =	vmul.f32 v50, v12;
	v51 =	vpop (erf)  }
0xab: {  	v22 =	vadd.f32 v22, v23;
	v23 =	vmul.f32 v51, v17  }
0xac: {  	v21 =	vmul.f32 v21, v14;
	v24 =	vadd.f32 $0.0e+00, v24  }
0xad: {  	v52 =	vpop (erf)  }
0xae: {  	v53 =	vmul.f32 v52, v16;
	v54 =	vpop (erf);
	v21 =	vadd.f32 v21, v24  }
0xaf: {  	v22 =	vadd.f32 v23, v22;
	v23 =	vpop (erf)  }
0xb0: {  	v25 =	vmul.f32 v54, v19;
	v21 =	vadd.f32 v53, v21;
	v23 =	vmul.f32 v23, v18;
	_ =	sdelay $0x1  }
0xb1: {  	v22 =	vadd.f32 v25, v22;
	v21 =	vadd.f32 v23, v21;
	_ =	sdelay $0x1  }
0xb2: {  	v21 =	vadd.f32 v22, v21;
	_ =	sdelay $0x1  }
0xb3: {  	v22 =	vperm.xlane v21, v8;
	_ =	sdelay $0x1  }
0xb4: {  	v21 =	vadd.f32 v21, v22;
	_ =	sdelay $0x1  }
0xb5: {  	v22 =	vperm.xlane v21, v9;
	_ =	sdelay $0x1  }
0xb6: {  	v21 =	vadd.f32 v21, v22;
	_ =	sdelay $0x1  }
0xb7: {  	v22 =	vperm.xlane v21, v10;
	_ =	sdelay $0x1  }
0xb8: {  	v21 =	vadd.f32 v21, v22;
	_ =	sdelay $0x1  }
0xb9: {  	v22 =	vperm.xlane v21, v11;
	_ =	sdelay $0x1  }
0xba: {  	v21 =	vadd.f32 v21, v22;
	_ =	sdelay $0x1  }
0xbb: {  	v21 =	vsub.f32 v20, v21;
	_ =	sdelay $0x1  }
0xbc: {  	v21 =	vmul.f32 $1.442695020e+00, v21;
	_ =	sdelay $0x1  }
0xbd: {  	(erf) = vpow2.f32 v21;
	_ =	sdelay $0x4  }
0xbe: {  	v21 =	vld [tilespmem:s7+$0x400];
	_ =	sdelay $0x3  }
0xbf: {  	v22 =	vpop (erf)  }
0xc0: {  	v21 =	vmul.f32 v22, v21  }
0xc1: {  	s24 =	simm.s32 $0x18B80  }
0xc2: {  	[tilespmem:s24+$0xFFFFFF80] =	vst v21  }
0xc3: {  	v21 =	vld [tilespmem:s7+$0x410];
	_ =	sdelay $0x4  }
0xc4: {  	v21 =	vmul.f32 v22, v21;
	_ =	sdelay $0x1  }
0xc5: {  	[tilespmem:s24+$0xFFFFFF90] =	vst v21  }
0xc6: {  	v21 =	vld [tilespmem:s7+$0x420];
	_ =	sdelay $0x4  }
0xc7: {  	v21 =	vmul.f32 v22, v21;
	_ =	sdelay $0x1  }
0xc8: {  	[tilespmem:s24+$0xFFFFFFA0] =	vst v21  }
0xc9: {  	v21 =	vld [tilespmem:s7+$0x430];
	_ =	sdelay $0x4  }
0xca: {  	v21 =	vmul.f32 v22, v21;
	_ =	sdelay $0x1  }
0xcb: {  	[tilespmem:s24+$0xFFFFFFB0] =	vst v21  }
0xcc: {  	v21 =	vld [tilespmem:s7+$0x440];
	_ =	sdelay $0x4  }
0xcd: {  	v21 =	vmul.f32 v22, v21;
	_ =	sdelay $0x1  }
0xce: {  	[tilespmem:s24+$0xFFFFFFC0] =	vst v21  }
0xcf: {  	v21 =	vld [tilespmem:s7+$0x450];
	_ =	sdelay $0x4  }
0xd0: {  	v21 =	vmul.f32 v21, v22;
	_ =	sdelay $0x1  }
0xd1: {  	[tilespmem:s24+$0xFFFFFFD0] =	vst v21  }
0xd2: {  	v21 =	vld [tilespmem:s7+$0x460];
	_ =	sdelay $0x4  }
0xd3: {  	v21 =	vmul.f32 v21, v22;
	_ =	sdelay $0x1  }
0xd4: {  	[tilespmem:s24+$0xFFFFFFE0] =	vst v21  }
0xd5: {  	v21 =	vld [tilespmem:s7+$0x470]  }
0xd6: {  	v23 =	vmov s16  }
0xd7: {  	vm1 =	veq.s32 v23, v0;
	_ =	sdelay $0x2  }
0xd8: {  	v21 =	vmul.f32 v21, v22;
	_ =	sdelay $0x1  }
0xd9: {  	[tilespmem:s24+$0xFFFFFFF0] =	vst v21  }
0xda: {  	[tilespmem:v0+s19+$0x0] =	vst.idx.msk vm1, v22  }
0xdb: {  	v21 =	vld [tilespmem:s15+$0x50]  }
0xdc: {  	s7 =	simm.s32 $0x80;
	v22 =	vld [tilespmem:s14+$0x50]  }
0xdd: {  	s12 =	sand.u32 $0x380, s7;
	v23 =	vld [tilespmem:s15+$0x40]  }
0xde: {  	s31 =	sadd.s32 s12, s11;
	v55 =	vld [tilespmem:s14+$0x40]  }
0xdf: {  	v56 =	vld [tilespmem:s31+$0x40]  }
0xe0: {  	v57 =	vld [tilespmem:s31+$0x50]  }
0xe1: {  	v58 =	vld [tilespmem:s15+$0x30]  }
0xe2: {  	v59 =	vld [tilespmem:s31+$0x30]  }
0xe3: {  	v60 =	vld [tilespmem:s14+$0x30]  }
0xe4: {  	v61 =	vld [tilespmem:s31+$0x20]  }
0xe5: {  	v62 =	vld [tilespmem:s14+$0x0]  }
0xe6: {  	v40 =	vld [tilespmem:s31+$0x10]  }
0xe7: {  	v41 =	vld [tilespmem:s14+$0x10]  }
0xe8: {  	v63 =	vld [tilespmem:s14+$0x20]  }
0xe9: {  	v43 =	vld [tilespmem:s15+$0x10]  }
0xea: {  	v42 =	vld [tilespmem:s31+$0x0];
	v28 =	vadd.f32 v59, v60  }
0xeb: {  	v44 =	vld [tilespmem:s15+$0x0];
	v24 =	vadd.f32 v56, v55  }
0xec: {  	v45 =	vld [tilespmem:s15+$0x20];
	v47 =	vadd.f32 v40, v41;
	v46 =	vadd.f32 v58, v28  }
0xed: {  	v48 =	vld [tilespmem:s31+$0x70];
	v22 =	vadd.f32 v57, v22;
	v23 =	vadd.f32 v23, v24  }
0xee: {  	v49 =	vld [tilespmem:s14+$0x70];
	v27 =	vadd.f32 v43, v47;
	v25 =	vmul.f32 $1.442695020e+00, v46  }
0xef: {  	v51 =	vld [tilespmem:s31+$0x60];
	v21 =	vadd.f32 v21, v22;
	v22 =	vmul.f32 $1.442695020e+00, v23  }
0xf0: {  	v50 =	vadd.f32 v42, v62;
	v23 =	vld [tilespmem:s14+$0x60];
	v54 =	vmul.f32 $1.442695020e+00, v27;
	(erf) = vpow2.f32 v25  }
0xf1: {  	v52 =	vld [tilespmem:s15+$0x70];
	v30 =	vadd.f32 v61, v63;
	(erf) = vpow2.f32 v22  }
0xf2: {  	v55 =	vld [tilespmem:s15+$0x60];
	v53 =	vadd.f32 v44, v50;
	(erf) = vpow2.f32 v54  }
0xf3: {  	v56 =	vadd.f32 v45, v30;
	v21 =	vmul.f32 $1.442695020e+00, v21  }
0xf4: {  	v24 =	vadd.f32 v48, v49;
	v22 =	vmul.f32 $1.442695020e+00, v53  }
0xf5: {  	(erf) = vpow2.f32 v21;
	v21 =	vmul.f32 $1.442695020e+00, v56;
	v23 =	vadd.f32 v51, v23  }
0xf6: {  	(erf) = vpow2.f32 v22;
	v22 =	vadd.f32 v52, v24  }
0xf7: {  	(erf) = vpow2.f32 v21;
	v21 =	vadd.f32 v55, v23  }
0xf8: {  	v22 =	vmul.f32 $1.442695020e+00, v22  }
0xf9: {  	v21 =	vmul.f32 $1.442695020e+00, v21;
	v23 =	vpop (erf)  }
0xfa: {  	(erf) = vpow2.f32 v22;
	v22 =	vadd.f32 $1.000000000e+00, v23;
	v23 =	vpop (erf)  }
0xfb: {  	(erf) = vpow2.f32 v21;
	v21 =	vadd.f32 $1.000000000e+00, v23;
	v23 =	vpop (erf)  }
0xfc: {  	v23 =	vadd.f32 $1.000000000e+00, v23;
	_ =	sdelay $0x1  }
0xfd: {  	(erf) = vrcp.f32 v22;
	v22 =	vpop (erf)  }
0xfe: {  	(erf) = vrcp.f32 v21;
	v22 =	vadd.f32 $1.000000000e+00, v22;
	v57 =	vpop (erf)  }
0xff: {  	(erf) = vrcp.f32 v23;
	v21 =	vadd.f32 $1.000000000e+00, v57;
	v23 =	vpop (erf)  }
0x100: {  	(erf) = vrcp.f32 v22;
	v22 =	vadd.f32 $1.000000000e+00, v23;
	_ =	sdelay $0x1  }
0x101: {  	(erf) = vrcp.f32 v21  }
0x102: {  	v21 =	vpop (erf)  }
0x103: {  	(erf) = vrcp.f32 v22;
	v21 =	vadd.f32 $1.000000000e+00, v21;
	v22 =	vpop (erf)  }
0x104: {  	v22 =	vadd.f32 $1.000000000e+00, v22;
	_ =	sdelay $0x1  }
0x105: {  	v23 =	vpop (erf);
	(erf) = vrcp.f32 v21  }
0x106: {  	(erf) = vrcp.f32 v22;
	v21 =	vpop (erf)  }
0x107: {  	v22 =	vpop (erf)  }
0x108: {  	v58 =	vpop (erf)  }
0x109: {  	v22 =	vmul.f32 v22, v13;
	v59 =	vpop (erf)  }
0x10a: {  	v25 =	vmul.f32 v59, v12  }
0x10b: {  	v23 =	vmul.f32 v23, v15;
	v22 =	vadd.f32 $0.0e+00, v22;
	v60 =	vpop (erf)  }
0x10c: {  	v26 =	vmul.f32 v60, v14;
	v25 =	vadd.f32 $0.0e+00, v25  }
0x10d: {  	v24 =	vmul.f32 v58, v17;
	v22 =	vadd.f32 v23, v22  }
0x10e: {  	v21 =	vmul.f32 v21, v16;
	v61 =	vpop (erf);
	v23 =	vadd.f32 v26, v25  }
0x10f: {  	v22 =	vadd.f32 v24, v22;
	v62 =	vpop (erf)  }
0x110: {  	v63 =	vmul.f32 v61, v19;
	v21 =	vadd.f32 v21, v23;
	v23 =	vmul.f32 v62, v18;
	_ =	sdelay $0x1  }
0x111: {  	v22 =	vadd.f32 v63, v22;
	v21 =	vadd.f32 v23, v21;
	_ =	sdelay $0x1  }
0x112: {  	v21 =	vadd.f32 v22, v21;
	_ =	sdelay $0x1  }
0x113: {  	v22 =	vperm.xlane v21, v8;
	_ =	sdelay $0x1  }
0x114: {  	v21 =	vadd.f32 v21, v22;
	_ =	sdelay $0x1  }
0x115: {  	v22 =	vperm.xlane v21, v9;
	_ =	sdelay $0x1  }
0x116: {  	v21 =	vadd.f32 v21, v22;
	_ =	sdelay $0x1  }
0x117: {  	v22 =	vperm.xlane v21, v10;
	_ =	sdelay $0x1  }
0x118: {  	v21 =	vadd.f32 v21, v22;
	_ =	sdelay $0x1  }
0x119: {  	v22 =	vperm.xlane v21, v11;
	_ =	sdelay $0x1  }
0x11a: {  	v21 =	vadd.f32 v21, v22;
	_ =	sdelay $0x1  }
0x11b: {  	v21 =	vsub.f32 v20, v21;
	_ =	sdelay $0x1  }
0x11c: {  	v21 =	vmul.f32 $1.442695020e+00, v21;
	_ =	sdelay $0x1  }
0x11d: {  	(erf) = vpow2.f32 v21;
	_ =	sdelay $0x4  }
0x11e: {  	v22 =	vld [tilespmem:s31+$0x400];
	_ =	sdelay $0x3  }
0x11f: {  	v21 =	vpop (erf)  }
0x120: {  	v22 =	vmul.f32 v21, v22;
	_ =	sdelay $0x1  }
0x121: {  	[tilespmem:s24+$0x0] =	vst v22  }
0x122: {  	v22 =	vld [tilespmem:s31+$0x410];
	_ =	sdelay $0x4  }
0x123: {  	v22 =	vmul.f32 v21, v22;
	_ =	sdelay $0x1  }
0x124: {  	[tilespmem:s24+$0x10] =	vst v22  }
0x125: {  	v22 =	vld [tilespmem:s31+$0x420];
	_ =	sdelay $0x4  }
0x126: {  	v22 =	vmul.f32 v21, v22;
	_ =	sdelay $0x1  }
0x127: {  	[tilespmem:s24+$0x20] =	vst v22  }
0x128: {  	v22 =	vld [tilespmem:s31+$0x430];
	_ =	sdelay $0x4  }
0x129: {  	v22 =	vmul.f32 v21, v22;
	_ =	sdelay $0x1  }
0x12a: {  	[tilespmem:s24+$0x30] =	vst v22  }
0x12b: {  	v22 =	vld [tilespmem:s31+$0x440];
	_ =	sdelay $0x4  }
0x12c: {  	v22 =	vmul.f32 v21, v22;
	_ =	sdelay $0x1  }
0x12d: {  	[tilespmem:s24+$0x40] =	vst v22  }
0x12e: {  	v22 =	vld [tilespmem:s31+$0x450];
	_ =	sdelay $0x1  }
0x12f: {  	s9 =	simm.s32 $0x18B80;
	s13 =	simm.s32 $0x0;
	s12 =	simm.s32 $0x2  }
0x130: {  	s11 =	simm.s32 $0x0;
	s15 =	simm.s32 $0x17C80;
	s14 =	simm.s32 $0x14C80  }
.LBB2_4:
0x131: {  	s7 =	sadd.s32 $0x100, s7;
	s11 =	sadd.s32 $0x200, s11;
	s24 =	sadd.s32 $0x100, s24  }
0x132: {  	p6 =	slt.u32 s12, $0xE;
	s0 =	smov.u32 s12;
	s12 =	sadd.s32 $0x2, s12;
	v22 =	vmul.f32 v22, v21  }
0x133: {  	_ = 	snop  }
0x134: {  	[tilespmem:s9+$0x50] =	vst v22  }
0x135: {  	v22 =	vld [tilespmem:s31+$0x460];
	_ =	sdelay $0x4  }
0x136: {  	v22 =	vmul.f32 v22, v21;
	_ =	sdelay $0x1  }
0x137: {  	[tilespmem:s9+$0x60] =	vst v22  }
0x138: {  	v22 =	vld [tilespmem:s31+$0x470];
	s31 =	sadd.s32 $0x1, s13;
	s13 =	smov.u32 s0  }
0x139: {  	v23 =	vmov s31  }
0x13a: {  	vm1 =	veq.s32 v23, v0;
	_ =	sdelay $0x2  }
0x13b: {  	v22 =	vmul.f32 v22, v21;
	_ =	sdelay $0x1  }
0x13c: {  	[tilespmem:s9+$0x70] =	vst v22;
	s9 =	smov.u32 s24  }
0x13d: {  	[tilespmem:v0+s19+$0x0] =	vst.idx.msk vm1, v21  }
0x13e: {  	v21 =	vld [tilespmem:s14+$0xFFFFFFE0]  }
0x13f: {  	v22 =	vld [tilespmem:s15+$0xFFFFFFC0]  }
0x140: {  	v23 =	vld [tilespmem:s14+$0xFFFFFFF0]  }
0x141: {  	v24 =	vld [tilespmem:s15+$0xFFFFFFD0]  }
0x142: {  	v25 =	vld [tilespmem:s14+$0xFFFFFFC0]  }
0x143: {  	v26 =	vld [tilespmem:s15+$0xFFFFFFA0]  }
0x144: {  	v27 =	vld [tilespmem:s15+$0xFFFFFFB0]  }
0x145: {  	v28 =	vld [tilespmem:s14+$0xFFFFFF80]  }
0x146: {  	s0 =	sadd.s32 $0xFFFFFF80, s7;
	s31 =	sand.u32 $0x800, s11;
	v29 =	vld [tilespmem:s14+$0xFFFFFFA0]  }
0x147: {  	s0 =	sand.u32 $0x300, s0;
	s31 =	sadd.s32 $0x15B00, s31;
	v30 =	vld [tilespmem:s14+$0xFFFFFF90]  }
0x148: {  	s0 =	sadd.s32 s0, s31;
	v31 =	vld [tilespmem:s14+$0xFFFFFFB0]  }
0x149: {  	v32 =	vld [tilespmem:s0+$0x20]  }
0x14a: {  	v33 =	vld [tilespmem:s0+$0x30]  }
0x14b: {  	v34 =	vld [tilespmem:s0+$0x10]  }
0x14c: {  	v35 =	vld [tilespmem:s0+$0x0]  }
0x14d: {  	v36 =	vld [tilespmem:s15+$0xFFFFFF90]  }
0x14e: {  	v37 =	vld [tilespmem:s15+$0xFFFFFF80]  }
0x14f: {  	v31 =	vadd.f32 v33, v31;
	v33 =	vld [tilespmem:s14+$0xFFFFFFD0]  }
0x150: {  	v29 =	vadd.f32 v32, v29;
	v30 =	vadd.f32 v34, v30;
	v32 =	vld [tilespmem:s0+$0x50]  }
0x151: {  	v28 =	vadd.f32 v35, v28;
	v27 =	vadd.f32 v27, v31;
	v31 =	vld [tilespmem:s0+$0x40]  }
0x152: {  	v26 =	vadd.f32 v26, v29;
	v30 =	vadd.f32 v36, v30;
	v29 =	vld [tilespmem:s0+$0x70]  }
0x153: {  	v28 =	vadd.f32 v37, v28;
	v27 =	vmul.f32 $1.442695020e+00, v27;
	v34 =	vld [tilespmem:s0+$0x60]  }
0x154: {  	v26 =	vmul.f32 $1.442695020e+00, v26;
	v30 =	vmul.f32 $1.442695020e+00, v30;
	v35 =	vld [tilespmem:s15+$0xFFFFFFF0]  }
0x155: {  	v28 =	vmul.f32 $1.442695020e+00, v28;
	v32 =	vadd.f32 v32, v33;
	v33 =	vld [tilespmem:s15+$0xFFFFFFE0];
	(erf) = vpow2.f32 v27  }
0x156: {  	v25 =	vadd.f32 v31, v25;
	(erf) = vpow2.f32 v26  }
0x157: {  	v24 =	vadd.f32 v24, v32;
	v23 =	vadd.f32 v29, v23;
	(erf) = vpow2.f32 v30  }
0x158: {  	v22 =	vadd.f32 v22, v25;
	v21 =	vadd.f32 v34, v21;
	(erf) = vpow2.f32 v28  }
0x159: {  	v24 =	vmul.f32 $1.442695020e+00, v24;
	v23 =	vadd.f32 v35, v23  }
0x15a: {  	v22 =	vmul.f32 $1.442695020e+00, v22;
	v21 =	vadd.f32 v33, v21  }
0x15b: {  	v23 =	vmul.f32 $1.442695020e+00, v23;
	(erf) = vpow2.f32 v24  }
0x15c: {  	v21 =	vmul.f32 $1.442695020e+00, v21;
	(erf) = vpow2.f32 v22  }
0x15d: {  	(erf) = vpow2.f32 v23  }
0x15e: {  	v22 =	vpop (erf);
	(erf) = vpow2.f32 v21  }
0x15f: {  	v21 =	vadd.f32 $1.000000000e+00, v22;
	v22 =	vpop (erf)  }
0x160: {  	v22 =	vadd.f32 $1.000000000e+00, v22;
	v23 =	vpop (erf)  }
0x161: {  	v23 =	vadd.f32 $1.000000000e+00, v23;
	v24 =	vpop (erf);
	(erf) = vrcp.f32 v21  }
0x162: {  	v24 =	vadd.f32 $1.000000000e+00, v24;
	(erf) = vrcp.f32 v22  }
0x163: {  	(erf) = vrcp.f32 v23  }
0x164: {  	(erf) = vrcp.f32 v24;
	v21 =	vpop (erf)  }
0x165: {  	v24 =	vadd.f32 $1.000000000e+00, v21;
	v22 =	vpop (erf)  }
0x166: {  	v22 =	vadd.f32 $1.000000000e+00, v22;
	v23 =	vpop (erf)  }
0x167: {  	v23 =	vadd.f32 $1.000000000e+00, v23;
	(erf) = vrcp.f32 v24;
	v21 =	vpop (erf)  }
0x168: {  	v24 =	vadd.f32 $1.000000000e+00, v21;
	(erf) = vrcp.f32 v22  }
0x169: {  	(erf) = vrcp.f32 v23  }
0x16a: {  	v22 =	vpop (erf);
	(erf) = vrcp.f32 v24  }
0x16b: {  	v21 =	vpop (erf)  }
0x16c: {  	v23 =	vpop (erf)  }
0x16d: {  	v23 =	vmul.f32 v23, v13;
	v24 =	vpop (erf)  }
0x16e: {  	v24 =	vmul.f32 v24, v12  }
0x16f: {  	v22 =	vmul.f32 v22, v15;
	v23 =	vadd.f32 $0.0e+00, v23  }
0x170: {  	v21 =	vmul.f32 v21, v14;
	v24 =	vadd.f32 $0.0e+00, v24;
	v25 =	vpop (erf)  }
0x171: {  	v22 =	vadd.f32 v22, v23;
	v23 =	vmul.f32 v25, v17;
	v25 =	vpop (erf)  }
0x172: {  	v21 =	vadd.f32 v21, v24;
	v24 =	vmul.f32 v25, v16;
	v25 =	vpop (erf)  }
0x173: {  	v22 =	vadd.f32 v23, v22;
	v23 =	vmul.f32 v25, v19;
	v25 =	vpop (erf)  }
0x174: {  	v21 =	vadd.f32 v24, v21;
	v24 =	vmul.f32 v25, v18  }
0x175: {  	v22 =	vadd.f32 v23, v22  }
0x176: {  	v21 =	vadd.f32 v24, v21;
	_ =	sdelay $0x1  }
0x177: {  	v21 =	vadd.f32 v22, v21;
	_ =	sdelay $0x1  }
0x178: {  	v22 =	vperm.xlane v21, v8;
	_ =	sdelay $0x1  }
0x179: {  	v21 =	vadd.f32 v21, v22;
	_ =	sdelay $0x1  }
0x17a: {  	v22 =	vperm.xlane v21, v9;
	_ =	sdelay $0x1  }
0x17b: {  	v21 =	vadd.f32 v21, v22;
	_ =	sdelay $0x1  }
0x17c: {  	v22 =	vperm.xlane v21, v10;
	_ =	sdelay $0x1  }
0x17d: {  	v21 =	vadd.f32 v21, v22;
	_ =	sdelay $0x1  }
0x17e: {  	v22 =	vperm.xlane v21, v11;
	_ =	sdelay $0x1  }
0x17f: {  	v21 =	vadd.f32 v21, v22;
	_ =	sdelay $0x1  }
0x180: {  	v21 =	vsub.f32 v20, v21;
	_ =	sdelay $0x1  }
0x181: {  	v21 =	vmul.f32 $1.442695020e+00, v21;
	_ =	sdelay $0x1  }
0x182: {  	(erf) = vpow2.f32 v21;
	_ =	sdelay $0x4  }
0x183: {  	v21 =	vld [tilespmem:s0+$0x400];
	_ =	sdelay $0x3  }
0x184: {  	v22 =	vpop (erf)  }
0x185: {  	v21 =	vmul.f32 v22, v21;
	_ =	sdelay $0x1  }
0x186: {  	[tilespmem:s24+$0xFFFFFF80] =	vst v21  }
0x187: {  	v21 =	vld [tilespmem:s0+$0x410];
	_ =	sdelay $0x4  }
0x188: {  	v21 =	vmul.f32 v22, v21;
	_ =	sdelay $0x1  }
0x189: {  	[tilespmem:s24+$0xFFFFFF90] =	vst v21  }
0x18a: {  	v21 =	vld [tilespmem:s0+$0x420];
	_ =	sdelay $0x4  }
0x18b: {  	v21 =	vmul.f32 v22, v21;
	_ =	sdelay $0x1  }
0x18c: {  	[tilespmem:s24+$0xFFFFFFA0] =	vst v21  }
0x18d: {  	v21 =	vld [tilespmem:s0+$0x430];
	_ =	sdelay $0x4  }
0x18e: {  	v21 =	vmul.f32 v22, v21;
	_ =	sdelay $0x1  }
0x18f: {  	[tilespmem:s24+$0xFFFFFFB0] =	vst v21  }
0x190: {  	v21 =	vld [tilespmem:s0+$0x440];
	_ =	sdelay $0x4  }
0x191: {  	v21 =	vmul.f32 v22, v21;
	_ =	sdelay $0x1  }
0x192: {  	[tilespmem:s24+$0xFFFFFFC0] =	vst v21  }
0x193: {  	v21 =	vld [tilespmem:s0+$0x450];
	_ =	sdelay $0x4  }
0x194: {  	v21 =	vmul.f32 v21, v22;
	_ =	sdelay $0x1  }
0x195: {  	[tilespmem:s24+$0xFFFFFFD0] =	vst v21  }
0x196: {  	v21 =	vld [tilespmem:s0+$0x460];
	_ =	sdelay $0x4  }
0x197: {  	v21 =	vmul.f32 v21, v22;
	_ =	sdelay $0x1  }
0x198: {  	[tilespmem:s24+$0xFFFFFFE0] =	vst v21  }
0x199: {  	v21 =	vld [tilespmem:s0+$0x470]  }
0x19a: {  	v23 =	vmov s13  }
0x19b: {  	vm1 =	veq.s32 v23, v0;
	_ =	sdelay $0x2  }
0x19c: {  	v21 =	vmul.f32 v21, v22;
	_ =	sdelay $0x1  }
0x19d: {  	[tilespmem:s24+$0xFFFFFFF0] =	vst v21  }
0x19e: {  	[tilespmem:v0+s19+$0x0] =	vst.idx.msk vm1, v22  }
0x19f: {  	v21 =	vld [tilespmem:s15+$0x50]  }
0x1a0: {  	v22 =	vld [tilespmem:s14+$0x50]  }
0x1a1: {  	s0 =	sand.u32 $0x380, s7;
	v23 =	vld [tilespmem:s15+$0x40]  }
0x1a2: {  	s31 =	sadd.s32 s0, s31;
	v24 =	vld [tilespmem:s14+$0x40]  }
0x1a3: {  	v25 =	vld [tilespmem:s31+$0x40]  }
0x1a4: {  	v26 =	vld [tilespmem:s31+$0x50]  }
0x1a5: {  	v27 =	vld [tilespmem:s15+$0x30]  }
0x1a6: {  	v28 =	vld [tilespmem:s31+$0x30]  }
0x1a7: {  	v29 =	vld [tilespmem:s14+$0x30]  }
0x1a8: {  	v30 =	vld [tilespmem:s31+$0x20]  }
0x1a9: {  	v31 =	vld [tilespmem:s14+$0x0]  }
0x1aa: {  	v32 =	vld [tilespmem:s14+$0x20]  }
0x1ab: {  	v33 =	vld [tilespmem:s31+$0x10]  }
0x1ac: {  	v34 =	vld [tilespmem:s31+$0x0];
	v28 =	vadd.f32 v28, v29  }
0x1ad: {  	v29 =	vld [tilespmem:s14+$0x10]  }
0x1ae: {  	v35 =	vld [tilespmem:s15+$0x0];
	v27 =	vadd.f32 v27, v28  }
0x1af: {  	v28 =	vld [tilespmem:s15+$0x10];
	v30 =	vadd.f32 v30, v32  }
0x1b0: {  	v32 =	vld [tilespmem:s15+$0x20];
	v27 =	vmul.f32 $1.442695020e+00, v27  }
0x1b1: {  	v24 =	vadd.f32 v25, v24;
	v31 =	vadd.f32 v34, v31;
	v25 =	vld [tilespmem:s15+$0x70]  }
0x1b2: {  	v22 =	vadd.f32 v26, v22;
	v29 =	vadd.f32 v33, v29;
	v26 =	vld [tilespmem:s31+$0x70];
	(erf) = vpow2.f32 v27  }
0x1b3: {  	v23 =	vadd.f32 v23, v24;
	v27 =	vadd.f32 v35, v31;
	v24 =	vld [tilespmem:s14+$0x70]  }
0x1b4: {  	v21 =	vadd.f32 v21, v22;
	v28 =	vadd.f32 v28, v29;
	v22 =	vld [tilespmem:s31+$0x60]  }
0x1b5: {  	v23 =	vmul.f32 $1.442695020e+00, v23;
	v27 =	vmul.f32 $1.442695020e+00, v27;
	v29 =	vadd.f32 v32, v30;
	v30 =	vld [tilespmem:s14+$0x60]  }
0x1b6: {  	v21 =	vmul.f32 $1.442695020e+00, v21;
	v28 =	vmul.f32 $1.442695020e+00, v28  }
0x1b7: {  	v29 =	vmul.f32 $1.442695020e+00, v29;
	v31 =	vld [tilespmem:s15+$0x60];
	(erf) = vpow2.f32 v23  }
0x1b8: {  	v24 =	vadd.f32 v26, v24;
	(erf) = vpow2.f32 v28  }
0x1b9: {  	(erf) = vpow2.f32 v21  }
0x1ba: {  	v21 =	vadd.f32 v22, v30;
	v22 =	vadd.f32 v25, v24;
	(erf) = vpow2.f32 v27  }
0x1bb: {  	(erf) = vpow2.f32 v29;
	v23 =	vpop (erf)  }
0x1bc: {  	v23 =	vadd.f32 $1.000000000e+00, v23;
	v21 =	vadd.f32 v31, v21;
	v22 =	vmul.f32 $1.442695020e+00, v22;
	_ =	sdelay $0x1  }
0x1bd: {  	v21 =	vmul.f32 $1.442695020e+00, v21;
	(erf) = vpow2.f32 v22;
	_ =	sdelay $0x1  }
0x1be: {  	v22 =	vpop (erf);
	(erf) = vpow2.f32 v21  }
0x1bf: {  	v21 =	vadd.f32 $1.000000000e+00, v22;
	v22 =	vpop (erf)  }
0x1c0: {  	v25 =	vadd.f32 $1.000000000e+00, v22;
	(erf) = vrcp.f32 v23;
	v23 =	vpop (erf)  }
0x1c1: {  	v23 =	vadd.f32 $1.000000000e+00, v23;
	v24 =	vpop (erf);
	(erf) = vrcp.f32 v21  }
0x1c2: {  	v24 =	vadd.f32 $1.000000000e+00, v24;
	(erf) = vrcp.f32 v25;
	v22 =	vpop (erf)  }
0x1c3: {  	v22 =	vadd.f32 $1.000000000e+00, v22;
	(erf) = vrcp.f32 v23  }
0x1c4: {  	(erf) = vrcp.f32 v24  }
0x1c5: {  	(erf) = vrcp.f32 v22;
	v21 =	vpop (erf)  }
0x1c6: {  	v21 =	vadd.f32 $1.000000000e+00, v21  }
0x1c7: {  	v22 =	vpop (erf)  }
0x1c8: {  	v24 =	vadd.f32 $1.000000000e+00, v22  }
0x1c9: {  	v23 =	vpop (erf);
	(erf) = vrcp.f32 v21  }
0x1ca: {  	v21 =	vpop (erf);
	(erf) = vrcp.f32 v24  }
0x1cb: {  	v22 =	vpop (erf)  }
0x1cc: {  	v22 =	vmul.f32 v22, v13;
	v24 =	vpop (erf)  }
0x1cd: {  	v25 =	vpop (erf)  }
0x1ce: {  	v23 =	vmul.f32 v23, v15;
	v25 =	vmul.f32 v25, v12;
	v22 =	vadd.f32 $0.0e+00, v22;
	v26 =	vpop (erf)  }
0x1cf: {  	v27 =	vmul.f32 v24, v17  }
0x1d0: {  	v26 =	vmul.f32 v26, v14;
	v28 =	vadd.f32 $0.0e+00, v25;
	v22 =	vadd.f32 v23, v22;
	_ =	sdelay $0x1  }
0x1d1: {  	v21 =	vmul.f32 v21, v16;
	v23 =	vadd.f32 v26, v28;
	v22 =	vadd.f32 v27, v22;
	v24 =	vpop (erf)  }
0x1d2: {  	v25 =	vpop (erf)  }
0x1d3: {  	v24 =	vmul.f32 v24, v19;
	v21 =	vadd.f32 v21, v23;
	v23 =	vmul.f32 v25, v18;
	_ =	sdelay $0x1  }
0x1d4: {  	v22 =	vadd.f32 v24, v22;
	v21 =	vadd.f32 v23, v21;
	_ =	sdelay $0x1  }
0x1d5: {  	v21 =	vadd.f32 v22, v21;
	_ =	sdelay $0x1  }
0x1d6: {  	v22 =	vperm.xlane v21, v8;
	_ =	sdelay $0x1  }
0x1d7: {  	v21 =	vadd.f32 v21, v22;
	_ =	sdelay $0x1  }
0x1d8: {  	v22 =	vperm.xlane v21, v9;
	_ =	sdelay $0x1  }
0x1d9: {  	v21 =	vadd.f32 v21, v22;
	_ =	sdelay $0x1  }
0x1da: {  	v22 =	vperm.xlane v21, v10;
	_ =	sdelay $0x1  }
0x1db: {  	v21 =	vadd.f32 v21, v22;
	_ =	sdelay $0x1  }
0x1dc: {  	v22 =	vperm.xlane v21, v11;
	_ =	sdelay $0x1  }
0x1dd: {  	v21 =	vadd.f32 v21, v22;
	_ =	sdelay $0x1  }
0x1de: {  	v21 =	vsub.f32 v20, v21;
	_ =	sdelay $0x1  }
0x1df: {  	v21 =	vmul.f32 $1.442695020e+00, v21;
	_ =	sdelay $0x1  }
0x1e0: {  	(erf) = vpow2.f32 v21;
	_ =	sdelay $0x4  }
0x1e1: {  	v22 =	vld [tilespmem:s31+$0x400];
	_ =	sdelay $0x3  }
0x1e2: {  	v21 =	vpop (erf)  }
0x1e3: {  	v22 =	vmul.f32 v21, v22;
	_ =	sdelay $0x1  }
0x1e4: {  	[tilespmem:s24+$0x0] =	vst v22  }
0x1e5: {  	v22 =	vld [tilespmem:s31+$0x410];
	_ =	sdelay $0x4  }
0x1e6: {  	v22 =	vmul.f32 v21, v22;
	_ =	sdelay $0x1  }
0x1e7: {  	[tilespmem:s24+$0x10] =	vst v22  }
0x1e8: {  	v22 =	vld [tilespmem:s31+$0x420];
	_ =	sdelay $0x4  }
0x1e9: {  	v22 =	vmul.f32 v21, v22;
	_ =	sdelay $0x1  }
0x1ea: {  	[tilespmem:s24+$0x20] =	vst v22  }
0x1eb: {  	v22 =	vld [tilespmem:s31+$0x430];
	_ =	sdelay $0x4  }
0x1ec: {  	v22 =	vmul.f32 v21, v22;
	_ =	sdelay $0x1  }
0x1ed: {  	[tilespmem:s24+$0x30] =	vst v22  }
0x1ee: {  	v22 =	vld [tilespmem:s31+$0x440];
	_ =	sdelay $0x4  }
0x1ef: {  	v22 =	vmul.f32 v21, v22;
	_ =	sdelay $0x1  }
.Ltmp0:
0x1f0: {  	[tilespmem:s24+$0x40] =	vst v22;
	(pc) =	sbr.rel @p6 .LBB2_4-.Ltmp0, $2  }
0x1f1: {  	v22 =	vld [tilespmem:s31+$0x450];
	_ =	sdelay $0x2  }
0x1f2: {  	s14 =	sadd.s32 $0x100, s14;
	s15 =	sadd.s32 $0x100, s15  }
0x1f3: {  	_ = 	snop  }
0x1f4: {  	v22 =	vmul.f32 v22, v21;
	_ =	sdelay $0x1  }
0x1f5: {  	[tilespmem:s9+$0x50] =	vst v22  }
0x1f6: {  	v22 =	vld [tilespmem:s31+$0x460];
	_ =	sdelay $0x4  }
0x1f7: {  	v22 =	vmul.f32 v22, v21;
	_ =	sdelay $0x1  }
0x1f8: {  	[tilespmem:s9+$0x60] =	vst v22  }
0x1f9: {  	s0 =	sadd.s32 $0x1, s13;
	v22 =	vld [tilespmem:s31+$0x470]  }
0x1fa: {  	v23 =	vmov s0  }
0x1fb: {  	vm1 =	veq.s32 v23, v0;
	_ =	sdelay $0x2  }
0x1fc: {  	v22 =	vmul.f32 v22, v21;
	_ =	sdelay $0x1  }
0x1fd: {  	s24 =	sshll.u32 s25, $0x5;
	[tilespmem:s9+$0x70] =	vst v22  }
0x1fe: {  	s0 =	sand.u32 $0x3FFFFFE0, s24;
	[tilespmem:v0+s19+$0x0] =	vst.idx.msk vm1, v21  }
0x1ff: {  	v21 =	vld [tilespmem:s0+$0x13B00];
	_ =	sdelay $0x2  }
0x200: {  	v22 =	vld [tilespmem:$0x19B00];
	_ =	sdelay $0x3  }
0x201: {  	s29 =	sadd.s32 $0x2, s29;
	[tilespmem:$0x19B80] =	vst v21  }
0x202: {  	s7 =	sshll.u32 s29, $0x4;
	[tilespmem:v21+s23+$0x0] =	vst.idx.add.f32.msk $0xffff, v22  }
0x203: {  	[spmem:s2] =	stream.indirect.scatter.add.f32 [tilespmem:s21], [sflag:$0x3], $0x80, s20, s30, $0xb8;
	[tilespmem:$0x1C600] =	vst v63  }
0x204: {  	s11 =	simm.s32 $0x14B00;
	s31 =	sadd.s32 $0x13B00, s7  }
0x205: {  	[tilespmem:s11], [sflag:$0x1] =	stream.indirect.gather [hbm4b:s1+s30], $0x80, s31, s30, $0xb8;
	[tilespmem:$0x1C600] =	vst v63  }
0x206: {  	v21 =	vld [tilespmem:s7+$0x14300];
	_ =	sdelay $0x4  }
0x207: {  	v22 =	vshll.u32 v21, $0x1  }
0x208: {  	v21 =	vand.u32 $0x7, v21;
	v22 =	vand.u32 $0xFFFFFFF0, v22  }
0x209: {  	v21 =	vor.u32 v21, v22  }
0x20a: {  	v22 =	vperm.xlane v21, v5;
	_ =	sdelay $0x1  }
0x20b: {  	v21 =	vperm.xlane v21, v7;
	v22 =	vadd.s32 v6, v22;
	_ =	sdelay $0x1  }
0x20c: {  	v21 =	vadd.s32 v6, v21  }
0x20d: {  	s0 =	sadd.s32 s17, s29  }
0x20e: {  	s12 =	simm.s32 $0x15B00;
	s0 =	sshll.u32 s0, $0x8  }
0x20f: {  	[tilespmem:s12], [sflag:$0x1] =	stream.indirect_vreg.gather [hbm4b:s5+s4], $0x80, v22, vm0, $0xb8;
	[tilespmem:$0x1C600] =	vst v63  }
0x210: {  	s0 =	sand.u32 $0x1FFFFF00, s0  }
0x211: {  	[tilespmem:s22], [sflag:$0x1] =	stream.indirect_vreg.gather [hbm4b:s5+s4], $0x80, v21, vm0, $0xb8;
	[tilespmem:$0x1C600] =	vst v63  }
0x212: {  	s0 =	sadd.s32 s6, s0  }
0x213: {  	[tilespmem:s10], [sflag:$0x1] =	stream.linear.gather [hbm4b:s0+s4], $0x800, $0x38;
	[tilespmem:$0x1C600] =	vst v63  }
0x214: {  	_ =	swait.ge [sflag:s3], $0x800  }
0x215: {  	[sflag:s3] =	ssyncset.done $0x0  }
0x216: {  	[sflag:s3] =	ssyncadd.s32 $0xFFFFF800  }
0x217: {  	_ =	swait.ge [sflag:s3], $0x1000  }
0x218: {  	[sflag:s3] =	ssyncset.done $0x0  }
0x219: {  	[sflag:s3] =	ssyncadd.s32 $0xFFFFF000  }
0x21a: {  	_ =	swait.ge [sflag:s3], $0x800  }
0x21b: {  	p6 =	seq.s32 s28, $0x0;
	[sflag:s3] =	ssyncset.done $0x0  }
0x21c: {  	s0 =	simm.s32 @!p6 $0x4;
	[sflag:s3] =	ssyncadd.s32 $0xFFFFF800  }
0x21d: {  	_ =	swait.ge @!p6 [sflag:s0], $0x800  }
0x21e: {  	[sflag:s0] =	ssyncset.done @!p6 $0x0  }
0x21f: {  	s13 =	simm.s32 $0x15380;
	[sflag:s0] =	ssyncadd.s32 @!p6 $0xFFFFF800  }
0x220: {  	s14 =	simm.s32 $0x18380;
	v21 =	vld [tilespmem:s13+$0xFFFFFFE0]  }
0x221: {  	v22 =	vld [tilespmem:s14+$0xFFFFFFC0]  }
0x222: {  	v23 =	vld [tilespmem:s13+$0xFFFFFFF0]  }
0x223: {  	v25 =	vld [tilespmem:s13+$0xFFFFFFC0]  }
0x224: {  	v26 =	vld [tilespmem:s14+$0xFFFFFFA0]  }
0x225: {  	v27 =	vld [tilespmem:s14+$0xFFFFFFB0]  }
0x226: {  	s28 =	simm.s32 $0x0;
	v28 =	vld [tilespmem:s13+$0xFFFFFF80]  }
0x227: {  	s29 =	simm.s32 $0x0;
	s31 =	sand.u32 $0x800, s28;
	v29 =	vld [tilespmem:s13+$0xFFFFFFA0]  }
0x228: {  	s7 =	sand.u32 $0x300, s29;
	s11 =	sadd.s32 $0x16B00, s31;
	v30 =	vld [tilespmem:s13+$0xFFFFFF90]  }
0x229: {  	s7 =	sadd.s32 s7, s11;
	v31 =	vld [tilespmem:s13+$0xFFFFFFB0]  }
0x22a: {  	v32 =	vld [tilespmem:s7+$0x20]  }
0x22b: {  	v33 =	vld [tilespmem:s7+$0x30]  }
0x22c: {  	v34 =	vld [tilespmem:s7+$0x10]  }
0x22d: {  	v35 =	vld [tilespmem:s7+$0x0]  }
0x22e: {  	v36 =	vld [tilespmem:s14+$0xFFFFFF90]  }
0x22f: {  	v37 =	vld [tilespmem:s14+$0xFFFFFF80]  }
0x230: {  	v41 =	vld [tilespmem:s13+$0xFFFFFFD0];
	v31 =	vadd.f32 v33, v31  }
0x231: {  	v42 =	vld [tilespmem:s7+$0x50];
	v29 =	vadd.f32 v32, v29  }
0x232: {  	v43 =	vld [tilespmem:s7+$0x40];
	v30 =	vadd.f32 v34, v30;
	v27 =	vadd.f32 v27, v31  }
0x233: {  	v44 =	vld [tilespmem:s7+$0x70];
	v28 =	vadd.f32 v35, v28;
	v26 =	vadd.f32 v26, v29  }
0x234: {  	v24 =	vld [tilespmem:s14+$0xFFFFFFD0];
	v30 =	vadd.f32 v36, v30;
	v27 =	vmul.f32 $1.442695020e+00, v27  }
0x235: {  	v45 =	vld [tilespmem:s7+$0x60];
	v28 =	vadd.f32 v37, v28;
	v26 =	vmul.f32 $1.442695020e+00, v26  }
0x236: {  	v46 =	vld [tilespmem:s14+$0xFFFFFFF0];
	v32 =	vadd.f32 v42, v41;
	v30 =	vmul.f32 $1.442695020e+00, v30;
	(erf) = vpow2.f32 v27  }
0x237: {  	v47 =	vld [tilespmem:s14+$0xFFFFFFE0];
	v25 =	vadd.f32 v43, v25;
	v48 =	vmul.f32 $1.442695020e+00, v28;
	(erf) = vpow2.f32 v26  }
0x238: {  	v23 =	vadd.f32 v44, v23;
	(erf) = vpow2.f32 v30  }
0x239: {  	v24 =	vadd.f32 v24, v32;
	v22 =	vadd.f32 v22, v25;
	(erf) = vpow2.f32 v48  }
0x23a: {  	v21 =	vadd.f32 v45, v21  }
0x23b: {  	v23 =	vadd.f32 v46, v23;
	v24 =	vmul.f32 $1.442695020e+00, v24;
	v22 =	vmul.f32 $1.442695020e+00, v22  }
0x23c: {  	v21 =	vadd.f32 v47, v21  }
0x23d: {  	v23 =	vmul.f32 $1.442695020e+00, v23;
	(erf) = vpow2.f32 v24  }
0x23e: {  	v21 =	vmul.f32 $1.442695020e+00, v21;
	(erf) = vpow2.f32 v22  }
0x23f: {  	(erf) = vpow2.f32 v23;
	v22 =	vpop (erf)  }
0x240: {  	(erf) = vpow2.f32 v21;
	v21 =	vadd.f32 $1.000000000e+00, v22;
	v22 =	vpop (erf)  }
0x241: {  	v23 =	vpop (erf)  }
0x242: {  	v49 =	vpop (erf)  }
0x243: {  	v22 =	vadd.f32 $1.000000000e+00, v22;
	(erf) = vrcp.f32 v21;
	v21 =	vadd.f32 $1.000000000e+00, v49  }
0x244: {  	v23 =	vadd.f32 $1.000000000e+00, v23  }
0x245: {  	(erf) = vrcp.f32 v22  }
0x246: {  	(erf) = vrcp.f32 v23  }
0x247: {  	(erf) = vrcp.f32 v21;
	v21 =	vpop (erf)  }
0x248: {  	v21 =	vadd.f32 $1.000000000e+00, v21;
	_ =	sdelay $0x1  }
0x249: {  	v22 =	vpop (erf)  }
0x24a: {  	v23 =	vpop (erf)  }
0x24b: {  	v22 =	vadd.f32 $1.000000000e+00, v22;
	(erf) = vrcp.f32 v21;
	v21 =	vpop (erf)  }
0x24c: {  	v21 =	vadd.f32 $1.000000000e+00, v21  }
0x24d: {  	v23 =	vadd.f32 $1.000000000e+00, v23  }
0x24e: {  	(erf) = vrcp.f32 v22  }
0x24f: {  	(erf) = vrcp.f32 v23;
	v22 =	vpop (erf)  }
0x250: {  	(erf) = vrcp.f32 v21;
	v21 =	vpop (erf)  }
0x251: {  	v23 =	vpop (erf)  }
0x252: {  	v23 =	vmul.f32 v23, v13;
	_ =	sdelay $0x1  }
0x253: {  	v22 =	vmul.f32 v22, v15;
	v50 =	vpop (erf);
	v23 =	vadd.f32 $0.0e+00, v23  }
0x254: {  	v24 =	vmul.f32 v50, v12;
	v51 =	vpop (erf)  }
0x255: {  	v22 =	vadd.f32 v22, v23;
	v23 =	vmul.f32 v51, v17  }
0x256: {  	v21 =	vmul.f32 v21, v14;
	v24 =	vadd.f32 $0.0e+00, v24  }
0x257: {  	v52 =	vpop (erf)  }
0x258: {  	v53 =	vmul.f32 v52, v16;
	v54 =	vpop (erf);
	v21 =	vadd.f32 v21, v24  }
0x259: {  	v22 =	vadd.f32 v23, v22;
	v23 =	vpop (erf)  }
0x25a: {  	v25 =	vmul.f32 v54, v19;
	v21 =	vadd.f32 v53, v21;
	v23 =	vmul.f32 v23, v18;
	_ =	sdelay $0x1  }
0x25b: {  	v22 =	vadd.f32 v25, v22;
	v21 =	vadd.f32 v23, v21;
	_ =	sdelay $0x1  }
0x25c: {  	v21 =	vadd.f32 v22, v21;
	_ =	sdelay $0x1  }
0x25d: {  	v22 =	vperm.xlane v21, v8;
	_ =	sdelay $0x1  }
0x25e: {  	v21 =	vadd.f32 v21, v22;
	_ =	sdelay $0x1  }
0x25f: {  	v22 =	vperm.xlane v21, v9;
	_ =	sdelay $0x1  }
0x260: {  	v21 =	vadd.f32 v21, v22;
	_ =	sdelay $0x1  }
0x261: {  	v22 =	vperm.xlane v21, v10;
	_ =	sdelay $0x1  }
0x262: {  	v21 =	vadd.f32 v21, v22;
	_ =	sdelay $0x1  }
0x263: {  	v22 =	vperm.xlane v21, v11;
	_ =	sdelay $0x1  }
0x264: {  	v21 =	vadd.f32 v21, v22;
	_ =	sdelay $0x1  }
0x265: {  	v21 =	vsub.f32 v20, v21;
	_ =	sdelay $0x1  }
0x266: {  	v21 =	vmul.f32 $1.442695020e+00, v21;
	_ =	sdelay $0x1  }
0x267: {  	(erf) = vpow2.f32 v21;
	_ =	sdelay $0x4  }
0x268: {  	v21 =	vld [tilespmem:s7+$0x400];
	_ =	sdelay $0x3  }
0x269: {  	v22 =	vpop (erf)  }
0x26a: {  	v21 =	vmul.f32 v22, v21  }
0x26b: {  	s24 =	simm.s32 $0x19380  }
0x26c: {  	[tilespmem:s24+$0xFFFFFF80] =	vst v21  }
0x26d: {  	v21 =	vld [tilespmem:s7+$0x410];
	_ =	sdelay $0x4  }
0x26e: {  	v21 =	vmul.f32 v22, v21;
	_ =	sdelay $0x1  }
0x26f: {  	[tilespmem:s24+$0xFFFFFF90] =	vst v21  }
0x270: {  	v21 =	vld [tilespmem:s7+$0x420];
	_ =	sdelay $0x4  }
0x271: {  	v21 =	vmul.f32 v22, v21;
	_ =	sdelay $0x1  }
0x272: {  	[tilespmem:s24+$0xFFFFFFA0] =	vst v21  }
0x273: {  	v21 =	vld [tilespmem:s7+$0x430];
	_ =	sdelay $0x4  }
0x274: {  	v21 =	vmul.f32 v22, v21;
	_ =	sdelay $0x1  }
0x275: {  	[tilespmem:s24+$0xFFFFFFB0] =	vst v21  }
0x276: {  	v21 =	vld [tilespmem:s7+$0x440];
	_ =	sdelay $0x4  }
0x277: {  	v21 =	vmul.f32 v22, v21;
	_ =	sdelay $0x1  }
0x278: {  	[tilespmem:s24+$0xFFFFFFC0] =	vst v21  }
0x279: {  	v21 =	vld [tilespmem:s7+$0x450];
	_ =	sdelay $0x4  }
0x27a: {  	v21 =	vmul.f32 v21, v22;
	_ =	sdelay $0x1  }
0x27b: {  	[tilespmem:s24+$0xFFFFFFD0] =	vst v21  }
0x27c: {  	v21 =	vld [tilespmem:s7+$0x460];
	_ =	sdelay $0x4  }
0x27d: {  	v21 =	vmul.f32 v21, v22;
	_ =	sdelay $0x1  }
0x27e: {  	[tilespmem:s24+$0xFFFFFFE0] =	vst v21  }
0x27f: {  	v21 =	vld [tilespmem:s7+$0x470]  }
0x280: {  	v23 =	vmov s28  }
0x281: {  	vm1 =	veq.s32 v23, v0;
	_ =	sdelay $0x2  }
0x282: {  	v21 =	vmul.f32 v21, v22;
	_ =	sdelay $0x1  }
0x283: {  	[tilespmem:s24+$0xFFFFFFF0] =	vst v21  }
0x284: {  	[tilespmem:v0+s19+$0x0] =	vst.idx.msk vm1, v22  }
0x285: {  	v21 =	vld [tilespmem:s14+$0x50]  }
0x286: {  	s7 =	simm.s32 $0x80;
	v22 =	vld [tilespmem:s13+$0x50]  }
0x287: {  	s12 =	sand.u32 $0x380, s7;
	v23 =	vld [tilespmem:s14+$0x40]  }
0x288: {  	s15 =	sadd.s32 s12, s11;
	v55 =	vld [tilespmem:s13+$0x40]  }
0x289: {  	v56 =	vld [tilespmem:s15+$0x40]  }
0x28a: {  	v57 =	vld [tilespmem:s15+$0x50]  }
0x28b: {  	v58 =	vld [tilespmem:s14+$0x30]  }
0x28c: {  	v59 =	vld [tilespmem:s15+$0x30]  }
0x28d: {  	v60 =	vld [tilespmem:s13+$0x30]  }
0x28e: {  	v61 =	vld [tilespmem:s15+$0x20]  }
0x28f: {  	v62 =	vld [tilespmem:s13+$0x0]  }
0x290: {  	v40 =	vld [tilespmem:s15+$0x10]  }
0x291: {  	v41 =	vld [tilespmem:s13+$0x10]  }
0x292: {  	v63 =	vld [tilespmem:s13+$0x20]  }
0x293: {  	v43 =	vld [tilespmem:s14+$0x10]  }
0x294: {  	v42 =	vld [tilespmem:s15+$0x0];
	v28 =	vadd.f32 v59, v60  }
0x295: {  	v44 =	vld [tilespmem:s14+$0x0];
	v24 =	vadd.f32 v56, v55  }
0x296: {  	v45 =	vld [tilespmem:s14+$0x20];
	v47 =	vadd.f32 v40, v41;
	v46 =	vadd.f32 v58, v28  }
0x297: {  	v48 =	vld [tilespmem:s15+$0x70];
	v22 =	vadd.f32 v57, v22;
	v23 =	vadd.f32 v23, v24  }
0x298: {  	v49 =	vld [tilespmem:s13+$0x70];
	v27 =	vadd.f32 v43, v47;
	v25 =	vmul.f32 $1.442695020e+00, v46  }
0x299: {  	v51 =	vld [tilespmem:s15+$0x60];
	v21 =	vadd.f32 v21, v22;
	v22 =	vmul.f32 $1.442695020e+00, v23  }
0x29a: {  	v50 =	vadd.f32 v42, v62;
	v23 =	vld [tilespmem:s13+$0x60];
	v54 =	vmul.f32 $1.442695020e+00, v27;
	(erf) = vpow2.f32 v25  }
0x29b: {  	v52 =	vld [tilespmem:s14+$0x70];
	v30 =	vadd.f32 v61, v63;
	(erf) = vpow2.f32 v22  }
0x29c: {  	v55 =	vld [tilespmem:s14+$0x60];
	v53 =	vadd.f32 v44, v50;
	(erf) = vpow2.f32 v54  }
0x29d: {  	v56 =	vadd.f32 v45, v30;
	v21 =	vmul.f32 $1.442695020e+00, v21  }
0x29e: {  	v24 =	vadd.f32 v48, v49;
	v22 =	vmul.f32 $1.442695020e+00, v53  }
0x29f: {  	(erf) = vpow2.f32 v21;
	v21 =	vmul.f32 $1.442695020e+00, v56;
	v23 =	vadd.f32 v51, v23  }
0x2a0: {  	(erf) = vpow2.f32 v22;
	v22 =	vadd.f32 v52, v24  }
0x2a1: {  	(erf) = vpow2.f32 v21;
	v21 =	vadd.f32 v55, v23  }
0x2a2: {  	v22 =	vmul.f32 $1.442695020e+00, v22  }
0x2a3: {  	v21 =	vmul.f32 $1.442695020e+00, v21;
	v23 =	vpop (erf)  }
0x2a4: {  	(erf) = vpow2.f32 v22;
	v22 =	vadd.f32 $1.000000000e+00, v23;
	v23 =	vpop (erf)  }
0x2a5: {  	(erf) = vpow2.f32 v21;
	v21 =	vadd.f32 $1.000000000e+00, v23;
	v23 =	vpop (erf)  }
0x2a6: {  	v23 =	vadd.f32 $1.000000000e+00, v23;
	_ =	sdelay $0x1  }
0x2a7: {  	(erf) = vrcp.f32 v22;
	v22 =	vpop (erf)  }
0x2a8: {  	(erf) = vrcp.f32 v21;
	v22 =	vadd.f32 $1.000000000e+00, v22;
	v57 =	vpop (erf)  }
0x2a9: {  	(erf) = vrcp.f32 v23;
	v21 =	vadd.f32 $1.000000000e+00, v57;
	v23 =	vpop (erf)  }
0x2aa: {  	(erf) = vrcp.f32 v22;
	v22 =	vadd.f32 $1.000000000e+00, v23;
	_ =	sdelay $0x1  }
0x2ab: {  	(erf) = vrcp.f32 v21  }
0x2ac: {  	v21 =	vpop (erf)  }
0x2ad: {  	(erf) = vrcp.f32 v22;
	v21 =	vadd.f32 $1.000000000e+00, v21;
	v22 =	vpop (erf)  }
0x2ae: {  	v22 =	vadd.f32 $1.000000000e+00, v22;
	_ =	sdelay $0x1  }
0x2af: {  	v23 =	vpop (erf);
	(erf) = vrcp.f32 v21  }
0x2b0: {  	(erf) = vrcp.f32 v22;
	v21 =	vpop (erf)  }
0x2b1: {  	v22 =	vpop (erf)  }
0x2b2: {  	v58 =	vpop (erf)  }
0x2b3: {  	v22 =	vmul.f32 v22, v13;
	v59 =	vpop (erf)  }
0x2b4: {  	v25 =	vmul.f32 v59, v12  }
0x2b5: {  	v23 =	vmul.f32 v23, v15;
	v22 =	vadd.f32 $0.0e+00, v22;
	v60 =	vpop (erf)  }
0x2b6: {  	v26 =	vmul.f32 v60, v14;
	v25 =	vadd.f32 $0.0e+00, v25  }
0x2b7: {  	v24 =	vmul.f32 v58, v17;
	v22 =	vadd.f32 v23, v22  }
0x2b8: {  	v21 =	vmul.f32 v21, v16;
	v61 =	vpop (erf);
	v23 =	vadd.f32 v26, v25  }
0x2b9: {  	v22 =	vadd.f32 v24, v22;
	v62 =	vpop (erf)  }
0x2ba: {  	v63 =	vmul.f32 v61, v19;
	v21 =	vadd.f32 v21, v23;
	v23 =	vmul.f32 v62, v18;
	_ =	sdelay $0x1  }
0x2bb: {  	v22 =	vadd.f32 v63, v22;
	v21 =	vadd.f32 v23, v21;
	_ =	sdelay $0x1  }
0x2bc: {  	v21 =	vadd.f32 v22, v21;
	_ =	sdelay $0x1  }
0x2bd: {  	v22 =	vperm.xlane v21, v8;
	_ =	sdelay $0x1  }
0x2be: {  	v21 =	vadd.f32 v21, v22;
	_ =	sdelay $0x1  }
0x2bf: {  	v22 =	vperm.xlane v21, v9;
	_ =	sdelay $0x1  }
0x2c0: {  	v21 =	vadd.f32 v21, v22;
	_ =	sdelay $0x1  }
0x2c1: {  	v22 =	vperm.xlane v21, v10;
	_ =	sdelay $0x1  }
0x2c2: {  	v21 =	vadd.f32 v21, v22;
	_ =	sdelay $0x1  }
0x2c3: {  	v22 =	vperm.xlane v21, v11;
	_ =	sdelay $0x1  }
0x2c4: {  	v21 =	vadd.f32 v21, v22;
	_ =	sdelay $0x1  }
0x2c5: {  	v21 =	vsub.f32 v20, v21;
	_ =	sdelay $0x1  }
0x2c6: {  	v21 =	vmul.f32 $1.442695020e+00, v21;
	_ =	sdelay $0x1  }
0x2c7: {  	(erf) = vpow2.f32 v21;
	_ =	sdelay $0x4  }
0x2c8: {  	v22 =	vld [tilespmem:s15+$0x400];
	_ =	sdelay $0x3  }
0x2c9: {  	v21 =	vpop (erf)  }
0x2ca: {  	v22 =	vmul.f32 v21, v22;
	_ =	sdelay $0x1  }
0x2cb: {  	[tilespmem:s24+$0x0] =	vst v22  }
0x2cc: {  	v22 =	vld [tilespmem:s15+$0x410];
	_ =	sdelay $0x4  }
0x2cd: {  	v22 =	vmul.f32 v21, v22;
	_ =	sdelay $0x1  }
0x2ce: {  	[tilespmem:s24+$0x10] =	vst v22  }
0x2cf: {  	v22 =	vld [tilespmem:s15+$0x420];
	_ =	sdelay $0x4  }
0x2d0: {  	v22 =	vmul.f32 v21, v22;
	_ =	sdelay $0x1  }
0x2d1: {  	[tilespmem:s24+$0x20] =	vst v22  }
0x2d2: {  	v22 =	vld [tilespmem:s15+$0x430];
	_ =	sdelay $0x4  }
0x2d3: {  	v22 =	vmul.f32 v21, v22;
	_ =	sdelay $0x1  }
0x2d4: {  	[tilespmem:s24+$0x30] =	vst v22  }
0x2d5: {  	v22 =	vld [tilespmem:s15+$0x440];
	_ =	sdelay $0x4  }
0x2d6: {  	v22 =	vmul.f32 v21, v22;
	_ =	sdelay $0x1  }
0x2d7: {  	[tilespmem:s24+$0x40] =	vst v22  }
0x2d8: {  	v22 =	vld [tilespmem:s15+$0x450];
	_ =	sdelay $0x1  }
0x2d9: {  	s9 =	simm.s32 $0x19380;
	s11 =	simm.s32 $0x15480  }
0x2da: {  	s12 =	simm.s32 $0x0;
	s14 =	simm.s32 $0x18480;
	s13 =	simm.s32 $0x2  }
.LBB2_6:
0x2db: {  	s7 =	sadd.s32 $0x100, s7;
	s28 =	sadd.s32 $0x200, s28;
	s24 =	sadd.s32 $0x100, s24  }
0x2dc: {  	p6 =	slt.u32 s13, $0xE;
	s0 =	smov.u32 s13;
	s13 =	sadd.s32 $0x2, s13;
	v22 =	vmul.f32 v22, v21  }
0x2dd: {  	_ = 	snop  }
0x2de: {  	[tilespmem:s9+$0x50] =	vst v22  }
0x2df: {  	v22 =	vld [tilespmem:s15+$0x460];
	_ =	sdelay $0x4  }
0x2e0: {  	v22 =	vmul.f32 v22, v21;
	_ =	sdelay $0x1  }
0x2e1: {  	[tilespmem:s9+$0x60] =	vst v22  }
0x2e2: {  	v22 =	vld [tilespmem:s15+$0x470];
	s15 =	sadd.s32 $0x1, s12;
	s12 =	smov.u32 s0  }
0x2e3: {  	v23 =	vmov s15  }
0x2e4: {  	vm1 =	veq.s32 v23, v0;
	_ =	sdelay $0x2  }
0x2e5: {  	v22 =	vmul.f32 v22, v21;
	_ =	sdelay $0x1  }
0x2e6: {  	[tilespmem:s9+$0x70] =	vst v22;
	s9 =	smov.u32 s24  }
0x2e7: {  	[tilespmem:v0+s19+$0x0] =	vst.idx.msk vm1, v21  }
0x2e8: {  	v21 =	vld [tilespmem:s11+$0xFFFFFFE0]  }
0x2e9: {  	v22 =	vld [tilespmem:s14+$0xFFFFFFC0]  }
0x2ea: {  	v23 =	vld [tilespmem:s11+$0xFFFFFFF0]  }
0x2eb: {  	v24 =	vld [tilespmem:s14+$0xFFFFFFD0]  }
0x2ec: {  	v25 =	vld [tilespmem:s11+$0xFFFFFFC0]  }
0x2ed: {  	v26 =	vld [tilespmem:s14+$0xFFFFFFA0]  }
0x2ee: {  	v27 =	vld [tilespmem:s14+$0xFFFFFFB0]  }
0x2ef: {  	v28 =	vld [tilespmem:s11+$0xFFFFFF80]  }
0x2f0: {  	s0 =	sadd.s32 $0xFFFFFF80, s7;
	s15 =	sand.u32 $0x800, s28;
	v29 =	vld [tilespmem:s11+$0xFFFFFFA0]  }
0x2f1: {  	s0 =	sand.u32 $0x300, s0;
	s15 =	sadd.s32 $0x16B00, s15;
	v30 =	vld [tilespmem:s11+$0xFFFFFF90]  }
0x2f2: {  	s0 =	sadd.s32 s0, s15;
	v31 =	vld [tilespmem:s11+$0xFFFFFFB0]  }
0x2f3: {  	v32 =	vld [tilespmem:s0+$0x20]  }
0x2f4: {  	v33 =	vld [tilespmem:s0+$0x30]  }
0x2f5: {  	v34 =	vld [tilespmem:s0+$0x10]  }
0x2f6: {  	v35 =	vld [tilespmem:s0+$0x0]  }
0x2f7: {  	v36 =	vld [tilespmem:s14+$0xFFFFFF90]  }
0x2f8: {  	v37 =	vld [tilespmem:s14+$0xFFFFFF80]  }
0x2f9: {  	v31 =	vadd.f32 v33, v31;
	v33 =	vld [tilespmem:s11+$0xFFFFFFD0]  }
0x2fa: {  	v29 =	vadd.f32 v32, v29;
	v30 =	vadd.f32 v34, v30;
	v32 =	vld [tilespmem:s0+$0x50]  }
0x2fb: {  	v28 =	vadd.f32 v35, v28;
	v27 =	vadd.f32 v27, v31;
	v31 =	vld [tilespmem:s0+$0x40]  }
0x2fc: {  	v26 =	vadd.f32 v26, v29;
	v30 =	vadd.f32 v36, v30;
	v29 =	vld [tilespmem:s0+$0x70]  }
0x2fd: {  	v28 =	vadd.f32 v37, v28;
	v27 =	vmul.f32 $1.442695020e+00, v27;
	v34 =	vld [tilespmem:s0+$0x60]  }
0x2fe: {  	v26 =	vmul.f32 $1.442695020e+00, v26;
	v30 =	vmul.f32 $1.442695020e+00, v30;
	v35 =	vld [tilespmem:s14+$0xFFFFFFF0]  }
0x2ff: {  	v28 =	vmul.f32 $1.442695020e+00, v28;
	v32 =	vadd.f32 v32, v33;
	v33 =	vld [tilespmem:s14+$0xFFFFFFE0];
	(erf) = vpow2.f32 v27  }
0x300: {  	v25 =	vadd.f32 v31, v25;
	(erf) = vpow2.f32 v26  }
0x301: {  	v24 =	vadd.f32 v24, v32;
	v23 =	vadd.f32 v29, v23;
	(erf) = vpow2.f32 v30  }
0x302: {  	v22 =	vadd.f32 v22, v25;
	v21 =	vadd.f32 v34, v21;
	(erf) = vpow2.f32 v28  }
0x303: {  	v24 =	vmul.f32 $1.442695020e+00, v24;
	v23 =	vadd.f32 v35, v23  }
0x304: {  	v22 =	vmul.f32 $1.442695020e+00, v22;
	v21 =	vadd.f32 v33, v21  }
0x305: {  	v23 =	vmul.f32 $1.442695020e+00, v23;
	(erf) = vpow2.f32 v24  }
0x306: {  	v21 =	vmul.f32 $1.442695020e+00, v21;
	(erf) = vpow2.f32 v22  }
0x307: {  	(erf) = vpow2.f32 v23  }
0x308: {  	v22 =	vpop (erf);
	(erf) = vpow2.f32 v21  }
0x309: {  	v21 =	vadd.f32 $1.000000000e+00, v22;
	v22 =	vpop (erf)  }
0x30a: {  	v22 =	vadd.f32 $1.000000000e+00, v22;
	v23 =	vpop (erf)  }
0x30b: {  	v23 =	vadd.f32 $1.000000000e+00, v23;
	v24 =	vpop (erf);
	(erf) = vrcp.f32 v21  }
0x30c: {  	v24 =	vadd.f32 $1.000000000e+00, v24;
	(erf) = vrcp.f32 v22  }
0x30d: {  	(erf) = vrcp.f32 v23  }
0x30e: {  	(erf) = vrcp.f32 v24;
	v21 =	vpop (erf)  }
0x30f: {  	v24 =	vadd.f32 $1.000000000e+00, v21;
	v22 =	vpop (erf)  }
0x310: {  	v22 =	vadd.f32 $1.000000000e+00, v22;
	v23 =	vpop (erf)  }
0x311: {  	v23 =	vadd.f32 $1.000000000e+00, v23;
	(erf) = vrcp.f32 v24;
	v21 =	vpop (erf)  }
0x312: {  	v24 =	vadd.f32 $1.000000000e+00, v21;
	(erf) = vrcp.f32 v22  }
0x313: {  	(erf) = vrcp.f32 v23  }
0x314: {  	v22 =	vpop (erf);
	(erf) = vrcp.f32 v24  }
0x315: {  	v21 =	vpop (erf)  }
0x316: {  	v23 =	vpop (erf)  }
0x317: {  	v23 =	vmul.f32 v23, v13;
	v24 =	vpop (erf)  }
0x318: {  	v24 =	vmul.f32 v24, v12  }
0x319: {  	v22 =	vmul.f32 v22, v15;
	v23 =	vadd.f32 $0.0e+00, v23  }
0x31a: {  	v21 =	vmul.f32 v21, v14;
	v24 =	vadd.f32 $0.0e+00, v24;
	v25 =	vpop (erf)  }
0x31b: {  	v22 =	vadd.f32 v22, v23;
	v23 =	vmul.f32 v25, v17;
	v25 =	vpop (erf)  }
0x31c: {  	v21 =	vadd.f32 v21, v24;
	v24 =	vmul.f32 v25, v16;
	v25 =	vpop (erf)  }
0x31d: {  	v22 =	vadd.f32 v23, v22;
	v23 =	vmul.f32 v25, v19;
	v25 =	vpop (erf)  }
0x31e: {  	v21 =	vadd.f32 v24, v21;
	v24 =	vmul.f32 v25, v18  }
0x31f: {  	v22 =	vadd.f32 v23, v22  }
0x320: {  	v21 =	vadd.f32 v24, v21;
	_ =	sdelay $0x1  }
0x321: {  	v21 =	vadd.f32 v22, v21;
	_ =	sdelay $0x1  }
0x322: {  	v22 =	vperm.xlane v21, v8;
	_ =	sdelay $0x1  }
0x323: {  	v21 =	vadd.f32 v21, v22;
	_ =	sdelay $0x1  }
0x324: {  	v22 =	vperm.xlane v21, v9;
	_ =	sdelay $0x1  }
0x325: {  	v21 =	vadd.f32 v21, v22;
	_ =	sdelay $0x1  }
0x326: {  	v22 =	vperm.xlane v21, v10;
	_ =	sdelay $0x1  }
0x327: {  	v21 =	vadd.f32 v21, v22;
	_ =	sdelay $0x1  }
0x328: {  	v22 =	vperm.xlane v21, v11;
	_ =	sdelay $0x1  }
0x329: {  	v21 =	vadd.f32 v21, v22;
	_ =	sdelay $0x1  }
0x32a: {  	v21 =	vsub.f32 v20, v21;
	_ =	sdelay $0x1  }
0x32b: {  	v21 =	vmul.f32 $1.442695020e+00, v21;
	_ =	sdelay $0x1  }
0x32c: {  	(erf) = vpow2.f32 v21;
	_ =	sdelay $0x4  }
0x32d: {  	v21 =	vld [tilespmem:s0+$0x400];
	_ =	sdelay $0x3  }
0x32e: {  	v22 =	vpop (erf)  }
0x32f: {  	v21 =	vmul.f32 v22, v21;
	_ =	sdelay $0x1  }
0x330: {  	[tilespmem:s24+$0xFFFFFF80] =	vst v21  }
0x331: {  	v21 =	vld [tilespmem:s0+$0x410];
	_ =	sdelay $0x4  }
0x332: {  	v21 =	vmul.f32 v22, v21;
	_ =	sdelay $0x1  }
0x333: {  	[tilespmem:s24+$0xFFFFFF90] =	vst v21  }
0x334: {  	v21 =	vld [tilespmem:s0+$0x420];
	_ =	sdelay $0x4  }
0x335: {  	v21 =	vmul.f32 v22, v21;
	_ =	sdelay $0x1  }
0x336: {  	[tilespmem:s24+$0xFFFFFFA0] =	vst v21  }
0x337: {  	v21 =	vld [tilespmem:s0+$0x430];
	_ =	sdelay $0x4  }
0x338: {  	v21 =	vmul.f32 v22, v21;
	_ =	sdelay $0x1  }
0x339: {  	[tilespmem:s24+$0xFFFFFFB0] =	vst v21  }
0x33a: {  	v21 =	vld [tilespmem:s0+$0x440];
	_ =	sdelay $0x4  }
0x33b: {  	v21 =	vmul.f32 v22, v21;
	_ =	sdelay $0x1  }
0x33c: {  	[tilespmem:s24+$0xFFFFFFC0] =	vst v21  }
0x33d: {  	v21 =	vld [tilespmem:s0+$0x450];
	_ =	sdelay $0x4  }
0x33e: {  	v21 =	vmul.f32 v21, v22;
	_ =	sdelay $0x1  }
0x33f: {  	[tilespmem:s24+$0xFFFFFFD0] =	vst v21  }
0x340: {  	v21 =	vld [tilespmem:s0+$0x460];
	_ =	sdelay $0x4  }
0x341: {  	v21 =	vmul.f32 v21, v22;
	_ =	sdelay $0x1  }
0x342: {  	[tilespmem:s24+$0xFFFFFFE0] =	vst v21  }
0x343: {  	v21 =	vld [tilespmem:s0+$0x470]  }
0x344: {  	v23 =	vmov s12  }
0x345: {  	vm1 =	veq.s32 v23, v0;
	_ =	sdelay $0x2  }
0x346: {  	v21 =	vmul.f32 v21, v22;
	_ =	sdelay $0x1  }
0x347: {  	[tilespmem:s24+$0xFFFFFFF0] =	vst v21  }
0x348: {  	[tilespmem:v0+s19+$0x0] =	vst.idx.msk vm1, v22  }
0x349: {  	v21 =	vld [tilespmem:s14+$0x50]  }
0x34a: {  	v22 =	vld [tilespmem:s11+$0x50]  }
0x34b: {  	s0 =	sand.u32 $0x380, s7;
	v23 =	vld [tilespmem:s14+$0x40]  }
0x34c: {  	s15 =	sadd.s32 s0, s15;
	v24 =	vld [tilespmem:s11+$0x40]  }
0x34d: {  	v25 =	vld [tilespmem:s15+$0x40]  }
0x34e: {  	v26 =	vld [tilespmem:s15+$0x50]  }
0x34f: {  	v27 =	vld [tilespmem:s14+$0x30]  }
0x350: {  	v28 =	vld [tilespmem:s15+$0x30]  }
0x351: {  	v29 =	vld [tilespmem:s11+$0x30]  }
0x352: {  	v30 =	vld [tilespmem:s15+$0x20]  }
0x353: {  	v31 =	vld [tilespmem:s11+$0x0]  }
0x354: {  	v32 =	vld [tilespmem:s11+$0x20]  }
0x355: {  	v33 =	vld [tilespmem:s15+$0x10]  }
0x356: {  	v34 =	vld [tilespmem:s15+$0x0];
	v28 =	vadd.f32 v28, v29  }
0x357: {  	v29 =	vld [tilespmem:s11+$0x10]  }
0x358: {  	v35 =	vld [tilespmem:s14+$0x0];
	v27 =	vadd.f32 v27, v28  }
0x359: {  	v28 =	vld [tilespmem:s14+$0x10];
	v30 =	vadd.f32 v30, v32  }
0x35a: {  	v32 =	vld [tilespmem:s14+$0x20];
	v27 =	vmul.f32 $1.442695020e+00, v27  }
0x35b: {  	v24 =	vadd.f32 v25, v24;
	v31 =	vadd.f32 v34, v31;
	v25 =	vld [tilespmem:s14+$0x70]  }
0x35c: {  	v22 =	vadd.f32 v26, v22;
	v29 =	vadd.f32 v33, v29;
	v26 =	vld [tilespmem:s15+$0x70];
	(erf) = vpow2.f32 v27  }
0x35d: {  	v23 =	vadd.f32 v23, v24;
	v27 =	vadd.f32 v35, v31;
	v24 =	vld [tilespmem:s11+$0x70]  }
0x35e: {  	v21 =	vadd.f32 v21, v22;
	v28 =	vadd.f32 v28, v29;
	v22 =	vld [tilespmem:s15+$0x60]  }
0x35f: {  	v23 =	vmul.f32 $1.442695020e+00, v23;
	v27 =	vmul.f32 $1.442695020e+00, v27;
	v29 =	vadd.f32 v32, v30;
	v30 =	vld [tilespmem:s11+$0x60]  }
0x360: {  	v21 =	vmul.f32 $1.442695020e+00, v21;
	v28 =	vmul.f32 $1.442695020e+00, v28  }
0x361: {  	v29 =	vmul.f32 $1.442695020e+00, v29;
	v31 =	vld [tilespmem:s14+$0x60];
	(erf) = vpow2.f32 v23  }
0x362: {  	v24 =	vadd.f32 v26, v24;
	(erf) = vpow2.f32 v28  }
0x363: {  	(erf) = vpow2.f32 v21  }
0x364: {  	v21 =	vadd.f32 v22, v30;
	v22 =	vadd.f32 v25, v24;
	(erf) = vpow2.f32 v27  }
0x365: {  	(erf) = vpow2.f32 v29;
	v23 =	vpop (erf)  }
0x366: {  	v23 =	vadd.f32 $1.000000000e+00, v23;
	v21 =	vadd.f32 v31, v21;
	v22 =	vmul.f32 $1.442695020e+00, v22;
	_ =	sdelay $0x1  }
0x367: {  	v21 =	vmul.f32 $1.442695020e+00, v21;
	(erf) = vpow2.f32 v22;
	_ =	sdelay $0x1  }
0x368: {  	v22 =	vpop (erf);
	(erf) = vpow2.f32 v21  }
0x369: {  	v21 =	vadd.f32 $1.000000000e+00, v22;
	v22 =	vpop (erf)  }
0x36a: {  	v25 =	vadd.f32 $1.000000000e+00, v22;
	(erf) = vrcp.f32 v23;
	v23 =	vpop (erf)  }
0x36b: {  	v23 =	vadd.f32 $1.000000000e+00, v23;
	v24 =	vpop (erf);
	(erf) = vrcp.f32 v21  }
0x36c: {  	v24 =	vadd.f32 $1.000000000e+00, v24;
	(erf) = vrcp.f32 v25;
	v22 =	vpop (erf)  }
0x36d: {  	v22 =	vadd.f32 $1.000000000e+00, v22;
	(erf) = vrcp.f32 v23  }
0x36e: {  	(erf) = vrcp.f32 v24  }
0x36f: {  	(erf) = vrcp.f32 v22;
	v21 =	vpop (erf)  }
0x370: {  	v21 =	vadd.f32 $1.000000000e+00, v21  }
0x371: {  	v22 =	vpop (erf)  }
0x372: {  	v24 =	vadd.f32 $1.000000000e+00, v22  }
0x373: {  	v23 =	vpop (erf);
	(erf) = vrcp.f32 v21  }
0x374: {  	v21 =	vpop (erf);
	(erf) = vrcp.f32 v24  }
0x375: {  	v22 =	vpop (erf)  }
0x376: {  	v22 =	vmul.f32 v22, v13;
	v24 =	vpop (erf)  }
0x377: {  	v25 =	vpop (erf)  }
0x378: {  	v23 =	vmul.f32 v23, v15;
	v25 =	vmul.f32 v25, v12;
	v22 =	vadd.f32 $0.0e+00, v22;
	v26 =	vpop (erf)  }
0x379: {  	v27 =	vmul.f32 v24, v17  }
0x37a: {  	v26 =	vmul.f32 v26, v14;
	v28 =	vadd.f32 $0.0e+00, v25;
	v22 =	vadd.f32 v23, v22;
	_ =	sdelay $0x1  }
0x37b: {  	v21 =	vmul.f32 v21, v16;
	v23 =	vadd.f32 v26, v28;
	v22 =	vadd.f32 v27, v22;
	v24 =	vpop (erf)  }
0x37c: {  	v25 =	vpop (erf)  }
0x37d: {  	v24 =	vmul.f32 v24, v19;
	v21 =	vadd.f32 v21, v23;
	v23 =	vmul.f32 v25, v18;
	_ =	sdelay $0x1  }
0x37e: {  	v22 =	vadd.f32 v24, v22;
	v21 =	vadd.f32 v23, v21;
	_ =	sdelay $0x1  }
0x37f: {  	v21 =	vadd.f32 v22, v21;
	_ =	sdelay $0x1  }
0x380: {  	v22 =	vperm.xlane v21, v8;
	_ =	sdelay $0x1  }
0x381: {  	v21 =	vadd.f32 v21, v22;
	_ =	sdelay $0x1  }
0x382: {  	v22 =	vperm.xlane v21, v9;
	_ =	sdelay $0x1  }
0x383: {  	v21 =	vadd.f32 v21, v22;
	_ =	sdelay $0x1  }
0x384: {  	v22 =	vperm.xlane v21, v10;
	_ =	sdelay $0x1  }
0x385: {  	v21 =	vadd.f32 v21, v22;
	_ =	sdelay $0x1  }
0x386: {  	v22 =	vperm.xlane v21, v11;
	_ =	sdelay $0x1  }
0x387: {  	v21 =	vadd.f32 v21, v22;
	_ =	sdelay $0x1  }
0x388: {  	v21 =	vsub.f32 v20, v21;
	_ =	sdelay $0x1  }
0x389: {  	v21 =	vmul.f32 $1.442695020e+00, v21;
	_ =	sdelay $0x1  }
0x38a: {  	(erf) = vpow2.f32 v21;
	_ =	sdelay $0x4  }
0x38b: {  	v22 =	vld [tilespmem:s15+$0x400];
	_ =	sdelay $0x3  }
0x38c: {  	v21 =	vpop (erf)  }
0x38d: {  	v22 =	vmul.f32 v21, v22;
	_ =	sdelay $0x1  }
0x38e: {  	[tilespmem:s24+$0x0] =	vst v22  }
0x38f: {  	v22 =	vld [tilespmem:s15+$0x410];
	_ =	sdelay $0x4  }
0x390: {  	v22 =	vmul.f32 v21, v22;
	_ =	sdelay $0x1  }
0x391: {  	[tilespmem:s24+$0x10] =	vst v22  }
0x392: {  	v22 =	vld [tilespmem:s15+$0x420];
	_ =	sdelay $0x4  }
0x393: {  	v22 =	vmul.f32 v21, v22;
	_ =	sdelay $0x1  }
0x394: {  	[tilespmem:s24+$0x20] =	vst v22  }
0x395: {  	v22 =	vld [tilespmem:s15+$0x430];
	_ =	sdelay $0x4  }
0x396: {  	v22 =	vmul.f32 v21, v22;
	_ =	sdelay $0x1  }
0x397: {  	[tilespmem:s24+$0x30] =	vst v22  }
0x398: {  	v22 =	vld [tilespmem:s15+$0x440];
	_ =	sdelay $0x4  }
0x399: {  	v22 =	vmul.f32 v21, v22;
	_ =	sdelay $0x1  }
.Ltmp1:
0x39a: {  	[tilespmem:s24+$0x40] =	vst v22;
	(pc) =	sbr.rel @p6 .LBB2_6-.Ltmp1, $2  }
0x39b: {  	v22 =	vld [tilespmem:s15+$0x450];
	_ =	sdelay $0x2  }
0x39c: {  	s11 =	sadd.s32 $0x100, s11;
	s14 =	sadd.s32 $0x100, s14  }
0x39d: {  	_ = 	snop  }
0x39e: {  	v22 =	vmul.f32 v22, v21;
	_ =	sdelay $0x1  }
0x39f: {  	[tilespmem:s9+$0x50] =	vst v22  }
0x3a0: {  	v22 =	vld [tilespmem:s15+$0x460];
	_ =	sdelay $0x4  }
0x3a1: {  	v22 =	vmul.f32 v22, v21;
	_ =	sdelay $0x1  }
0x3a2: {  	[tilespmem:s9+$0x60] =	vst v22  }
0x3a3: {  	s0 =	sadd.s32 $0x1, s12;
	v22 =	vld [tilespmem:s15+$0x470]  }
0x3a4: {  	v23 =	vmov s0  }
0x3a5: {  	vm1 =	veq.s32 v23, v0;
	_ =	sdelay $0x2  }
0x3a6: {  	v22 =	vmul.f32 v22, v21;
	_ =	sdelay $0x1  }
0x3a7: {  	[tilespmem:s9+$0x70] =	vst v22  }
0x3a8: {  	[tilespmem:v0+s19+$0x0] =	vst.idx.msk vm1, v21  }
0x3a9: {  	v21 =	vld [tilespmem:s26+$0x13B00];
	_ =	sdelay $0x2  }
0x3aa: {  	s25 =	sadd.s32 $0x1, s25;
	v22 =	vld [tilespmem:$0x19B00]  }
0x3ab: {  	p6 =	sne.s32 s25, $0x3E  }
.Ltmp2:
0x3ac: {  	_ = 	snop;
	(pc) =	sbr.rel @p6 .LBB2_3-.Ltmp2, $4  }
0x3ad: {  	_ = 	snop  }
0x3ae: {  	[tilespmem:$0x19C00] =	vst v21  }
0x3af: {  	s31 =	simm.s32 $0x19C00;
	s7 =	simm.s32 $0x19300;
	[tilespmem:v21+s23+$0x0] =	vst.idx.add.f32.msk $0xffff, v22  }
0x3b0: {  	[spmem:s2] =	stream.indirect.scatter.add.f32 [tilespmem:s7], [sflag:$0x4], $0x80, s31, s30, $0xb8;
	[tilespmem:$0x1C600] =	vst v63  }
0x3b1: {  	_ =	swait.ge [sflag:s18], $0x800  }
0x3b2: {  	[sflag:s18] =	ssyncset.done $0x0  }
0x3b3: {  	[sflag:s18] =	ssyncadd.s32 $0xFFFFF800  }
0x3b4: {  	_ =	swait.ge [sflag:s18], $0x1000  }
0x3b5: {  	[sflag:s18] =	ssyncset.done $0x0  }
0x3b6: {  	[sflag:s18] =	ssyncadd.s32 $0xFFFFF000  }
0x3b7: {  	_ =	swait.ge [sflag:s18], $0x800  }
0x3b8: {  	[sflag:s18] =	ssyncset.done $0x0  }
0x3b9: {  	s0 =	simm.s32 $0x3;
	[sflag:s18] =	ssyncadd.s32 $0xFFFFF800  }
0x3ba: {  	_ =	swait.ge [sflag:s0], $0x800  }
0x3bb: {  	[sflag:s0] =	ssyncset.done $0x0  }
0x3bc: {  	s9 =	simm.s32 $0x14B80;
	[sflag:s0] =	ssyncadd.s32 $0xFFFFF800  }
0x3bd: {  	s31 =	simm.s32 $0x17B80;
	v21 =	vld [tilespmem:s9+$0xFFFFFFE0]  }
0x3be: {  	v22 =	vld [tilespmem:s31+$0xFFFFFFC0]  }
0x3bf: {  	v23 =	vld [tilespmem:s9+$0xFFFFFFF0]  }
0x3c0: {  	v25 =	vld [tilespmem:s9+$0xFFFFFFC0]  }
0x3c1: {  	v26 =	vld [tilespmem:s31+$0xFFFFFFA0]  }
0x3c2: {  	v27 =	vld [tilespmem:s31+$0xFFFFFFB0]  }
0x3c3: {  	s8 =	simm.s32 $0x0;
	v28 =	vld [tilespmem:s9+$0xFFFFFF80]  }
0x3c4: {  	s7 =	simm.s32 $0x0;
	s11 =	sand.u32 $0x800, s8;
	v29 =	vld [tilespmem:s9+$0xFFFFFFA0]  }
0x3c5: {  	s7 =	sand.u32 $0x300, s7;
	s11 =	sadd.s32 $0x15B00, s11;
	v30 =	vld [tilespmem:s9+$0xFFFFFF90]  }
0x3c6: {  	s7 =	sadd.s32 s7, s11;
	v31 =	vld [tilespmem:s9+$0xFFFFFFB0]  }
0x3c7: {  	v32 =	vld [tilespmem:s7+$0x20]  }
0x3c8: {  	v33 =	vld [tilespmem:s7+$0x30]  }
0x3c9: {  	v34 =	vld [tilespmem:s7+$0x10]  }
0x3ca: {  	v35 =	vld [tilespmem:s7+$0x0]  }
0x3cb: {  	v36 =	vld [tilespmem:s31+$0xFFFFFF90]  }
0x3cc: {  	v37 =	vld [tilespmem:s31+$0xFFFFFF80]  }
0x3cd: {  	v41 =	vld [tilespmem:s9+$0xFFFFFFD0];
	v31 =	vadd.f32 v33, v31  }
0x3ce: {  	v42 =	vld [tilespmem:s7+$0x50];
	v29 =	vadd.f32 v32, v29  }
0x3cf: {  	v43 =	vld [tilespmem:s7+$0x40];
	v30 =	vadd.f32 v34, v30;
	v27 =	vadd.f32 v27, v31  }
0x3d0: {  	v44 =	vld [tilespmem:s7+$0x70];
	v28 =	vadd.f32 v35, v28;
	v26 =	vadd.f32 v26, v29  }
0x3d1: {  	v24 =	vld [tilespmem:s31+$0xFFFFFFD0];
	v30 =	vadd.f32 v36, v30;
	v27 =	vmul.f32 $1.442695020e+00, v27  }
0x3d2: {  	v45 =	vld [tilespmem:s7+$0x60];
	v28 =	vadd.f32 v37, v28;
	v26 =	vmul.f32 $1.442695020e+00, v26  }
0x3d3: {  	v46 =	vld [tilespmem:s31+$0xFFFFFFF0];
	v32 =	vadd.f32 v42, v41;
	v30 =	vmul.f32 $1.442695020e+00, v30;
	(erf) = vpow2.f32 v27  }
0x3d4: {  	v47 =	vld [tilespmem:s31+$0xFFFFFFE0];
	v25 =	vadd.f32 v43, v25;
	v48 =	vmul.f32 $1.442695020e+00, v28;
	(erf) = vpow2.f32 v26  }
0x3d5: {  	v23 =	vadd.f32 v44, v23;
	(erf) = vpow2.f32 v30  }
0x3d6: {  	v24 =	vadd.f32 v24, v32;
	v22 =	vadd.f32 v22, v25;
	(erf) = vpow2.f32 v48  }
0x3d7: {  	v21 =	vadd.f32 v45, v21  }
0x3d8: {  	v23 =	vadd.f32 v46, v23;
	v24 =	vmul.f32 $1.442695020e+00, v24;
	v22 =	vmul.f32 $1.442695020e+00, v22  }
0x3d9: {  	v21 =	vadd.f32 v47, v21  }
0x3da: {  	v23 =	vmul.f32 $1.442695020e+00, v23;
	(erf) = vpow2.f32 v24  }
0x3db: {  	v21 =	vmul.f32 $1.442695020e+00, v21;
	(erf) = vpow2.f32 v22  }
0x3dc: {  	(erf) = vpow2.f32 v23;
	v22 =	vpop (erf)  }
0x3dd: {  	(erf) = vpow2.f32 v21;
	v21 =	vadd.f32 $1.000000000e+00, v22;
	v22 =	vpop (erf)  }
0x3de: {  	v23 =	vpop (erf)  }
0x3df: {  	v49 =	vpop (erf)  }
0x3e0: {  	v22 =	vadd.f32 $1.000000000e+00, v22;
	(erf) = vrcp.f32 v21;
	v21 =	vadd.f32 $1.000000000e+00, v49  }
0x3e1: {  	v23 =	vadd.f32 $1.000000000e+00, v23  }
0x3e2: {  	(erf) = vrcp.f32 v22  }
0x3e3: {  	(erf) = vrcp.f32 v23  }
0x3e4: {  	(erf) = vrcp.f32 v21;
	v21 =	vpop (erf)  }
0x3e5: {  	v21 =	vadd.f32 $1.000000000e+00, v21;
	_ =	sdelay $0x1  }
0x3e6: {  	v22 =	vpop (erf)  }
0x3e7: {  	v23 =	vpop (erf)  }
0x3e8: {  	v22 =	vadd.f32 $1.000000000e+00, v22;
	(erf) = vrcp.f32 v21;
	v21 =	vpop (erf)  }
0x3e9: {  	v21 =	vadd.f32 $1.000000000e+00, v21  }
0x3ea: {  	v23 =	vadd.f32 $1.000000000e+00, v23  }
0x3eb: {  	(erf) = vrcp.f32 v22  }
0x3ec: {  	(erf) = vrcp.f32 v23;
	v22 =	vpop (erf)  }
0x3ed: {  	(erf) = vrcp.f32 v21;
	v21 =	vpop (erf)  }
0x3ee: {  	v23 =	vpop (erf)  }
0x3ef: {  	v23 =	vmul.f32 v23, v13;
	_ =	sdelay $0x1  }
0x3f0: {  	v22 =	vmul.f32 v22, v15;
	v50 =	vpop (erf);
	v23 =	vadd.f32 $0.0e+00, v23  }
0x3f1: {  	v24 =	vmul.f32 v50, v12;
	v51 =	vpop (erf)  }
0x3f2: {  	v22 =	vadd.f32 v22, v23;
	v23 =	vmul.f32 v51, v17  }
0x3f3: {  	v21 =	vmul.f32 v21, v14;
	v24 =	vadd.f32 $0.0e+00, v24  }
0x3f4: {  	v52 =	vpop (erf)  }
0x3f5: {  	v53 =	vmul.f32 v52, v16;
	v54 =	vpop (erf);
	v21 =	vadd.f32 v21, v24  }
0x3f6: {  	v22 =	vadd.f32 v23, v22;
	v23 =	vpop (erf)  }
0x3f7: {  	v25 =	vmul.f32 v54, v19;
	v21 =	vadd.f32 v53, v21;
	v23 =	vmul.f32 v23, v18;
	_ =	sdelay $0x1  }
0x3f8: {  	v22 =	vadd.f32 v25, v22;
	v21 =	vadd.f32 v23, v21;
	_ =	sdelay $0x1  }
0x3f9: {  	v21 =	vadd.f32 v22, v21;
	_ =	sdelay $0x1  }
0x3fa: {  	v22 =	vperm.xlane v21, v8;
	_ =	sdelay $0x1  }
0x3fb: {  	v21 =	vadd.f32 v21, v22;
	_ =	sdelay $0x1  }
0x3fc: {  	v22 =	vperm.xlane v21, v9;
	_ =	sdelay $0x1  }
0x3fd: {  	v21 =	vadd.f32 v21, v22;
	_ =	sdelay $0x1  }
0x3fe: {  	v22 =	vperm.xlane v21, v10;
	_ =	sdelay $0x1  }
0x3ff: {  	v21 =	vadd.f32 v21, v22;
	_ =	sdelay $0x1  }
0x400: {  	v22 =	vperm.xlane v21, v11;
	_ =	sdelay $0x1  }
0x401: {  	v21 =	vadd.f32 v21, v22;
	_ =	sdelay $0x1  }
0x402: {  	v21 =	vsub.f32 v20, v21;
	_ =	sdelay $0x1  }
0x403: {  	v21 =	vmul.f32 $1.442695020e+00, v21;
	_ =	sdelay $0x1  }
0x404: {  	(erf) = vpow2.f32 v21;
	_ =	sdelay $0x4  }
0x405: {  	v21 =	vld [tilespmem:s7+$0x400];
	_ =	sdelay $0x3  }
0x406: {  	v22 =	vpop (erf)  }
0x407: {  	v21 =	vmul.f32 v22, v21  }
0x408: {  	s16 =	simm.s32 $0x18B80  }
0x409: {  	[tilespmem:s16+$0xFFFFFF80] =	vst v21  }
0x40a: {  	v21 =	vld [tilespmem:s7+$0x410];
	_ =	sdelay $0x4  }
0x40b: {  	v21 =	vmul.f32 v22, v21;
	_ =	sdelay $0x1  }
0x40c: {  	[tilespmem:s16+$0xFFFFFF90] =	vst v21  }
0x40d: {  	v21 =	vld [tilespmem:s7+$0x420];
	_ =	sdelay $0x4  }
0x40e: {  	v21 =	vmul.f32 v22, v21;
	_ =	sdelay $0x1  }
0x40f: {  	[tilespmem:s16+$0xFFFFFFA0] =	vst v21  }
0x410: {  	v21 =	vld [tilespmem:s7+$0x430];
	_ =	sdelay $0x4  }
0x411: {  	v21 =	vmul.f32 v22, v21;
	_ =	sdelay $0x1  }
0x412: {  	[tilespmem:s16+$0xFFFFFFB0] =	vst v21  }
0x413: {  	v21 =	vld [tilespmem:s7+$0x440];
	_ =	sdelay $0x4  }
0x414: {  	v21 =	vmul.f32 v22, v21;
	_ =	sdelay $0x1  }
0x415: {  	[tilespmem:s16+$0xFFFFFFC0] =	vst v21  }
0x416: {  	v21 =	vld [tilespmem:s7+$0x450];
	_ =	sdelay $0x4  }
0x417: {  	v21 =	vmul.f32 v21, v22;
	_ =	sdelay $0x1  }
0x418: {  	[tilespmem:s16+$0xFFFFFFD0] =	vst v21  }
0x419: {  	v21 =	vld [tilespmem:s7+$0x460];
	_ =	sdelay $0x4  }
0x41a: {  	v21 =	vmul.f32 v21, v22;
	_ =	sdelay $0x1  }
0x41b: {  	[tilespmem:s16+$0xFFFFFFE0] =	vst v21  }
0x41c: {  	v21 =	vld [tilespmem:s7+$0x470]  }
0x41d: {  	v23 =	vmov s8  }
0x41e: {  	vm1 =	veq.s32 v23, v0;
	_ =	sdelay $0x2  }
0x41f: {  	v21 =	vmul.f32 v21, v22;
	_ =	sdelay $0x1  }
0x420: {  	[tilespmem:s16+$0xFFFFFFF0] =	vst v21  }
0x421: {  	[tilespmem:v0+s19+$0x0] =	vst.idx.msk vm1, v22  }
0x422: {  	v21 =	vld [tilespmem:s31+$0x50]  }
0x423: {  	s7 =	simm.s32 $0x80;
	v22 =	vld [tilespmem:s9+$0x50]  }
0x424: {  	s12 =	sand.u32 $0x380, s7;
	v23 =	vld [tilespmem:s31+$0x40]  }
0x425: {  	s15 =	sadd.s32 s12, s11;
	v55 =	vld [tilespmem:s9+$0x40]  }
0x426: {  	v56 =	vld [tilespmem:s15+$0x40]  }
0x427: {  	v57 =	vld [tilespmem:s15+$0x50]  }
0x428: {  	v58 =	vld [tilespmem:s31+$0x30]  }
0x429: {  	v59 =	vld [tilespmem:s15+$0x30]  }
0x42a: {  	v60 =	vld [tilespmem:s9+$0x30]  }
0x42b: {  	v61 =	vld [tilespmem:s15+$0x20]  }
0x42c: {  	v62 =	vld [tilespmem:s9+$0x0]  }
0x42d: {  	v40 =	vld [tilespmem:s15+$0x10]  }
0x42e: {  	v41 =	vld [tilespmem:s9+$0x10]  }
0x42f: {  	v63 =	vld [tilespmem:s9+$0x20]  }
0x430: {  	v43 =	vld [tilespmem:s31+$0x10]  }
0x431: {  	v42 =	vld [tilespmem:s15+$0x0];
	v28 =	vadd.f32 v59, v60  }
0x432: {  	v44 =	vld [tilespmem:s31+$0x0];
	v24 =	vadd.f32 v56, v55  }
0x433: {  	v45 =	vld [tilespmem:s31+$0x20];
	v47 =	vadd.f32 v40, v41;
	v46 =	vadd.f32 v58, v28  }
0x434: {  	v48 =	vld [tilespmem:s15+$0x70];
	v22 =	vadd.f32 v57, v22;
	v23 =	vadd.f32 v23, v24  }
0x435: {  	v49 =	vld [tilespmem:s9+$0x70];
	v27 =	vadd.f32 v43, v47;
	v25 =	vmul.f32 $1.442695020e+00, v46  }
0x436: {  	v51 =	vld [tilespmem:s15+$0x60];
	v21 =	vadd.f32 v21, v22;
	v22 =	vmul.f32 $1.442695020e+00, v23  }
0x437: {  	v50 =	vadd.f32 v42, v62;
	v23 =	vld [tilespmem:s9+$0x60];
	v54 =	vmul.f32 $1.442695020e+00, v27;
	(erf) = vpow2.f32 v25  }
0x438: {  	v52 =	vld [tilespmem:s31+$0x70];
	v30 =	vadd.f32 v61, v63;
	(erf) = vpow2.f32 v22  }
0x439: {  	v55 =	vld [tilespmem:s31+$0x60];
	v53 =	vadd.f32 v44, v50;
	(erf) = vpow2.f32 v54  }
0x43a: {  	v56 =	vadd.f32 v45, v30;
	v21 =	vmul.f32 $1.442695020e+00, v21  }
0x43b: {  	v24 =	vadd.f32 v48, v49;
	v22 =	vmul.f32 $1.442695020e+00, v53  }
0x43c: {  	(erf) = vpow2.f32 v21;
	v21 =	vmul.f32 $1.442695020e+00, v56;
	v23 =	vadd.f32 v51, v23  }
0x43d: {  	(erf) = vpow2.f32 v22;
	v22 =	vadd.f32 v52, v24  }
0x43e: {  	(erf) = vpow2.f32 v21;
	v21 =	vadd.f32 v55, v23  }
0x43f: {  	v22 =	vmul.f32 $1.442695020e+00, v22  }
0x440: {  	v21 =	vmul.f32 $1.442695020e+00, v21;
	v23 =	vpop (erf)  }
0x441: {  	(erf) = vpow2.f32 v22;
	v22 =	vadd.f32 $1.000000000e+00, v23;
	v23 =	vpop (erf)  }
0x442: {  	(erf) = vpow2.f32 v21;
	v21 =	vadd.f32 $1.000000000e+00, v23;
	v23 =	vpop (erf)  }
0x443: {  	v23 =	vadd.f32 $1.000000000e+00, v23;
	_ =	sdelay $0x1  }
0x444: {  	(erf) = vrcp.f32 v22;
	v22 =	vpop (erf)  }
0x445: {  	(erf) = vrcp.f32 v21;
	v22 =	vadd.f32 $1.000000000e+00, v22;
	v57 =	vpop (erf)  }
0x446: {  	(erf) = vrcp.f32 v23;
	v21 =	vadd.f32 $1.000000000e+00, v57;
	v23 =	vpop (erf)  }
0x447: {  	(erf) = vrcp.f32 v22;
	v22 =	vadd.f32 $1.000000000e+00, v23;
	_ =	sdelay $0x1  }
0x448: {  	(erf) = vrcp.f32 v21  }
0x449: {  	v21 =	vpop (erf)  }
0x44a: {  	(erf) = vrcp.f32 v22;
	v21 =	vadd.f32 $1.000000000e+00, v21;
	v22 =	vpop (erf)  }
0x44b: {  	v22 =	vadd.f32 $1.000000000e+00, v22;
	_ =	sdelay $0x1  }
0x44c: {  	v23 =	vpop (erf);
	(erf) = vrcp.f32 v21  }
0x44d: {  	(erf) = vrcp.f32 v22;
	v21 =	vpop (erf)  }
0x44e: {  	v22 =	vpop (erf)  }
0x44f: {  	v58 =	vpop (erf)  }
0x450: {  	v22 =	vmul.f32 v22, v13;
	v59 =	vpop (erf)  }
0x451: {  	v25 =	vmul.f32 v59, v12  }
0x452: {  	v23 =	vmul.f32 v23, v15;
	v22 =	vadd.f32 $0.0e+00, v22;
	v60 =	vpop (erf)  }
0x453: {  	v26 =	vmul.f32 v60, v14;
	v25 =	vadd.f32 $0.0e+00, v25  }
0x454: {  	v24 =	vmul.f32 v58, v17;
	v22 =	vadd.f32 v23, v22  }
0x455: {  	v21 =	vmul.f32 v21, v16;
	v61 =	vpop (erf);
	v23 =	vadd.f32 v26, v25  }
0x456: {  	v22 =	vadd.f32 v24, v22;
	v62 =	vpop (erf)  }
0x457: {  	v63 =	vmul.f32 v61, v19;
	v21 =	vadd.f32 v21, v23;
	v23 =	vmul.f32 v62, v18;
	_ =	sdelay $0x1  }
0x458: {  	v22 =	vadd.f32 v63, v22;
	v21 =	vadd.f32 v23, v21;
	_ =	sdelay $0x1  }
0x459: {  	v21 =	vadd.f32 v22, v21;
	_ =	sdelay $0x1  }
0x45a: {  	v22 =	vperm.xlane v21, v8;
	_ =	sdelay $0x1  }
0x45b: {  	v21 =	vadd.f32 v21, v22;
	_ =	sdelay $0x1  }
0x45c: {  	v22 =	vperm.xlane v21, v9;
	_ =	sdelay $0x1  }
0x45d: {  	v21 =	vadd.f32 v21, v22;
	_ =	sdelay $0x1  }
0x45e: {  	v22 =	vperm.xlane v21, v10;
	_ =	sdelay $0x1  }
0x45f: {  	v21 =	vadd.f32 v21, v22;
	_ =	sdelay $0x1  }
0x460: {  	v22 =	vperm.xlane v21, v11;
	_ =	sdelay $0x1  }
0x461: {  	v21 =	vadd.f32 v21, v22;
	_ =	sdelay $0x1  }
0x462: {  	v21 =	vsub.f32 v20, v21;
	_ =	sdelay $0x1  }
0x463: {  	v21 =	vmul.f32 $1.442695020e+00, v21;
	_ =	sdelay $0x1  }
0x464: {  	(erf) = vpow2.f32 v21;
	_ =	sdelay $0x4  }
0x465: {  	v22 =	vld [tilespmem:s15+$0x400];
	_ =	sdelay $0x3  }
0x466: {  	v21 =	vpop (erf)  }
0x467: {  	v22 =	vmul.f32 v21, v22;
	_ =	sdelay $0x1  }
0x468: {  	[tilespmem:s16+$0x0] =	vst v22  }
0x469: {  	v22 =	vld [tilespmem:s15+$0x410];
	_ =	sdelay $0x4  }
0x46a: {  	v22 =	vmul.f32 v21, v22;
	_ =	sdelay $0x1  }
0x46b: {  	[tilespmem:s16+$0x10] =	vst v22  }
0x46c: {  	v22 =	vld [tilespmem:s15+$0x420];
	_ =	sdelay $0x4  }
0x46d: {  	v22 =	vmul.f32 v21, v22;
	_ =	sdelay $0x1  }
0x46e: {  	[tilespmem:s16+$0x20] =	vst v22  }
0x46f: {  	v22 =	vld [tilespmem:s15+$0x430];
	_ =	sdelay $0x4  }
0x470: {  	v22 =	vmul.f32 v21, v22;
	_ =	sdelay $0x1  }
0x471: {  	[tilespmem:s16+$0x30] =	vst v22  }
0x472: {  	v22 =	vld [tilespmem:s15+$0x440];
	_ =	sdelay $0x4  }
0x473: {  	v22 =	vmul.f32 v21, v22;
	_ =	sdelay $0x1  }
0x474: {  	[tilespmem:s16+$0x40] =	vst v22  }
0x475: {  	v22 =	vld [tilespmem:s15+$0x450];
	_ =	sdelay $0x1  }
0x476: {  	s13 =	simm.s32 $0x2;
	s14 =	simm.s32 $0x17C80  }
0x477: {  	s11 =	simm.s32 $0x14C80;
	s12 =	simm.s32 $0x0;
	s9 =	simm.s32 $0x18B80  }
.LBB2_9:
0x478: {  	s7 =	sadd.s32 $0x100, s7;
	s8 =	sadd.s32 $0x200, s8;
	s16 =	sadd.s32 $0x100, s16  }
0x479: {  	p6 =	slt.u32 s13, $0xE;
	s0 =	smov.u32 s13;
	s13 =	sadd.s32 $0x2, s13;
	v22 =	vmul.f32 v22, v21  }
0x47a: {  	_ = 	snop  }
0x47b: {  	[tilespmem:s9+$0x50] =	vst v22  }
0x47c: {  	v22 =	vld [tilespmem:s15+$0x460];
	_ =	sdelay $0x4  }
0x47d: {  	v22 =	vmul.f32 v22, v21;
	_ =	sdelay $0x1  }
0x47e: {  	[tilespmem:s9+$0x60] =	vst v22  }
0x47f: {  	v22 =	vld [tilespmem:s15+$0x470];
	s15 =	sadd.s32 $0x1, s12;
	s12 =	smov.u32 s0  }
0x480: {  	v23 =	vmov s15  }
0x481: {  	vm1 =	veq.s32 v23, v0;
	_ =	sdelay $0x2  }
0x482: {  	v22 =	vmul.f32 v22, v21;
	_ =	sdelay $0x1  }
0x483: {  	[tilespmem:s9+$0x70] =	vst v22;
	s9 =	smov.u32 s16  }
0x484: {  	[tilespmem:v0+s19+$0x0] =	vst.idx.msk vm1, v21  }
0x485: {  	v21 =	vld [tilespmem:s11+$0xFFFFFFE0]  }
0x486: {  	v22 =	vld [tilespmem:s14+$0xFFFFFFC0]  }
0x487: {  	v23 =	vld [tilespmem:s11+$0xFFFFFFF0]  }
0x488: {  	v24 =	vld [tilespmem:s14+$0xFFFFFFD0]  }
0x489: {  	v25 =	vld [tilespmem:s11+$0xFFFFFFC0]  }
0x48a: {  	v26 =	vld [tilespmem:s14+$0xFFFFFFA0]  }
0x48b: {  	v27 =	vld [tilespmem:s14+$0xFFFFFFB0]  }
0x48c: {  	v28 =	vld [tilespmem:s11+$0xFFFFFF80]  }
0x48d: {  	s0 =	sadd.s32 $0xFFFFFF80, s7;
	s15 =	sand.u32 $0x800, s8;
	v29 =	vld [tilespmem:s11+$0xFFFFFFA0]  }
0x48e: {  	s0 =	sand.u32 $0x300, s0;
	s15 =	sadd.s32 $0x15B00, s15;
	v30 =	vld [tilespmem:s11+$0xFFFFFF90]  }
0x48f: {  	s0 =	sadd.s32 s0, s15;
	v31 =	vld [tilespmem:s11+$0xFFFFFFB0]  }
0x490: {  	v32 =	vld [tilespmem:s0+$0x20]  }
0x491: {  	v33 =	vld [tilespmem:s0+$0x30]  }
0x492: {  	v34 =	vld [tilespmem:s0+$0x10]  }
0x493: {  	v35 =	vld [tilespmem:s0+$0x0]  }
0x494: {  	v36 =	vld [tilespmem:s14+$0xFFFFFF90]  }
0x495: {  	v37 =	vld [tilespmem:s14+$0xFFFFFF80]  }
0x496: {  	v31 =	vadd.f32 v33, v31;
	v33 =	vld [tilespmem:s11+$0xFFFFFFD0]  }
0x497: {  	v29 =	vadd.f32 v32, v29;
	v30 =	vadd.f32 v34, v30;
	v32 =	vld [tilespmem:s0+$0x50]  }
0x498: {  	v28 =	vadd.f32 v35, v28;
	v27 =	vadd.f32 v27, v31;
	v31 =	vld [tilespmem:s0+$0x40]  }
0x499: {  	v26 =	vadd.f32 v26, v29;
	v30 =	vadd.f32 v36, v30;
	v29 =	vld [tilespmem:s0+$0x70]  }
0x49a: {  	v28 =	vadd.f32 v37, v28;
	v27 =	vmul.f32 $1.442695020e+00, v27;
	v34 =	vld [tilespmem:s0+$0x60]  }
0x49b: {  	v26 =	vmul.f32 $1.442695020e+00, v26;
	v30 =	vmul.f32 $1.442695020e+00, v30;
	v35 =	vld [tilespmem:s14+$0xFFFFFFF0]  }
0x49c: {  	v28 =	vmul.f32 $1.442695020e+00, v28;
	v32 =	vadd.f32 v32, v33;
	v33 =	vld [tilespmem:s14+$0xFFFFFFE0];
	(erf) = vpow2.f32 v27  }
0x49d: {  	v25 =	vadd.f32 v31, v25;
	(erf) = vpow2.f32 v26  }
0x49e: {  	v24 =	vadd.f32 v24, v32;
	v23 =	vadd.f32 v29, v23;
	(erf) = vpow2.f32 v30  }
0x49f: {  	v22 =	vadd.f32 v22, v25;
	v21 =	vadd.f32 v34, v21;
	(erf) = vpow2.f32 v28  }
0x4a0: {  	v24 =	vmul.f32 $1.442695020e+00, v24;
	v23 =	vadd.f32 v35, v23  }
0x4a1: {  	v22 =	vmul.f32 $1.442695020e+00, v22;
	v21 =	vadd.f32 v33, v21  }
0x4a2: {  	v23 =	vmul.f32 $1.442695020e+00, v23;
	(erf) = vpow2.f32 v24  }
0x4a3: {  	v21 =	vmul.f32 $1.442695020e+00, v21;
	(erf) = vpow2.f32 v22  }
0x4a4: {  	(erf) = vpow2.f32 v23  }
0x4a5: {  	v22 =	vpop (erf);
	(erf) = vpow2.f32 v21  }
0x4a6: {  	v21 =	vadd.f32 $1.000000000e+00, v22;
	v22 =	vpop (erf)  }
0x4a7: {  	v22 =	vadd.f32 $1.000000000e+00, v22;
	v23 =	vpop (erf)  }
0x4a8: {  	v23 =	vadd.f32 $1.000000000e+00, v23;
	v24 =	vpop (erf);
	(erf) = vrcp.f32 v21  }
0x4a9: {  	v24 =	vadd.f32 $1.000000000e+00, v24;
	(erf) = vrcp.f32 v22  }
0x4aa: {  	(erf) = vrcp.f32 v23  }
0x4ab: {  	(erf) = vrcp.f32 v24;
	v21 =	vpop (erf)  }
0x4ac: {  	v24 =	vadd.f32 $1.000000000e+00, v21;
	v22 =	vpop (erf)  }
0x4ad: {  	v22 =	vadd.f32 $1.000000000e+00, v22;
	v23 =	vpop (erf)  }
0x4ae: {  	v23 =	vadd.f32 $1.000000000e+00, v23;
	(erf) = vrcp.f32 v24;
	v21 =	vpop (erf)  }
0x4af: {  	v24 =	vadd.f32 $1.000000000e+00, v21;
	(erf) = vrcp.f32 v22  }
0x4b0: {  	(erf) = vrcp.f32 v23  }
0x4b1: {  	v22 =	vpop (erf);
	(erf) = vrcp.f32 v24  }
0x4b2: {  	v21 =	vpop (erf)  }
0x4b3: {  	v23 =	vpop (erf)  }
0x4b4: {  	v23 =	vmul.f32 v23, v13;
	v24 =	vpop (erf)  }
0x4b5: {  	v24 =	vmul.f32 v24, v12  }
0x4b6: {  	v22 =	vmul.f32 v22, v15;
	v23 =	vadd.f32 $0.0e+00, v23  }
0x4b7: {  	v21 =	vmul.f32 v21, v14;
	v24 =	vadd.f32 $0.0e+00, v24;
	v25 =	vpop (erf)  }
0x4b8: {  	v22 =	vadd.f32 v22, v23;
	v23 =	vmul.f32 v25, v17;
	v25 =	vpop (erf)  }
0x4b9: {  	v21 =	vadd.f32 v21, v24;
	v24 =	vmul.f32 v25, v16;
	v25 =	vpop (erf)  }
0x4ba: {  	v22 =	vadd.f32 v23, v22;
	v23 =	vmul.f32 v25, v19;
	v25 =	vpop (erf)  }
0x4bb: {  	v21 =	vadd.f32 v24, v21;
	v24 =	vmul.f32 v25, v18  }
0x4bc: {  	v22 =	vadd.f32 v23, v22  }
0x4bd: {  	v21 =	vadd.f32 v24, v21;
	_ =	sdelay $0x1  }
0x4be: {  	v21 =	vadd.f32 v22, v21;
	_ =	sdelay $0x1  }
0x4bf: {  	v22 =	vperm.xlane v21, v8;
	_ =	sdelay $0x1  }
0x4c0: {  	v21 =	vadd.f32 v21, v22;
	_ =	sdelay $0x1  }
0x4c1: {  	v22 =	vperm.xlane v21, v9;
	_ =	sdelay $0x1  }
0x4c2: {  	v21 =	vadd.f32 v21, v22;
	_ =	sdelay $0x1  }
0x4c3: {  	v22 =	vperm.xlane v21, v10;
	_ =	sdelay $0x1  }
0x4c4: {  	v21 =	vadd.f32 v21, v22;
	_ =	sdelay $0x1  }
0x4c5: {  	v22 =	vperm.xlane v21, v11;
	_ =	sdelay $0x1  }
0x4c6: {  	v21 =	vadd.f32 v21, v22;
	_ =	sdelay $0x1  }
0x4c7: {  	v21 =	vsub.f32 v20, v21;
	_ =	sdelay $0x1  }
0x4c8: {  	v21 =	vmul.f32 $1.442695020e+00, v21;
	_ =	sdelay $0x1  }
0x4c9: {  	(erf) = vpow2.f32 v21;
	_ =	sdelay $0x4  }
0x4ca: {  	v21 =	vld [tilespmem:s0+$0x400];
	_ =	sdelay $0x3  }
0x4cb: {  	v22 =	vpop (erf)  }
0x4cc: {  	v21 =	vmul.f32 v22, v21;
	_ =	sdelay $0x1  }
0x4cd: {  	[tilespmem:s16+$0xFFFFFF80] =	vst v21  }
0x4ce: {  	v21 =	vld [tilespmem:s0+$0x410];
	_ =	sdelay $0x4  }
0x4cf: {  	v21 =	vmul.f32 v22, v21;
	_ =	sdelay $0x1  }
0x4d0: {  	[tilespmem:s16+$0xFFFFFF90] =	vst v21  }
0x4d1: {  	v21 =	vld [tilespmem:s0+$0x420];
	_ =	sdelay $0x4  }
0x4d2: {  	v21 =	vmul.f32 v22, v21;
	_ =	sdelay $0x1  }
0x4d3: {  	[tilespmem:s16+$0xFFFFFFA0] =	vst v21  }
0x4d4: {  	v21 =	vld [tilespmem:s0+$0x430];
	_ =	sdelay $0x4  }
0x4d5: {  	v21 =	vmul.f32 v22, v21;
	_ =	sdelay $0x1  }
0x4d6: {  	[tilespmem:s16+$0xFFFFFFB0] =	vst v21  }
0x4d7: {  	v21 =	vld [tilespmem:s0+$0x440];
	_ =	sdelay $0x4  }
0x4d8: {  	v21 =	vmul.f32 v22, v21;
	_ =	sdelay $0x1  }
0x4d9: {  	[tilespmem:s16+$0xFFFFFFC0] =	vst v21  }
0x4da: {  	v21 =	vld [tilespmem:s0+$0x450];
	_ =	sdelay $0x4  }
0x4db: {  	v21 =	vmul.f32 v21, v22;
	_ =	sdelay $0x1  }
0x4dc: {  	[tilespmem:s16+$0xFFFFFFD0] =	vst v21  }
0x4dd: {  	v21 =	vld [tilespmem:s0+$0x460];
	_ =	sdelay $0x4  }
0x4de: {  	v21 =	vmul.f32 v21, v22;
	_ =	sdelay $0x1  }
0x4df: {  	[tilespmem:s16+$0xFFFFFFE0] =	vst v21  }
0x4e0: {  	v21 =	vld [tilespmem:s0+$0x470]  }
0x4e1: {  	v23 =	vmov s12  }
0x4e2: {  	vm1 =	veq.s32 v23, v0;
	_ =	sdelay $0x2  }
0x4e3: {  	v21 =	vmul.f32 v21, v22;
	_ =	sdelay $0x1  }
0x4e4: {  	[tilespmem:s16+$0xFFFFFFF0] =	vst v21  }
0x4e5: {  	[tilespmem:v0+s19+$0x0] =	vst.idx.msk vm1, v22  }
0x4e6: {  	v21 =	vld [tilespmem:s14+$0x50]  }
0x4e7: {  	v22 =	vld [tilespmem:s11+$0x50]  }
0x4e8: {  	s0 =	sand.u32 $0x380, s7;
	v23 =	vld [tilespmem:s14+$0x40]  }
0x4e9: {  	s15 =	sadd.s32 s0, s15;
	v24 =	vld [tilespmem:s11+$0x40]  }
0x4ea: {  	v25 =	vld [tilespmem:s15+$0x40]  }
0x4eb: {  	v26 =	vld [tilespmem:s15+$0x50]  }
0x4ec: {  	v27 =	vld [tilespmem:s14+$0x30]  }
0x4ed: {  	v28 =	vld [tilespmem:s15+$0x30]  }
0x4ee: {  	v29 =	vld [tilespmem:s11+$0x30]  }
0x4ef: {  	v30 =	vld [tilespmem:s15+$0x20]  }
0x4f0: {  	v31 =	vld [tilespmem:s11+$0x0]  }
0x4f1: {  	v32 =	vld [tilespmem:s11+$0x20]  }
0x4f2: {  	v33 =	vld [tilespmem:s15+$0x10]  }
0x4f3: {  	v34 =	vld [tilespmem:s15+$0x0];
	v28 =	vadd.f32 v28, v29  }
0x4f4: {  	v29 =	vld [tilespmem:s11+$0x10]  }
0x4f5: {  	v35 =	vld [tilespmem:s14+$0x0];
	v27 =	vadd.f32 v27, v28  }
0x4f6: {  	v28 =	vld [tilespmem:s14+$0x10];
	v30 =	vadd.f32 v30, v32  }
0x4f7: {  	v32 =	vld [tilespmem:s14+$0x20];
	v27 =	vmul.f32 $1.442695020e+00, v27  }
0x4f8: {  	v24 =	vadd.f32 v25, v24;
	v31 =	vadd.f32 v34, v31;
	v25 =	vld [tilespmem:s14+$0x70]  }
0x4f9: {  	v22 =	vadd.f32 v26, v22;
	v29 =	vadd.f32 v33, v29;
	v26 =	vld [tilespmem:s15+$0x70];
	(erf) = vpow2.f32 v27  }
0x4fa: {  	v23 =	vadd.f32 v23, v24;
	v27 =	vadd.f32 v35, v31;
	v24 =	vld [tilespmem:s11+$0x70]  }
0x4fb: {  	v21 =	vadd.f32 v21, v22;
	v28 =	vadd.f32 v28, v29;
	v22 =	vld [tilespmem:s15+$0x60]  }
0x4fc: {  	v23 =	vmul.f32 $1.442695020e+00, v23;
	v27 =	vmul.f32 $1.442695020e+00, v27;
	v29 =	vadd.f32 v32, v30;
	v30 =	vld [tilespmem:s11+$0x60]  }
0x4fd: {  	v21 =	vmul.f32 $1.442695020e+00, v21;
	v28 =	vmul.f32 $1.442695020e+00, v28  }
0x4fe: {  	v29 =	vmul.f32 $1.442695020e+00, v29;
	v31 =	vld [tilespmem:s14+$0x60];
	(erf) = vpow2.f32 v23  }
0x4ff: {  	v24 =	vadd.f32 v26, v24;
	(erf) = vpow2.f32 v28  }
0x500: {  	(erf) = vpow2.f32 v21  }
0x501: {  	v21 =	vadd.f32 v22, v30;
	v22 =	vadd.f32 v25, v24;
	(erf) = vpow2.f32 v27  }
0x502: {  	(erf) = vpow2.f32 v29;
	v23 =	vpop (erf)  }
0x503: {  	v23 =	vadd.f32 $1.000000000e+00, v23;
	v21 =	vadd.f32 v31, v21;
	v22 =	vmul.f32 $1.442695020e+00, v22;
	_ =	sdelay $0x1  }
0x504: {  	v21 =	vmul.f32 $1.442695020e+00, v21;
	(erf) = vpow2.f32 v22;
	_ =	sdelay $0x1  }
0x505: {  	v22 =	vpop (erf);
	(erf) = vpow2.f32 v21  }
0x506: {  	v21 =	vadd.f32 $1.000000000e+00, v22;
	v22 =	vpop (erf)  }
0x507: {  	v25 =	vadd.f32 $1.000000000e+00, v22;
	(erf) = vrcp.f32 v23;
	v23 =	vpop (erf)  }
0x508: {  	v23 =	vadd.f32 $1.000000000e+00, v23;
	v24 =	vpop (erf);
	(erf) = vrcp.f32 v21  }
0x509: {  	v24 =	vadd.f32 $1.000000000e+00, v24;
	(erf) = vrcp.f32 v25;
	v22 =	vpop (erf)  }
0x50a: {  	v22 =	vadd.f32 $1.000000000e+00, v22;
	(erf) = vrcp.f32 v23  }
0x50b: {  	(erf) = vrcp.f32 v24  }
0x50c: {  	(erf) = vrcp.f32 v22;
	v21 =	vpop (erf)  }
0x50d: {  	v21 =	vadd.f32 $1.000000000e+00, v21  }
0x50e: {  	v22 =	vpop (erf)  }
0x50f: {  	v24 =	vadd.f32 $1.000000000e+00, v22  }
0x510: {  	v23 =	vpop (erf);
	(erf) = vrcp.f32 v21  }
0x511: {  	v21 =	vpop (erf);
	(erf) = vrcp.f32 v24  }
0x512: {  	v22 =	vpop (erf)  }
0x513: {  	v22 =	vmul.f32 v22, v13;
	v24 =	vpop (erf)  }
0x514: {  	v25 =	vpop (erf)  }
0x515: {  	v23 =	vmul.f32 v23, v15;
	v25 =	vmul.f32 v25, v12;
	v22 =	vadd.f32 $0.0e+00, v22;
	v26 =	vpop (erf)  }
0x516: {  	v27 =	vmul.f32 v24, v17  }
0x517: {  	v26 =	vmul.f32 v26, v14;
	v28 =	vadd.f32 $0.0e+00, v25;
	v22 =	vadd.f32 v23, v22;
	_ =	sdelay $0x1  }
0x518: {  	v21 =	vmul.f32 v21, v16;
	v23 =	vadd.f32 v26, v28;
	v22 =	vadd.f32 v27, v22;
	v24 =	vpop (erf)  }
0x519: {  	v25 =	vpop (erf)  }
0x51a: {  	v24 =	vmul.f32 v24, v19;
	v21 =	vadd.f32 v21, v23;
	v23 =	vmul.f32 v25, v18;
	_ =	sdelay $0x1  }
0x51b: {  	v22 =	vadd.f32 v24, v22;
	v21 =	vadd.f32 v23, v21;
	_ =	sdelay $0x1  }
0x51c: {  	v21 =	vadd.f32 v22, v21;
	_ =	sdelay $0x1  }
0x51d: {  	v22 =	vperm.xlane v21, v8;
	_ =	sdelay $0x1  }
0x51e: {  	v21 =	vadd.f32 v21, v22;
	_ =	sdelay $0x1  }
0x51f: {  	v22 =	vperm.xlane v21, v9;
	_ =	sdelay $0x1  }
0x520: {  	v21 =	vadd.f32 v21, v22;
	_ =	sdelay $0x1  }
0x521: {  	v22 =	vperm.xlane v21, v10;
	_ =	sdelay $0x1  }
0x522: {  	v21 =	vadd.f32 v21, v22;
	_ =	sdelay $0x1  }
0x523: {  	v22 =	vperm.xlane v21, v11;
	_ =	sdelay $0x1  }
0x524: {  	v21 =	vadd.f32 v21, v22;
	_ =	sdelay $0x1  }
0x525: {  	v21 =	vsub.f32 v20, v21;
	_ =	sdelay $0x1  }
0x526: {  	v21 =	vmul.f32 $1.442695020e+00, v21;
	_ =	sdelay $0x1  }
0x527: {  	(erf) = vpow2.f32 v21;
	_ =	sdelay $0x4  }
0x528: {  	v22 =	vld [tilespmem:s15+$0x400];
	_ =	sdelay $0x3  }
0x529: {  	v21 =	vpop (erf)  }
0x52a: {  	v22 =	vmul.f32 v21, v22;
	_ =	sdelay $0x1  }
0x52b: {  	[tilespmem:s16+$0x0] =	vst v22  }
0x52c: {  	v22 =	vld [tilespmem:s15+$0x410];
	_ =	sdelay $0x4  }
0x52d: {  	v22 =	vmul.f32 v21, v22;
	_ =	sdelay $0x1  }
0x52e: {  	[tilespmem:s16+$0x10] =	vst v22  }
0x52f: {  	v22 =	vld [tilespmem:s15+$0x420];
	_ =	sdelay $0x4  }
0x530: {  	v22 =	vmul.f32 v21, v22;
	_ =	sdelay $0x1  }
0x531: {  	[tilespmem:s16+$0x20] =	vst v22  }
0x532: {  	v22 =	vld [tilespmem:s15+$0x430];
	_ =	sdelay $0x4  }
0x533: {  	v22 =	vmul.f32 v21, v22;
	_ =	sdelay $0x1  }
0x534: {  	[tilespmem:s16+$0x30] =	vst v22  }
0x535: {  	v22 =	vld [tilespmem:s15+$0x440];
	_ =	sdelay $0x4  }
0x536: {  	v22 =	vmul.f32 v21, v22;
	_ =	sdelay $0x1  }
.Ltmp3:
0x537: {  	[tilespmem:s16+$0x40] =	vst v22;
	(pc) =	sbr.rel @p6 .LBB2_9-.Ltmp3, $2  }
0x538: {  	v22 =	vld [tilespmem:s15+$0x450];
	_ =	sdelay $0x2  }
0x539: {  	s11 =	sadd.s32 $0x100, s11;
	s14 =	sadd.s32 $0x100, s14  }
0x53a: {  	_ = 	snop  }
0x53b: {  	v22 =	vmul.f32 v22, v21;
	_ =	sdelay $0x1  }
0x53c: {  	[tilespmem:s9+$0x50] =	vst v22  }
0x53d: {  	v22 =	vld [tilespmem:s15+$0x460];
	_ =	sdelay $0x4  }
0x53e: {  	v22 =	vmul.f32 v22, v21;
	_ =	sdelay $0x1  }
0x53f: {  	[tilespmem:s9+$0x60] =	vst v22  }
0x540: {  	s0 =	sadd.s32 $0x1, s12;
	v22 =	vld [tilespmem:s15+$0x470]  }
0x541: {  	v23 =	vmov s0  }
0x542: {  	vm1 =	veq.s32 v23, v0;
	_ =	sdelay $0x2  }
0x543: {  	v22 =	vmul.f32 v22, v21;
	_ =	sdelay $0x1  }
0x544: {  	[tilespmem:s9+$0x70] =	vst v22  }
0x545: {  	[tilespmem:v0+s19+$0x0] =	vst.idx.msk vm1, v21  }
0x546: {  	v21 =	vld [tilespmem:$0x142C0];
	_ =	sdelay $0x1  }
0x547: {  	s13 =	rddreg [dreg:$0x16]  }
0x548: {  	s13 =	sadd.s32 $0x1, s13;
	v22 =	vld [tilespmem:$0x19B00]  }
0x549: {  	p6 =	sne.s32 s13, $0x5  }
.Ltmp4:
0x54a: {  	_ = 	snop;
	(pc) =	sbr.rel @p6 .LBB2_2-.Ltmp4, $4  }
0x54b: {  	_ = 	snop  }
0x54c: {  	[tilespmem:$0x19B80] =	vst v21  }
0x54d: {  	s8 =	simm.s32 $0x5;
	[tilespmem:v21+s23+$0x0] =	vst.idx.add.f32.msk $0xffff, v22  }
0x54e: {  	[spmem:s2] =	stream.indirect.scatter.add.f32 [tilespmem:s21], [sflag:$0x3], $0x80, s20, s30, $0xb8;
	[tilespmem:$0x1C600] =	vst v63  }
0x54f: {  	s0 =	simm.s32 $0x3  }
0x550: {  	_ =	swait.ge [sflag:s0], $0x800  }
0x551: {  	[sflag:s0] =	ssyncset.done $0x0  }
0x552: {  	s24 =	simm.s32 $0x4;
	[sflag:s0] =	ssyncadd.s32 $0xFFFFF800  }
0x553: {  	_ =	swait.ge [sflag:s24], $0x800  }
0x554: {  	[sflag:s24] =	ssyncset.done $0x0  }
0x555: {  	[sflag:s24] =	ssyncadd.s32 $0xFFFFF800  }
0x556: {  	s25 =	simm.s32 $0x50;
	s7 =	simm.s32 $0x1C580;
	s14 =	rddreg [dreg:$0x3]  }
0x557: {  	[spmem:s14] =	stream.indirect.scatter.add.f32 [tilespmem:s23], [sflag:$0x5], $0x80, s7, s25, $0xb8;
	[tilespmem:$0x1C600] =	vst v63  }
0x558: {  	_ =	swait.ge [sflag:s8], $0x2800  }
0x559: {  	[sflag:s8] =	ssyncset.done $0x0  }
0x55a: {  	[sflag:s8] =	ssyncadd.s32 $0xFFFFD800  }
0x55b: {  	[bflag:$0x0] =	sbarrier.arrive $0xFFFF  }
0x55c: {  	s26 =	rddreg [dreg:$0xf]  }
0x55d: {  	s9 =	rddreg [dreg:$0x14]  }
0x55e: {  	s28 =	rddreg [dreg:$0x15]  }
0x55f: {  	[hbm:s26], [sflag:s9] =	dma.local [spmem:s28], $0x2700  }
0x560: {  	_ =	swait.ge [sflag:s8], $0x2700  }
0x561: {  	[sflag:s8] =	ssyncset.done $0x0;
	s12 =	rddreg [dreg:$0xb]  }
0x562: {  	s7 =	rddreg [dreg:$0x10];
	[sflag:s8] =	ssyncadd.s32 $0xFFFFD900;
	s0 =	sshrl.u32 @!p4 s12, $0x3  }
0x563: {  	[hbm:s7], [sflag:s9] =	dma.local @!p4 [spmem:s0], $0x100  }
0x564: {  	s0 =	simm.s32 @!p4 $0x5  }
0x565: {  	_ =	swait.ge @!p4 [sflag:s0], $0x100  }
0x566: {  	[sflag:s0] =	ssyncset.done @!p4 $0x0  }
0x567: {  	s7 =	rddreg [dreg:$0x11];
	[sflag:s0] =	ssyncadd.s32 @!p4 $0xFFFFFF00;
	s0 =	sshrl.u32 @p5 s14, $0x3  }
0x568: {  	[hbm:s7], [sflag:s9] =	dma.local @p5 [spmem:s0], $0x500  }
0x569: {  	s0 =	simm.s32 @p5 $0x5  }
0x56a: {  	_ =	swait.ge @p5 [sflag:s0], $0x500  }
0x56b: {  	s29 =	rddreg [dreg:$0x13]  }
0x56c: {  	s31 =	rddreg [dreg:$0x12];
	s9 =	sadd.s32 $0x1, s29  }
0x56d: {  	p6 =	sne.s32 s9, s31  }
.Ltmp5:
0x56e: {  	_ = 	snop;
	(pc) =	sbr.rel @p6 .LBB2_1-.Ltmp5, $3  }
0x56f: {  	_ =	sdelay $0x1  }
0x570: {  	[sflag:s0] =	ssyncset.done @p5 $0x0  }
0x571: {  	[sflag:s0] =	ssyncadd.s32 @p5 $0xFFFFFB00  }
0x572: {  	_ =	sfence.sel $0x180000  }
0x573: {  	[bflag:$0x0] =	sbarrier.arrive $0xFFFF  }
0x574: {  	_ =	strace $0x90000047  }
0x575: {  	s0 =	stileid.u32;
	[bflag:$0x2] =	sbarrier.arrive $0xFFFF  }
0x576: {  	p0 =	sne.s32 s0, $0x0;
	s0 =	rddreg [dreg:$0x4]  }
0x577: {  	s0 =	sadd.s32 @!p0 $0x100000, s0  }
0x578: {  	[sflag:s0] =	ssyncadd.tile.s32 @!p0 $0x1;
	_ =	shalt  }
.Lfunc_end2:
_tile_overlayer_lowered:
.L_overlay_start_2:
0x579: {  	(tag) =	ssettag $0x2  }
0x57a: {  	s0 =	rddreg [dreg:$0x0];
	s2 =	stileid.u32  }
0x57b: {  	s1 =	rddreg [dreg:$0x1];
	p0 =	sne.s32 s2, $0x0  }
0x57c: {  	s3 =	rddreg [dreg:$0x2];
	[bflag:$0x3] =	sbarrier.arrive $0xFFFF;
	s2 =	simm.s32 @!p0 $0x1C05  }
0x57d: {  	[timem:s3], [sflag:s2] =	dma.local @!p0 [hbm:s0], s1  }
0x57e: {  	s0 =	simm.s32 @!p0 $0x5  }
0x57f: {  	_ =	swait.ge @!p0 [sflag:s0], s1  }
0x580: {  	s1 =	ssub.s32 @!p0 $0x0, s1;
	[sflag:s0] =	ssyncset.done @!p0 $0x0  }
0x581: {  	[sflag:s0] =	ssyncadd.s32 @!p0 s1  }
0x582: {  	[bflag:$0x3] =	sbarrier.arrive $0xFFFF  }
0x583: {  	_ =	shalt  }

</sc_bundles>
